<compile_context>
chip_gen: v7x
topology: tpu7x:2x2x1
jax: 0.10.2.dev20260603
libtpu: 0.0.44.dev20260713+nightly
codegen_flags: <defaults>
</compile_context>

<pallas_src>
import functools

import jax
import jax.numpy as jnp
from jax import lax
from jax.experimental import pallas as pl
from jax.experimental.pallas import tpu as pltpu
from jax.experimental.pallas import tpu_sc as plsc

_M, _N = 128, 32768
_NW = 32
_ROWS_PER_W = _M // _NW
_L = 16
_U = 8
_H = _N // 2


def _sc_body(x_hbm, out_hbm, ring, ovb, tv, sem_in, sem_out):
    wid = lax.axis_index("s") * 2 + lax.axis_index("c")
    row0 = wid * _ROWS_PER_W
    lanes = lax.iota(jnp.int32, _L)
    chunk = _U * _L
    n_iters = _H // chunk
    zeros8 = tuple(jnp.zeros((_L,), jnp.float32) for _ in range(_U))

    cp_a = pltpu.async_copy(x_hbm.at[row0, pl.ds(0, _H)], ring.at[0], sem_in)
    cp_b = pltpu.async_copy(x_hbm.at[row0, pl.ds(_H, _H)], ring.at[1], sem_in)
    out_cps = ()
    for r in range(_ROWS_PER_W):
        row = row0 + r
        s0, s1 = (2 * r) % 4, (2 * r + 1) % 4
        cp_a.wait()
        cp_b.wait()

        def p1(slot):
            @plsc.parallel_loop(0, n_iters, carry=zeros8)
            def accs(i, accs):
                base = i * chunk
                return tuple(
                    jnp.maximum(a, jnp.abs(ring[slot, pl.ds(base + j * _L, _L)]))
                    for j, a in enumerate(accs)
                )

            return functools.reduce(jnp.maximum, accs)

        acc = jnp.maximum(p1(s0), p1(s1))

        if r + 1 < _ROWS_PER_W:
            n0, n1 = (2 * r + 2) % 4, (2 * r + 3) % 4
            cp_a = pltpu.async_copy(
                x_hbm.at[row + 1, pl.ds(0, _H)], ring.at[n0], sem_in
            )
            cp_b = pltpu.async_copy(
                x_hbm.at[row + 1, pl.ds(_H, _H)], ring.at[n1], sem_in
            )

        for s in (1, 2, 4, 8):
            tv[...] = acc
            acc = jnp.maximum(acc, plsc.load_gather(tv, [lanes ^ s]))
        thr = 0.5 * (acc + 1e-6)
        nthr = -thr
        one = jnp.full((_L,), 1.0, jnp.float32)
        mone = jnp.full((_L,), -1.0, jnp.float32)
        zero = jnp.zeros((_L,), jnp.float32)

        for cp in out_cps:
            cp.wait()

        def p2(slot, out_slot):
            @plsc.parallel_loop(0, n_iters)
            def _(i):
                base = i * chunk
                for j in range(_U):
                    v = ring[slot, pl.ds(base + j * _L, _L)]
                    ovb[out_slot, pl.ds(base + j * _L, _L)] = jnp.where(
                        v > thr, one, jnp.where(v < nthr, mone, zero)
                    )

        p2(s0, 0)
        o_a = pltpu.async_copy(ovb.at[0], out_hbm.at[row, pl.ds(0, _H)], sem_out)
        p2(s1, 1)
        o_b = pltpu.async_copy(ovb.at[1], out_hbm.at[row, pl.ds(_H, _H)], sem_out)
        out_cps = (o_a, o_b)

    for cp in out_cps:
        cp.wait()


def kernel(x):
    f = pl.kernel(
        _sc_body,
        out_type=jax.ShapeDtypeStruct((_M, _N), jnp.float32),
        mesh=plsc.VectorSubcoreMesh(core_axis_name="c", subcore_axis_name="s"),
        compiler_params=pltpu.CompilerParams(needs_layout_passes=False),
        scratch_types=[
            pltpu.VMEM((4, _H), jnp.float32),
            pltpu.VMEM((2, _H), jnp.float32),
            pltpu.VMEM((_L,), jnp.float32),
            pltpu.SemaphoreType.DMA,
            pltpu.SemaphoreType.DMA,
        ],
    )
    return f(x)

# --- scband reference (transcript-rebuilt; emitter-appended) ---
"""Pipeline reference for scband-quantized-top-ksparsity-34248069219176 (READ-ONLY COPY).

The authoritative reference and input builder live on the scoring server;
editing this copy changes nothing except your own understanding.
"""

import jax, jax.numpy as jnp
import numpy as np

K_RATIO = 0.1

def setup_inputs(seed: int = 0) -> dict:
    key = jax.random.key(seed)
    x = jax.random.normal(key, (128, 32768), dtype=jnp.float32)
    return {"x": x}

def reference(x):
    k = int(K_RATIO * x.shape[-1])
    gamma = jnp.max(jnp.abs(x), axis=-1, keepdims=True)
    x_q = jnp.round(jnp.clip(x / (gamma + 1e-06), -128.0, 127.0))
    topk_values, _ = jax.lax.top_k(jnp.abs(x_q), k)
    mask = (jnp.abs(x_q) >= topk_values[..., -1:]).astype(jnp.float32)
    # STEFunction: forward = x_q * mask, backward passes grad straight to x_q
    out = x_q + jax.lax.stop_gradient(x_q * mask - x_q)
    return out

if __name__ == "__main__":
    import jax
    _d = setup_inputs()
    print(jax.jit(kernel)(*tuple(_d.values())))

</pallas_src>

<mosaic_0001>
#map = affine_map<(d0, d1) -> (0, 0)>
module attributes {stable_mosaic.version = 14 : i64} {
  func.func @_sc_body(%arg0: i32, %arg1: i32, %arg2: memref<128x32768xf32, #tpu.memory_space<hbm>>, %arg3: memref<128x32768xf32, #tpu.memory_space<hbm>>, %arg4: memref<4x16384xf32, #tpu.memory_space<vmem>>, %arg5: memref<2x16384xf32, #tpu.memory_space<vmem>>, %arg6: memref<16xf32, #tpu.memory_space<vmem>>, %arg7: memref<!tpu.dma_semaphore, #tpu.memory_space<semaphore_mem>>, %arg8: memref<!tpu.dma_semaphore, #tpu.memory_space<semaphore_mem>>) attributes {dimension_semantics = [#tpu.dimension_semantics<core_parallel>, #tpu.dimension_semantics<subcore_parallel>], iteration_bounds = array<i64: 2, 16>, scalar_prefetch = 0 : i64, scratch_operands = 5 : i64, tpu.core_type = #tpu.core_type<sc_vector_subcore>, window_params = [{transform_indices = #map}, {transform_indices = #map}]} {
    %mul3A = arith.constant 2 : i32
    %mul3A_0 = arith.muli %arg1, %mul3A : i32
    %add3A = arith.addi %mul3A_0, %arg0 : i32
    %mul3A_1 = arith.constant 4 : i32
    %mul3A_2 = arith.muli %add3A, %mul3A_1 : i32
    %iota3A = tpu.iota {dimensions = array<i32: 0>} : vector<16xi32>
    %broadcast_in_dim3A = arith.constant 0.000000e+00 : f32
    %broadcast_in_dim3A_3 = vector.broadcast %broadcast_in_dim3A : f32 to vector<16xf32>
    %broadcast_in_dim3A_4 = arith.constant 0.000000e+00 : f32
    %broadcast_in_dim3A_5 = vector.broadcast %broadcast_in_dim3A_4 : f32 to vector<16xf32>
    %broadcast_in_dim3A_6 = arith.constant 0.000000e+00 : f32
    %broadcast_in_dim3A_7 = vector.broadcast %broadcast_in_dim3A_6 : f32 to vector<16xf32>
    %broadcast_in_dim3A_8 = arith.constant 0.000000e+00 : f32
    %broadcast_in_dim3A_9 = vector.broadcast %broadcast_in_dim3A_8 : f32 to vector<16xf32>
    %broadcast_in_dim3A_10 = arith.constant 0.000000e+00 : f32
    %broadcast_in_dim3A_11 = vector.broadcast %broadcast_in_dim3A_10 : f32 to vector<16xf32>
    %broadcast_in_dim3A_12 = arith.constant 0.000000e+00 : f32
    %broadcast_in_dim3A_13 = vector.broadcast %broadcast_in_dim3A_12 : f32 to vector<16xf32>
    %broadcast_in_dim3A_14 = arith.constant 0.000000e+00 : f32
    %broadcast_in_dim3A_15 = vector.broadcast %broadcast_in_dim3A_14 : f32 to vector<16xf32>
    %broadcast_in_dim3A_16 = arith.constant 0.000000e+00 : f32
    %broadcast_in_dim3A_17 = vector.broadcast %broadcast_in_dim3A_16 : f32 to vector<16xf32>
    %dma_start3A = arith.constant 0 : i32
    %dma_start3A_18 = arith.constant 0 : i32
    %dma_start3A_19 = tpu.memref_slice %arg4[%dma_start3A, %dma_start3A_18] : memref<4x16384xf32, #tpu.memory_space<vmem>> -> memref<1x16384xf32, #tpu.memory_space<vmem>>
    %dma_start3A_20 = tpu.memref_squeeze %dma_start3A_19 : memref<1x16384xf32, #tpu.memory_space<vmem>> -> memref<16384xf32, #tpu.memory_space<vmem>>
    %dma_start3A_21 = arith.constant 0 : i32
    %dma_start3A_22 = tpu.memref_slice %arg2[%mul3A_2, %dma_start3A_21] : memref<128x32768xf32, #tpu.memory_space<hbm>> -> memref<1x16384xf32, #tpu.memory_space<hbm>>
    %dma_start3A_23 = tpu.memref_squeeze %dma_start3A_22 : memref<1x16384xf32, #tpu.memory_space<hbm>> -> memref<16384xf32, #tpu.memory_space<hbm>>
    %dma_start3A_24 = arith.constant 0 : i32
    %dma_start3A_25 = tpu.memref_slice %arg4[%dma_start3A, %dma_start3A_24] : memref<4x16384xf32, #tpu.memory_space<vmem>> -> memref<1x16384xf32, #tpu.memory_space<vmem>>
    %dma_start3A_26 = tpu.memref_squeeze %dma_start3A_25 : memref<1x16384xf32, #tpu.memory_space<vmem>> -> memref<16384xf32, #tpu.memory_space<vmem>>
    %dma_start3A_27 = arith.constant 0 : i32
    %dma_start3A_28 = tpu.memref_slice %arg2[%mul3A_2, %dma_start3A_27] : memref<128x32768xf32, #tpu.memory_space<hbm>> -> memref<1x16384xf32, #tpu.memory_space<hbm>>
    %dma_start3A_29 = tpu.memref_squeeze %dma_start3A_28 : memref<1x16384xf32, #tpu.memory_space<hbm>> -> memref<16384xf32, #tpu.memory_space<hbm>>
    tpu.enqueue_dma source(%dma_start3A_29 : memref<16384xf32, #tpu.memory_space<hbm>>) target(%dma_start3A_26 : memref<16384xf32, #tpu.memory_space<vmem>>) target_semaphore(%arg7 : memref<!tpu.dma_semaphore, #tpu.memory_space<semaphore_mem>>)
    %dma_start3A_30 = arith.constant 1 : i32
    %dma_start3A_31 = arith.constant 0 : i32
    %dma_start3A_32 = tpu.memref_slice %arg4[%dma_start3A_30, %dma_start3A_31] : memref<4x16384xf32, #tpu.memory_space<vmem>> -> memref<1x16384xf32, #tpu.memory_space<vmem>>
    %dma_start3A_33 = tpu.memref_squeeze %dma_start3A_32 : memref<1x16384xf32, #tpu.memory_space<vmem>> -> memref<16384xf32, #tpu.memory_space<vmem>>
    %dma_start3A_34 = arith.constant 16384 : i32
    %dma_start3A_35 = tpu.memref_slice %arg2[%mul3A_2, %dma_start3A_34] : memref<128x32768xf32, #tpu.memory_space<hbm>> -> memref<1x16384xf32, #tpu.memory_space<hbm>>
    %dma_start3A_36 = tpu.memref_squeeze %dma_start3A_35 : memref<1x16384xf32, #tpu.memory_space<hbm>> -> memref<16384xf32, #tpu.memory_space<hbm>>
    %dma_start3A_37 = arith.constant 0 : i32
    %dma_start3A_38 = tpu.memref_slice %arg4[%dma_start3A_30, %dma_start3A_37] : memref<4x16384xf32, #tpu.memory_space<vmem>> -> memref<1x16384xf32, #tpu.memory_space<vmem>>
    %dma_start3A_39 = tpu.memref_squeeze %dma_start3A_38 : memref<1x16384xf32, #tpu.memory_space<vmem>> -> memref<16384xf32, #tpu.memory_space<vmem>>
    %dma_start3A_40 = arith.constant 16384 : i32
    %dma_start3A_41 = tpu.memref_slice %arg2[%mul3A_2, %dma_start3A_40] : memref<128x32768xf32, #tpu.memory_space<hbm>> -> memref<1x16384xf32, #tpu.memory_space<hbm>>
    %dma_start3A_42 = tpu.memref_squeeze %dma_start3A_41 : memref<1x16384xf32, #tpu.memory_space<hbm>> -> memref<16384xf32, #tpu.memory_space<hbm>>
    tpu.enqueue_dma source(%dma_start3A_42 : memref<16384xf32, #tpu.memory_space<hbm>>) target(%dma_start3A_39 : memref<16384xf32, #tpu.memory_space<vmem>>) target_semaphore(%arg7 : memref<!tpu.dma_semaphore, #tpu.memory_space<semaphore_mem>>)
    %add3A_43 = arith.constant 0 : i32
    %add3A_44 = arith.addi %mul3A_2, %add3A_43 : i32
    %dma_wait3A = arith.constant 0 : i32
    %dma_wait3A_45 = arith.constant 0 : i32
    %dma_wait3A_46 = tpu.memref_slice %arg4[%dma_wait3A, %dma_wait3A_45] : memref<4x16384xf32, #tpu.memory_space<vmem>> -> memref<1x16384xf32, #tpu.memory_space<vmem>>
    %dma_wait3A_47 = tpu.memref_squeeze %dma_wait3A_46 : memref<1x16384xf32, #tpu.memory_space<vmem>> -> memref<16384xf32, #tpu.memory_space<vmem>>
    %dma_wait3A_48 = arith.constant 0 : i32
    %dma_wait3A_49 = tpu.memref_slice %arg2[%mul3A_2, %dma_wait3A_48] : memref<128x32768xf32, #tpu.memory_space<hbm>> -> memref<1x16384xf32, #tpu.memory_space<hbm>>
    %dma_wait3A_50 = tpu.memref_squeeze %dma_wait3A_49 : memref<1x16384xf32, #tpu.memory_space<hbm>> -> memref<16384xf32, #tpu.memory_space<hbm>>
    %dma_wait3A_51 = arith.constant 0 : i32
    %dma_wait3A_52 = tpu.memref_slice %arg4[%dma_wait3A, %dma_wait3A_51] : memref<4x16384xf32, #tpu.memory_space<vmem>> -> memref<1x16384xf32, #tpu.memory_space<vmem>>
    %dma_wait3A_53 = tpu.memref_squeeze %dma_wait3A_52 : memref<1x16384xf32, #tpu.memory_space<vmem>> -> memref<16384xf32, #tpu.memory_space<vmem>>
    %dma_wait3A_54 = arith.constant 0 : i32
    %dma_wait3A_55 = tpu.memref_slice %arg2[%mul3A_2, %dma_wait3A_54] : memref<128x32768xf32, #tpu.memory_space<hbm>> -> memref<1x16384xf32, #tpu.memory_space<hbm>>
    %dma_wait3A_56 = tpu.memref_squeeze %dma_wait3A_55 : memref<1x16384xf32, #tpu.memory_space<hbm>> -> memref<16384xf32, #tpu.memory_space<hbm>>
    tpu.wait_dma2 semaphore(%arg7 : memref<!tpu.dma_semaphore, #tpu.memory_space<semaphore_mem>>) src(%dma_wait3A_56 : memref<16384xf32, #tpu.memory_space<hbm>>) dst(%dma_wait3A_53 : memref<16384xf32, #tpu.memory_space<vmem>>)
    %dma_wait3A_57 = arith.constant 1 : i32
    %dma_wait3A_58 = arith.constant 0 : i32
    %dma_wait3A_59 = tpu.memref_slice %arg4[%dma_wait3A_57, %dma_wait3A_58] : memref<4x16384xf32, #tpu.memory_space<vmem>> -> memref<1x16384xf32, #tpu.memory_space<vmem>>
    %dma_wait3A_60 = tpu.memref_squeeze %dma_wait3A_59 : memref<1x16384xf32, #tpu.memory_space<vmem>> -> memref<16384xf32, #tpu.memory_space<vmem>>
    %dma_wait3A_61 = arith.constant 16384 : i32
    %dma_wait3A_62 = tpu.memref_slice %arg2[%mul3A_2, %dma_wait3A_61] : memref<128x32768xf32, #tpu.memory_space<hbm>> -> memref<1x16384xf32, #tpu.memory_space<hbm>>
    %dma_wait3A_63 = tpu.memref_squeeze %dma_wait3A_62 : memref<1x16384xf32, #tpu.memory_space<hbm>> -> memref<16384xf32, #tpu.memory_space<hbm>>
    %dma_wait3A_64 = arith.constant 0 : i32
    %dma_wait3A_65 = tpu.memref_slice %arg4[%dma_wait3A_57, %dma_wait3A_64] : memref<4x16384xf32, #tpu.memory_space<vmem>> -> memref<1x16384xf32, #tpu.memory_space<vmem>>
    %dma_wait3A_66 = tpu.memref_squeeze %dma_wait3A_65 : memref<1x16384xf32, #tpu.memory_space<vmem>> -> memref<16384xf32, #tpu.memory_space<vmem>>
    %dma_wait3A_67 = arith.constant 16384 : i32
    %dma_wait3A_68 = tpu.memref_slice %arg2[%mul3A_2, %dma_wait3A_67] : memref<128x32768xf32, #tpu.memory_space<hbm>> -> memref<1x16384xf32, #tpu.memory_space<hbm>>
    %dma_wait3A_69 = tpu.memref_squeeze %dma_wait3A_68 : memref<1x16384xf32, #tpu.memory_space<hbm>> -> memref<16384xf32, #tpu.memory_space<hbm>>
    tpu.wait_dma2 semaphore(%arg7 : memref<!tpu.dma_semaphore, #tpu.memory_space<semaphore_mem>>) src(%dma_wait3A_69 : memref<16384xf32, #tpu.memory_space<hbm>>) dst(%dma_wait3A_66 : memref<16384xf32, #tpu.memory_space<vmem>>)
    %parallel_loop3A = arith.constant 0 : i32
    %parallel_loop3A_70 = arith.constant 128 : i32
    %parallel_loop3A_71 = arith.constant 1 : i32
    %parallel_loop3A_72:8 = scf.for %parallel_loop3A_734 = %parallel_loop3A to %parallel_loop3A_70 step %parallel_loop3A_71 iter_args(%parallel_loop3A_735 = %broadcast_in_dim3A_3, %parallel_loop3A_736 = %broadcast_in_dim3A_5, %parallel_loop3A_737 = %broadcast_in_dim3A_7, %parallel_loop3A_738 = %broadcast_in_dim3A_9, %parallel_loop3A_739 = %broadcast_in_dim3A_11, %parallel_loop3A_740 = %broadcast_in_dim3A_13, %parallel_loop3A_741 = %broadcast_in_dim3A_15, %parallel_loop3A_742 = %broadcast_in_dim3A_17) -> (vector<16xf32>, vector<16xf32>, vector<16xf32>, vector<16xf32>, vector<16xf32>, vector<16xf32>, vector<16xf32>, vector<16xf32>)  : i32 {
      %parallel_loop3A_743 = arith.constant 128 : i32
      %parallel_loop3A_744 = arith.muli %parallel_loop3A_734, %parallel_loop3A_743 : i32
      %parallel_loop3A_745 = arith.constant 0 : i32
      %parallel_loop3A_746 = arith.addi %parallel_loop3A_744, %parallel_loop3A_745 : i32
      %parallel_loop3A_747 = arith.constant 0 : i32
      %parallel_loop3A_748 = arith.index_cast %parallel_loop3A_747 : i32 to index
      %parallel_loop3A_749 = arith.index_cast %parallel_loop3A_746 : i32 to index
      %parallel_loop3A_750 = tpu.vector_load %arg4[%parallel_loop3A_748, %parallel_loop3A_749] {strides = array<i32>} : memref<4x16384xf32, #tpu.memory_space<vmem>>, vector<16xf32>,
      %parallel_loop3A_751 = math.absf %parallel_loop3A_750 : vector<16xf32>
      %parallel_loop3A_752 = arith.maximumf %parallel_loop3A_735, %parallel_loop3A_751 : vector<16xf32>
      %parallel_loop3A_753 = arith.constant 16 : i32
      %parallel_loop3A_754 = arith.addi %parallel_loop3A_744, %parallel_loop3A_753 : i32
      %parallel_loop3A_755 = arith.constant 0 : i32
      %parallel_loop3A_756 = arith.index_cast %parallel_loop3A_755 : i32 to index
      %parallel_loop3A_757 = arith.index_cast %parallel_loop3A_754 : i32 to index
      %parallel_loop3A_758 = tpu.vector_load %arg4[%parallel_loop3A_756, %parallel_loop3A_757] {strides = array<i32>} : memref<4x16384xf32, #tpu.memory_space<vmem>>, vector<16xf32>,
      %parallel_loop3A_759 = math.absf %parallel_loop3A_758 : vector<16xf32>
      %parallel_loop3A_760 = arith.maximumf %parallel_loop3A_736, %parallel_loop3A_759 : vector<16xf32>
      %parallel_loop3A_761 = arith.constant 32 : i32
      %parallel_loop3A_762 = arith.addi %parallel_loop3A_744, %parallel_loop3A_761 : i32
      %parallel_loop3A_763 = arith.constant 0 : i32
      %parallel_loop3A_764 = arith.index_cast %parallel_loop3A_763 : i32 to index
      %parallel_loop3A_765 = arith.index_cast %parallel_loop3A_762 : i32 to index
      %parallel_loop3A_766 = tpu.vector_load %arg4[%parallel_loop3A_764, %parallel_loop3A_765] {strides = array<i32>} : memref<4x16384xf32, #tpu.memory_space<vmem>>, vector<16xf32>,
      %parallel_loop3A_767 = math.absf %parallel_loop3A_766 : vector<16xf32>
      %parallel_loop3A_768 = arith.maximumf %parallel_loop3A_737, %parallel_loop3A_767 : vector<16xf32>
      %parallel_loop3A_769 = arith.constant 48 : i32
      %parallel_loop3A_770 = arith.addi %parallel_loop3A_744, %parallel_loop3A_769 : i32
      %parallel_loop3A_771 = arith.constant 0 : i32
      %parallel_loop3A_772 = arith.index_cast %parallel_loop3A_771 : i32 to index
      %parallel_loop3A_773 = arith.index_cast %parallel_loop3A_770 : i32 to index
      %parallel_loop3A_774 = tpu.vector_load %arg4[%parallel_loop3A_772, %parallel_loop3A_773] {strides = array<i32>} : memref<4x16384xf32, #tpu.memory_space<vmem>>, vector<16xf32>,
      %parallel_loop3A_775 = math.absf %parallel_loop3A_774 : vector<16xf32>
      %parallel_loop3A_776 = arith.maximumf %parallel_loop3A_738, %parallel_loop3A_775 : vector<16xf32>
      %parallel_loop3A_777 = arith.constant 64 : i32
      %parallel_loop3A_778 = arith.addi %parallel_loop3A_744, %parallel_loop3A_777 : i32
      %parallel_loop3A_779 = arith.constant 0 : i32
      %parallel_loop3A_780 = arith.index_cast %parallel_loop3A_779 : i32 to index
      %parallel_loop3A_781 = arith.index_cast %parallel_loop3A_778 : i32 to index
      %parallel_loop3A_782 = tpu.vector_load %arg4[%parallel_loop3A_780, %parallel_loop3A_781] {strides = array<i32>} : memref<4x16384xf32, #tpu.memory_space<vmem>>, vector<16xf32>,
      %parallel_loop3A_783 = math.absf %parallel_loop3A_782 : vector<16xf32>
      %parallel_loop3A_784 = arith.maximumf %parallel_loop3A_739, %parallel_loop3A_783 : vector<16xf32>
      %parallel_loop3A_785 = arith.constant 80 : i32
      %parallel_loop3A_786 = arith.addi %parallel_loop3A_744, %parallel_loop3A_785 : i32
      %parallel_loop3A_787 = arith.constant 0 : i32
      %parallel_loop3A_788 = arith.index_cast %parallel_loop3A_787 : i32 to index
      %parallel_loop3A_789 = arith.index_cast %parallel_loop3A_786 : i32 to index
      %parallel_loop3A_790 = tpu.vector_load %arg4[%parallel_loop3A_788, %parallel_loop3A_789] {strides = array<i32>} : memref<4x16384xf32, #tpu.memory_space<vmem>>, vector<16xf32>,
      %parallel_loop3A_791 = math.absf %parallel_loop3A_790 : vector<16xf32>
      %parallel_loop3A_792 = arith.maximumf %parallel_loop3A_740, %parallel_loop3A_791 : vector<16xf32>
      %parallel_loop3A_793 = arith.constant 96 : i32
      %parallel_loop3A_794 = arith.addi %parallel_loop3A_744, %parallel_loop3A_793 : i32
      %parallel_loop3A_795 = arith.constant 0 : i32
      %parallel_loop3A_796 = arith.index_cast %parallel_loop3A_795 : i32 to index
      %parallel_loop3A_797 = arith.index_cast %parallel_loop3A_794 : i32 to index
      %parallel_loop3A_798 = tpu.vector_load %arg4[%parallel_loop3A_796, %parallel_loop3A_797] {strides = array<i32>} : memref<4x16384xf32, #tpu.memory_space<vmem>>, vector<16xf32>,
      %parallel_loop3A_799 = math.absf %parallel_loop3A_798 : vector<16xf32>
      %parallel_loop3A_800 = arith.maximumf %parallel_loop3A_741, %parallel_loop3A_799 : vector<16xf32>
      %parallel_loop3A_801 = arith.constant 112 : i32
      %parallel_loop3A_802 = arith.addi %parallel_loop3A_744, %parallel_loop3A_801 : i32
      %parallel_loop3A_803 = arith.constant 0 : i32
      %parallel_loop3A_804 = arith.index_cast %parallel_loop3A_803 : i32 to index
      %parallel_loop3A_805 = arith.index_cast %parallel_loop3A_802 : i32 to index
      %parallel_loop3A_806 = tpu.vector_load %arg4[%parallel_loop3A_804, %parallel_loop3A_805] {strides = array<i32>} : memref<4x16384xf32, #tpu.memory_space<vmem>>, vector<16xf32>,
      %parallel_loop3A_807 = math.absf %parallel_loop3A_806 : vector<16xf32>
      %parallel_loop3A_808 = arith.maximumf %parallel_loop3A_742, %parallel_loop3A_807 : vector<16xf32>
      scf.yield %parallel_loop3A_752, %parallel_loop3A_760, %parallel_loop3A_768, %parallel_loop3A_776, %parallel_loop3A_784, %parallel_loop3A_792, %parallel_loop3A_800, %parallel_loop3A_808 : vector<16xf32>, vector<16xf32>, vector<16xf32>, vector<16xf32>, vector<16xf32>, vector<16xf32>, vector<16xf32>, vector<16xf32>
    } {sc.loop_unroll_factor = 1 : i64, sc.parallel_access}
    %max3A = arith.maximumf %parallel_loop3A_72#0, %parallel_loop3A_72#1 : vector<16xf32>
    %max3A_73 = arith.maximumf %max3A, %parallel_loop3A_72#2 : vector<16xf32>
    %max3A_74 = arith.maximumf %max3A_73, %parallel_loop3A_72#3 : vector<16xf32>
    %max3A_75 = arith.maximumf %max3A_74, %parallel_loop3A_72#4 : vector<16xf32>
    %max3A_76 = arith.maximumf %max3A_75, %parallel_loop3A_72#5 : vector<16xf32>
    %max3A_77 = arith.maximumf %max3A_76, %parallel_loop3A_72#6 : vector<16xf32>
    %max3A_78 = arith.maximumf %max3A_77, %parallel_loop3A_72#7 : vector<16xf32>
    %parallel_loop3A_79 = arith.constant 0 : i32
    %parallel_loop3A_80 = arith.constant 128 : i32
    %parallel_loop3A_81 = arith.constant 1 : i32
    %parallel_loop3A_82:8 = scf.for %parallel_loop3A_734 = %parallel_loop3A_79 to %parallel_loop3A_80 step %parallel_loop3A_81 iter_args(%parallel_loop3A_735 = %broadcast_in_dim3A_3, %parallel_loop3A_736 = %broadcast_in_dim3A_5, %parallel_loop3A_737 = %broadcast_in_dim3A_7, %parallel_loop3A_738 = %broadcast_in_dim3A_9, %parallel_loop3A_739 = %broadcast_in_dim3A_11, %parallel_loop3A_740 = %broadcast_in_dim3A_13, %parallel_loop3A_741 = %broadcast_in_dim3A_15, %parallel_loop3A_742 = %broadcast_in_dim3A_17) -> (vector<16xf32>, vector<16xf32>, vector<16xf32>, vector<16xf32>, vector<16xf32>, vector<16xf32>, vector<16xf32>, vector<16xf32>)  : i32 {
      %parallel_loop3A_743 = arith.constant 128 : i32
      %parallel_loop3A_744 = arith.muli %parallel_loop3A_734, %parallel_loop3A_743 : i32
      %parallel_loop3A_745 = arith.constant 0 : i32
      %parallel_loop3A_746 = arith.addi %parallel_loop3A_744, %parallel_loop3A_745 : i32
      %parallel_loop3A_747 = arith.constant 1 : i32
      %parallel_loop3A_748 = arith.index_cast %parallel_loop3A_747 : i32 to index
      %parallel_loop3A_749 = arith.index_cast %parallel_loop3A_746 : i32 to index
      %parallel_loop3A_750 = tpu.vector_load %arg4[%parallel_loop3A_748, %parallel_loop3A_749] {strides = array<i32>} : memref<4x16384xf32, #tpu.memory_space<vmem>>, vector<16xf32>,
      %parallel_loop3A_751 = math.absf %parallel_loop3A_750 : vector<16xf32>
      %parallel_loop3A_752 = arith.maximumf %parallel_loop3A_735, %parallel_loop3A_751 : vector<16xf32>
      %parallel_loop3A_753 = arith.constant 16 : i32
      %parallel_loop3A_754 = arith.addi %parallel_loop3A_744, %parallel_loop3A_753 : i32
      %parallel_loop3A_755 = arith.constant 1 : i32
      %parallel_loop3A_756 = arith.index_cast %parallel_loop3A_755 : i32 to index
      %parallel_loop3A_757 = arith.index_cast %parallel_loop3A_754 : i32 to index
      %parallel_loop3A_758 = tpu.vector_load %arg4[%parallel_loop3A_756, %parallel_loop3A_757] {strides = array<i32>} : memref<4x16384xf32, #tpu.memory_space<vmem>>, vector<16xf32>,
      %parallel_loop3A_759 = math.absf %parallel_loop3A_758 : vector<16xf32>
      %parallel_loop3A_760 = arith.maximumf %parallel_loop3A_736, %parallel_loop3A_759 : vector<16xf32>
      %parallel_loop3A_761 = arith.constant 32 : i32
      %parallel_loop3A_762 = arith.addi %parallel_loop3A_744, %parallel_loop3A_761 : i32
      %parallel_loop3A_763 = arith.constant 1 : i32
      %parallel_loop3A_764 = arith.index_cast %parallel_loop3A_763 : i32 to index
      %parallel_loop3A_765 = arith.index_cast %parallel_loop3A_762 : i32 to index
      %parallel_loop3A_766 = tpu.vector_load %arg4[%parallel_loop3A_764, %parallel_loop3A_765] {strides = array<i32>} : memref<4x16384xf32, #tpu.memory_space<vmem>>, vector<16xf32>,
      %parallel_loop3A_767 = math.absf %parallel_loop3A_766 : vector<16xf32>
      %parallel_loop3A_768 = arith.maximumf %parallel_loop3A_737, %parallel_loop3A_767 : vector<16xf32>
      %parallel_loop3A_769 = arith.constant 48 : i32
      %parallel_loop3A_770 = arith.addi %parallel_loop3A_744, %parallel_loop3A_769 : i32
      %parallel_loop3A_771 = arith.constant 1 : i32
      %parallel_loop3A_772 = arith.index_cast %parallel_loop3A_771 : i32 to index
      %parallel_loop3A_773 = arith.index_cast %parallel_loop3A_770 : i32 to index
      %parallel_loop3A_774 = tpu.vector_load %arg4[%parallel_loop3A_772, %parallel_loop3A_773] {strides = array<i32>} : memref<4x16384xf32, #tpu.memory_space<vmem>>, vector<16xf32>,
      %parallel_loop3A_775 = math.absf %parallel_loop3A_774 : vector<16xf32>
      %parallel_loop3A_776 = arith.maximumf %parallel_loop3A_738, %parallel_loop3A_775 : vector<16xf32>
      %parallel_loop3A_777 = arith.constant 64 : i32
      %parallel_loop3A_778 = arith.addi %parallel_loop3A_744, %parallel_loop3A_777 : i32
      %parallel_loop3A_779 = arith.constant 1 : i32
      %parallel_loop3A_780 = arith.index_cast %parallel_loop3A_779 : i32 to index
      %parallel_loop3A_781 = arith.index_cast %parallel_loop3A_778 : i32 to index
      %parallel_loop3A_782 = tpu.vector_load %arg4[%parallel_loop3A_780, %parallel_loop3A_781] {strides = array<i32>} : memref<4x16384xf32, #tpu.memory_space<vmem>>, vector<16xf32>,
      %parallel_loop3A_783 = math.absf %parallel_loop3A_782 : vector<16xf32>
      %parallel_loop3A_784 = arith.maximumf %parallel_loop3A_739, %parallel_loop3A_783 : vector<16xf32>
      %parallel_loop3A_785 = arith.constant 80 : i32
      %parallel_loop3A_786 = arith.addi %parallel_loop3A_744, %parallel_loop3A_785 : i32
      %parallel_loop3A_787 = arith.constant 1 : i32
      %parallel_loop3A_788 = arith.index_cast %parallel_loop3A_787 : i32 to index
      %parallel_loop3A_789 = arith.index_cast %parallel_loop3A_786 : i32 to index
      %parallel_loop3A_790 = tpu.vector_load %arg4[%parallel_loop3A_788, %parallel_loop3A_789] {strides = array<i32>} : memref<4x16384xf32, #tpu.memory_space<vmem>>, vector<16xf32>,
      %parallel_loop3A_791 = math.absf %parallel_loop3A_790 : vector<16xf32>
      %parallel_loop3A_792 = arith.maximumf %parallel_loop3A_740, %parallel_loop3A_791 : vector<16xf32>
      %parallel_loop3A_793 = arith.constant 96 : i32
      %parallel_loop3A_794 = arith.addi %parallel_loop3A_744, %parallel_loop3A_793 : i32
      %parallel_loop3A_795 = arith.constant 1 : i32
      %parallel_loop3A_796 = arith.index_cast %parallel_loop3A_795 : i32 to index
      %parallel_loop3A_797 = arith.index_cast %parallel_loop3A_794 : i32 to index
      %parallel_loop3A_798 = tpu.vector_load %arg4[%parallel_loop3A_796, %parallel_loop3A_797] {strides = array<i32>} : memref<4x16384xf32, #tpu.memory_space<vmem>>, vector<16xf32>,
      %parallel_loop3A_799 = math.absf %parallel_loop3A_798 : vector<16xf32>
      %parallel_loop3A_800 = arith.maximumf %parallel_loop3A_741, %parallel_loop3A_799 : vector<16xf32>
      %parallel_loop3A_801 = arith.constant 112 : i32
      %parallel_loop3A_802 = arith.addi %parallel_loop3A_744, %parallel_loop3A_801 : i32
      %parallel_loop3A_803 = arith.constant 1 : i32
      %parallel_loop3A_804 = arith.index_cast %parallel_loop3A_803 : i32 to index
      %parallel_loop3A_805 = arith.index_cast %parallel_loop3A_802 : i32 to index
      %parallel_loop3A_806 = tpu.vector_load %arg4[%parallel_loop3A_804, %parallel_loop3A_805] {strides = array<i32>} : memref<4x16384xf32, #tpu.memory_space<vmem>>, vector<16xf32>,
      %parallel_loop3A_807 = math.absf %parallel_loop3A_806 : vector<16xf32>
      %parallel_loop3A_808 = arith.maximumf %parallel_loop3A_742, %parallel_loop3A_807 : vector<16xf32>
      scf.yield %parallel_loop3A_752, %parallel_loop3A_760, %parallel_loop3A_768, %parallel_loop3A_776, %parallel_loop3A_784, %parallel_loop3A_792, %parallel_loop3A_800, %parallel_loop3A_808 : vector<16xf32>, vector<16xf32>, vector<16xf32>, vector<16xf32>, vector<16xf32>, vector<16xf32>, vector<16xf32>, vector<16xf32>
    } {sc.loop_unroll_factor = 1 : i64, sc.parallel_access}
    %max3A_83 = arith.maximumf %parallel_loop3A_82#0, %parallel_loop3A_82#1 : vector<16xf32>
    %max3A_84 = arith.maximumf %max3A_83, %parallel_loop3A_82#2 : vector<16xf32>
    %max3A_85 = arith.maximumf %max3A_84, %parallel_loop3A_82#3 : vector<16xf32>
    %max3A_86 = arith.maximumf %max3A_85, %parallel_loop3A_82#4 : vector<16xf32>
    %max3A_87 = arith.maximumf %max3A_86, %parallel_loop3A_82#5 : vector<16xf32>
    %max3A_88 = arith.maximumf %max3A_87, %parallel_loop3A_82#6 : vector<16xf32>
    %max3A_89 = arith.maximumf %max3A_88, %parallel_loop3A_82#7 : vector<16xf32>
    %max3A_90 = arith.maximumf %max3A_78, %max3A_89 : vector<16xf32>
    %add3A_91 = arith.constant 1 : i32
    %add3A_92 = arith.addi %add3A_44, %add3A_91 : i32
    %dma_start3A_93 = arith.constant 2 : i32
    %dma_start3A_94 = arith.constant 0 : i32
    %dma_start3A_95 = tpu.memref_slice %arg4[%dma_start3A_93, %dma_start3A_94] : memref<4x16384xf32, #tpu.memory_space<vmem>> -> memref<1x16384xf32, #tpu.memory_space<vmem>>
    %dma_start3A_96 = tpu.memref_squeeze %dma_start3A_95 : memref<1x16384xf32, #tpu.memory_space<vmem>> -> memref<16384xf32, #tpu.memory_space<vmem>>
    %dma_start3A_97 = arith.constant 0 : i32
    %dma_start3A_98 = tpu.memref_slice %arg2[%add3A_92, %dma_start3A_97] : memref<128x32768xf32, #tpu.memory_space<hbm>> -> memref<1x16384xf32, #tpu.memory_space<hbm>>
    %dma_start3A_99 = tpu.memref_squeeze %dma_start3A_98 : memref<1x16384xf32, #tpu.memory_space<hbm>> -> memref<16384xf32, #tpu.memory_space<hbm>>
    %dma_start3A_100 = arith.constant 0 : i32
    %dma_start3A_101 = tpu.memref_slice %arg4[%dma_start3A_93, %dma_start3A_100] : memref<4x16384xf32, #tpu.memory_space<vmem>> -> memref<1x16384xf32, #tpu.memory_space<vmem>>
    %dma_start3A_102 = tpu.memref_squeeze %dma_start3A_101 : memref<1x16384xf32, #tpu.memory_space<vmem>> -> memref<16384xf32, #tpu.memory_space<vmem>>
    %dma_start3A_103 = arith.constant 0 : i32
    %dma_start3A_104 = tpu.memref_slice %arg2[%add3A_92, %dma_start3A_103] : memref<128x32768xf32, #tpu.memory_space<hbm>> -> memref<1x16384xf32, #tpu.memory_space<hbm>>
    %dma_start3A_105 = tpu.memref_squeeze %dma_start3A_104 : memref<1x16384xf32, #tpu.memory_space<hbm>> -> memref<16384xf32, #tpu.memory_space<hbm>>
    tpu.enqueue_dma source(%dma_start3A_105 : memref<16384xf32, #tpu.memory_space<hbm>>) target(%dma_start3A_102 : memref<16384xf32, #tpu.memory_space<vmem>>) target_semaphore(%arg7 : memref<!tpu.dma_semaphore, #tpu.memory_space<semaphore_mem>>)
    %add3A_106 = arith.constant 1 : i32
    %add3A_107 = arith.addi %add3A_44, %add3A_106 : i32
    %dma_start3A_108 = arith.constant 3 : i32
    %dma_start3A_109 = arith.constant 0 : i32
    %dma_start3A_110 = tpu.memref_slice %arg4[%dma_start3A_108, %dma_start3A_109] : memref<4x16384xf32, #tpu.memory_space<vmem>> -> memref<1x16384xf32, #tpu.memory_space<vmem>>
    %dma_start3A_111 = tpu.memref_squeeze %dma_start3A_110 : memref<1x16384xf32, #tpu.memory_space<vmem>> -> memref<16384xf32, #tpu.memory_space<vmem>>
    %dma_start3A_112 = arith.constant 16384 : i32
    %dma_start3A_113 = tpu.memref_slice %arg2[%add3A_107, %dma_start3A_112] : memref<128x32768xf32, #tpu.memory_space<hbm>> -> memref<1x16384xf32, #tpu.memory_space<hbm>>
    %dma_start3A_114 = tpu.memref_squeeze %dma_start3A_113 : memref<1x16384xf32, #tpu.memory_space<hbm>> -> memref<16384xf32, #tpu.memory_space<hbm>>
    %dma_start3A_115 = arith.constant 0 : i32
    %dma_start3A_116 = tpu.memref_slice %arg4[%dma_start3A_108, %dma_start3A_115] : memref<4x16384xf32, #tpu.memory_space<vmem>> -> memref<1x16384xf32, #tpu.memory_space<vmem>>
    %dma_start3A_117 = tpu.memref_squeeze %dma_start3A_116 : memref<1x16384xf32, #tpu.memory_space<vmem>> -> memref<16384xf32, #tpu.memory_space<vmem>>
    %dma_start3A_118 = arith.constant 16384 : i32
    %dma_start3A_119 = tpu.memref_slice %arg2[%add3A_107, %dma_start3A_118] : memref<128x32768xf32, #tpu.memory_space<hbm>> -> memref<1x16384xf32, #tpu.memory_space<hbm>>
    %dma_start3A_120 = tpu.memref_squeeze %dma_start3A_119 : memref<1x16384xf32, #tpu.memory_space<hbm>> -> memref<16384xf32, #tpu.memory_space<hbm>>
    tpu.enqueue_dma source(%dma_start3A_120 : memref<16384xf32, #tpu.memory_space<hbm>>) target(%dma_start3A_117 : memref<16384xf32, #tpu.memory_space<vmem>>) target_semaphore(%arg7 : memref<!tpu.dma_semaphore, #tpu.memory_space<semaphore_mem>>)
    %swap3A = arith.constant 0 : index
    %swap3A_121 = tpu.vector_load %arg6[%swap3A] {strides = array<i32>} : memref<16xf32, #tpu.memory_space<vmem>>, vector<16xf32>,
    tpu.vector_store %arg6[%swap3A], %max3A_90 {strides = array<i32>} : memref<16xf32, #tpu.memory_space<vmem>>, vector<16xf32>,
    %xor3A = arith.constant 1 : i32
    %xor3A_122 = vector.broadcast %xor3A : i32 to vector<16xi32>
    %xor3A_123 = arith.xori %iota3A, %xor3A_122 : vector<16xi32>
    %gather3A = tpu.vector_load_idx %arg6[%xor3A_123] : memref<16xf32, #tpu.memory_space<vmem>>[vector<16xi32>], vector<16xf32>,
    %max3A_124 = arith.maximumf %max3A_90, %gather3A : vector<16xf32>
    %swap3A_125 = arith.constant 0 : index
    %swap3A_126 = tpu.vector_load %arg6[%swap3A_125] {strides = array<i32>} : memref<16xf32, #tpu.memory_space<vmem>>, vector<16xf32>,
    tpu.vector_store %arg6[%swap3A_125], %max3A_124 {strides = array<i32>} : memref<16xf32, #tpu.memory_space<vmem>>, vector<16xf32>,
    %xor3A_127 = arith.constant 2 : i32
    %xor3A_128 = vector.broadcast %xor3A_127 : i32 to vector<16xi32>
    %xor3A_129 = arith.xori %iota3A, %xor3A_128 : vector<16xi32>
    %gather3A_130 = tpu.vector_load_idx %arg6[%xor3A_129] : memref<16xf32, #tpu.memory_space<vmem>>[vector<16xi32>], vector<16xf32>,
    %max3A_131 = arith.maximumf %max3A_124, %gather3A_130 : vector<16xf32>
    %swap3A_132 = arith.constant 0 : index
    %swap3A_133 = tpu.vector_load %arg6[%swap3A_132] {strides = array<i32>} : memref<16xf32, #tpu.memory_space<vmem>>, vector<16xf32>,
    tpu.vector_store %arg6[%swap3A_132], %max3A_131 {strides = array<i32>} : memref<16xf32, #tpu.memory_space<vmem>>, vector<16xf32>,
    %xor3A_134 = arith.constant 4 : i32
    %xor3A_135 = vector.broadcast %xor3A_134 : i32 to vector<16xi32>
    %xor3A_136 = arith.xori %iota3A, %xor3A_135 : vector<16xi32>
    %gather3A_137 = tpu.vector_load_idx %arg6[%xor3A_136] : memref<16xf32, #tpu.memory_space<vmem>>[vector<16xi32>], vector<16xf32>,
    %max3A_138 = arith.maximumf %max3A_131, %gather3A_137 : vector<16xf32>
    %swap3A_139 = arith.constant 0 : index
    %swap3A_140 = tpu.vector_load %arg6[%swap3A_139] {strides = array<i32>} : memref<16xf32, #tpu.memory_space<vmem>>, vector<16xf32>,
    tpu.vector_store %arg6[%swap3A_139], %max3A_138 {strides = array<i32>} : memref<16xf32, #tpu.memory_space<vmem>>, vector<16xf32>,
    %xor3A_141 = arith.constant 8 : i32
    %xor3A_142 = vector.broadcast %xor3A_141 : i32 to vector<16xi32>
    %xor3A_143 = arith.xori %iota3A, %xor3A_142 : vector<16xi32>
    %gather3A_144 = tpu.vector_load_idx %arg6[%xor3A_143] : memref<16xf32, #tpu.memory_space<vmem>>[vector<16xi32>], vector<16xf32>,
    %max3A_145 = arith.maximumf %max3A_138, %gather3A_144 : vector<16xf32>
    %add3A_146 = arith.constant 9.99999997E-7 : f32
    %add3A_147 = vector.broadcast %add3A_146 : f32 to vector<16xf32>
    %add3A_148 = arith.addf %max3A_145, %add3A_147 : vector<16xf32>
    %mul3A_149 = arith.constant 5.000000e-01 : f32
    %mul3A_150 = vector.broadcast %mul3A_149 : f32 to vector<16xf32>
    %mul3A_151 = arith.mulf %mul3A_150, %add3A_148 : vector<16xf32>
    %neg3A = arith.constant 0.000000e+00 : f32
    %neg3A_152 = vector.broadcast %neg3A : f32 to vector<16xf32>
    %neg3A_153 = arith.subf %neg3A_152, %mul3A_151 : vector<16xf32>
    %broadcast_in_dim3A_154 = arith.constant 1.000000e+00 : f32
    %broadcast_in_dim3A_155 = vector.broadcast %broadcast_in_dim3A_154 : f32 to vector<16xf32>
    %broadcast_in_dim3A_156 = arith.constant -1.000000e+00 : f32
    %broadcast_in_dim3A_157 = vector.broadcast %broadcast_in_dim3A_156 : f32 to vector<16xf32>
    %broadcast_in_dim3A_158 = arith.constant 0.000000e+00 : f32
    %broadcast_in_dim3A_159 = vector.broadcast %broadcast_in_dim3A_158 : f32 to vector<16xf32>
    %parallel_loop3A_160 = arith.constant 0 : i32
    %parallel_loop3A_161 = arith.constant 128 : i32
    %parallel_loop3A_162 = arith.constant 1 : i32
    scf.for %parallel_loop3A_734 = %parallel_loop3A_160 to %parallel_loop3A_161 step %parallel_loop3A_162  : i32 {
      %parallel_loop3A_735 = arith.constant 128 : i32
      %parallel_loop3A_736 = arith.muli %parallel_loop3A_734, %parallel_loop3A_735 : i32
      %parallel_loop3A_737 = arith.constant 0 : i32
      %parallel_loop3A_738 = arith.addi %parallel_loop3A_736, %parallel_loop3A_737 : i32
      %parallel_loop3A_739 = arith.constant 0 : i32
      %parallel_loop3A_740 = arith.index_cast %parallel_loop3A_739 : i32 to index
      %parallel_loop3A_741 = arith.index_cast %parallel_loop3A_738 : i32 to index
      %parallel_loop3A_742 = tpu.vector_load %arg4[%parallel_loop3A_740, %parallel_loop3A_741] {strides = array<i32>} : memref<4x16384xf32, #tpu.memory_space<vmem>>, vector<16xf32>,
      %parallel_loop3A_743 = arith.cmpf ogt, %parallel_loop3A_742, %mul3A_151 : vector<16xf32>
      %parallel_loop3A_744 = arith.cmpf olt, %parallel_loop3A_742, %neg3A_153 : vector<16xf32>
      %parallel_loop3A_745 = arith.select %parallel_loop3A_744, %broadcast_in_dim3A_157, %broadcast_in_dim3A_159 : vector<16xi1>, vector<16xf32>
      %parallel_loop3A_746 = arith.select %parallel_loop3A_743, %broadcast_in_dim3A_155, %parallel_loop3A_745 : vector<16xi1>, vector<16xf32>
      %parallel_loop3A_747 = arith.constant 0 : i32
      %parallel_loop3A_748 = arith.addi %parallel_loop3A_736, %parallel_loop3A_747 : i32
      %parallel_loop3A_749 = arith.constant 0 : i32
      %parallel_loop3A_750 = arith.index_cast %parallel_loop3A_749 : i32 to index
      %parallel_loop3A_751 = arith.index_cast %parallel_loop3A_748 : i32 to index
      %parallel_loop3A_752 = tpu.vector_load %arg5[%parallel_loop3A_750, %parallel_loop3A_751] {strides = array<i32>} : memref<2x16384xf32, #tpu.memory_space<vmem>>, vector<16xf32>,
      tpu.vector_store %arg5[%parallel_loop3A_750, %parallel_loop3A_751], %parallel_loop3A_746 {strides = array<i32>} : memref<2x16384xf32, #tpu.memory_space<vmem>>, vector<16xf32>,
      %parallel_loop3A_753 = arith.constant 16 : i32
      %parallel_loop3A_754 = arith.addi %parallel_loop3A_736, %parallel_loop3A_753 : i32
      %parallel_loop3A_755 = arith.constant 0 : i32
      %parallel_loop3A_756 = arith.index_cast %parallel_loop3A_755 : i32 to index
      %parallel_loop3A_757 = arith.index_cast %parallel_loop3A_754 : i32 to index
      %parallel_loop3A_758 = tpu.vector_load %arg4[%parallel_loop3A_756, %parallel_loop3A_757] {strides = array<i32>} : memref<4x16384xf32, #tpu.memory_space<vmem>>, vector<16xf32>,
      %parallel_loop3A_759 = arith.cmpf ogt, %parallel_loop3A_758, %mul3A_151 : vector<16xf32>
      %parallel_loop3A_760 = arith.cmpf olt, %parallel_loop3A_758, %neg3A_153 : vector<16xf32>
      %parallel_loop3A_761 = arith.select %parallel_loop3A_760, %broadcast_in_dim3A_157, %broadcast_in_dim3A_159 : vector<16xi1>, vector<16xf32>
      %parallel_loop3A_762 = arith.select %parallel_loop3A_759, %broadcast_in_dim3A_155, %parallel_loop3A_761 : vector<16xi1>, vector<16xf32>
      %parallel_loop3A_763 = arith.constant 16 : i32
      %parallel_loop3A_764 = arith.addi %parallel_loop3A_736, %parallel_loop3A_763 : i32
      %parallel_loop3A_765 = arith.constant 0 : i32
      %parallel_loop3A_766 = arith.index_cast %parallel_loop3A_765 : i32 to index
      %parallel_loop3A_767 = arith.index_cast %parallel_loop3A_764 : i32 to index
      %parallel_loop3A_768 = tpu.vector_load %arg5[%parallel_loop3A_766, %parallel_loop3A_767] {strides = array<i32>} : memref<2x16384xf32, #tpu.memory_space<vmem>>, vector<16xf32>,
      tpu.vector_store %arg5[%parallel_loop3A_766, %parallel_loop3A_767], %parallel_loop3A_762 {strides = array<i32>} : memref<2x16384xf32, #tpu.memory_space<vmem>>, vector<16xf32>,
      %parallel_loop3A_769 = arith.constant 32 : i32
      %parallel_loop3A_770 = arith.addi %parallel_loop3A_736, %parallel_loop3A_769 : i32
      %parallel_loop3A_771 = arith.constant 0 : i32
      %parallel_loop3A_772 = arith.index_cast %parallel_loop3A_771 : i32 to index
      %parallel_loop3A_773 = arith.index_cast %parallel_loop3A_770 : i32 to index
      %parallel_loop3A_774 = tpu.vector_load %arg4[%parallel_loop3A_772, %parallel_loop3A_773] {strides = array<i32>} : memref<4x16384xf32, #tpu.memory_space<vmem>>, vector<16xf32>,
      %parallel_loop3A_775 = arith.cmpf ogt, %parallel_loop3A_774, %mul3A_151 : vector<16xf32>
      %parallel_loop3A_776 = arith.cmpf olt, %parallel_loop3A_774, %neg3A_153 : vector<16xf32>
      %parallel_loop3A_777 = arith.select %parallel_loop3A_776, %broadcast_in_dim3A_157, %broadcast_in_dim3A_159 : vector<16xi1>, vector<16xf32>
      %parallel_loop3A_778 = arith.select %parallel_loop3A_775, %broadcast_in_dim3A_155, %parallel_loop3A_777 : vector<16xi1>, vector<16xf32>
      %parallel_loop3A_779 = arith.constant 32 : i32
      %parallel_loop3A_780 = arith.addi %parallel_loop3A_736, %parallel_loop3A_779 : i32
      %parallel_loop3A_781 = arith.constant 0 : i32
      %parallel_loop3A_782 = arith.index_cast %parallel_loop3A_781 : i32 to index
      %parallel_loop3A_783 = arith.index_cast %parallel_loop3A_780 : i32 to index
      %parallel_loop3A_784 = tpu.vector_load %arg5[%parallel_loop3A_782, %parallel_loop3A_783] {strides = array<i32>} : memref<2x16384xf32, #tpu.memory_space<vmem>>, vector<16xf32>,
      tpu.vector_store %arg5[%parallel_loop3A_782, %parallel_loop3A_783], %parallel_loop3A_778 {strides = array<i32>} : memref<2x16384xf32, #tpu.memory_space<vmem>>, vector<16xf32>,
      %parallel_loop3A_785 = arith.constant 48 : i32
      %parallel_loop3A_786 = arith.addi %parallel_loop3A_736, %parallel_loop3A_785 : i32
      %parallel_loop3A_787 = arith.constant 0 : i32
      %parallel_loop3A_788 = arith.index_cast %parallel_loop3A_787 : i32 to index
      %parallel_loop3A_789 = arith.index_cast %parallel_loop3A_786 : i32 to index
      %parallel_loop3A_790 = tpu.vector_load %arg4[%parallel_loop3A_788, %parallel_loop3A_789] {strides = array<i32>} : memref<4x16384xf32, #tpu.memory_space<vmem>>, vector<16xf32>,
      %parallel_loop3A_791 = arith.cmpf ogt, %parallel_loop3A_790, %mul3A_151 : vector<16xf32>
      %parallel_loop3A_792 = arith.cmpf olt, %parallel_loop3A_790, %neg3A_153 : vector<16xf32>
      %parallel_loop3A_793 = arith.select %parallel_loop3A_792, %broadcast_in_dim3A_157, %broadcast_in_dim3A_159 : vector<16xi1>, vector<16xf32>
      %parallel_loop3A_794 = arith.select %parallel_loop3A_791, %broadcast_in_dim3A_155, %parallel_loop3A_793 : vector<16xi1>, vector<16xf32>
      %parallel_loop3A_795 = arith.constant 48 : i32
      %parallel_loop3A_796 = arith.addi %parallel_loop3A_736, %parallel_loop3A_795 : i32
      %parallel_loop3A_797 = arith.constant 0 : i32
      %parallel_loop3A_798 = arith.index_cast %parallel_loop3A_797 : i32 to index
      %parallel_loop3A_799 = arith.index_cast %parallel_loop3A_796 : i32 to index
      %parallel_loop3A_800 = tpu.vector_load %arg5[%parallel_loop3A_798, %parallel_loop3A_799] {strides = array<i32>} : memref<2x16384xf32, #tpu.memory_space<vmem>>, vector<16xf32>,
      tpu.vector_store %arg5[%parallel_loop3A_798, %parallel_loop3A_799], %parallel_loop3A_794 {strides = array<i32>} : memref<2x16384xf32, #tpu.memory_space<vmem>>, vector<16xf32>,
      %parallel_loop3A_801 = arith.constant 64 : i32
      %parallel_loop3A_802 = arith.addi %parallel_loop3A_736, %parallel_loop3A_801 : i32
      %parallel_loop3A_803 = arith.constant 0 : i32
      %parallel_loop3A_804 = arith.index_cast %parallel_loop3A_803 : i32 to index
      %parallel_loop3A_805 = arith.index_cast %parallel_loop3A_802 : i32 to index
      %parallel_loop3A_806 = tpu.vector_load %arg4[%parallel_loop3A_804, %parallel_loop3A_805] {strides = array<i32>} : memref<4x16384xf32, #tpu.memory_space<vmem>>, vector<16xf32>,
      %parallel_loop3A_807 = arith.cmpf ogt, %parallel_loop3A_806, %mul3A_151 : vector<16xf32>
      %parallel_loop3A_808 = arith.cmpf olt, %parallel_loop3A_806, %neg3A_153 : vector<16xf32>
      %parallel_loop3A_809 = arith.select %parallel_loop3A_808, %broadcast_in_dim3A_157, %broadcast_in_dim3A_159 : vector<16xi1>, vector<16xf32>
      %parallel_loop3A_810 = arith.select %parallel_loop3A_807, %broadcast_in_dim3A_155, %parallel_loop3A_809 : vector<16xi1>, vector<16xf32>
      %parallel_loop3A_811 = arith.constant 64 : i32
      %parallel_loop3A_812 = arith.addi %parallel_loop3A_736, %parallel_loop3A_811 : i32
      %parallel_loop3A_813 = arith.constant 0 : i32
      %parallel_loop3A_814 = arith.index_cast %parallel_loop3A_813 : i32 to index
      %parallel_loop3A_815 = arith.index_cast %parallel_loop3A_812 : i32 to index
      %parallel_loop3A_816 = tpu.vector_load %arg5[%parallel_loop3A_814, %parallel_loop3A_815] {strides = array<i32>} : memref<2x16384xf32, #tpu.memory_space<vmem>>, vector<16xf32>,
      tpu.vector_store %arg5[%parallel_loop3A_814, %parallel_loop3A_815], %parallel_loop3A_810 {strides = array<i32>} : memref<2x16384xf32, #tpu.memory_space<vmem>>, vector<16xf32>,
      %parallel_loop3A_817 = arith.constant 80 : i32
      %parallel_loop3A_818 = arith.addi %parallel_loop3A_736, %parallel_loop3A_817 : i32
      %parallel_loop3A_819 = arith.constant 0 : i32
      %parallel_loop3A_820 = arith.index_cast %parallel_loop3A_819 : i32 to index
      %parallel_loop3A_821 = arith.index_cast %parallel_loop3A_818 : i32 to index
      %parallel_loop3A_822 = tpu.vector_load %arg4[%parallel_loop3A_820, %parallel_loop3A_821] {strides = array<i32>} : memref<4x16384xf32, #tpu.memory_space<vmem>>, vector<16xf32>,
      %parallel_loop3A_823 = arith.cmpf ogt, %parallel_loop3A_822, %mul3A_151 : vector<16xf32>
      %parallel_loop3A_824 = arith.cmpf olt, %parallel_loop3A_822, %neg3A_153 : vector<16xf32>
      %parallel_loop3A_825 = arith.select %parallel_loop3A_824, %broadcast_in_dim3A_157, %broadcast_in_dim3A_159 : vector<16xi1>, vector<16xf32>
      %parallel_loop3A_826 = arith.select %parallel_loop3A_823, %broadcast_in_dim3A_155, %parallel_loop3A_825 : vector<16xi1>, vector<16xf32>
      %parallel_loop3A_827 = arith.constant 80 : i32
      %parallel_loop3A_828 = arith.addi %parallel_loop3A_736, %parallel_loop3A_827 : i32
      %parallel_loop3A_829 = arith.constant 0 : i32
      %parallel_loop3A_830 = arith.index_cast %parallel_loop3A_829 : i32 to index
      %parallel_loop3A_831 = arith.index_cast %parallel_loop3A_828 : i32 to index
      %parallel_loop3A_832 = tpu.vector_load %arg5[%parallel_loop3A_830, %parallel_loop3A_831] {strides = array<i32>} : memref<2x16384xf32, #tpu.memory_space<vmem>>, vector<16xf32>,
      tpu.vector_store %arg5[%parallel_loop3A_830, %parallel_loop3A_831], %parallel_loop3A_826 {strides = array<i32>} : memref<2x16384xf32, #tpu.memory_space<vmem>>, vector<16xf32>,
      %parallel_loop3A_833 = arith.constant 96 : i32
      %parallel_loop3A_834 = arith.addi %parallel_loop3A_736, %parallel_loop3A_833 : i32
      %parallel_loop3A_835 = arith.constant 0 : i32
      %parallel_loop3A_836 = arith.index_cast %parallel_loop3A_835 : i32 to index
      %parallel_loop3A_837 = arith.index_cast %parallel_loop3A_834 : i32 to index
      %parallel_loop3A_838 = tpu.vector_load %arg4[%parallel_loop3A_836, %parallel_loop3A_837] {strides = array<i32>} : memref<4x16384xf32, #tpu.memory_space<vmem>>, vector<16xf32>,
      %parallel_loop3A_839 = arith.cmpf ogt, %parallel_loop3A_838, %mul3A_151 : vector<16xf32>
      %parallel_loop3A_840 = arith.cmpf olt, %parallel_loop3A_838, %neg3A_153 : vector<16xf32>
      %parallel_loop3A_841 = arith.select %parallel_loop3A_840, %broadcast_in_dim3A_157, %broadcast_in_dim3A_159 : vector<16xi1>, vector<16xf32>
      %parallel_loop3A_842 = arith.select %parallel_loop3A_839, %broadcast_in_dim3A_155, %parallel_loop3A_841 : vector<16xi1>, vector<16xf32>
      %parallel_loop3A_843 = arith.constant 96 : i32
      %parallel_loop3A_844 = arith.addi %parallel_loop3A_736, %parallel_loop3A_843 : i32
      %parallel_loop3A_845 = arith.constant 0 : i32
      %parallel_loop3A_846 = arith.index_cast %parallel_loop3A_845 : i32 to index
      %parallel_loop3A_847 = arith.index_cast %parallel_loop3A_844 : i32 to index
      %parallel_loop3A_848 = tpu.vector_load %arg5[%parallel_loop3A_846, %parallel_loop3A_847] {strides = array<i32>} : memref<2x16384xf32, #tpu.memory_space<vmem>>, vector<16xf32>,
      tpu.vector_store %arg5[%parallel_loop3A_846, %parallel_loop3A_847], %parallel_loop3A_842 {strides = array<i32>} : memref<2x16384xf32, #tpu.memory_space<vmem>>, vector<16xf32>,
      %parallel_loop3A_849 = arith.constant 112 : i32
      %parallel_loop3A_850 = arith.addi %parallel_loop3A_736, %parallel_loop3A_849 : i32
      %parallel_loop3A_851 = arith.constant 0 : i32
      %parallel_loop3A_852 = arith.index_cast %parallel_loop3A_851 : i32 to index
      %parallel_loop3A_853 = arith.index_cast %parallel_loop3A_850 : i32 to index
      %parallel_loop3A_854 = tpu.vector_load %arg4[%parallel_loop3A_852, %parallel_loop3A_853] {strides = array<i32>} : memref<4x16384xf32, #tpu.memory_space<vmem>>, vector<16xf32>,
      %parallel_loop3A_855 = arith.cmpf ogt, %parallel_loop3A_854, %mul3A_151 : vector<16xf32>
      %parallel_loop3A_856 = arith.cmpf olt, %parallel_loop3A_854, %neg3A_153 : vector<16xf32>
      %parallel_loop3A_857 = arith.select %parallel_loop3A_856, %broadcast_in_dim3A_157, %broadcast_in_dim3A_159 : vector<16xi1>, vector<16xf32>
      %parallel_loop3A_858 = arith.select %parallel_loop3A_855, %broadcast_in_dim3A_155, %parallel_loop3A_857 : vector<16xi1>, vector<16xf32>
      %parallel_loop3A_859 = arith.constant 112 : i32
      %parallel_loop3A_860 = arith.addi %parallel_loop3A_736, %parallel_loop3A_859 : i32
      %parallel_loop3A_861 = arith.constant 0 : i32
      %parallel_loop3A_862 = arith.index_cast %parallel_loop3A_861 : i32 to index
      %parallel_loop3A_863 = arith.index_cast %parallel_loop3A_860 : i32 to index
      %parallel_loop3A_864 = tpu.vector_load %arg5[%parallel_loop3A_862, %parallel_loop3A_863] {strides = array<i32>} : memref<2x16384xf32, #tpu.memory_space<vmem>>, vector<16xf32>,
      tpu.vector_store %arg5[%parallel_loop3A_862, %parallel_loop3A_863], %parallel_loop3A_858 {strides = array<i32>} : memref<2x16384xf32, #tpu.memory_space<vmem>>, vector<16xf32>,
    } {sc.loop_unroll_factor = 1 : i64, sc.parallel_access}
    %dma_start3A_163 = arith.constant 0 : i32
    %dma_start3A_164 = arith.constant 0 : i32
    %dma_start3A_165 = tpu.memref_slice %arg5[%dma_start3A_163, %dma_start3A_164] : memref<2x16384xf32, #tpu.memory_space<vmem>> -> memref<1x16384xf32, #tpu.memory_space<vmem>>
    %dma_start3A_166 = tpu.memref_squeeze %dma_start3A_165 : memref<1x16384xf32, #tpu.memory_space<vmem>> -> memref<16384xf32, #tpu.memory_space<vmem>>
    %dma_start3A_167 = arith.constant 0 : i32
    %dma_start3A_168 = tpu.memref_slice %arg3[%add3A_44, %dma_start3A_167] : memref<128x32768xf32, #tpu.memory_space<hbm>> -> memref<1x16384xf32, #tpu.memory_space<hbm>>
    %dma_start3A_169 = tpu.memref_squeeze %dma_start3A_168 : memref<1x16384xf32, #tpu.memory_space<hbm>> -> memref<16384xf32, #tpu.memory_space<hbm>>
    %dma_start3A_170 = arith.constant 0 : i32
    %dma_start3A_171 = tpu.memref_slice %arg3[%add3A_44, %dma_start3A_170] : memref<128x32768xf32, #tpu.memory_space<hbm>> -> memref<1x16384xf32, #tpu.memory_space<hbm>>
    %dma_start3A_172 = tpu.memref_squeeze %dma_start3A_171 : memref<1x16384xf32, #tpu.memory_space<hbm>> -> memref<16384xf32, #tpu.memory_space<hbm>>
    %dma_start3A_173 = arith.constant 0 : i32
    %dma_start3A_174 = tpu.memref_slice %arg5[%dma_start3A_163, %dma_start3A_173] : memref<2x16384xf32, #tpu.memory_space<vmem>> -> memref<1x16384xf32, #tpu.memory_space<vmem>>
    %dma_start3A_175 = tpu.memref_squeeze %dma_start3A_174 : memref<1x16384xf32, #tpu.memory_space<vmem>> -> memref<16384xf32, #tpu.memory_space<vmem>>
    tpu.enqueue_dma source(%dma_start3A_175 : memref<16384xf32, #tpu.memory_space<vmem>>) target(%dma_start3A_172 : memref<16384xf32, #tpu.memory_space<hbm>>) target_semaphore(%arg8 : memref<!tpu.dma_semaphore, #tpu.memory_space<semaphore_mem>>)
    %parallel_loop3A_176 = arith.constant 0 : i32
    %parallel_loop3A_177 = arith.constant 128 : i32
    %parallel_loop3A_178 = arith.constant 1 : i32
    scf.for %parallel_loop3A_734 = %parallel_loop3A_176 to %parallel_loop3A_177 step %parallel_loop3A_178  : i32 {
      %parallel_loop3A_735 = arith.constant 128 : i32
      %parallel_loop3A_736 = arith.muli %parallel_loop3A_734, %parallel_loop3A_735 : i32
      %parallel_loop3A_737 = arith.constant 0 : i32
      %parallel_loop3A_738 = arith.addi %parallel_loop3A_736, %parallel_loop3A_737 : i32
      %parallel_loop3A_739 = arith.constant 1 : i32
      %parallel_loop3A_740 = arith.index_cast %parallel_loop3A_739 : i32 to index
      %parallel_loop3A_741 = arith.index_cast %parallel_loop3A_738 : i32 to index
      %parallel_loop3A_742 = tpu.vector_load %arg4[%parallel_loop3A_740, %parallel_loop3A_741] {strides = array<i32>} : memref<4x16384xf32, #tpu.memory_space<vmem>>, vector<16xf32>,
      %parallel_loop3A_743 = arith.cmpf ogt, %parallel_loop3A_742, %mul3A_151 : vector<16xf32>
      %parallel_loop3A_744 = arith.cmpf olt, %parallel_loop3A_742, %neg3A_153 : vector<16xf32>
      %parallel_loop3A_745 = arith.select %parallel_loop3A_744, %broadcast_in_dim3A_157, %broadcast_in_dim3A_159 : vector<16xi1>, vector<16xf32>
      %parallel_loop3A_746 = arith.select %parallel_loop3A_743, %broadcast_in_dim3A_155, %parallel_loop3A_745 : vector<16xi1>, vector<16xf32>
      %parallel_loop3A_747 = arith.constant 0 : i32
      %parallel_loop3A_748 = arith.addi %parallel_loop3A_736, %parallel_loop3A_747 : i32
      %parallel_loop3A_749 = arith.constant 1 : i32
      %parallel_loop3A_750 = arith.index_cast %parallel_loop3A_749 : i32 to index
      %parallel_loop3A_751 = arith.index_cast %parallel_loop3A_748 : i32 to index
      %parallel_loop3A_752 = tpu.vector_load %arg5[%parallel_loop3A_750, %parallel_loop3A_751] {strides = array<i32>} : memref<2x16384xf32, #tpu.memory_space<vmem>>, vector<16xf32>,
      tpu.vector_store %arg5[%parallel_loop3A_750, %parallel_loop3A_751], %parallel_loop3A_746 {strides = array<i32>} : memref<2x16384xf32, #tpu.memory_space<vmem>>, vector<16xf32>,
      %parallel_loop3A_753 = arith.constant 16 : i32
      %parallel_loop3A_754 = arith.addi %parallel_loop3A_736, %parallel_loop3A_753 : i32
      %parallel_loop3A_755 = arith.constant 1 : i32
      %parallel_loop3A_756 = arith.index_cast %parallel_loop3A_755 : i32 to index
      %parallel_loop3A_757 = arith.index_cast %parallel_loop3A_754 : i32 to index
      %parallel_loop3A_758 = tpu.vector_load %arg4[%parallel_loop3A_756, %parallel_loop3A_757] {strides = array<i32>} : memref<4x16384xf32, #tpu.memory_space<vmem>>, vector<16xf32>,
      %parallel_loop3A_759 = arith.cmpf ogt, %parallel_loop3A_758, %mul3A_151 : vector<16xf32>
      %parallel_loop3A_760 = arith.cmpf olt, %parallel_loop3A_758, %neg3A_153 : vector<16xf32>
      %parallel_loop3A_761 = arith.select %parallel_loop3A_760, %broadcast_in_dim3A_157, %broadcast_in_dim3A_159 : vector<16xi1>, vector<16xf32>
      %parallel_loop3A_762 = arith.select %parallel_loop3A_759, %broadcast_in_dim3A_155, %parallel_loop3A_761 : vector<16xi1>, vector<16xf32>
      %parallel_loop3A_763 = arith.constant 16 : i32
      %parallel_loop3A_764 = arith.addi %parallel_loop3A_736, %parallel_loop3A_763 : i32
      %parallel_loop3A_765 = arith.constant 1 : i32
      %parallel_loop3A_766 = arith.index_cast %parallel_loop3A_765 : i32 to index
      %parallel_loop3A_767 = arith.index_cast %parallel_loop3A_764 : i32 to index
      %parallel_loop3A_768 = tpu.vector_load %arg5[%parallel_loop3A_766, %parallel_loop3A_767] {strides = array<i32>} : memref<2x16384xf32, #tpu.memory_space<vmem>>, vector<16xf32>,
      tpu.vector_store %arg5[%parallel_loop3A_766, %parallel_loop3A_767], %parallel_loop3A_762 {strides = array<i32>} : memref<2x16384xf32, #tpu.memory_space<vmem>>, vector<16xf32>,
      %parallel_loop3A_769 = arith.constant 32 : i32
      %parallel_loop3A_770 = arith.addi %parallel_loop3A_736, %parallel_loop3A_769 : i32
      %parallel_loop3A_771 = arith.constant 1 : i32
      %parallel_loop3A_772 = arith.index_cast %parallel_loop3A_771 : i32 to index
      %parallel_loop3A_773 = arith.index_cast %parallel_loop3A_770 : i32 to index
      %parallel_loop3A_774 = tpu.vector_load %arg4[%parallel_loop3A_772, %parallel_loop3A_773] {strides = array<i32>} : memref<4x16384xf32, #tpu.memory_space<vmem>>, vector<16xf32>,
      %parallel_loop3A_775 = arith.cmpf ogt, %parallel_loop3A_774, %mul3A_151 : vector<16xf32>
      %parallel_loop3A_776 = arith.cmpf olt, %parallel_loop3A_774, %neg3A_153 : vector<16xf32>
      %parallel_loop3A_777 = arith.select %parallel_loop3A_776, %broadcast_in_dim3A_157, %broadcast_in_dim3A_159 : vector<16xi1>, vector<16xf32>
      %parallel_loop3A_778 = arith.select %parallel_loop3A_775, %broadcast_in_dim3A_155, %parallel_loop3A_777 : vector<16xi1>, vector<16xf32>
      %parallel_loop3A_779 = arith.constant 32 : i32
      %parallel_loop3A_780 = arith.addi %parallel_loop3A_736, %parallel_loop3A_779 : i32
      %parallel_loop3A_781 = arith.constant 1 : i32
      %parallel_loop3A_782 = arith.index_cast %parallel_loop3A_781 : i32 to index
      %parallel_loop3A_783 = arith.index_cast %parallel_loop3A_780 : i32 to index
      %parallel_loop3A_784 = tpu.vector_load %arg5[%parallel_loop3A_782, %parallel_loop3A_783] {strides = array<i32>} : memref<2x16384xf32, #tpu.memory_space<vmem>>, vector<16xf32>,
      tpu.vector_store %arg5[%parallel_loop3A_782, %parallel_loop3A_783], %parallel_loop3A_778 {strides = array<i32>} : memref<2x16384xf32, #tpu.memory_space<vmem>>, vector<16xf32>,
      %parallel_loop3A_785 = arith.constant 48 : i32
      %parallel_loop3A_786 = arith.addi %parallel_loop3A_736, %parallel_loop3A_785 : i32
      %parallel_loop3A_787 = arith.constant 1 : i32
      %parallel_loop3A_788 = arith.index_cast %parallel_loop3A_787 : i32 to index
      %parallel_loop3A_789 = arith.index_cast %parallel_loop3A_786 : i32 to index
      %parallel_loop3A_790 = tpu.vector_load %arg4[%parallel_loop3A_788, %parallel_loop3A_789] {strides = array<i32>} : memref<4x16384xf32, #tpu.memory_space<vmem>>, vector<16xf32>,
      %parallel_loop3A_791 = arith.cmpf ogt, %parallel_loop3A_790, %mul3A_151 : vector<16xf32>
      %parallel_loop3A_792 = arith.cmpf olt, %parallel_loop3A_790, %neg3A_153 : vector<16xf32>
      %parallel_loop3A_793 = arith.select %parallel_loop3A_792, %broadcast_in_dim3A_157, %broadcast_in_dim3A_159 : vector<16xi1>, vector<16xf32>
      %parallel_loop3A_794 = arith.select %parallel_loop3A_791, %broadcast_in_dim3A_155, %parallel_loop3A_793 : vector<16xi1>, vector<16xf32>
      %parallel_loop3A_795 = arith.constant 48 : i32
      %parallel_loop3A_796 = arith.addi %parallel_loop3A_736, %parallel_loop3A_795 : i32
      %parallel_loop3A_797 = arith.constant 1 : i32
      %parallel_loop3A_798 = arith.index_cast %parallel_loop3A_797 : i32 to index
      %parallel_loop3A_799 = arith.index_cast %parallel_loop3A_796 : i32 to index
      %parallel_loop3A_800 = tpu.vector_load %arg5[%parallel_loop3A_798, %parallel_loop3A_799] {strides = array<i32>} : memref<2x16384xf32, #tpu.memory_space<vmem>>, vector<16xf32>,
      tpu.vector_store %arg5[%parallel_loop3A_798, %parallel_loop3A_799], %parallel_loop3A_794 {strides = array<i32>} : memref<2x16384xf32, #tpu.memory_space<vmem>>, vector<16xf32>,
      %parallel_loop3A_801 = arith.constant 64 : i32
      %parallel_loop3A_802 = arith.addi %parallel_loop3A_736, %parallel_loop3A_801 : i32
      %parallel_loop3A_803 = arith.constant 1 : i32
      %parallel_loop3A_804 = arith.index_cast %parallel_loop3A_803 : i32 to index
      %parallel_loop3A_805 = arith.index_cast %parallel_loop3A_802 : i32 to index
      %parallel_loop3A_806 = tpu.vector_load %arg4[%parallel_loop3A_804, %parallel_loop3A_805] {strides = array<i32>} : memref<4x16384xf32, #tpu.memory_space<vmem>>, vector<16xf32>,
      %parallel_loop3A_807 = arith.cmpf ogt, %parallel_loop3A_806, %mul3A_151 : vector<16xf32>
      %parallel_loop3A_808 = arith.cmpf olt, %parallel_loop3A_806, %neg3A_153 : vector<16xf32>
      %parallel_loop3A_809 = arith.select %parallel_loop3A_808, %broadcast_in_dim3A_157, %broadcast_in_dim3A_159 : vector<16xi1>, vector<16xf32>
      %parallel_loop3A_810 = arith.select %parallel_loop3A_807, %broadcast_in_dim3A_155, %parallel_loop3A_809 : vector<16xi1>, vector<16xf32>
      %parallel_loop3A_811 = arith.constant 64 : i32
      %parallel_loop3A_812 = arith.addi %parallel_loop3A_736, %parallel_loop3A_811 : i32
      %parallel_loop3A_813 = arith.constant 1 : i32
      %parallel_loop3A_814 = arith.index_cast %parallel_loop3A_813 : i32 to index
      %parallel_loop3A_815 = arith.index_cast %parallel_loop3A_812 : i32 to index
      %parallel_loop3A_816 = tpu.vector_load %arg5[%parallel_loop3A_814, %parallel_loop3A_815] {strides = array<i32>} : memref<2x16384xf32, #tpu.memory_space<vmem>>, vector<16xf32>,
      tpu.vector_store %arg5[%parallel_loop3A_814, %parallel_loop3A_815], %parallel_loop3A_810 {strides = array<i32>} : memref<2x16384xf32, #tpu.memory_space<vmem>>, vector<16xf32>,
      %parallel_loop3A_817 = arith.constant 80 : i32
      %parallel_loop3A_818 = arith.addi %parallel_loop3A_736, %parallel_loop3A_817 : i32
      %parallel_loop3A_819 = arith.constant 1 : i32
      %parallel_loop3A_820 = arith.index_cast %parallel_loop3A_819 : i32 to index
      %parallel_loop3A_821 = arith.index_cast %parallel_loop3A_818 : i32 to index
      %parallel_loop3A_822 = tpu.vector_load %arg4[%parallel_loop3A_820, %parallel_loop3A_821] {strides = array<i32>} : memref<4x16384xf32, #tpu.memory_space<vmem>>, vector<16xf32>,
      %parallel_loop3A_823 = arith.cmpf ogt, %parallel_loop3A_822, %mul3A_151 : vector<16xf32>
      %parallel_loop3A_824 = arith.cmpf olt, %parallel_loop3A_822, %neg3A_153 : vector<16xf32>
      %parallel_loop3A_825 = arith.select %parallel_loop3A_824, %broadcast_in_dim3A_157, %broadcast_in_dim3A_159 : vector<16xi1>, vector<16xf32>
      %parallel_loop3A_826 = arith.select %parallel_loop3A_823, %broadcast_in_dim3A_155, %parallel_loop3A_825 : vector<16xi1>, vector<16xf32>
      %parallel_loop3A_827 = arith.constant 80 : i32
      %parallel_loop3A_828 = arith.addi %parallel_loop3A_736, %parallel_loop3A_827 : i32
      %parallel_loop3A_829 = arith.constant 1 : i32
      %parallel_loop3A_830 = arith.index_cast %parallel_loop3A_829 : i32 to index
      %parallel_loop3A_831 = arith.index_cast %parallel_loop3A_828 : i32 to index
      %parallel_loop3A_832 = tpu.vector_load %arg5[%parallel_loop3A_830, %parallel_loop3A_831] {strides = array<i32>} : memref<2x16384xf32, #tpu.memory_space<vmem>>, vector<16xf32>,
      tpu.vector_store %arg5[%parallel_loop3A_830, %parallel_loop3A_831], %parallel_loop3A_826 {strides = array<i32>} : memref<2x16384xf32, #tpu.memory_space<vmem>>, vector<16xf32>,
      %parallel_loop3A_833 = arith.constant 96 : i32
      %parallel_loop3A_834 = arith.addi %parallel_loop3A_736, %parallel_loop3A_833 : i32
      %parallel_loop3A_835 = arith.constant 1 : i32
      %parallel_loop3A_836 = arith.index_cast %parallel_loop3A_835 : i32 to index
      %parallel_loop3A_837 = arith.index_cast %parallel_loop3A_834 : i32 to index
      %parallel_loop3A_838 = tpu.vector_load %arg4[%parallel_loop3A_836, %parallel_loop3A_837] {strides = array<i32>} : memref<4x16384xf32, #tpu.memory_space<vmem>>, vector<16xf32>,
      %parallel_loop3A_839 = arith.cmpf ogt, %parallel_loop3A_838, %mul3A_151 : vector<16xf32>
      %parallel_loop3A_840 = arith.cmpf olt, %parallel_loop3A_838, %neg3A_153 : vector<16xf32>
      %parallel_loop3A_841 = arith.select %parallel_loop3A_840, %broadcast_in_dim3A_157, %broadcast_in_dim3A_159 : vector<16xi1>, vector<16xf32>
      %parallel_loop3A_842 = arith.select %parallel_loop3A_839, %broadcast_in_dim3A_155, %parallel_loop3A_841 : vector<16xi1>, vector<16xf32>
      %parallel_loop3A_843 = arith.constant 96 : i32
      %parallel_loop3A_844 = arith.addi %parallel_loop3A_736, %parallel_loop3A_843 : i32
      %parallel_loop3A_845 = arith.constant 1 : i32
      %parallel_loop3A_846 = arith.index_cast %parallel_loop3A_845 : i32 to index
      %parallel_loop3A_847 = arith.index_cast %parallel_loop3A_844 : i32 to index
      %parallel_loop3A_848 = tpu.vector_load %arg5[%parallel_loop3A_846, %parallel_loop3A_847] {strides = array<i32>} : memref<2x16384xf32, #tpu.memory_space<vmem>>, vector<16xf32>,
      tpu.vector_store %arg5[%parallel_loop3A_846, %parallel_loop3A_847], %parallel_loop3A_842 {strides = array<i32>} : memref<2x16384xf32, #tpu.memory_space<vmem>>, vector<16xf32>,
      %parallel_loop3A_849 = arith.constant 112 : i32
      %parallel_loop3A_850 = arith.addi %parallel_loop3A_736, %parallel_loop3A_849 : i32
      %parallel_loop3A_851 = arith.constant 1 : i32
      %parallel_loop3A_852 = arith.index_cast %parallel_loop3A_851 : i32 to index
      %parallel_loop3A_853 = arith.index_cast %parallel_loop3A_850 : i32 to index
      %parallel_loop3A_854 = tpu.vector_load %arg4[%parallel_loop3A_852, %parallel_loop3A_853] {strides = array<i32>} : memref<4x16384xf32, #tpu.memory_space<vmem>>, vector<16xf32>,
      %parallel_loop3A_855 = arith.cmpf ogt, %parallel_loop3A_854, %mul3A_151 : vector<16xf32>
      %parallel_loop3A_856 = arith.cmpf olt, %parallel_loop3A_854, %neg3A_153 : vector<16xf32>
      %parallel_loop3A_857 = arith.select %parallel_loop3A_856, %broadcast_in_dim3A_157, %broadcast_in_dim3A_159 : vector<16xi1>, vector<16xf32>
      %parallel_loop3A_858 = arith.select %parallel_loop3A_855, %broadcast_in_dim3A_155, %parallel_loop3A_857 : vector<16xi1>, vector<16xf32>
      %parallel_loop3A_859 = arith.constant 112 : i32
      %parallel_loop3A_860 = arith.addi %parallel_loop3A_736, %parallel_loop3A_859 : i32
      %parallel_loop3A_861 = arith.constant 1 : i32
      %parallel_loop3A_862 = arith.index_cast %parallel_loop3A_861 : i32 to index
      %parallel_loop3A_863 = arith.index_cast %parallel_loop3A_860 : i32 to index
      %parallel_loop3A_864 = tpu.vector_load %arg5[%parallel_loop3A_862, %parallel_loop3A_863] {strides = array<i32>} : memref<2x16384xf32, #tpu.memory_space<vmem>>, vector<16xf32>,
      tpu.vector_store %arg5[%parallel_loop3A_862, %parallel_loop3A_863], %parallel_loop3A_858 {strides = array<i32>} : memref<2x16384xf32, #tpu.memory_space<vmem>>, vector<16xf32>,
    } {sc.loop_unroll_factor = 1 : i64, sc.parallel_access}
    %dma_start3A_179 = arith.constant 1 : i32
    %dma_start3A_180 = arith.constant 0 : i32
    %dma_start3A_181 = tpu.memref_slice %arg5[%dma_start3A_179, %dma_start3A_180] : memref<2x16384xf32, #tpu.memory_space<vmem>> -> memref<1x16384xf32, #tpu.memory_space<vmem>>
    %dma_start3A_182 = tpu.memref_squeeze %dma_start3A_181 : memref<1x16384xf32, #tpu.memory_space<vmem>> -> memref<16384xf32, #tpu.memory_space<vmem>>
    %dma_start3A_183 = arith.constant 16384 : i32
    %dma_start3A_184 = tpu.memref_slice %arg3[%add3A_44, %dma_start3A_183] : memref<128x32768xf32, #tpu.memory_space<hbm>> -> memref<1x16384xf32, #tpu.memory_space<hbm>>
    %dma_start3A_185 = tpu.memref_squeeze %dma_start3A_184 : memref<1x16384xf32, #tpu.memory_space<hbm>> -> memref<16384xf32, #tpu.memory_space<hbm>>
    %dma_start3A_186 = arith.constant 16384 : i32
    %dma_start3A_187 = tpu.memref_slice %arg3[%add3A_44, %dma_start3A_186] : memref<128x32768xf32, #tpu.memory_space<hbm>> -> memref<1x16384xf32, #tpu.memory_space<hbm>>
    %dma_start3A_188 = tpu.memref_squeeze %dma_start3A_187 : memref<1x16384xf32, #tpu.memory_space<hbm>> -> memref<16384xf32, #tpu.memory_space<hbm>>
    %dma_start3A_189 = arith.constant 0 : i32
    %dma_start3A_190 = tpu.memref_slice %arg5[%dma_start3A_179, %dma_start3A_189] : memref<2x16384xf32, #tpu.memory_space<vmem>> -> memref<1x16384xf32, #tpu.memory_space<vmem>>
    %dma_start3A_191 = tpu.memref_squeeze %dma_start3A_190 : memref<1x16384xf32, #tpu.memory_space<vmem>> -> memref<16384xf32, #tpu.memory_space<vmem>>
    tpu.enqueue_dma source(%dma_start3A_191 : memref<16384xf32, #tpu.memory_space<vmem>>) target(%dma_start3A_188 : memref<16384xf32, #tpu.memory_space<hbm>>) target_semaphore(%arg8 : memref<!tpu.dma_semaphore, #tpu.memory_space<semaphore_mem>>)
    %add3A_192 = arith.constant 1 : i32
    %add3A_193 = arith.addi %mul3A_2, %add3A_192 : i32
    %dma_wait3A_194 = arith.constant 2 : i32
    %dma_wait3A_195 = arith.constant 0 : i32
    %dma_wait3A_196 = tpu.memref_slice %arg4[%dma_wait3A_194, %dma_wait3A_195] : memref<4x16384xf32, #tpu.memory_space<vmem>> -> memref<1x16384xf32, #tpu.memory_space<vmem>>
    %dma_wait3A_197 = tpu.memref_squeeze %dma_wait3A_196 : memref<1x16384xf32, #tpu.memory_space<vmem>> -> memref<16384xf32, #tpu.memory_space<vmem>>
    %dma_wait3A_198 = arith.constant 0 : i32
    %dma_wait3A_199 = tpu.memref_slice %arg2[%add3A_92, %dma_wait3A_198] : memref<128x32768xf32, #tpu.memory_space<hbm>> -> memref<1x16384xf32, #tpu.memory_space<hbm>>
    %dma_wait3A_200 = tpu.memref_squeeze %dma_wait3A_199 : memref<1x16384xf32, #tpu.memory_space<hbm>> -> memref<16384xf32, #tpu.memory_space<hbm>>
    %dma_wait3A_201 = arith.constant 0 : i32
    %dma_wait3A_202 = tpu.memref_slice %arg4[%dma_wait3A_194, %dma_wait3A_201] : memref<4x16384xf32, #tpu.memory_space<vmem>> -> memref<1x16384xf32, #tpu.memory_space<vmem>>
    %dma_wait3A_203 = tpu.memref_squeeze %dma_wait3A_202 : memref<1x16384xf32, #tpu.memory_space<vmem>> -> memref<16384xf32, #tpu.memory_space<vmem>>
    %dma_wait3A_204 = arith.constant 0 : i32
    %dma_wait3A_205 = tpu.memref_slice %arg2[%add3A_92, %dma_wait3A_204] : memref<128x32768xf32, #tpu.memory_space<hbm>> -> memref<1x16384xf32, #tpu.memory_space<hbm>>
    %dma_wait3A_206 = tpu.memref_squeeze %dma_wait3A_205 : memref<1x16384xf32, #tpu.memory_space<hbm>> -> memref<16384xf32, #tpu.memory_space<hbm>>
    tpu.wait_dma2 semaphore(%arg7 : memref<!tpu.dma_semaphore, #tpu.memory_space<semaphore_mem>>) src(%dma_wait3A_206 : memref<16384xf32, #tpu.memory_space<hbm>>) dst(%dma_wait3A_203 : memref<16384xf32, #tpu.memory_space<vmem>>)
    %dma_wait3A_207 = arith.constant 3 : i32
    %dma_wait3A_208 = arith.constant 0 : i32
    %dma_wait3A_209 = tpu.memref_slice %arg4[%dma_wait3A_207, %dma_wait3A_208] : memref<4x16384xf32, #tpu.memory_space<vmem>> -> memref<1x16384xf32, #tpu.memory_space<vmem>>
    %dma_wait3A_210 = tpu.memref_squeeze %dma_wait3A_209 : memref<1x16384xf32, #tpu.memory_space<vmem>> -> memref<16384xf32, #tpu.memory_space<vmem>>
    %dma_wait3A_211 = arith.constant 16384 : i32
    %dma_wait3A_212 = tpu.memref_slice %arg2[%add3A_107, %dma_wait3A_211] : memref<128x32768xf32, #tpu.memory_space<hbm>> -> memref<1x16384xf32, #tpu.memory_space<hbm>>
    %dma_wait3A_213 = tpu.memref_squeeze %dma_wait3A_212 : memref<1x16384xf32, #tpu.memory_space<hbm>> -> memref<16384xf32, #tpu.memory_space<hbm>>
    %dma_wait3A_214 = arith.constant 0 : i32
    %dma_wait3A_215 = tpu.memref_slice %arg4[%dma_wait3A_207, %dma_wait3A_214] : memref<4x16384xf32, #tpu.memory_space<vmem>> -> memref<1x16384xf32, #tpu.memory_space<vmem>>
    %dma_wait3A_216 = tpu.memref_squeeze %dma_wait3A_215 : memref<1x16384xf32, #tpu.memory_space<vmem>> -> memref<16384xf32, #tpu.memory_space<vmem>>
    %dma_wait3A_217 = arith.constant 16384 : i32
    %dma_wait3A_218 = tpu.memref_slice %arg2[%add3A_107, %dma_wait3A_217] : memref<128x32768xf32, #tpu.memory_space<hbm>> -> memref<1x16384xf32, #tpu.memory_space<hbm>>
    %dma_wait3A_219 = tpu.memref_squeeze %dma_wait3A_218 : memref<1x16384xf32, #tpu.memory_space<hbm>> -> memref<16384xf32, #tpu.memory_space<hbm>>
    tpu.wait_dma2 semaphore(%arg7 : memref<!tpu.dma_semaphore, #tpu.memory_space<semaphore_mem>>) src(%dma_wait3A_219 : memref<16384xf32, #tpu.memory_space<hbm>>) dst(%dma_wait3A_216 : memref<16384xf32, #tpu.memory_space<vmem>>)
    %parallel_loop3A_220 = arith.constant 0 : i32
    %parallel_loop3A_221 = arith.constant 128 : i32
    %parallel_loop3A_222 = arith.constant 1 : i32
    %parallel_loop3A_223:8 = scf.for %parallel_loop3A_734 = %parallel_loop3A_220 to %parallel_loop3A_221 step %parallel_loop3A_222 iter_args(%parallel_loop3A_735 = %broadcast_in_dim3A_3, %parallel_loop3A_736 = %broadcast_in_dim3A_5, %parallel_loop3A_737 = %broadcast_in_dim3A_7, %parallel_loop3A_738 = %broadcast_in_dim3A_9, %parallel_loop3A_739 = %broadcast_in_dim3A_11, %parallel_loop3A_740 = %broadcast_in_dim3A_13, %parallel_loop3A_741 = %broadcast_in_dim3A_15, %parallel_loop3A_742 = %broadcast_in_dim3A_17) -> (vector<16xf32>, vector<16xf32>, vector<16xf32>, vector<16xf32>, vector<16xf32>, vector<16xf32>, vector<16xf32>, vector<16xf32>)  : i32 {
      %parallel_loop3A_743 = arith.constant 128 : i32
      %parallel_loop3A_744 = arith.muli %parallel_loop3A_734, %parallel_loop3A_743 : i32
      %parallel_loop3A_745 = arith.constant 0 : i32
      %parallel_loop3A_746 = arith.addi %parallel_loop3A_744, %parallel_loop3A_745 : i32
      %parallel_loop3A_747 = arith.constant 2 : i32
      %parallel_loop3A_748 = arith.index_cast %parallel_loop3A_747 : i32 to index
      %parallel_loop3A_749 = arith.index_cast %parallel_loop3A_746 : i32 to index
      %parallel_loop3A_750 = tpu.vector_load %arg4[%parallel_loop3A_748, %parallel_loop3A_749] {strides = array<i32>} : memref<4x16384xf32, #tpu.memory_space<vmem>>, vector<16xf32>,
      %parallel_loop3A_751 = math.absf %parallel_loop3A_750 : vector<16xf32>
      %parallel_loop3A_752 = arith.maximumf %parallel_loop3A_735, %parallel_loop3A_751 : vector<16xf32>
      %parallel_loop3A_753 = arith.constant 16 : i32
      %parallel_loop3A_754 = arith.addi %parallel_loop3A_744, %parallel_loop3A_753 : i32
      %parallel_loop3A_755 = arith.constant 2 : i32
      %parallel_loop3A_756 = arith.index_cast %parallel_loop3A_755 : i32 to index
      %parallel_loop3A_757 = arith.index_cast %parallel_loop3A_754 : i32 to index
      %parallel_loop3A_758 = tpu.vector_load %arg4[%parallel_loop3A_756, %parallel_loop3A_757] {strides = array<i32>} : memref<4x16384xf32, #tpu.memory_space<vmem>>, vector<16xf32>,
      %parallel_loop3A_759 = math.absf %parallel_loop3A_758 : vector<16xf32>
      %parallel_loop3A_760 = arith.maximumf %parallel_loop3A_736, %parallel_loop3A_759 : vector<16xf32>
      %parallel_loop3A_761 = arith.constant 32 : i32
      %parallel_loop3A_762 = arith.addi %parallel_loop3A_744, %parallel_loop3A_761 : i32
      %parallel_loop3A_763 = arith.constant 2 : i32
      %parallel_loop3A_764 = arith.index_cast %parallel_loop3A_763 : i32 to index
      %parallel_loop3A_765 = arith.index_cast %parallel_loop3A_762 : i32 to index
      %parallel_loop3A_766 = tpu.vector_load %arg4[%parallel_loop3A_764, %parallel_loop3A_765] {strides = array<i32>} : memref<4x16384xf32, #tpu.memory_space<vmem>>, vector<16xf32>,
      %parallel_loop3A_767 = math.absf %parallel_loop3A_766 : vector<16xf32>
      %parallel_loop3A_768 = arith.maximumf %parallel_loop3A_737, %parallel_loop3A_767 : vector<16xf32>
      %parallel_loop3A_769 = arith.constant 48 : i32
      %parallel_loop3A_770 = arith.addi %parallel_loop3A_744, %parallel_loop3A_769 : i32
      %parallel_loop3A_771 = arith.constant 2 : i32
      %parallel_loop3A_772 = arith.index_cast %parallel_loop3A_771 : i32 to index
      %parallel_loop3A_773 = arith.index_cast %parallel_loop3A_770 : i32 to index
      %parallel_loop3A_774 = tpu.vector_load %arg4[%parallel_loop3A_772, %parallel_loop3A_773] {strides = array<i32>} : memref<4x16384xf32, #tpu.memory_space<vmem>>, vector<16xf32>,
      %parallel_loop3A_775 = math.absf %parallel_loop3A_774 : vector<16xf32>
      %parallel_loop3A_776 = arith.maximumf %parallel_loop3A_738, %parallel_loop3A_775 : vector<16xf32>
      %parallel_loop3A_777 = arith.constant 64 : i32
      %parallel_loop3A_778 = arith.addi %parallel_loop3A_744, %parallel_loop3A_777 : i32
      %parallel_loop3A_779 = arith.constant 2 : i32
      %parallel_loop3A_780 = arith.index_cast %parallel_loop3A_779 : i32 to index
      %parallel_loop3A_781 = arith.index_cast %parallel_loop3A_778 : i32 to index
      %parallel_loop3A_782 = tpu.vector_load %arg4[%parallel_loop3A_780, %parallel_loop3A_781] {strides = array<i32>} : memref<4x16384xf32, #tpu.memory_space<vmem>>, vector<16xf32>,
      %parallel_loop3A_783 = math.absf %parallel_loop3A_782 : vector<16xf32>
      %parallel_loop3A_784 = arith.maximumf %parallel_loop3A_739, %parallel_loop3A_783 : vector<16xf32>
      %parallel_loop3A_785 = arith.constant 80 : i32
      %parallel_loop3A_786 = arith.addi %parallel_loop3A_744, %parallel_loop3A_785 : i32
      %parallel_loop3A_787 = arith.constant 2 : i32
      %parallel_loop3A_788 = arith.index_cast %parallel_loop3A_787 : i32 to index
      %parallel_loop3A_789 = arith.index_cast %parallel_loop3A_786 : i32 to index
      %parallel_loop3A_790 = tpu.vector_load %arg4[%parallel_loop3A_788, %parallel_loop3A_789] {strides = array<i32>} : memref<4x16384xf32, #tpu.memory_space<vmem>>, vector<16xf32>,
      %parallel_loop3A_791 = math.absf %parallel_loop3A_790 : vector<16xf32>
      %parallel_loop3A_792 = arith.maximumf %parallel_loop3A_740, %parallel_loop3A_791 : vector<16xf32>
      %parallel_loop3A_793 = arith.constant 96 : i32
      %parallel_loop3A_794 = arith.addi %parallel_loop3A_744, %parallel_loop3A_793 : i32
      %parallel_loop3A_795 = arith.constant 2 : i32
      %parallel_loop3A_796 = arith.index_cast %parallel_loop3A_795 : i32 to index
      %parallel_loop3A_797 = arith.index_cast %parallel_loop3A_794 : i32 to index
      %parallel_loop3A_798 = tpu.vector_load %arg4[%parallel_loop3A_796, %parallel_loop3A_797] {strides = array<i32>} : memref<4x16384xf32, #tpu.memory_space<vmem>>, vector<16xf32>,
      %parallel_loop3A_799 = math.absf %parallel_loop3A_798 : vector<16xf32>
      %parallel_loop3A_800 = arith.maximumf %parallel_loop3A_741, %parallel_loop3A_799 : vector<16xf32>
      %parallel_loop3A_801 = arith.constant 112 : i32
      %parallel_loop3A_802 = arith.addi %parallel_loop3A_744, %parallel_loop3A_801 : i32
      %parallel_loop3A_803 = arith.constant 2 : i32
      %parallel_loop3A_804 = arith.index_cast %parallel_loop3A_803 : i32 to index
      %parallel_loop3A_805 = arith.index_cast %parallel_loop3A_802 : i32 to index
      %parallel_loop3A_806 = tpu.vector_load %arg4[%parallel_loop3A_804, %parallel_loop3A_805] {strides = array<i32>} : memref<4x16384xf32, #tpu.memory_space<vmem>>, vector<16xf32>,
      %parallel_loop3A_807 = math.absf %parallel_loop3A_806 : vector<16xf32>
      %parallel_loop3A_808 = arith.maximumf %parallel_loop3A_742, %parallel_loop3A_807 : vector<16xf32>
      scf.yield %parallel_loop3A_752, %parallel_loop3A_760, %parallel_loop3A_768, %parallel_loop3A_776, %parallel_loop3A_784, %parallel_loop3A_792, %parallel_loop3A_800, %parallel_loop3A_808 : vector<16xf32>, vector<16xf32>, vector<16xf32>, vector<16xf32>, vector<16xf32>, vector<16xf32>, vector<16xf32>, vector<16xf32>
    } {sc.loop_unroll_factor = 1 : i64, sc.parallel_access}
    %max3A_224 = arith.maximumf %parallel_loop3A_223#0, %parallel_loop3A_223#1 : vector<16xf32>
    %max3A_225 = arith.maximumf %max3A_224, %parallel_loop3A_223#2 : vector<16xf32>
    %max3A_226 = arith.maximumf %max3A_225, %parallel_loop3A_223#3 : vector<16xf32>
    %max3A_227 = arith.maximumf %max3A_226, %parallel_loop3A_223#4 : vector<16xf32>
    %max3A_228 = arith.maximumf %max3A_227, %parallel_loop3A_223#5 : vector<16xf32>
    %max3A_229 = arith.maximumf %max3A_228, %parallel_loop3A_223#6 : vector<16xf32>
    %max3A_230 = arith.maximumf %max3A_229, %parallel_loop3A_223#7 : vector<16xf32>
    %parallel_loop3A_231 = arith.constant 0 : i32
    %parallel_loop3A_232 = arith.constant 128 : i32
    %parallel_loop3A_233 = arith.constant 1 : i32
    %parallel_loop3A_234:8 = scf.for %parallel_loop3A_734 = %parallel_loop3A_231 to %parallel_loop3A_232 step %parallel_loop3A_233 iter_args(%parallel_loop3A_735 = %broadcast_in_dim3A_3, %parallel_loop3A_736 = %broadcast_in_dim3A_5, %parallel_loop3A_737 = %broadcast_in_dim3A_7, %parallel_loop3A_738 = %broadcast_in_dim3A_9, %parallel_loop3A_739 = %broadcast_in_dim3A_11, %parallel_loop3A_740 = %broadcast_in_dim3A_13, %parallel_loop3A_741 = %broadcast_in_dim3A_15, %parallel_loop3A_742 = %broadcast_in_dim3A_17) -> (vector<16xf32>, vector<16xf32>, vector<16xf32>, vector<16xf32>, vector<16xf32>, vector<16xf32>, vector<16xf32>, vector<16xf32>)  : i32 {
      %parallel_loop3A_743 = arith.constant 128 : i32
      %parallel_loop3A_744 = arith.muli %parallel_loop3A_734, %parallel_loop3A_743 : i32
      %parallel_loop3A_745 = arith.constant 0 : i32
      %parallel_loop3A_746 = arith.addi %parallel_loop3A_744, %parallel_loop3A_745 : i32
      %parallel_loop3A_747 = arith.constant 3 : i32
      %parallel_loop3A_748 = arith.index_cast %parallel_loop3A_747 : i32 to index
      %parallel_loop3A_749 = arith.index_cast %parallel_loop3A_746 : i32 to index
      %parallel_loop3A_750 = tpu.vector_load %arg4[%parallel_loop3A_748, %parallel_loop3A_749] {strides = array<i32>} : memref<4x16384xf32, #tpu.memory_space<vmem>>, vector<16xf32>,
      %parallel_loop3A_751 = math.absf %parallel_loop3A_750 : vector<16xf32>
      %parallel_loop3A_752 = arith.maximumf %parallel_loop3A_735, %parallel_loop3A_751 : vector<16xf32>
      %parallel_loop3A_753 = arith.constant 16 : i32
      %parallel_loop3A_754 = arith.addi %parallel_loop3A_744, %parallel_loop3A_753 : i32
      %parallel_loop3A_755 = arith.constant 3 : i32
      %parallel_loop3A_756 = arith.index_cast %parallel_loop3A_755 : i32 to index
      %parallel_loop3A_757 = arith.index_cast %parallel_loop3A_754 : i32 to index
      %parallel_loop3A_758 = tpu.vector_load %arg4[%parallel_loop3A_756, %parallel_loop3A_757] {strides = array<i32>} : memref<4x16384xf32, #tpu.memory_space<vmem>>, vector<16xf32>,
      %parallel_loop3A_759 = math.absf %parallel_loop3A_758 : vector<16xf32>
      %parallel_loop3A_760 = arith.maximumf %parallel_loop3A_736, %parallel_loop3A_759 : vector<16xf32>
      %parallel_loop3A_761 = arith.constant 32 : i32
      %parallel_loop3A_762 = arith.addi %parallel_loop3A_744, %parallel_loop3A_761 : i32
      %parallel_loop3A_763 = arith.constant 3 : i32
      %parallel_loop3A_764 = arith.index_cast %parallel_loop3A_763 : i32 to index
      %parallel_loop3A_765 = arith.index_cast %parallel_loop3A_762 : i32 to index
      %parallel_loop3A_766 = tpu.vector_load %arg4[%parallel_loop3A_764, %parallel_loop3A_765] {strides = array<i32>} : memref<4x16384xf32, #tpu.memory_space<vmem>>, vector<16xf32>,
      %parallel_loop3A_767 = math.absf %parallel_loop3A_766 : vector<16xf32>
      %parallel_loop3A_768 = arith.maximumf %parallel_loop3A_737, %parallel_loop3A_767 : vector<16xf32>
      %parallel_loop3A_769 = arith.constant 48 : i32
      %parallel_loop3A_770 = arith.addi %parallel_loop3A_744, %parallel_loop3A_769 : i32
      %parallel_loop3A_771 = arith.constant 3 : i32
      %parallel_loop3A_772 = arith.index_cast %parallel_loop3A_771 : i32 to index
      %parallel_loop3A_773 = arith.index_cast %parallel_loop3A_770 : i32 to index
      %parallel_loop3A_774 = tpu.vector_load %arg4[%parallel_loop3A_772, %parallel_loop3A_773] {strides = array<i32>} : memref<4x16384xf32, #tpu.memory_space<vmem>>, vector<16xf32>,
      %parallel_loop3A_775 = math.absf %parallel_loop3A_774 : vector<16xf32>
      %parallel_loop3A_776 = arith.maximumf %parallel_loop3A_738, %parallel_loop3A_775 : vector<16xf32>
      %parallel_loop3A_777 = arith.constant 64 : i32
      %parallel_loop3A_778 = arith.addi %parallel_loop3A_744, %parallel_loop3A_777 : i32
      %parallel_loop3A_779 = arith.constant 3 : i32
      %parallel_loop3A_780 = arith.index_cast %parallel_loop3A_779 : i32 to index
      %parallel_loop3A_781 = arith.index_cast %parallel_loop3A_778 : i32 to index
      %parallel_loop3A_782 = tpu.vector_load %arg4[%parallel_loop3A_780, %parallel_loop3A_781] {strides = array<i32>} : memref<4x16384xf32, #tpu.memory_space<vmem>>, vector<16xf32>,
      %parallel_loop3A_783 = math.absf %parallel_loop3A_782 : vector<16xf32>
      %parallel_loop3A_784 = arith.maximumf %parallel_loop3A_739, %parallel_loop3A_783 : vector<16xf32>
      %parallel_loop3A_785 = arith.constant 80 : i32
      %parallel_loop3A_786 = arith.addi %parallel_loop3A_744, %parallel_loop3A_785 : i32
      %parallel_loop3A_787 = arith.constant 3 : i32
      %parallel_loop3A_788 = arith.index_cast %parallel_loop3A_787 : i32 to index
      %parallel_loop3A_789 = arith.index_cast %parallel_loop3A_786 : i32 to index
      %parallel_loop3A_790 = tpu.vector_load %arg4[%parallel_loop3A_788, %parallel_loop3A_789] {strides = array<i32>} : memref<4x16384xf32, #tpu.memory_space<vmem>>, vector<16xf32>,
      %parallel_loop3A_791 = math.absf %parallel_loop3A_790 : vector<16xf32>
      %parallel_loop3A_792 = arith.maximumf %parallel_loop3A_740, %parallel_loop3A_791 : vector<16xf32>
      %parallel_loop3A_793 = arith.constant 96 : i32
      %parallel_loop3A_794 = arith.addi %parallel_loop3A_744, %parallel_loop3A_793 : i32
      %parallel_loop3A_795 = arith.constant 3 : i32
      %parallel_loop3A_796 = arith.index_cast %parallel_loop3A_795 : i32 to index
      %parallel_loop3A_797 = arith.index_cast %parallel_loop3A_794 : i32 to index
      %parallel_loop3A_798 = tpu.vector_load %arg4[%parallel_loop3A_796, %parallel_loop3A_797] {strides = array<i32>} : memref<4x16384xf32, #tpu.memory_space<vmem>>, vector<16xf32>,
      %parallel_loop3A_799 = math.absf %parallel_loop3A_798 : vector<16xf32>
      %parallel_loop3A_800 = arith.maximumf %parallel_loop3A_741, %parallel_loop3A_799 : vector<16xf32>
      %parallel_loop3A_801 = arith.constant 112 : i32
      %parallel_loop3A_802 = arith.addi %parallel_loop3A_744, %parallel_loop3A_801 : i32
      %parallel_loop3A_803 = arith.constant 3 : i32
      %parallel_loop3A_804 = arith.index_cast %parallel_loop3A_803 : i32 to index
      %parallel_loop3A_805 = arith.index_cast %parallel_loop3A_802 : i32 to index
      %parallel_loop3A_806 = tpu.vector_load %arg4[%parallel_loop3A_804, %parallel_loop3A_805] {strides = array<i32>} : memref<4x16384xf32, #tpu.memory_space<vmem>>, vector<16xf32>,
      %parallel_loop3A_807 = math.absf %parallel_loop3A_806 : vector<16xf32>
      %parallel_loop3A_808 = arith.maximumf %parallel_loop3A_742, %parallel_loop3A_807 : vector<16xf32>
      scf.yield %parallel_loop3A_752, %parallel_loop3A_760, %parallel_loop3A_768, %parallel_loop3A_776, %parallel_loop3A_784, %parallel_loop3A_792, %parallel_loop3A_800, %parallel_loop3A_808 : vector<16xf32>, vector<16xf32>, vector<16xf32>, vector<16xf32>, vector<16xf32>, vector<16xf32>, vector<16xf32>, vector<16xf32>
    } {sc.loop_unroll_factor = 1 : i64, sc.parallel_access}
    %max3A_235 = arith.maximumf %parallel_loop3A_234#0, %parallel_loop3A_234#1 : vector<16xf32>
    %max3A_236 = arith.maximumf %max3A_235, %parallel_loop3A_234#2 : vector<16xf32>
    %max3A_237 = arith.maximumf %max3A_236, %parallel_loop3A_234#3 : vector<16xf32>
    %max3A_238 = arith.maximumf %max3A_237, %parallel_loop3A_234#4 : vector<16xf32>
    %max3A_239 = arith.maximumf %max3A_238, %parallel_loop3A_234#5 : vector<16xf32>
    %max3A_240 = arith.maximumf %max3A_239, %parallel_loop3A_234#6 : vector<16xf32>
    %max3A_241 = arith.maximumf %max3A_240, %parallel_loop3A_234#7 : vector<16xf32>
    %max3A_242 = arith.maximumf %max3A_230, %max3A_241 : vector<16xf32>
    %add3A_243 = arith.constant 1 : i32
    %add3A_244 = arith.addi %add3A_193, %add3A_243 : i32
    %dma_start3A_245 = arith.constant 0 : i32
    %dma_start3A_246 = arith.constant 0 : i32
    %dma_start3A_247 = tpu.memref_slice %arg4[%dma_start3A_245, %dma_start3A_246] : memref<4x16384xf32, #tpu.memory_space<vmem>> -> memref<1x16384xf32, #tpu.memory_space<vmem>>
    %dma_start3A_248 = tpu.memref_squeeze %dma_start3A_247 : memref<1x16384xf32, #tpu.memory_space<vmem>> -> memref<16384xf32, #tpu.memory_space<vmem>>
    %dma_start3A_249 = arith.constant 0 : i32
    %dma_start3A_250 = tpu.memref_slice %arg2[%add3A_244, %dma_start3A_249] : memref<128x32768xf32, #tpu.memory_space<hbm>> -> memref<1x16384xf32, #tpu.memory_space<hbm>>
    %dma_start3A_251 = tpu.memref_squeeze %dma_start3A_250 : memref<1x16384xf32, #tpu.memory_space<hbm>> -> memref<16384xf32, #tpu.memory_space<hbm>>
    %dma_start3A_252 = arith.constant 0 : i32
    %dma_start3A_253 = tpu.memref_slice %arg4[%dma_start3A_245, %dma_start3A_252] : memref<4x16384xf32, #tpu.memory_space<vmem>> -> memref<1x16384xf32, #tpu.memory_space<vmem>>
    %dma_start3A_254 = tpu.memref_squeeze %dma_start3A_253 : memref<1x16384xf32, #tpu.memory_space<vmem>> -> memref<16384xf32, #tpu.memory_space<vmem>>
    %dma_start3A_255 = arith.constant 0 : i32
    %dma_start3A_256 = tpu.memref_slice %arg2[%add3A_244, %dma_start3A_255] : memref<128x32768xf32, #tpu.memory_space<hbm>> -> memref<1x16384xf32, #tpu.memory_space<hbm>>
    %dma_start3A_257 = tpu.memref_squeeze %dma_start3A_256 : memref<1x16384xf32, #tpu.memory_space<hbm>> -> memref<16384xf32, #tpu.memory_space<hbm>>
    tpu.enqueue_dma source(%dma_start3A_257 : memref<16384xf32, #tpu.memory_space<hbm>>) target(%dma_start3A_254 : memref<16384xf32, #tpu.memory_space<vmem>>) target_semaphore(%arg7 : memref<!tpu.dma_semaphore, #tpu.memory_space<semaphore_mem>>)
    %add3A_258 = arith.constant 1 : i32
    %add3A_259 = arith.addi %add3A_193, %add3A_258 : i32
    %dma_start3A_260 = arith.constant 1 : i32
    %dma_start3A_261 = arith.constant 0 : i32
    %dma_start3A_262 = tpu.memref_slice %arg4[%dma_start3A_260, %dma_start3A_261] : memref<4x16384xf32, #tpu.memory_space<vmem>> -> memref<1x16384xf32, #tpu.memory_space<vmem>>
    %dma_start3A_263 = tpu.memref_squeeze %dma_start3A_262 : memref<1x16384xf32, #tpu.memory_space<vmem>> -> memref<16384xf32, #tpu.memory_space<vmem>>
    %dma_start3A_264 = arith.constant 16384 : i32
    %dma_start3A_265 = tpu.memref_slice %arg2[%add3A_259, %dma_start3A_264] : memref<128x32768xf32, #tpu.memory_space<hbm>> -> memref<1x16384xf32, #tpu.memory_space<hbm>>
    %dma_start3A_266 = tpu.memref_squeeze %dma_start3A_265 : memref<1x16384xf32, #tpu.memory_space<hbm>> -> memref<16384xf32, #tpu.memory_space<hbm>>
    %dma_start3A_267 = arith.constant 0 : i32
    %dma_start3A_268 = tpu.memref_slice %arg4[%dma_start3A_260, %dma_start3A_267] : memref<4x16384xf32, #tpu.memory_space<vmem>> -> memref<1x16384xf32, #tpu.memory_space<vmem>>
    %dma_start3A_269 = tpu.memref_squeeze %dma_start3A_268 : memref<1x16384xf32, #tpu.memory_space<vmem>> -> memref<16384xf32, #tpu.memory_space<vmem>>
    %dma_start3A_270 = arith.constant 16384 : i32
    %dma_start3A_271 = tpu.memref_slice %arg2[%add3A_259, %dma_start3A_270] : memref<128x32768xf32, #tpu.memory_space<hbm>> -> memref<1x16384xf32, #tpu.memory_space<hbm>>
    %dma_start3A_272 = tpu.memref_squeeze %dma_start3A_271 : memref<1x16384xf32, #tpu.memory_space<hbm>> -> memref<16384xf32, #tpu.memory_space<hbm>>
    tpu.enqueue_dma source(%dma_start3A_272 : memref<16384xf32, #tpu.memory_space<hbm>>) target(%dma_start3A_269 : memref<16384xf32, #tpu.memory_space<vmem>>) target_semaphore(%arg7 : memref<!tpu.dma_semaphore, #tpu.memory_space<semaphore_mem>>)
    %swap3A_273 = arith.constant 0 : index
    %swap3A_274 = tpu.vector_load %arg6[%swap3A_273] {strides = array<i32>} : memref<16xf32, #tpu.memory_space<vmem>>, vector<16xf32>,
    tpu.vector_store %arg6[%swap3A_273], %max3A_242 {strides = array<i32>} : memref<16xf32, #tpu.memory_space<vmem>>, vector<16xf32>,
    %xor3A_275 = arith.constant 1 : i32
    %xor3A_276 = vector.broadcast %xor3A_275 : i32 to vector<16xi32>
    %xor3A_277 = arith.xori %iota3A, %xor3A_276 : vector<16xi32>
    %gather3A_278 = tpu.vector_load_idx %arg6[%xor3A_277] : memref<16xf32, #tpu.memory_space<vmem>>[vector<16xi32>], vector<16xf32>,
    %max3A_279 = arith.maximumf %max3A_242, %gather3A_278 : vector<16xf32>
    %swap3A_280 = arith.constant 0 : index
    %swap3A_281 = tpu.vector_load %arg6[%swap3A_280] {strides = array<i32>} : memref<16xf32, #tpu.memory_space<vmem>>, vector<16xf32>,
    tpu.vector_store %arg6[%swap3A_280], %max3A_279 {strides = array<i32>} : memref<16xf32, #tpu.memory_space<vmem>>, vector<16xf32>,
    %xor3A_282 = arith.constant 2 : i32
    %xor3A_283 = vector.broadcast %xor3A_282 : i32 to vector<16xi32>
    %xor3A_284 = arith.xori %iota3A, %xor3A_283 : vector<16xi32>
    %gather3A_285 = tpu.vector_load_idx %arg6[%xor3A_284] : memref<16xf32, #tpu.memory_space<vmem>>[vector<16xi32>], vector<16xf32>,
    %max3A_286 = arith.maximumf %max3A_279, %gather3A_285 : vector<16xf32>
    %swap3A_287 = arith.constant 0 : index
    %swap3A_288 = tpu.vector_load %arg6[%swap3A_287] {strides = array<i32>} : memref<16xf32, #tpu.memory_space<vmem>>, vector<16xf32>,
    tpu.vector_store %arg6[%swap3A_287], %max3A_286 {strides = array<i32>} : memref<16xf32, #tpu.memory_space<vmem>>, vector<16xf32>,
    %xor3A_289 = arith.constant 4 : i32
    %xor3A_290 = vector.broadcast %xor3A_289 : i32 to vector<16xi32>
    %xor3A_291 = arith.xori %iota3A, %xor3A_290 : vector<16xi32>
    %gather3A_292 = tpu.vector_load_idx %arg6[%xor3A_291] : memref<16xf32, #tpu.memory_space<vmem>>[vector<16xi32>], vector<16xf32>,
    %max3A_293 = arith.maximumf %max3A_286, %gather3A_292 : vector<16xf32>
    %swap3A_294 = arith.constant 0 : index
    %swap3A_295 = tpu.vector_load %arg6[%swap3A_294] {strides = array<i32>} : memref<16xf32, #tpu.memory_space<vmem>>, vector<16xf32>,
    tpu.vector_store %arg6[%swap3A_294], %max3A_293 {strides = array<i32>} : memref<16xf32, #tpu.memory_space<vmem>>, vector<16xf32>,
    %xor3A_296 = arith.constant 8 : i32
    %xor3A_297 = vector.broadcast %xor3A_296 : i32 to vector<16xi32>
    %xor3A_298 = arith.xori %iota3A, %xor3A_297 : vector<16xi32>
    %gather3A_299 = tpu.vector_load_idx %arg6[%xor3A_298] : memref<16xf32, #tpu.memory_space<vmem>>[vector<16xi32>], vector<16xf32>,
    %max3A_300 = arith.maximumf %max3A_293, %gather3A_299 : vector<16xf32>
    %add3A_301 = arith.constant 9.99999997E-7 : f32
    %add3A_302 = vector.broadcast %add3A_301 : f32 to vector<16xf32>
    %add3A_303 = arith.addf %max3A_300, %add3A_302 : vector<16xf32>
    %mul3A_304 = arith.constant 5.000000e-01 : f32
    %mul3A_305 = vector.broadcast %mul3A_304 : f32 to vector<16xf32>
    %mul3A_306 = arith.mulf %mul3A_305, %add3A_303 : vector<16xf32>
    %neg3A_307 = arith.constant 0.000000e+00 : f32
    %neg3A_308 = vector.broadcast %neg3A_307 : f32 to vector<16xf32>
    %neg3A_309 = arith.subf %neg3A_308, %mul3A_306 : vector<16xf32>
    %broadcast_in_dim3A_310 = arith.constant 1.000000e+00 : f32
    %broadcast_in_dim3A_311 = vector.broadcast %broadcast_in_dim3A_310 : f32 to vector<16xf32>
    %broadcast_in_dim3A_312 = arith.constant -1.000000e+00 : f32
    %broadcast_in_dim3A_313 = vector.broadcast %broadcast_in_dim3A_312 : f32 to vector<16xf32>
    %broadcast_in_dim3A_314 = arith.constant 0.000000e+00 : f32
    %broadcast_in_dim3A_315 = vector.broadcast %broadcast_in_dim3A_314 : f32 to vector<16xf32>
    %dma_wait3A_316 = arith.constant 0 : i32
    %dma_wait3A_317 = arith.constant 0 : i32
    %dma_wait3A_318 = tpu.memref_slice %arg5[%dma_wait3A_316, %dma_wait3A_317] : memref<2x16384xf32, #tpu.memory_space<vmem>> -> memref<1x16384xf32, #tpu.memory_space<vmem>>
    %dma_wait3A_319 = tpu.memref_squeeze %dma_wait3A_318 : memref<1x16384xf32, #tpu.memory_space<vmem>> -> memref<16384xf32, #tpu.memory_space<vmem>>
    %dma_wait3A_320 = arith.constant 0 : i32
    %dma_wait3A_321 = tpu.memref_slice %arg3[%add3A_44, %dma_wait3A_320] : memref<128x32768xf32, #tpu.memory_space<hbm>> -> memref<1x16384xf32, #tpu.memory_space<hbm>>
    %dma_wait3A_322 = tpu.memref_squeeze %dma_wait3A_321 : memref<1x16384xf32, #tpu.memory_space<hbm>> -> memref<16384xf32, #tpu.memory_space<hbm>>
    %dma_wait3A_323 = arith.constant 0 : i32
    %dma_wait3A_324 = tpu.memref_slice %arg3[%add3A_44, %dma_wait3A_323] : memref<128x32768xf32, #tpu.memory_space<hbm>> -> memref<1x16384xf32, #tpu.memory_space<hbm>>
    %dma_wait3A_325 = tpu.memref_squeeze %dma_wait3A_324 : memref<1x16384xf32, #tpu.memory_space<hbm>> -> memref<16384xf32, #tpu.memory_space<hbm>>
    %dma_wait3A_326 = arith.constant 0 : i32
    %dma_wait3A_327 = tpu.memref_slice %arg5[%dma_wait3A_316, %dma_wait3A_326] : memref<2x16384xf32, #tpu.memory_space<vmem>> -> memref<1x16384xf32, #tpu.memory_space<vmem>>
    %dma_wait3A_328 = tpu.memref_squeeze %dma_wait3A_327 : memref<1x16384xf32, #tpu.memory_space<vmem>> -> memref<16384xf32, #tpu.memory_space<vmem>>
    tpu.wait_dma2 semaphore(%arg8 : memref<!tpu.dma_semaphore, #tpu.memory_space<semaphore_mem>>) src(%dma_wait3A_328 : memref<16384xf32, #tpu.memory_space<vmem>>) dst(%dma_wait3A_325 : memref<16384xf32, #tpu.memory_space<hbm>>)
    %dma_wait3A_329 = arith.constant 1 : i32
    %dma_wait3A_330 = arith.constant 0 : i32
    %dma_wait3A_331 = tpu.memref_slice %arg5[%dma_wait3A_329, %dma_wait3A_330] : memref<2x16384xf32, #tpu.memory_space<vmem>> -> memref<1x16384xf32, #tpu.memory_space<vmem>>
    %dma_wait3A_332 = tpu.memref_squeeze %dma_wait3A_331 : memref<1x16384xf32, #tpu.memory_space<vmem>> -> memref<16384xf32, #tpu.memory_space<vmem>>
    %dma_wait3A_333 = arith.constant 16384 : i32
    %dma_wait3A_334 = tpu.memref_slice %arg3[%add3A_44, %dma_wait3A_333] : memref<128x32768xf32, #tpu.memory_space<hbm>> -> memref<1x16384xf32, #tpu.memory_space<hbm>>
    %dma_wait3A_335 = tpu.memref_squeeze %dma_wait3A_334 : memref<1x16384xf32, #tpu.memory_space<hbm>> -> memref<16384xf32, #tpu.memory_space<hbm>>
    %dma_wait3A_336 = arith.constant 16384 : i32
    %dma_wait3A_337 = tpu.memref_slice %arg3[%add3A_44, %dma_wait3A_336] : memref<128x32768xf32, #tpu.memory_space<hbm>> -> memref<1x16384xf32, #tpu.memory_space<hbm>>
    %dma_wait3A_338 = tpu.memref_squeeze %dma_wait3A_337 : memref<1x16384xf32, #tpu.memory_space<hbm>> -> memref<16384xf32, #tpu.memory_space<hbm>>
    %dma_wait3A_339 = arith.constant 0 : i32
    %dma_wait3A_340 = tpu.memref_slice %arg5[%dma_wait3A_329, %dma_wait3A_339] : memref<2x16384xf32, #tpu.memory_space<vmem>> -> memref<1x16384xf32, #tpu.memory_space<vmem>>
    %dma_wait3A_341 = tpu.memref_squeeze %dma_wait3A_340 : memref<1x16384xf32, #tpu.memory_space<vmem>> -> memref<16384xf32, #tpu.memory_space<vmem>>
    tpu.wait_dma2 semaphore(%arg8 : memref<!tpu.dma_semaphore, #tpu.memory_space<semaphore_mem>>) src(%dma_wait3A_341 : memref<16384xf32, #tpu.memory_space<vmem>>) dst(%dma_wait3A_338 : memref<16384xf32, #tpu.memory_space<hbm>>)
    %parallel_loop3A_342 = arith.constant 0 : i32
    %parallel_loop3A_343 = arith.constant 128 : i32
    %parallel_loop3A_344 = arith.constant 1 : i32
    scf.for %parallel_loop3A_734 = %parallel_loop3A_342 to %parallel_loop3A_343 step %parallel_loop3A_344  : i32 {
      %parallel_loop3A_735 = arith.constant 128 : i32
      %parallel_loop3A_736 = arith.muli %parallel_loop3A_734, %parallel_loop3A_735 : i32
      %parallel_loop3A_737 = arith.constant 0 : i32
      %parallel_loop3A_738 = arith.addi %parallel_loop3A_736, %parallel_loop3A_737 : i32
      %parallel_loop3A_739 = arith.constant 2 : i32
      %parallel_loop3A_740 = arith.index_cast %parallel_loop3A_739 : i32 to index
      %parallel_loop3A_741 = arith.index_cast %parallel_loop3A_738 : i32 to index
      %parallel_loop3A_742 = tpu.vector_load %arg4[%parallel_loop3A_740, %parallel_loop3A_741] {strides = array<i32>} : memref<4x16384xf32, #tpu.memory_space<vmem>>, vector<16xf32>,
      %parallel_loop3A_743 = arith.cmpf ogt, %parallel_loop3A_742, %mul3A_306 : vector<16xf32>
      %parallel_loop3A_744 = arith.cmpf olt, %parallel_loop3A_742, %neg3A_309 : vector<16xf32>
      %parallel_loop3A_745 = arith.select %parallel_loop3A_744, %broadcast_in_dim3A_313, %broadcast_in_dim3A_315 : vector<16xi1>, vector<16xf32>
      %parallel_loop3A_746 = arith.select %parallel_loop3A_743, %broadcast_in_dim3A_311, %parallel_loop3A_745 : vector<16xi1>, vector<16xf32>
      %parallel_loop3A_747 = arith.constant 0 : i32
      %parallel_loop3A_748 = arith.addi %parallel_loop3A_736, %parallel_loop3A_747 : i32
      %parallel_loop3A_749 = arith.constant 0 : i32
      %parallel_loop3A_750 = arith.index_cast %parallel_loop3A_749 : i32 to index
      %parallel_loop3A_751 = arith.index_cast %parallel_loop3A_748 : i32 to index
      %parallel_loop3A_752 = tpu.vector_load %arg5[%parallel_loop3A_750, %parallel_loop3A_751] {strides = array<i32>} : memref<2x16384xf32, #tpu.memory_space<vmem>>, vector<16xf32>,
      tpu.vector_store %arg5[%parallel_loop3A_750, %parallel_loop3A_751], %parallel_loop3A_746 {strides = array<i32>} : memref<2x16384xf32, #tpu.memory_space<vmem>>, vector<16xf32>,
      %parallel_loop3A_753 = arith.constant 16 : i32
      %parallel_loop3A_754 = arith.addi %parallel_loop3A_736, %parallel_loop3A_753 : i32
      %parallel_loop3A_755 = arith.constant 2 : i32
      %parallel_loop3A_756 = arith.index_cast %parallel_loop3A_755 : i32 to index
      %parallel_loop3A_757 = arith.index_cast %parallel_loop3A_754 : i32 to index
      %parallel_loop3A_758 = tpu.vector_load %arg4[%parallel_loop3A_756, %parallel_loop3A_757] {strides = array<i32>} : memref<4x16384xf32, #tpu.memory_space<vmem>>, vector<16xf32>,
      %parallel_loop3A_759 = arith.cmpf ogt, %parallel_loop3A_758, %mul3A_306 : vector<16xf32>
      %parallel_loop3A_760 = arith.cmpf olt, %parallel_loop3A_758, %neg3A_309 : vector<16xf32>
      %parallel_loop3A_761 = arith.select %parallel_loop3A_760, %broadcast_in_dim3A_313, %broadcast_in_dim3A_315 : vector<16xi1>, vector<16xf32>
      %parallel_loop3A_762 = arith.select %parallel_loop3A_759, %broadcast_in_dim3A_311, %parallel_loop3A_761 : vector<16xi1>, vector<16xf32>
      %parallel_loop3A_763 = arith.constant 16 : i32
      %parallel_loop3A_764 = arith.addi %parallel_loop3A_736, %parallel_loop3A_763 : i32
      %parallel_loop3A_765 = arith.constant 0 : i32
      %parallel_loop3A_766 = arith.index_cast %parallel_loop3A_765 : i32 to index
      %parallel_loop3A_767 = arith.index_cast %parallel_loop3A_764 : i32 to index
      %parallel_loop3A_768 = tpu.vector_load %arg5[%parallel_loop3A_766, %parallel_loop3A_767] {strides = array<i32>} : memref<2x16384xf32, #tpu.memory_space<vmem>>, vector<16xf32>,
      tpu.vector_store %arg5[%parallel_loop3A_766, %parallel_loop3A_767], %parallel_loop3A_762 {strides = array<i32>} : memref<2x16384xf32, #tpu.memory_space<vmem>>, vector<16xf32>,
      %parallel_loop3A_769 = arith.constant 32 : i32
      %parallel_loop3A_770 = arith.addi %parallel_loop3A_736, %parallel_loop3A_769 : i32
      %parallel_loop3A_771 = arith.constant 2 : i32
      %parallel_loop3A_772 = arith.index_cast %parallel_loop3A_771 : i32 to index
      %parallel_loop3A_773 = arith.index_cast %parallel_loop3A_770 : i32 to index
      %parallel_loop3A_774 = tpu.vector_load %arg4[%parallel_loop3A_772, %parallel_loop3A_773] {strides = array<i32>} : memref<4x16384xf32, #tpu.memory_space<vmem>>, vector<16xf32>,
      %parallel_loop3A_775 = arith.cmpf ogt, %parallel_loop3A_774, %mul3A_306 : vector<16xf32>
      %parallel_loop3A_776 = arith.cmpf olt, %parallel_loop3A_774, %neg3A_309 : vector<16xf32>
      %parallel_loop3A_777 = arith.select %parallel_loop3A_776, %broadcast_in_dim3A_313, %broadcast_in_dim3A_315 : vector<16xi1>, vector<16xf32>
      %parallel_loop3A_778 = arith.select %parallel_loop3A_775, %broadcast_in_dim3A_311, %parallel_loop3A_777 : vector<16xi1>, vector<16xf32>
      %parallel_loop3A_779 = arith.constant 32 : i32
      %parallel_loop3A_780 = arith.addi %parallel_loop3A_736, %parallel_loop3A_779 : i32
      %parallel_loop3A_781 = arith.constant 0 : i32
      %parallel_loop3A_782 = arith.index_cast %parallel_loop3A_781 : i32 to index
      %parallel_loop3A_783 = arith.index_cast %parallel_loop3A_780 : i32 to index
      %parallel_loop3A_784 = tpu.vector_load %arg5[%parallel_loop3A_782, %parallel_loop3A_783] {strides = array<i32>} : memref<2x16384xf32, #tpu.memory_space<vmem>>, vector<16xf32>,
      tpu.vector_store %arg5[%parallel_loop3A_782, %parallel_loop3A_783], %parallel_loop3A_778 {strides = array<i32>} : memref<2x16384xf32, #tpu.memory_space<vmem>>, vector<16xf32>,
      %parallel_loop3A_785 = arith.constant 48 : i32
      %parallel_loop3A_786 = arith.addi %parallel_loop3A_736, %parallel_loop3A_785 : i32
      %parallel_loop3A_787 = arith.constant 2 : i32
      %parallel_loop3A_788 = arith.index_cast %parallel_loop3A_787 : i32 to index
      %parallel_loop3A_789 = arith.index_cast %parallel_loop3A_786 : i32 to index
      %parallel_loop3A_790 = tpu.vector_load %arg4[%parallel_loop3A_788, %parallel_loop3A_789] {strides = array<i32>} : memref<4x16384xf32, #tpu.memory_space<vmem>>, vector<16xf32>,
      %parallel_loop3A_791 = arith.cmpf ogt, %parallel_loop3A_790, %mul3A_306 : vector<16xf32>
      %parallel_loop3A_792 = arith.cmpf olt, %parallel_loop3A_790, %neg3A_309 : vector<16xf32>
      %parallel_loop3A_793 = arith.select %parallel_loop3A_792, %broadcast_in_dim3A_313, %broadcast_in_dim3A_315 : vector<16xi1>, vector<16xf32>
      %parallel_loop3A_794 = arith.select %parallel_loop3A_791, %broadcast_in_dim3A_311, %parallel_loop3A_793 : vector<16xi1>, vector<16xf32>
      %parallel_loop3A_795 = arith.constant 48 : i32
      %parallel_loop3A_796 = arith.addi %parallel_loop3A_736, %parallel_loop3A_795 : i32
      %parallel_loop3A_797 = arith.constant 0 : i32
      %parallel_loop3A_798 = arith.index_cast %parallel_loop3A_797 : i32 to index
      %parallel_loop3A_799 = arith.index_cast %parallel_loop3A_796 : i32 to index
      %parallel_loop3A_800 = tpu.vector_load %arg5[%parallel_loop3A_798, %parallel_loop3A_799] {strides = array<i32>} : memref<2x16384xf32, #tpu.memory_space<vmem>>, vector<16xf32>,
      tpu.vector_store %arg5[%parallel_loop3A_798, %parallel_loop3A_799], %parallel_loop3A_794 {strides = array<i32>} : memref<2x16384xf32, #tpu.memory_space<vmem>>, vector<16xf32>,
      %parallel_loop3A_801 = arith.constant 64 : i32
      %parallel_loop3A_802 = arith.addi %parallel_loop3A_736, %parallel_loop3A_801 : i32
      %parallel_loop3A_803 = arith.constant 2 : i32
      %parallel_loop3A_804 = arith.index_cast %parallel_loop3A_803 : i32 to index
      %parallel_loop3A_805 = arith.index_cast %parallel_loop3A_802 : i32 to index
      %parallel_loop3A_806 = tpu.vector_load %arg4[%parallel_loop3A_804, %parallel_loop3A_805] {strides = array<i32>} : memref<4x16384xf32, #tpu.memory_space<vmem>>, vector<16xf32>,
      %parallel_loop3A_807 = arith.cmpf ogt, %parallel_loop3A_806, %mul3A_306 : vector<16xf32>
      %parallel_loop3A_808 = arith.cmpf olt, %parallel_loop3A_806, %neg3A_309 : vector<16xf32>
      %parallel_loop3A_809 = arith.select %parallel_loop3A_808, %broadcast_in_dim3A_313, %broadcast_in_dim3A_315 : vector<16xi1>, vector<16xf32>
      %parallel_loop3A_810 = arith.select %parallel_loop3A_807, %broadcast_in_dim3A_311, %parallel_loop3A_809 : vector<16xi1>, vector<16xf32>
      %parallel_loop3A_811 = arith.constant 64 : i32
      %parallel_loop3A_812 = arith.addi %parallel_loop3A_736, %parallel_loop3A_811 : i32
      %parallel_loop3A_813 = arith.constant 0 : i32
      %parallel_loop3A_814 = arith.index_cast %parallel_loop3A_813 : i32 to index
      %parallel_loop3A_815 = arith.index_cast %parallel_loop3A_812 : i32 to index
      %parallel_loop3A_816 = tpu.vector_load %arg5[%parallel_loop3A_814, %parallel_loop3A_815] {strides = array<i32>} : memref<2x16384xf32, #tpu.memory_space<vmem>>, vector<16xf32>,
      tpu.vector_store %arg5[%parallel_loop3A_814, %parallel_loop3A_815], %parallel_loop3A_810 {strides = array<i32>} : memref<2x16384xf32, #tpu.memory_space<vmem>>, vector<16xf32>,
      %parallel_loop3A_817 = arith.constant 80 : i32
      %parallel_loop3A_818 = arith.addi %parallel_loop3A_736, %parallel_loop3A_817 : i32
      %parallel_loop3A_819 = arith.constant 2 : i32
      %parallel_loop3A_820 = arith.index_cast %parallel_loop3A_819 : i32 to index
      %parallel_loop3A_821 = arith.index_cast %parallel_loop3A_818 : i32 to index
      %parallel_loop3A_822 = tpu.vector_load %arg4[%parallel_loop3A_820, %parallel_loop3A_821] {strides = array<i32>} : memref<4x16384xf32, #tpu.memory_space<vmem>>, vector<16xf32>,
      %parallel_loop3A_823 = arith.cmpf ogt, %parallel_loop3A_822, %mul3A_306 : vector<16xf32>
      %parallel_loop3A_824 = arith.cmpf olt, %parallel_loop3A_822, %neg3A_309 : vector<16xf32>
      %parallel_loop3A_825 = arith.select %parallel_loop3A_824, %broadcast_in_dim3A_313, %broadcast_in_dim3A_315 : vector<16xi1>, vector<16xf32>
      %parallel_loop3A_826 = arith.select %parallel_loop3A_823, %broadcast_in_dim3A_311, %parallel_loop3A_825 : vector<16xi1>, vector<16xf32>
      %parallel_loop3A_827 = arith.constant 80 : i32
      %parallel_loop3A_828 = arith.addi %parallel_loop3A_736, %parallel_loop3A_827 : i32
      %parallel_loop3A_829 = arith.constant 0 : i32
      %parallel_loop3A_830 = arith.index_cast %parallel_loop3A_829 : i32 to index
      %parallel_loop3A_831 = arith.index_cast %parallel_loop3A_828 : i32 to index
      %parallel_loop3A_832 = tpu.vector_load %arg5[%parallel_loop3A_830, %parallel_loop3A_831] {strides = array<i32>} : memref<2x16384xf32, #tpu.memory_space<vmem>>, vector<16xf32>,
      tpu.vector_store %arg5[%parallel_loop3A_830, %parallel_loop3A_831], %parallel_loop3A_826 {strides = array<i32>} : memref<2x16384xf32, #tpu.memory_space<vmem>>, vector<16xf32>,
      %parallel_loop3A_833 = arith.constant 96 : i32
      %parallel_loop3A_834 = arith.addi %parallel_loop3A_736, %parallel_loop3A_833 : i32
      %parallel_loop3A_835 = arith.constant 2 : i32
      %parallel_loop3A_836 = arith.index_cast %parallel_loop3A_835 : i32 to index
      %parallel_loop3A_837 = arith.index_cast %parallel_loop3A_834 : i32 to index
      %parallel_loop3A_838 = tpu.vector_load %arg4[%parallel_loop3A_836, %parallel_loop3A_837] {strides = array<i32>} : memref<4x16384xf32, #tpu.memory_space<vmem>>, vector<16xf32>,
      %parallel_loop3A_839 = arith.cmpf ogt, %parallel_loop3A_838, %mul3A_306 : vector<16xf32>
      %parallel_loop3A_840 = arith.cmpf olt, %parallel_loop3A_838, %neg3A_309 : vector<16xf32>
      %parallel_loop3A_841 = arith.select %parallel_loop3A_840, %broadcast_in_dim3A_313, %broadcast_in_dim3A_315 : vector<16xi1>, vector<16xf32>
      %parallel_loop3A_842 = arith.select %parallel_loop3A_839, %broadcast_in_dim3A_311, %parallel_loop3A_841 : vector<16xi1>, vector<16xf32>
      %parallel_loop3A_843 = arith.constant 96 : i32
      %parallel_loop3A_844 = arith.addi %parallel_loop3A_736, %parallel_loop3A_843 : i32
      %parallel_loop3A_845 = arith.constant 0 : i32
      %parallel_loop3A_846 = arith.index_cast %parallel_loop3A_845 : i32 to index
      %parallel_loop3A_847 = arith.index_cast %parallel_loop3A_844 : i32 to index
      %parallel_loop3A_848 = tpu.vector_load %arg5[%parallel_loop3A_846, %parallel_loop3A_847] {strides = array<i32>} : memref<2x16384xf32, #tpu.memory_space<vmem>>, vector<16xf32>,
      tpu.vector_store %arg5[%parallel_loop3A_846, %parallel_loop3A_847], %parallel_loop3A_842 {strides = array<i32>} : memref<2x16384xf32, #tpu.memory_space<vmem>>, vector<16xf32>,
      %parallel_loop3A_849 = arith.constant 112 : i32
      %parallel_loop3A_850 = arith.addi %parallel_loop3A_736, %parallel_loop3A_849 : i32
      %parallel_loop3A_851 = arith.constant 2 : i32
      %parallel_loop3A_852 = arith.index_cast %parallel_loop3A_851 : i32 to index
      %parallel_loop3A_853 = arith.index_cast %parallel_loop3A_850 : i32 to index
      %parallel_loop3A_854 = tpu.vector_load %arg4[%parallel_loop3A_852, %parallel_loop3A_853] {strides = array<i32>} : memref<4x16384xf32, #tpu.memory_space<vmem>>, vector<16xf32>,
      %parallel_loop3A_855 = arith.cmpf ogt, %parallel_loop3A_854, %mul3A_306 : vector<16xf32>
      %parallel_loop3A_856 = arith.cmpf olt, %parallel_loop3A_854, %neg3A_309 : vector<16xf32>
      %parallel_loop3A_857 = arith.select %parallel_loop3A_856, %broadcast_in_dim3A_313, %broadcast_in_dim3A_315 : vector<16xi1>, vector<16xf32>
      %parallel_loop3A_858 = arith.select %parallel_loop3A_855, %broadcast_in_dim3A_311, %parallel_loop3A_857 : vector<16xi1>, vector<16xf32>
      %parallel_loop3A_859 = arith.constant 112 : i32
      %parallel_loop3A_860 = arith.addi %parallel_loop3A_736, %parallel_loop3A_859 : i32
      %parallel_loop3A_861 = arith.constant 0 : i32
      %parallel_loop3A_862 = arith.index_cast %parallel_loop3A_861 : i32 to index
      %parallel_loop3A_863 = arith.index_cast %parallel_loop3A_860 : i32 to index
      %parallel_loop3A_864 = tpu.vector_load %arg5[%parallel_loop3A_862, %parallel_loop3A_863] {strides = array<i32>} : memref<2x16384xf32, #tpu.memory_space<vmem>>, vector<16xf32>,
      tpu.vector_store %arg5[%parallel_loop3A_862, %parallel_loop3A_863], %parallel_loop3A_858 {strides = array<i32>} : memref<2x16384xf32, #tpu.memory_space<vmem>>, vector<16xf32>,
    } {sc.loop_unroll_factor = 1 : i64, sc.parallel_access}
    %dma_start3A_345 = arith.constant 0 : i32
    %dma_start3A_346 = arith.constant 0 : i32
    %dma_start3A_347 = tpu.memref_slice %arg5[%dma_start3A_345, %dma_start3A_346] : memref<2x16384xf32, #tpu.memory_space<vmem>> -> memref<1x16384xf32, #tpu.memory_space<vmem>>
    %dma_start3A_348 = tpu.memref_squeeze %dma_start3A_347 : memref<1x16384xf32, #tpu.memory_space<vmem>> -> memref<16384xf32, #tpu.memory_space<vmem>>
    %dma_start3A_349 = arith.constant 0 : i32
    %dma_start3A_350 = tpu.memref_slice %arg3[%add3A_193, %dma_start3A_349] : memref<128x32768xf32, #tpu.memory_space<hbm>> -> memref<1x16384xf32, #tpu.memory_space<hbm>>
    %dma_start3A_351 = tpu.memref_squeeze %dma_start3A_350 : memref<1x16384xf32, #tpu.memory_space<hbm>> -> memref<16384xf32, #tpu.memory_space<hbm>>
    %dma_start3A_352 = arith.constant 0 : i32
    %dma_start3A_353 = tpu.memref_slice %arg3[%add3A_193, %dma_start3A_352] : memref<128x32768xf32, #tpu.memory_space<hbm>> -> memref<1x16384xf32, #tpu.memory_space<hbm>>
    %dma_start3A_354 = tpu.memref_squeeze %dma_start3A_353 : memref<1x16384xf32, #tpu.memory_space<hbm>> -> memref<16384xf32, #tpu.memory_space<hbm>>
    %dma_start3A_355 = arith.constant 0 : i32
    %dma_start3A_356 = tpu.memref_slice %arg5[%dma_start3A_345, %dma_start3A_355] : memref<2x16384xf32, #tpu.memory_space<vmem>> -> memref<1x16384xf32, #tpu.memory_space<vmem>>
    %dma_start3A_357 = tpu.memref_squeeze %dma_start3A_356 : memref<1x16384xf32, #tpu.memory_space<vmem>> -> memref<16384xf32, #tpu.memory_space<vmem>>
    tpu.enqueue_dma source(%dma_start3A_357 : memref<16384xf32, #tpu.memory_space<vmem>>) target(%dma_start3A_354 : memref<16384xf32, #tpu.memory_space<hbm>>) target_semaphore(%arg8 : memref<!tpu.dma_semaphore, #tpu.memory_space<semaphore_mem>>)
    %parallel_loop3A_358 = arith.constant 0 : i32
    %parallel_loop3A_359 = arith.constant 128 : i32
    %parallel_loop3A_360 = arith.constant 1 : i32
    scf.for %parallel_loop3A_734 = %parallel_loop3A_358 to %parallel_loop3A_359 step %parallel_loop3A_360  : i32 {
      %parallel_loop3A_735 = arith.constant 128 : i32
      %parallel_loop3A_736 = arith.muli %parallel_loop3A_734, %parallel_loop3A_735 : i32
      %parallel_loop3A_737 = arith.constant 0 : i32
      %parallel_loop3A_738 = arith.addi %parallel_loop3A_736, %parallel_loop3A_737 : i32
      %parallel_loop3A_739 = arith.constant 3 : i32
      %parallel_loop3A_740 = arith.index_cast %parallel_loop3A_739 : i32 to index
      %parallel_loop3A_741 = arith.index_cast %parallel_loop3A_738 : i32 to index
      %parallel_loop3A_742 = tpu.vector_load %arg4[%parallel_loop3A_740, %parallel_loop3A_741] {strides = array<i32>} : memref<4x16384xf32, #tpu.memory_space<vmem>>, vector<16xf32>,
      %parallel_loop3A_743 = arith.cmpf ogt, %parallel_loop3A_742, %mul3A_306 : vector<16xf32>
      %parallel_loop3A_744 = arith.cmpf olt, %parallel_loop3A_742, %neg3A_309 : vector<16xf32>
      %parallel_loop3A_745 = arith.select %parallel_loop3A_744, %broadcast_in_dim3A_313, %broadcast_in_dim3A_315 : vector<16xi1>, vector<16xf32>
      %parallel_loop3A_746 = arith.select %parallel_loop3A_743, %broadcast_in_dim3A_311, %parallel_loop3A_745 : vector<16xi1>, vector<16xf32>
      %parallel_loop3A_747 = arith.constant 0 : i32
      %parallel_loop3A_748 = arith.addi %parallel_loop3A_736, %parallel_loop3A_747 : i32
      %parallel_loop3A_749 = arith.constant 1 : i32
      %parallel_loop3A_750 = arith.index_cast %parallel_loop3A_749 : i32 to index
      %parallel_loop3A_751 = arith.index_cast %parallel_loop3A_748 : i32 to index
      %parallel_loop3A_752 = tpu.vector_load %arg5[%parallel_loop3A_750, %parallel_loop3A_751] {strides = array<i32>} : memref<2x16384xf32, #tpu.memory_space<vmem>>, vector<16xf32>,
      tpu.vector_store %arg5[%parallel_loop3A_750, %parallel_loop3A_751], %parallel_loop3A_746 {strides = array<i32>} : memref<2x16384xf32, #tpu.memory_space<vmem>>, vector<16xf32>,
      %parallel_loop3A_753 = arith.constant 16 : i32
      %parallel_loop3A_754 = arith.addi %parallel_loop3A_736, %parallel_loop3A_753 : i32
      %parallel_loop3A_755 = arith.constant 3 : i32
      %parallel_loop3A_756 = arith.index_cast %parallel_loop3A_755 : i32 to index
      %parallel_loop3A_757 = arith.index_cast %parallel_loop3A_754 : i32 to index
      %parallel_loop3A_758 = tpu.vector_load %arg4[%parallel_loop3A_756, %parallel_loop3A_757] {strides = array<i32>} : memref<4x16384xf32, #tpu.memory_space<vmem>>, vector<16xf32>,
      %parallel_loop3A_759 = arith.cmpf ogt, %parallel_loop3A_758, %mul3A_306 : vector<16xf32>
      %parallel_loop3A_760 = arith.cmpf olt, %parallel_loop3A_758, %neg3A_309 : vector<16xf32>
      %parallel_loop3A_761 = arith.select %parallel_loop3A_760, %broadcast_in_dim3A_313, %broadcast_in_dim3A_315 : vector<16xi1>, vector<16xf32>
      %parallel_loop3A_762 = arith.select %parallel_loop3A_759, %broadcast_in_dim3A_311, %parallel_loop3A_761 : vector<16xi1>, vector<16xf32>
      %parallel_loop3A_763 = arith.constant 16 : i32
      %parallel_loop3A_764 = arith.addi %parallel_loop3A_736, %parallel_loop3A_763 : i32
      %parallel_loop3A_765 = arith.constant 1 : i32
      %parallel_loop3A_766 = arith.index_cast %parallel_loop3A_765 : i32 to index
      %parallel_loop3A_767 = arith.index_cast %parallel_loop3A_764 : i32 to index
      %parallel_loop3A_768 = tpu.vector_load %arg5[%parallel_loop3A_766, %parallel_loop3A_767] {strides = array<i32>} : memref<2x16384xf32, #tpu.memory_space<vmem>>, vector<16xf32>,
      tpu.vector_store %arg5[%parallel_loop3A_766, %parallel_loop3A_767], %parallel_loop3A_762 {strides = array<i32>} : memref<2x16384xf32, #tpu.memory_space<vmem>>, vector<16xf32>,
      %parallel_loop3A_769 = arith.constant 32 : i32
      %parallel_loop3A_770 = arith.addi %parallel_loop3A_736, %parallel_loop3A_769 : i32
      %parallel_loop3A_771 = arith.constant 3 : i32
      %parallel_loop3A_772 = arith.index_cast %parallel_loop3A_771 : i32 to index
      %parallel_loop3A_773 = arith.index_cast %parallel_loop3A_770 : i32 to index
      %parallel_loop3A_774 = tpu.vector_load %arg4[%parallel_loop3A_772, %parallel_loop3A_773] {strides = array<i32>} : memref<4x16384xf32, #tpu.memory_space<vmem>>, vector<16xf32>,
      %parallel_loop3A_775 = arith.cmpf ogt, %parallel_loop3A_774, %mul3A_306 : vector<16xf32>
      %parallel_loop3A_776 = arith.cmpf olt, %parallel_loop3A_774, %neg3A_309 : vector<16xf32>
      %parallel_loop3A_777 = arith.select %parallel_loop3A_776, %broadcast_in_dim3A_313, %broadcast_in_dim3A_315 : vector<16xi1>, vector<16xf32>
      %parallel_loop3A_778 = arith.select %parallel_loop3A_775, %broadcast_in_dim3A_311, %parallel_loop3A_777 : vector<16xi1>, vector<16xf32>
      %parallel_loop3A_779 = arith.constant 32 : i32
      %parallel_loop3A_780 = arith.addi %parallel_loop3A_736, %parallel_loop3A_779 : i32
      %parallel_loop3A_781 = arith.constant 1 : i32
      %parallel_loop3A_782 = arith.index_cast %parallel_loop3A_781 : i32 to index
      %parallel_loop3A_783 = arith.index_cast %parallel_loop3A_780 : i32 to index
      %parallel_loop3A_784 = tpu.vector_load %arg5[%parallel_loop3A_782, %parallel_loop3A_783] {strides = array<i32>} : memref<2x16384xf32, #tpu.memory_space<vmem>>, vector<16xf32>,
      tpu.vector_store %arg5[%parallel_loop3A_782, %parallel_loop3A_783], %parallel_loop3A_778 {strides = array<i32>} : memref<2x16384xf32, #tpu.memory_space<vmem>>, vector<16xf32>,
      %parallel_loop3A_785 = arith.constant 48 : i32
      %parallel_loop3A_786 = arith.addi %parallel_loop3A_736, %parallel_loop3A_785 : i32
      %parallel_loop3A_787 = arith.constant 3 : i32
      %parallel_loop3A_788 = arith.index_cast %parallel_loop3A_787 : i32 to index
      %parallel_loop3A_789 = arith.index_cast %parallel_loop3A_786 : i32 to index
      %parallel_loop3A_790 = tpu.vector_load %arg4[%parallel_loop3A_788, %parallel_loop3A_789] {strides = array<i32>} : memref<4x16384xf32, #tpu.memory_space<vmem>>, vector<16xf32>,
      %parallel_loop3A_791 = arith.cmpf ogt, %parallel_loop3A_790, %mul3A_306 : vector<16xf32>
      %parallel_loop3A_792 = arith.cmpf olt, %parallel_loop3A_790, %neg3A_309 : vector<16xf32>
      %parallel_loop3A_793 = arith.select %parallel_loop3A_792, %broadcast_in_dim3A_313, %broadcast_in_dim3A_315 : vector<16xi1>, vector<16xf32>
      %parallel_loop3A_794 = arith.select %parallel_loop3A_791, %broadcast_in_dim3A_311, %parallel_loop3A_793 : vector<16xi1>, vector<16xf32>
      %parallel_loop3A_795 = arith.constant 48 : i32
      %parallel_loop3A_796 = arith.addi %parallel_loop3A_736, %parallel_loop3A_795 : i32
      %parallel_loop3A_797 = arith.constant 1 : i32
      %parallel_loop3A_798 = arith.index_cast %parallel_loop3A_797 : i32 to index
      %parallel_loop3A_799 = arith.index_cast %parallel_loop3A_796 : i32 to index
      %parallel_loop3A_800 = tpu.vector_load %arg5[%parallel_loop3A_798, %parallel_loop3A_799] {strides = array<i32>} : memref<2x16384xf32, #tpu.memory_space<vmem>>, vector<16xf32>,
      tpu.vector_store %arg5[%parallel_loop3A_798, %parallel_loop3A_799], %parallel_loop3A_794 {strides = array<i32>} : memref<2x16384xf32, #tpu.memory_space<vmem>>, vector<16xf32>,
      %parallel_loop3A_801 = arith.constant 64 : i32
      %parallel_loop3A_802 = arith.addi %parallel_loop3A_736, %parallel_loop3A_801 : i32
      %parallel_loop3A_803 = arith.constant 3 : i32
      %parallel_loop3A_804 = arith.index_cast %parallel_loop3A_803 : i32 to index
      %parallel_loop3A_805 = arith.index_cast %parallel_loop3A_802 : i32 to index
      %parallel_loop3A_806 = tpu.vector_load %arg4[%parallel_loop3A_804, %parallel_loop3A_805] {strides = array<i32>} : memref<4x16384xf32, #tpu.memory_space<vmem>>, vector<16xf32>,
      %parallel_loop3A_807 = arith.cmpf ogt, %parallel_loop3A_806, %mul3A_306 : vector<16xf32>
      %parallel_loop3A_808 = arith.cmpf olt, %parallel_loop3A_806, %neg3A_309 : vector<16xf32>
      %parallel_loop3A_809 = arith.select %parallel_loop3A_808, %broadcast_in_dim3A_313, %broadcast_in_dim3A_315 : vector<16xi1>, vector<16xf32>
      %parallel_loop3A_810 = arith.select %parallel_loop3A_807, %broadcast_in_dim3A_311, %parallel_loop3A_809 : vector<16xi1>, vector<16xf32>
      %parallel_loop3A_811 = arith.constant 64 : i32
      %parallel_loop3A_812 = arith.addi %parallel_loop3A_736, %parallel_loop3A_811 : i32
      %parallel_loop3A_813 = arith.constant 1 : i32
      %parallel_loop3A_814 = arith.index_cast %parallel_loop3A_813 : i32 to index
      %parallel_loop3A_815 = arith.index_cast %parallel_loop3A_812 : i32 to index
      %parallel_loop3A_816 = tpu.vector_load %arg5[%parallel_loop3A_814, %parallel_loop3A_815] {strides = array<i32>} : memref<2x16384xf32, #tpu.memory_space<vmem>>, vector<16xf32>,
      tpu.vector_store %arg5[%parallel_loop3A_814, %parallel_loop3A_815], %parallel_loop3A_810 {strides = array<i32>} : memref<2x16384xf32, #tpu.memory_space<vmem>>, vector<16xf32>,
      %parallel_loop3A_817 = arith.constant 80 : i32
      %parallel_loop3A_818 = arith.addi %parallel_loop3A_736, %parallel_loop3A_817 : i32
      %parallel_loop3A_819 = arith.constant 3 : i32
      %parallel_loop3A_820 = arith.index_cast %parallel_loop3A_819 : i32 to index
      %parallel_loop3A_821 = arith.index_cast %parallel_loop3A_818 : i32 to index
      %parallel_loop3A_822 = tpu.vector_load %arg4[%parallel_loop3A_820, %parallel_loop3A_821] {strides = array<i32>} : memref<4x16384xf32, #tpu.memory_space<vmem>>, vector<16xf32>,
      %parallel_loop3A_823 = arith.cmpf ogt, %parallel_loop3A_822, %mul3A_306 : vector<16xf32>
      %parallel_loop3A_824 = arith.cmpf olt, %parallel_loop3A_822, %neg3A_309 : vector<16xf32>
      %parallel_loop3A_825 = arith.select %parallel_loop3A_824, %broadcast_in_dim3A_313, %broadcast_in_dim3A_315 : vector<16xi1>, vector<16xf32>
      %parallel_loop3A_826 = arith.select %parallel_loop3A_823, %broadcast_in_dim3A_311, %parallel_loop3A_825 : vector<16xi1>, vector<16xf32>
      %parallel_loop3A_827 = arith.constant 80 : i32
      %parallel_loop3A_828 = arith.addi %parallel_loop3A_736, %parallel_loop3A_827 : i32
      %parallel_loop3A_829 = arith.constant 1 : i32
      %parallel_loop3A_830 = arith.index_cast %parallel_loop3A_829 : i32 to index
      %parallel_loop3A_831 = arith.index_cast %parallel_loop3A_828 : i32 to index
      %parallel_loop3A_832 = tpu.vector_load %arg5[%parallel_loop3A_830, %parallel_loop3A_831] {strides = array<i32>} : memref<2x16384xf32, #tpu.memory_space<vmem>>, vector<16xf32>,
      tpu.vector_store %arg5[%parallel_loop3A_830, %parallel_loop3A_831], %parallel_loop3A_826 {strides = array<i32>} : memref<2x16384xf32, #tpu.memory_space<vmem>>, vector<16xf32>,
      %parallel_loop3A_833 = arith.constant 96 : i32
      %parallel_loop3A_834 = arith.addi %parallel_loop3A_736, %parallel_loop3A_833 : i32
      %parallel_loop3A_835 = arith.constant 3 : i32
      %parallel_loop3A_836 = arith.index_cast %parallel_loop3A_835 : i32 to index
      %parallel_loop3A_837 = arith.index_cast %parallel_loop3A_834 : i32 to index
      %parallel_loop3A_838 = tpu.vector_load %arg4[%parallel_loop3A_836, %parallel_loop3A_837] {strides = array<i32>} : memref<4x16384xf32, #tpu.memory_space<vmem>>, vector<16xf32>,
      %parallel_loop3A_839 = arith.cmpf ogt, %parallel_loop3A_838, %mul3A_306 : vector<16xf32>
      %parallel_loop3A_840 = arith.cmpf olt, %parallel_loop3A_838, %neg3A_309 : vector<16xf32>
      %parallel_loop3A_841 = arith.select %parallel_loop3A_840, %broadcast_in_dim3A_313, %broadcast_in_dim3A_315 : vector<16xi1>, vector<16xf32>
      %parallel_loop3A_842 = arith.select %parallel_loop3A_839, %broadcast_in_dim3A_311, %parallel_loop3A_841 : vector<16xi1>, vector<16xf32>
      %parallel_loop3A_843 = arith.constant 96 : i32
      %parallel_loop3A_844 = arith.addi %parallel_loop3A_736, %parallel_loop3A_843 : i32
      %parallel_loop3A_845 = arith.constant 1 : i32
      %parallel_loop3A_846 = arith.index_cast %parallel_loop3A_845 : i32 to index
      %parallel_loop3A_847 = arith.index_cast %parallel_loop3A_844 : i32 to index
      %parallel_loop3A_848 = tpu.vector_load %arg5[%parallel_loop3A_846, %parallel_loop3A_847] {strides = array<i32>} : memref<2x16384xf32, #tpu.memory_space<vmem>>, vector<16xf32>,
      tpu.vector_store %arg5[%parallel_loop3A_846, %parallel_loop3A_847], %parallel_loop3A_842 {strides = array<i32>} : memref<2x16384xf32, #tpu.memory_space<vmem>>, vector<16xf32>,
      %parallel_loop3A_849 = arith.constant 112 : i32
      %parallel_loop3A_850 = arith.addi %parallel_loop3A_736, %parallel_loop3A_849 : i32
      %parallel_loop3A_851 = arith.constant 3 : i32
      %parallel_loop3A_852 = arith.index_cast %parallel_loop3A_851 : i32 to index
      %parallel_loop3A_853 = arith.index_cast %parallel_loop3A_850 : i32 to index
      %parallel_loop3A_854 = tpu.vector_load %arg4[%parallel_loop3A_852, %parallel_loop3A_853] {strides = array<i32>} : memref<4x16384xf32, #tpu.memory_space<vmem>>, vector<16xf32>,
      %parallel_loop3A_855 = arith.cmpf ogt, %parallel_loop3A_854, %mul3A_306 : vector<16xf32>
      %parallel_loop3A_856 = arith.cmpf olt, %parallel_loop3A_854, %neg3A_309 : vector<16xf32>
      %parallel_loop3A_857 = arith.select %parallel_loop3A_856, %broadcast_in_dim3A_313, %broadcast_in_dim3A_315 : vector<16xi1>, vector<16xf32>
      %parallel_loop3A_858 = arith.select %parallel_loop3A_855, %broadcast_in_dim3A_311, %parallel_loop3A_857 : vector<16xi1>, vector<16xf32>
      %parallel_loop3A_859 = arith.constant 112 : i32
      %parallel_loop3A_860 = arith.addi %parallel_loop3A_736, %parallel_loop3A_859 : i32
      %parallel_loop3A_861 = arith.constant 1 : i32
      %parallel_loop3A_862 = arith.index_cast %parallel_loop3A_861 : i32 to index
      %parallel_loop3A_863 = arith.index_cast %parallel_loop3A_860 : i32 to index
      %parallel_loop3A_864 = tpu.vector_load %arg5[%parallel_loop3A_862, %parallel_loop3A_863] {strides = array<i32>} : memref<2x16384xf32, #tpu.memory_space<vmem>>, vector<16xf32>,
      tpu.vector_store %arg5[%parallel_loop3A_862, %parallel_loop3A_863], %parallel_loop3A_858 {strides = array<i32>} : memref<2x16384xf32, #tpu.memory_space<vmem>>, vector<16xf32>,
    } {sc.loop_unroll_factor = 1 : i64, sc.parallel_access}
    %dma_start3A_361 = arith.constant 1 : i32
    %dma_start3A_362 = arith.constant 0 : i32
    %dma_start3A_363 = tpu.memref_slice %arg5[%dma_start3A_361, %dma_start3A_362] : memref<2x16384xf32, #tpu.memory_space<vmem>> -> memref<1x16384xf32, #tpu.memory_space<vmem>>
    %dma_start3A_364 = tpu.memref_squeeze %dma_start3A_363 : memref<1x16384xf32, #tpu.memory_space<vmem>> -> memref<16384xf32, #tpu.memory_space<vmem>>
    %dma_start3A_365 = arith.constant 16384 : i32
    %dma_start3A_366 = tpu.memref_slice %arg3[%add3A_193, %dma_start3A_365] : memref<128x32768xf32, #tpu.memory_space<hbm>> -> memref<1x16384xf32, #tpu.memory_space<hbm>>
    %dma_start3A_367 = tpu.memref_squeeze %dma_start3A_366 : memref<1x16384xf32, #tpu.memory_space<hbm>> -> memref<16384xf32, #tpu.memory_space<hbm>>
    %dma_start3A_368 = arith.constant 16384 : i32
    %dma_start3A_369 = tpu.memref_slice %arg3[%add3A_193, %dma_start3A_368] : memref<128x32768xf32, #tpu.memory_space<hbm>> -> memref<1x16384xf32, #tpu.memory_space<hbm>>
    %dma_start3A_370 = tpu.memref_squeeze %dma_start3A_369 : memref<1x16384xf32, #tpu.memory_space<hbm>> -> memref<16384xf32, #tpu.memory_space<hbm>>
    %dma_start3A_371 = arith.constant 0 : i32
    %dma_start3A_372 = tpu.memref_slice %arg5[%dma_start3A_361, %dma_start3A_371] : memref<2x16384xf32, #tpu.memory_space<vmem>> -> memref<1x16384xf32, #tpu.memory_space<vmem>>
    %dma_start3A_373 = tpu.memref_squeeze %dma_start3A_372 : memref<1x16384xf32, #tpu.memory_space<vmem>> -> memref<16384xf32, #tpu.memory_space<vmem>>
    tpu.enqueue_dma source(%dma_start3A_373 : memref<16384xf32, #tpu.memory_space<vmem>>) target(%dma_start3A_370 : memref<16384xf32, #tpu.memory_space<hbm>>) target_semaphore(%arg8 : memref<!tpu.dma_semaphore, #tpu.memory_space<semaphore_mem>>)
    %add3A_374 = arith.constant 2 : i32
    %add3A_375 = arith.addi %mul3A_2, %add3A_374 : i32
    %dma_wait3A_376 = arith.constant 0 : i32
    %dma_wait3A_377 = arith.constant 0 : i32
    %dma_wait3A_378 = tpu.memref_slice %arg4[%dma_wait3A_376, %dma_wait3A_377] : memref<4x16384xf32, #tpu.memory_space<vmem>> -> memref<1x16384xf32, #tpu.memory_space<vmem>>
    %dma_wait3A_379 = tpu.memref_squeeze %dma_wait3A_378 : memref<1x16384xf32, #tpu.memory_space<vmem>> -> memref<16384xf32, #tpu.memory_space<vmem>>
    %dma_wait3A_380 = arith.constant 0 : i32
    %dma_wait3A_381 = tpu.memref_slice %arg2[%add3A_244, %dma_wait3A_380] : memref<128x32768xf32, #tpu.memory_space<hbm>> -> memref<1x16384xf32, #tpu.memory_space<hbm>>
    %dma_wait3A_382 = tpu.memref_squeeze %dma_wait3A_381 : memref<1x16384xf32, #tpu.memory_space<hbm>> -> memref<16384xf32, #tpu.memory_space<hbm>>
    %dma_wait3A_383 = arith.constant 0 : i32
    %dma_wait3A_384 = tpu.memref_slice %arg4[%dma_wait3A_376, %dma_wait3A_383] : memref<4x16384xf32, #tpu.memory_space<vmem>> -> memref<1x16384xf32, #tpu.memory_space<vmem>>
    %dma_wait3A_385 = tpu.memref_squeeze %dma_wait3A_384 : memref<1x16384xf32, #tpu.memory_space<vmem>> -> memref<16384xf32, #tpu.memory_space<vmem>>
    %dma_wait3A_386 = arith.constant 0 : i32
    %dma_wait3A_387 = tpu.memref_slice %arg2[%add3A_244, %dma_wait3A_386] : memref<128x32768xf32, #tpu.memory_space<hbm>> -> memref<1x16384xf32, #tpu.memory_space<hbm>>
    %dma_wait3A_388 = tpu.memref_squeeze %dma_wait3A_387 : memref<1x16384xf32, #tpu.memory_space<hbm>> -> memref<16384xf32, #tpu.memory_space<hbm>>
    tpu.wait_dma2 semaphore(%arg7 : memref<!tpu.dma_semaphore, #tpu.memory_space<semaphore_mem>>) src(%dma_wait3A_388 : memref<16384xf32, #tpu.memory_space<hbm>>) dst(%dma_wait3A_385 : memref<16384xf32, #tpu.memory_space<vmem>>)
    %dma_wait3A_389 = arith.constant 1 : i32
    %dma_wait3A_390 = arith.constant 0 : i32
    %dma_wait3A_391 = tpu.memref_slice %arg4[%dma_wait3A_389, %dma_wait3A_390] : memref<4x16384xf32, #tpu.memory_space<vmem>> -> memref<1x16384xf32, #tpu.memory_space<vmem>>
    %dma_wait3A_392 = tpu.memref_squeeze %dma_wait3A_391 : memref<1x16384xf32, #tpu.memory_space<vmem>> -> memref<16384xf32, #tpu.memory_space<vmem>>
    %dma_wait3A_393 = arith.constant 16384 : i32
    %dma_wait3A_394 = tpu.memref_slice %arg2[%add3A_259, %dma_wait3A_393] : memref<128x32768xf32, #tpu.memory_space<hbm>> -> memref<1x16384xf32, #tpu.memory_space<hbm>>
    %dma_wait3A_395 = tpu.memref_squeeze %dma_wait3A_394 : memref<1x16384xf32, #tpu.memory_space<hbm>> -> memref<16384xf32, #tpu.memory_space<hbm>>
    %dma_wait3A_396 = arith.constant 0 : i32
    %dma_wait3A_397 = tpu.memref_slice %arg4[%dma_wait3A_389, %dma_wait3A_396] : memref<4x16384xf32, #tpu.memory_space<vmem>> -> memref<1x16384xf32, #tpu.memory_space<vmem>>
    %dma_wait3A_398 = tpu.memref_squeeze %dma_wait3A_397 : memref<1x16384xf32, #tpu.memory_space<vmem>> -> memref<16384xf32, #tpu.memory_space<vmem>>
    %dma_wait3A_399 = arith.constant 16384 : i32
    %dma_wait3A_400 = tpu.memref_slice %arg2[%add3A_259, %dma_wait3A_399] : memref<128x32768xf32, #tpu.memory_space<hbm>> -> memref<1x16384xf32, #tpu.memory_space<hbm>>
    %dma_wait3A_401 = tpu.memref_squeeze %dma_wait3A_400 : memref<1x16384xf32, #tpu.memory_space<hbm>> -> memref<16384xf32, #tpu.memory_space<hbm>>
    tpu.wait_dma2 semaphore(%arg7 : memref<!tpu.dma_semaphore, #tpu.memory_space<semaphore_mem>>) src(%dma_wait3A_401 : memref<16384xf32, #tpu.memory_space<hbm>>) dst(%dma_wait3A_398 : memref<16384xf32, #tpu.memory_space<vmem>>)
    %parallel_loop3A_402 = arith.constant 0 : i32
    %parallel_loop3A_403 = arith.constant 128 : i32
    %parallel_loop3A_404 = arith.constant 1 : i32
    %parallel_loop3A_405:8 = scf.for %parallel_loop3A_734 = %parallel_loop3A_402 to %parallel_loop3A_403 step %parallel_loop3A_404 iter_args(%parallel_loop3A_735 = %broadcast_in_dim3A_3, %parallel_loop3A_736 = %broadcast_in_dim3A_5, %parallel_loop3A_737 = %broadcast_in_dim3A_7, %parallel_loop3A_738 = %broadcast_in_dim3A_9, %parallel_loop3A_739 = %broadcast_in_dim3A_11, %parallel_loop3A_740 = %broadcast_in_dim3A_13, %parallel_loop3A_741 = %broadcast_in_dim3A_15, %parallel_loop3A_742 = %broadcast_in_dim3A_17) -> (vector<16xf32>, vector<16xf32>, vector<16xf32>, vector<16xf32>, vector<16xf32>, vector<16xf32>, vector<16xf32>, vector<16xf32>)  : i32 {
      %parallel_loop3A_743 = arith.constant 128 : i32
      %parallel_loop3A_744 = arith.muli %parallel_loop3A_734, %parallel_loop3A_743 : i32
      %parallel_loop3A_745 = arith.constant 0 : i32
      %parallel_loop3A_746 = arith.addi %parallel_loop3A_744, %parallel_loop3A_745 : i32
      %parallel_loop3A_747 = arith.constant 0 : i32
      %parallel_loop3A_748 = arith.index_cast %parallel_loop3A_747 : i32 to index
      %parallel_loop3A_749 = arith.index_cast %parallel_loop3A_746 : i32 to index
      %parallel_loop3A_750 = tpu.vector_load %arg4[%parallel_loop3A_748, %parallel_loop3A_749] {strides = array<i32>} : memref<4x16384xf32, #tpu.memory_space<vmem>>, vector<16xf32>,
      %parallel_loop3A_751 = math.absf %parallel_loop3A_750 : vector<16xf32>
      %parallel_loop3A_752 = arith.maximumf %parallel_loop3A_735, %parallel_loop3A_751 : vector<16xf32>
      %parallel_loop3A_753 = arith.constant 16 : i32
      %parallel_loop3A_754 = arith.addi %parallel_loop3A_744, %parallel_loop3A_753 : i32
      %parallel_loop3A_755 = arith.constant 0 : i32
      %parallel_loop3A_756 = arith.index_cast %parallel_loop3A_755 : i32 to index
      %parallel_loop3A_757 = arith.index_cast %parallel_loop3A_754 : i32 to index
      %parallel_loop3A_758 = tpu.vector_load %arg4[%parallel_loop3A_756, %parallel_loop3A_757] {strides = array<i32>} : memref<4x16384xf32, #tpu.memory_space<vmem>>, vector<16xf32>,
      %parallel_loop3A_759 = math.absf %parallel_loop3A_758 : vector<16xf32>
      %parallel_loop3A_760 = arith.maximumf %parallel_loop3A_736, %parallel_loop3A_759 : vector<16xf32>
      %parallel_loop3A_761 = arith.constant 32 : i32
      %parallel_loop3A_762 = arith.addi %parallel_loop3A_744, %parallel_loop3A_761 : i32
      %parallel_loop3A_763 = arith.constant 0 : i32
      %parallel_loop3A_764 = arith.index_cast %parallel_loop3A_763 : i32 to index
      %parallel_loop3A_765 = arith.index_cast %parallel_loop3A_762 : i32 to index
      %parallel_loop3A_766 = tpu.vector_load %arg4[%parallel_loop3A_764, %parallel_loop3A_765] {strides = array<i32>} : memref<4x16384xf32, #tpu.memory_space<vmem>>, vector<16xf32>,
      %parallel_loop3A_767 = math.absf %parallel_loop3A_766 : vector<16xf32>
      %parallel_loop3A_768 = arith.maximumf %parallel_loop3A_737, %parallel_loop3A_767 : vector<16xf32>
      %parallel_loop3A_769 = arith.constant 48 : i32
      %parallel_loop3A_770 = arith.addi %parallel_loop3A_744, %parallel_loop3A_769 : i32
      %parallel_loop3A_771 = arith.constant 0 : i32
      %parallel_loop3A_772 = arith.index_cast %parallel_loop3A_771 : i32 to index
      %parallel_loop3A_773 = arith.index_cast %parallel_loop3A_770 : i32 to index
      %parallel_loop3A_774 = tpu.vector_load %arg4[%parallel_loop3A_772, %parallel_loop3A_773] {strides = array<i32>} : memref<4x16384xf32, #tpu.memory_space<vmem>>, vector<16xf32>,
      %parallel_loop3A_775 = math.absf %parallel_loop3A_774 : vector<16xf32>
      %parallel_loop3A_776 = arith.maximumf %parallel_loop3A_738, %parallel_loop3A_775 : vector<16xf32>
      %parallel_loop3A_777 = arith.constant 64 : i32
      %parallel_loop3A_778 = arith.addi %parallel_loop3A_744, %parallel_loop3A_777 : i32
      %parallel_loop3A_779 = arith.constant 0 : i32
      %parallel_loop3A_780 = arith.index_cast %parallel_loop3A_779 : i32 to index
      %parallel_loop3A_781 = arith.index_cast %parallel_loop3A_778 : i32 to index
      %parallel_loop3A_782 = tpu.vector_load %arg4[%parallel_loop3A_780, %parallel_loop3A_781] {strides = array<i32>} : memref<4x16384xf32, #tpu.memory_space<vmem>>, vector<16xf32>,
      %parallel_loop3A_783 = math.absf %parallel_loop3A_782 : vector<16xf32>
      %parallel_loop3A_784 = arith.maximumf %parallel_loop3A_739, %parallel_loop3A_783 : vector<16xf32>
      %parallel_loop3A_785 = arith.constant 80 : i32
      %parallel_loop3A_786 = arith.addi %parallel_loop3A_744, %parallel_loop3A_785 : i32
      %parallel_loop3A_787 = arith.constant 0 : i32
      %parallel_loop3A_788 = arith.index_cast %parallel_loop3A_787 : i32 to index
      %parallel_loop3A_789 = arith.index_cast %parallel_loop3A_786 : i32 to index
      %parallel_loop3A_790 = tpu.vector_load %arg4[%parallel_loop3A_788, %parallel_loop3A_789] {strides = array<i32>} : memref<4x16384xf32, #tpu.memory_space<vmem>>, vector<16xf32>,
      %parallel_loop3A_791 = math.absf %parallel_loop3A_790 : vector<16xf32>
      %parallel_loop3A_792 = arith.maximumf %parallel_loop3A_740, %parallel_loop3A_791 : vector<16xf32>
      %parallel_loop3A_793 = arith.constant 96 : i32
      %parallel_loop3A_794 = arith.addi %parallel_loop3A_744, %parallel_loop3A_793 : i32
      %parallel_loop3A_795 = arith.constant 0 : i32
      %parallel_loop3A_796 = arith.index_cast %parallel_loop3A_795 : i32 to index
      %parallel_loop3A_797 = arith.index_cast %parallel_loop3A_794 : i32 to index
      %parallel_loop3A_798 = tpu.vector_load %arg4[%parallel_loop3A_796, %parallel_loop3A_797] {strides = array<i32>} : memref<4x16384xf32, #tpu.memory_space<vmem>>, vector<16xf32>,
      %parallel_loop3A_799 = math.absf %parallel_loop3A_798 : vector<16xf32>
      %parallel_loop3A_800 = arith.maximumf %parallel_loop3A_741, %parallel_loop3A_799 : vector<16xf32>
      %parallel_loop3A_801 = arith.constant 112 : i32
      %parallel_loop3A_802 = arith.addi %parallel_loop3A_744, %parallel_loop3A_801 : i32
      %parallel_loop3A_803 = arith.constant 0 : i32
      %parallel_loop3A_804 = arith.index_cast %parallel_loop3A_803 : i32 to index
      %parallel_loop3A_805 = arith.index_cast %parallel_loop3A_802 : i32 to index
      %parallel_loop3A_806 = tpu.vector_load %arg4[%parallel_loop3A_804, %parallel_loop3A_805] {strides = array<i32>} : memref<4x16384xf32, #tpu.memory_space<vmem>>, vector<16xf32>,
      %parallel_loop3A_807 = math.absf %parallel_loop3A_806 : vector<16xf32>
      %parallel_loop3A_808 = arith.maximumf %parallel_loop3A_742, %parallel_loop3A_807 : vector<16xf32>
      scf.yield %parallel_loop3A_752, %parallel_loop3A_760, %parallel_loop3A_768, %parallel_loop3A_776, %parallel_loop3A_784, %parallel_loop3A_792, %parallel_loop3A_800, %parallel_loop3A_808 : vector<16xf32>, vector<16xf32>, vector<16xf32>, vector<16xf32>, vector<16xf32>, vector<16xf32>, vector<16xf32>, vector<16xf32>
    } {sc.loop_unroll_factor = 1 : i64, sc.parallel_access}
    %max3A_406 = arith.maximumf %parallel_loop3A_405#0, %parallel_loop3A_405#1 : vector<16xf32>
    %max3A_407 = arith.maximumf %max3A_406, %parallel_loop3A_405#2 : vector<16xf32>
    %max3A_408 = arith.maximumf %max3A_407, %parallel_loop3A_405#3 : vector<16xf32>
    %max3A_409 = arith.maximumf %max3A_408, %parallel_loop3A_405#4 : vector<16xf32>
    %max3A_410 = arith.maximumf %max3A_409, %parallel_loop3A_405#5 : vector<16xf32>
    %max3A_411 = arith.maximumf %max3A_410, %parallel_loop3A_405#6 : vector<16xf32>
    %max3A_412 = arith.maximumf %max3A_411, %parallel_loop3A_405#7 : vector<16xf32>
    %parallel_loop3A_413 = arith.constant 0 : i32
    %parallel_loop3A_414 = arith.constant 128 : i32
    %parallel_loop3A_415 = arith.constant 1 : i32
    %parallel_loop3A_416:8 = scf.for %parallel_loop3A_734 = %parallel_loop3A_413 to %parallel_loop3A_414 step %parallel_loop3A_415 iter_args(%parallel_loop3A_735 = %broadcast_in_dim3A_3, %parallel_loop3A_736 = %broadcast_in_dim3A_5, %parallel_loop3A_737 = %broadcast_in_dim3A_7, %parallel_loop3A_738 = %broadcast_in_dim3A_9, %parallel_loop3A_739 = %broadcast_in_dim3A_11, %parallel_loop3A_740 = %broadcast_in_dim3A_13, %parallel_loop3A_741 = %broadcast_in_dim3A_15, %parallel_loop3A_742 = %broadcast_in_dim3A_17) -> (vector<16xf32>, vector<16xf32>, vector<16xf32>, vector<16xf32>, vector<16xf32>, vector<16xf32>, vector<16xf32>, vector<16xf32>)  : i32 {
      %parallel_loop3A_743 = arith.constant 128 : i32
      %parallel_loop3A_744 = arith.muli %parallel_loop3A_734, %parallel_loop3A_743 : i32
      %parallel_loop3A_745 = arith.constant 0 : i32
      %parallel_loop3A_746 = arith.addi %parallel_loop3A_744, %parallel_loop3A_745 : i32
      %parallel_loop3A_747 = arith.constant 1 : i32
      %parallel_loop3A_748 = arith.index_cast %parallel_loop3A_747 : i32 to index
      %parallel_loop3A_749 = arith.index_cast %parallel_loop3A_746 : i32 to index
      %parallel_loop3A_750 = tpu.vector_load %arg4[%parallel_loop3A_748, %parallel_loop3A_749] {strides = array<i32>} : memref<4x16384xf32, #tpu.memory_space<vmem>>, vector<16xf32>,
      %parallel_loop3A_751 = math.absf %parallel_loop3A_750 : vector<16xf32>
      %parallel_loop3A_752 = arith.maximumf %parallel_loop3A_735, %parallel_loop3A_751 : vector<16xf32>
      %parallel_loop3A_753 = arith.constant 16 : i32
      %parallel_loop3A_754 = arith.addi %parallel_loop3A_744, %parallel_loop3A_753 : i32
      %parallel_loop3A_755 = arith.constant 1 : i32
      %parallel_loop3A_756 = arith.index_cast %parallel_loop3A_755 : i32 to index
      %parallel_loop3A_757 = arith.index_cast %parallel_loop3A_754 : i32 to index
      %parallel_loop3A_758 = tpu.vector_load %arg4[%parallel_loop3A_756, %parallel_loop3A_757] {strides = array<i32>} : memref<4x16384xf32, #tpu.memory_space<vmem>>, vector<16xf32>,
      %parallel_loop3A_759 = math.absf %parallel_loop3A_758 : vector<16xf32>
      %parallel_loop3A_760 = arith.maximumf %parallel_loop3A_736, %parallel_loop3A_759 : vector<16xf32>
      %parallel_loop3A_761 = arith.constant 32 : i32
      %parallel_loop3A_762 = arith.addi %parallel_loop3A_744, %parallel_loop3A_761 : i32
      %parallel_loop3A_763 = arith.constant 1 : i32
      %parallel_loop3A_764 = arith.index_cast %parallel_loop3A_763 : i32 to index
      %parallel_loop3A_765 = arith.index_cast %parallel_loop3A_762 : i32 to index
      %parallel_loop3A_766 = tpu.vector_load %arg4[%parallel_loop3A_764, %parallel_loop3A_765] {strides = array<i32>} : memref<4x16384xf32, #tpu.memory_space<vmem>>, vector<16xf32>,
      %parallel_loop3A_767 = math.absf %parallel_loop3A_766 : vector<16xf32>
      %parallel_loop3A_768 = arith.maximumf %parallel_loop3A_737, %parallel_loop3A_767 : vector<16xf32>
      %parallel_loop3A_769 = arith.constant 48 : i32
      %parallel_loop3A_770 = arith.addi %parallel_loop3A_744, %parallel_loop3A_769 : i32
      %parallel_loop3A_771 = arith.constant 1 : i32
      %parallel_loop3A_772 = arith.index_cast %parallel_loop3A_771 : i32 to index
      %parallel_loop3A_773 = arith.index_cast %parallel_loop3A_770 : i32 to index
      %parallel_loop3A_774 = tpu.vector_load %arg4[%parallel_loop3A_772, %parallel_loop3A_773] {strides = array<i32>} : memref<4x16384xf32, #tpu.memory_space<vmem>>, vector<16xf32>,
      %parallel_loop3A_775 = math.absf %parallel_loop3A_774 : vector<16xf32>
      %parallel_loop3A_776 = arith.maximumf %parallel_loop3A_738, %parallel_loop3A_775 : vector<16xf32>
      %parallel_loop3A_777 = arith.constant 64 : i32
      %parallel_loop3A_778 = arith.addi %parallel_loop3A_744, %parallel_loop3A_777 : i32
      %parallel_loop3A_779 = arith.constant 1 : i32
      %parallel_loop3A_780 = arith.index_cast %parallel_loop3A_779 : i32 to index
      %parallel_loop3A_781 = arith.index_cast %parallel_loop3A_778 : i32 to index
      %parallel_loop3A_782 = tpu.vector_load %arg4[%parallel_loop3A_780, %parallel_loop3A_781] {strides = array<i32>} : memref<4x16384xf32, #tpu.memory_space<vmem>>, vector<16xf32>,
      %parallel_loop3A_783 = math.absf %parallel_loop3A_782 : vector<16xf32>
      %parallel_loop3A_784 = arith.maximumf %parallel_loop3A_739, %parallel_loop3A_783 : vector<16xf32>
      %parallel_loop3A_785 = arith.constant 80 : i32
      %parallel_loop3A_786 = arith.addi %parallel_loop3A_744, %parallel_loop3A_785 : i32
      %parallel_loop3A_787 = arith.constant 1 : i32
      %parallel_loop3A_788 = arith.index_cast %parallel_loop3A_787 : i32 to index
      %parallel_loop3A_789 = arith.index_cast %parallel_loop3A_786 : i32 to index
      %parallel_loop3A_790 = tpu.vector_load %arg4[%parallel_loop3A_788, %parallel_loop3A_789] {strides = array<i32>} : memref<4x16384xf32, #tpu.memory_space<vmem>>, vector<16xf32>,
      %parallel_loop3A_791 = math.absf %parallel_loop3A_790 : vector<16xf32>
      %parallel_loop3A_792 = arith.maximumf %parallel_loop3A_740, %parallel_loop3A_791 : vector<16xf32>
      %parallel_loop3A_793 = arith.constant 96 : i32
      %parallel_loop3A_794 = arith.addi %parallel_loop3A_744, %parallel_loop3A_793 : i32
      %parallel_loop3A_795 = arith.constant 1 : i32
      %parallel_loop3A_796 = arith.index_cast %parallel_loop3A_795 : i32 to index
      %parallel_loop3A_797 = arith.index_cast %parallel_loop3A_794 : i32 to index
      %parallel_loop3A_798 = tpu.vector_load %arg4[%parallel_loop3A_796, %parallel_loop3A_797] {strides = array<i32>} : memref<4x16384xf32, #tpu.memory_space<vmem>>, vector<16xf32>,
      %parallel_loop3A_799 = math.absf %parallel_loop3A_798 : vector<16xf32>
      %parallel_loop3A_800 = arith.maximumf %parallel_loop3A_741, %parallel_loop3A_799 : vector<16xf32>
      %parallel_loop3A_801 = arith.constant 112 : i32
      %parallel_loop3A_802 = arith.addi %parallel_loop3A_744, %parallel_loop3A_801 : i32
      %parallel_loop3A_803 = arith.constant 1 : i32
      %parallel_loop3A_804 = arith.index_cast %parallel_loop3A_803 : i32 to index
      %parallel_loop3A_805 = arith.index_cast %parallel_loop3A_802 : i32 to index
      %parallel_loop3A_806 = tpu.vector_load %arg4[%parallel_loop3A_804, %parallel_loop3A_805] {strides = array<i32>} : memref<4x16384xf32, #tpu.memory_space<vmem>>, vector<16xf32>,
      %parallel_loop3A_807 = math.absf %parallel_loop3A_806 : vector<16xf32>
      %parallel_loop3A_808 = arith.maximumf %parallel_loop3A_742, %parallel_loop3A_807 : vector<16xf32>
      scf.yield %parallel_loop3A_752, %parallel_loop3A_760, %parallel_loop3A_768, %parallel_loop3A_776, %parallel_loop3A_784, %parallel_loop3A_792, %parallel_loop3A_800, %parallel_loop3A_808 : vector<16xf32>, vector<16xf32>, vector<16xf32>, vector<16xf32>, vector<16xf32>, vector<16xf32>, vector<16xf32>, vector<16xf32>
    } {sc.loop_unroll_factor = 1 : i64, sc.parallel_access}
    %max3A_417 = arith.maximumf %parallel_loop3A_416#0, %parallel_loop3A_416#1 : vector<16xf32>
    %max3A_418 = arith.maximumf %max3A_417, %parallel_loop3A_416#2 : vector<16xf32>
    %max3A_419 = arith.maximumf %max3A_418, %parallel_loop3A_416#3 : vector<16xf32>
    %max3A_420 = arith.maximumf %max3A_419, %parallel_loop3A_416#4 : vector<16xf32>
    %max3A_421 = arith.maximumf %max3A_420, %parallel_loop3A_416#5 : vector<16xf32>
    %max3A_422 = arith.maximumf %max3A_421, %parallel_loop3A_416#6 : vector<16xf32>
    %max3A_423 = arith.maximumf %max3A_422, %parallel_loop3A_416#7 : vector<16xf32>
    %max3A_424 = arith.maximumf %max3A_412, %max3A_423 : vector<16xf32>
    %add3A_425 = arith.constant 1 : i32
    %add3A_426 = arith.addi %add3A_375, %add3A_425 : i32
    %dma_start3A_427 = arith.constant 2 : i32
    %dma_start3A_428 = arith.constant 0 : i32
    %dma_start3A_429 = tpu.memref_slice %arg4[%dma_start3A_427, %dma_start3A_428] : memref<4x16384xf32, #tpu.memory_space<vmem>> -> memref<1x16384xf32, #tpu.memory_space<vmem>>
    %dma_start3A_430 = tpu.memref_squeeze %dma_start3A_429 : memref<1x16384xf32, #tpu.memory_space<vmem>> -> memref<16384xf32, #tpu.memory_space<vmem>>
    %dma_start3A_431 = arith.constant 0 : i32
    %dma_start3A_432 = tpu.memref_slice %arg2[%add3A_426, %dma_start3A_431] : memref<128x32768xf32, #tpu.memory_space<hbm>> -> memref<1x16384xf32, #tpu.memory_space<hbm>>
    %dma_start3A_433 = tpu.memref_squeeze %dma_start3A_432 : memref<1x16384xf32, #tpu.memory_space<hbm>> -> memref<16384xf32, #tpu.memory_space<hbm>>
    %dma_start3A_434 = arith.constant 0 : i32
    %dma_start3A_435 = tpu.memref_slice %arg4[%dma_start3A_427, %dma_start3A_434] : memref<4x16384xf32, #tpu.memory_space<vmem>> -> memref<1x16384xf32, #tpu.memory_space<vmem>>
    %dma_start3A_436 = tpu.memref_squeeze %dma_start3A_435 : memref<1x16384xf32, #tpu.memory_space<vmem>> -> memref<16384xf32, #tpu.memory_space<vmem>>
    %dma_start3A_437 = arith.constant 0 : i32
    %dma_start3A_438 = tpu.memref_slice %arg2[%add3A_426, %dma_start3A_437] : memref<128x32768xf32, #tpu.memory_space<hbm>> -> memref<1x16384xf32, #tpu.memory_space<hbm>>
    %dma_start3A_439 = tpu.memref_squeeze %dma_start3A_438 : memref<1x16384xf32, #tpu.memory_space<hbm>> -> memref<16384xf32, #tpu.memory_space<hbm>>
    tpu.enqueue_dma source(%dma_start3A_439 : memref<16384xf32, #tpu.memory_space<hbm>>) target(%dma_start3A_436 : memref<16384xf32, #tpu.memory_space<vmem>>) target_semaphore(%arg7 : memref<!tpu.dma_semaphore, #tpu.memory_space<semaphore_mem>>)
    %add3A_440 = arith.constant 1 : i32
    %add3A_441 = arith.addi %add3A_375, %add3A_440 : i32
    %dma_start3A_442 = arith.constant 3 : i32
    %dma_start3A_443 = arith.constant 0 : i32
    %dma_start3A_444 = tpu.memref_slice %arg4[%dma_start3A_442, %dma_start3A_443] : memref<4x16384xf32, #tpu.memory_space<vmem>> -> memref<1x16384xf32, #tpu.memory_space<vmem>>
    %dma_start3A_445 = tpu.memref_squeeze %dma_start3A_444 : memref<1x16384xf32, #tpu.memory_space<vmem>> -> memref<16384xf32, #tpu.memory_space<vmem>>
    %dma_start3A_446 = arith.constant 16384 : i32
    %dma_start3A_447 = tpu.memref_slice %arg2[%add3A_441, %dma_start3A_446] : memref<128x32768xf32, #tpu.memory_space<hbm>> -> memref<1x16384xf32, #tpu.memory_space<hbm>>
    %dma_start3A_448 = tpu.memref_squeeze %dma_start3A_447 : memref<1x16384xf32, #tpu.memory_space<hbm>> -> memref<16384xf32, #tpu.memory_space<hbm>>
    %dma_start3A_449 = arith.constant 0 : i32
    %dma_start3A_450 = tpu.memref_slice %arg4[%dma_start3A_442, %dma_start3A_449] : memref<4x16384xf32, #tpu.memory_space<vmem>> -> memref<1x16384xf32, #tpu.memory_space<vmem>>
    %dma_start3A_451 = tpu.memref_squeeze %dma_start3A_450 : memref<1x16384xf32, #tpu.memory_space<vmem>> -> memref<16384xf32, #tpu.memory_space<vmem>>
    %dma_start3A_452 = arith.constant 16384 : i32
    %dma_start3A_453 = tpu.memref_slice %arg2[%add3A_441, %dma_start3A_452] : memref<128x32768xf32, #tpu.memory_space<hbm>> -> memref<1x16384xf32, #tpu.memory_space<hbm>>
    %dma_start3A_454 = tpu.memref_squeeze %dma_start3A_453 : memref<1x16384xf32, #tpu.memory_space<hbm>> -> memref<16384xf32, #tpu.memory_space<hbm>>
    tpu.enqueue_dma source(%dma_start3A_454 : memref<16384xf32, #tpu.memory_space<hbm>>) target(%dma_start3A_451 : memref<16384xf32, #tpu.memory_space<vmem>>) target_semaphore(%arg7 : memref<!tpu.dma_semaphore, #tpu.memory_space<semaphore_mem>>)
    %swap3A_455 = arith.constant 0 : index
    %swap3A_456 = tpu.vector_load %arg6[%swap3A_455] {strides = array<i32>} : memref<16xf32, #tpu.memory_space<vmem>>, vector<16xf32>,
    tpu.vector_store %arg6[%swap3A_455], %max3A_424 {strides = array<i32>} : memref<16xf32, #tpu.memory_space<vmem>>, vector<16xf32>,
    %xor3A_457 = arith.constant 1 : i32
    %xor3A_458 = vector.broadcast %xor3A_457 : i32 to vector<16xi32>
    %xor3A_459 = arith.xori %iota3A, %xor3A_458 : vector<16xi32>
    %gather3A_460 = tpu.vector_load_idx %arg6[%xor3A_459] : memref<16xf32, #tpu.memory_space<vmem>>[vector<16xi32>], vector<16xf32>,
    %max3A_461 = arith.maximumf %max3A_424, %gather3A_460 : vector<16xf32>
    %swap3A_462 = arith.constant 0 : index
    %swap3A_463 = tpu.vector_load %arg6[%swap3A_462] {strides = array<i32>} : memref<16xf32, #tpu.memory_space<vmem>>, vector<16xf32>,
    tpu.vector_store %arg6[%swap3A_462], %max3A_461 {strides = array<i32>} : memref<16xf32, #tpu.memory_space<vmem>>, vector<16xf32>,
    %xor3A_464 = arith.constant 2 : i32
    %xor3A_465 = vector.broadcast %xor3A_464 : i32 to vector<16xi32>
    %xor3A_466 = arith.xori %iota3A, %xor3A_465 : vector<16xi32>
    %gather3A_467 = tpu.vector_load_idx %arg6[%xor3A_466] : memref<16xf32, #tpu.memory_space<vmem>>[vector<16xi32>], vector<16xf32>,
    %max3A_468 = arith.maximumf %max3A_461, %gather3A_467 : vector<16xf32>
    %swap3A_469 = arith.constant 0 : index
    %swap3A_470 = tpu.vector_load %arg6[%swap3A_469] {strides = array<i32>} : memref<16xf32, #tpu.memory_space<vmem>>, vector<16xf32>,
    tpu.vector_store %arg6[%swap3A_469], %max3A_468 {strides = array<i32>} : memref<16xf32, #tpu.memory_space<vmem>>, vector<16xf32>,
    %xor3A_471 = arith.constant 4 : i32
    %xor3A_472 = vector.broadcast %xor3A_471 : i32 to vector<16xi32>
    %xor3A_473 = arith.xori %iota3A, %xor3A_472 : vector<16xi32>
    %gather3A_474 = tpu.vector_load_idx %arg6[%xor3A_473] : memref<16xf32, #tpu.memory_space<vmem>>[vector<16xi32>], vector<16xf32>,
    %max3A_475 = arith.maximumf %max3A_468, %gather3A_474 : vector<16xf32>
    %swap3A_476 = arith.constant 0 : index
    %swap3A_477 = tpu.vector_load %arg6[%swap3A_476] {strides = array<i32>} : memref<16xf32, #tpu.memory_space<vmem>>, vector<16xf32>,
    tpu.vector_store %arg6[%swap3A_476], %max3A_475 {strides = array<i32>} : memref<16xf32, #tpu.memory_space<vmem>>, vector<16xf32>,
    %xor3A_478 = arith.constant 8 : i32
    %xor3A_479 = vector.broadcast %xor3A_478 : i32 to vector<16xi32>
    %xor3A_480 = arith.xori %iota3A, %xor3A_479 : vector<16xi32>
    %gather3A_481 = tpu.vector_load_idx %arg6[%xor3A_480] : memref<16xf32, #tpu.memory_space<vmem>>[vector<16xi32>], vector<16xf32>,
    %max3A_482 = arith.maximumf %max3A_475, %gather3A_481 : vector<16xf32>
    %add3A_483 = arith.constant 9.99999997E-7 : f32
    %add3A_484 = vector.broadcast %add3A_483 : f32 to vector<16xf32>
    %add3A_485 = arith.addf %max3A_482, %add3A_484 : vector<16xf32>
    %mul3A_486 = arith.constant 5.000000e-01 : f32
    %mul3A_487 = vector.broadcast %mul3A_486 : f32 to vector<16xf32>
    %mul3A_488 = arith.mulf %mul3A_487, %add3A_485 : vector<16xf32>
    %neg3A_489 = arith.constant 0.000000e+00 : f32
    %neg3A_490 = vector.broadcast %neg3A_489 : f32 to vector<16xf32>
    %neg3A_491 = arith.subf %neg3A_490, %mul3A_488 : vector<16xf32>
    %broadcast_in_dim3A_492 = arith.constant 1.000000e+00 : f32
    %broadcast_in_dim3A_493 = vector.broadcast %broadcast_in_dim3A_492 : f32 to vector<16xf32>
    %broadcast_in_dim3A_494 = arith.constant -1.000000e+00 : f32
    %broadcast_in_dim3A_495 = vector.broadcast %broadcast_in_dim3A_494 : f32 to vector<16xf32>
    %broadcast_in_dim3A_496 = arith.constant 0.000000e+00 : f32
    %broadcast_in_dim3A_497 = vector.broadcast %broadcast_in_dim3A_496 : f32 to vector<16xf32>
    %dma_wait3A_498 = arith.constant 0 : i32
    %dma_wait3A_499 = arith.constant 0 : i32
    %dma_wait3A_500 = tpu.memref_slice %arg5[%dma_wait3A_498, %dma_wait3A_499] : memref<2x16384xf32, #tpu.memory_space<vmem>> -> memref<1x16384xf32, #tpu.memory_space<vmem>>
    %dma_wait3A_501 = tpu.memref_squeeze %dma_wait3A_500 : memref<1x16384xf32, #tpu.memory_space<vmem>> -> memref<16384xf32, #tpu.memory_space<vmem>>
    %dma_wait3A_502 = arith.constant 0 : i32
    %dma_wait3A_503 = tpu.memref_slice %arg3[%add3A_193, %dma_wait3A_502] : memref<128x32768xf32, #tpu.memory_space<hbm>> -> memref<1x16384xf32, #tpu.memory_space<hbm>>
    %dma_wait3A_504 = tpu.memref_squeeze %dma_wait3A_503 : memref<1x16384xf32, #tpu.memory_space<hbm>> -> memref<16384xf32, #tpu.memory_space<hbm>>
    %dma_wait3A_505 = arith.constant 0 : i32
    %dma_wait3A_506 = tpu.memref_slice %arg3[%add3A_193, %dma_wait3A_505] : memref<128x32768xf32, #tpu.memory_space<hbm>> -> memref<1x16384xf32, #tpu.memory_space<hbm>>
    %dma_wait3A_507 = tpu.memref_squeeze %dma_wait3A_506 : memref<1x16384xf32, #tpu.memory_space<hbm>> -> memref<16384xf32, #tpu.memory_space<hbm>>
    %dma_wait3A_508 = arith.constant 0 : i32
    %dma_wait3A_509 = tpu.memref_slice %arg5[%dma_wait3A_498, %dma_wait3A_508] : memref<2x16384xf32, #tpu.memory_space<vmem>> -> memref<1x16384xf32, #tpu.memory_space<vmem>>
    %dma_wait3A_510 = tpu.memref_squeeze %dma_wait3A_509 : memref<1x16384xf32, #tpu.memory_space<vmem>> -> memref<16384xf32, #tpu.memory_space<vmem>>
    tpu.wait_dma2 semaphore(%arg8 : memref<!tpu.dma_semaphore, #tpu.memory_space<semaphore_mem>>) src(%dma_wait3A_510 : memref<16384xf32, #tpu.memory_space<vmem>>) dst(%dma_wait3A_507 : memref<16384xf32, #tpu.memory_space<hbm>>)
    %dma_wait3A_511 = arith.constant 1 : i32
    %dma_wait3A_512 = arith.constant 0 : i32
    %dma_wait3A_513 = tpu.memref_slice %arg5[%dma_wait3A_511, %dma_wait3A_512] : memref<2x16384xf32, #tpu.memory_space<vmem>> -> memref<1x16384xf32, #tpu.memory_space<vmem>>
    %dma_wait3A_514 = tpu.memref_squeeze %dma_wait3A_513 : memref<1x16384xf32, #tpu.memory_space<vmem>> -> memref<16384xf32, #tpu.memory_space<vmem>>
    %dma_wait3A_515 = arith.constant 16384 : i32
    %dma_wait3A_516 = tpu.memref_slice %arg3[%add3A_193, %dma_wait3A_515] : memref<128x32768xf32, #tpu.memory_space<hbm>> -> memref<1x16384xf32, #tpu.memory_space<hbm>>
    %dma_wait3A_517 = tpu.memref_squeeze %dma_wait3A_516 : memref<1x16384xf32, #tpu.memory_space<hbm>> -> memref<16384xf32, #tpu.memory_space<hbm>>
    %dma_wait3A_518 = arith.constant 16384 : i32
    %dma_wait3A_519 = tpu.memref_slice %arg3[%add3A_193, %dma_wait3A_518] : memref<128x32768xf32, #tpu.memory_space<hbm>> -> memref<1x16384xf32, #tpu.memory_space<hbm>>
    %dma_wait3A_520 = tpu.memref_squeeze %dma_wait3A_519 : memref<1x16384xf32, #tpu.memory_space<hbm>> -> memref<16384xf32, #tpu.memory_space<hbm>>
    %dma_wait3A_521 = arith.constant 0 : i32
    %dma_wait3A_522 = tpu.memref_slice %arg5[%dma_wait3A_511, %dma_wait3A_521] : memref<2x16384xf32, #tpu.memory_space<vmem>> -> memref<1x16384xf32, #tpu.memory_space<vmem>>
    %dma_wait3A_523 = tpu.memref_squeeze %dma_wait3A_522 : memref<1x16384xf32, #tpu.memory_space<vmem>> -> memref<16384xf32, #tpu.memory_space<vmem>>
    tpu.wait_dma2 semaphore(%arg8 : memref<!tpu.dma_semaphore, #tpu.memory_space<semaphore_mem>>) src(%dma_wait3A_523 : memref<16384xf32, #tpu.memory_space<vmem>>) dst(%dma_wait3A_520 : memref<16384xf32, #tpu.memory_space<hbm>>)
    %parallel_loop3A_524 = arith.constant 0 : i32
    %parallel_loop3A_525 = arith.constant 128 : i32
    %parallel_loop3A_526 = arith.constant 1 : i32
    scf.for %parallel_loop3A_734 = %parallel_loop3A_524 to %parallel_loop3A_525 step %parallel_loop3A_526  : i32 {
      %parallel_loop3A_735 = arith.constant 128 : i32
      %parallel_loop3A_736 = arith.muli %parallel_loop3A_734, %parallel_loop3A_735 : i32
      %parallel_loop3A_737 = arith.constant 0 : i32
      %parallel_loop3A_738 = arith.addi %parallel_loop3A_736, %parallel_loop3A_737 : i32
      %parallel_loop3A_739 = arith.constant 0 : i32
      %parallel_loop3A_740 = arith.index_cast %parallel_loop3A_739 : i32 to index
      %parallel_loop3A_741 = arith.index_cast %parallel_loop3A_738 : i32 to index
      %parallel_loop3A_742 = tpu.vector_load %arg4[%parallel_loop3A_740, %parallel_loop3A_741] {strides = array<i32>} : memref<4x16384xf32, #tpu.memory_space<vmem>>, vector<16xf32>,
      %parallel_loop3A_743 = arith.cmpf ogt, %parallel_loop3A_742, %mul3A_488 : vector<16xf32>
      %parallel_loop3A_744 = arith.cmpf olt, %parallel_loop3A_742, %neg3A_491 : vector<16xf32>
      %parallel_loop3A_745 = arith.select %parallel_loop3A_744, %broadcast_in_dim3A_495, %broadcast_in_dim3A_497 : vector<16xi1>, vector<16xf32>
      %parallel_loop3A_746 = arith.select %parallel_loop3A_743, %broadcast_in_dim3A_493, %parallel_loop3A_745 : vector<16xi1>, vector<16xf32>
      %parallel_loop3A_747 = arith.constant 0 : i32
      %parallel_loop3A_748 = arith.addi %parallel_loop3A_736, %parallel_loop3A_747 : i32
      %parallel_loop3A_749 = arith.constant 0 : i32
      %parallel_loop3A_750 = arith.index_cast %parallel_loop3A_749 : i32 to index
      %parallel_loop3A_751 = arith.index_cast %parallel_loop3A_748 : i32 to index
      %parallel_loop3A_752 = tpu.vector_load %arg5[%parallel_loop3A_750, %parallel_loop3A_751] {strides = array<i32>} : memref<2x16384xf32, #tpu.memory_space<vmem>>, vector<16xf32>,
      tpu.vector_store %arg5[%parallel_loop3A_750, %parallel_loop3A_751], %parallel_loop3A_746 {strides = array<i32>} : memref<2x16384xf32, #tpu.memory_space<vmem>>, vector<16xf32>,
      %parallel_loop3A_753 = arith.constant 16 : i32
      %parallel_loop3A_754 = arith.addi %parallel_loop3A_736, %parallel_loop3A_753 : i32
      %parallel_loop3A_755 = arith.constant 0 : i32
      %parallel_loop3A_756 = arith.index_cast %parallel_loop3A_755 : i32 to index
      %parallel_loop3A_757 = arith.index_cast %parallel_loop3A_754 : i32 to index
      %parallel_loop3A_758 = tpu.vector_load %arg4[%parallel_loop3A_756, %parallel_loop3A_757] {strides = array<i32>} : memref<4x16384xf32, #tpu.memory_space<vmem>>, vector<16xf32>,
      %parallel_loop3A_759 = arith.cmpf ogt, %parallel_loop3A_758, %mul3A_488 : vector<16xf32>
      %parallel_loop3A_760 = arith.cmpf olt, %parallel_loop3A_758, %neg3A_491 : vector<16xf32>
      %parallel_loop3A_761 = arith.select %parallel_loop3A_760, %broadcast_in_dim3A_495, %broadcast_in_dim3A_497 : vector<16xi1>, vector<16xf32>
      %parallel_loop3A_762 = arith.select %parallel_loop3A_759, %broadcast_in_dim3A_493, %parallel_loop3A_761 : vector<16xi1>, vector<16xf32>
      %parallel_loop3A_763 = arith.constant 16 : i32
      %parallel_loop3A_764 = arith.addi %parallel_loop3A_736, %parallel_loop3A_763 : i32
      %parallel_loop3A_765 = arith.constant 0 : i32
      %parallel_loop3A_766 = arith.index_cast %parallel_loop3A_765 : i32 to index
      %parallel_loop3A_767 = arith.index_cast %parallel_loop3A_764 : i32 to index
      %parallel_loop3A_768 = tpu.vector_load %arg5[%parallel_loop3A_766, %parallel_loop3A_767] {strides = array<i32>} : memref<2x16384xf32, #tpu.memory_space<vmem>>, vector<16xf32>,
      tpu.vector_store %arg5[%parallel_loop3A_766, %parallel_loop3A_767], %parallel_loop3A_762 {strides = array<i32>} : memref<2x16384xf32, #tpu.memory_space<vmem>>, vector<16xf32>,
      %parallel_loop3A_769 = arith.constant 32 : i32
      %parallel_loop3A_770 = arith.addi %parallel_loop3A_736, %parallel_loop3A_769 : i32
      %parallel_loop3A_771 = arith.constant 0 : i32
      %parallel_loop3A_772 = arith.index_cast %parallel_loop3A_771 : i32 to index
      %parallel_loop3A_773 = arith.index_cast %parallel_loop3A_770 : i32 to index
      %parallel_loop3A_774 = tpu.vector_load %arg4[%parallel_loop3A_772, %parallel_loop3A_773] {strides = array<i32>} : memref<4x16384xf32, #tpu.memory_space<vmem>>, vector<16xf32>,
      %parallel_loop3A_775 = arith.cmpf ogt, %parallel_loop3A_774, %mul3A_488 : vector<16xf32>
      %parallel_loop3A_776 = arith.cmpf olt, %parallel_loop3A_774, %neg3A_491 : vector<16xf32>
      %parallel_loop3A_777 = arith.select %parallel_loop3A_776, %broadcast_in_dim3A_495, %broadcast_in_dim3A_497 : vector<16xi1>, vector<16xf32>
      %parallel_loop3A_778 = arith.select %parallel_loop3A_775, %broadcast_in_dim3A_493, %parallel_loop3A_777 : vector<16xi1>, vector<16xf32>
      %parallel_loop3A_779 = arith.constant 32 : i32
      %parallel_loop3A_780 = arith.addi %parallel_loop3A_736, %parallel_loop3A_779 : i32
      %parallel_loop3A_781 = arith.constant 0 : i32
      %parallel_loop3A_782 = arith.index_cast %parallel_loop3A_781 : i32 to index
      %parallel_loop3A_783 = arith.index_cast %parallel_loop3A_780 : i32 to index
      %parallel_loop3A_784 = tpu.vector_load %arg5[%parallel_loop3A_782, %parallel_loop3A_783] {strides = array<i32>} : memref<2x16384xf32, #tpu.memory_space<vmem>>, vector<16xf32>,
      tpu.vector_store %arg5[%parallel_loop3A_782, %parallel_loop3A_783], %parallel_loop3A_778 {strides = array<i32>} : memref<2x16384xf32, #tpu.memory_space<vmem>>, vector<16xf32>,
      %parallel_loop3A_785 = arith.constant 48 : i32
      %parallel_loop3A_786 = arith.addi %parallel_loop3A_736, %parallel_loop3A_785 : i32
      %parallel_loop3A_787 = arith.constant 0 : i32
      %parallel_loop3A_788 = arith.index_cast %parallel_loop3A_787 : i32 to index
      %parallel_loop3A_789 = arith.index_cast %parallel_loop3A_786 : i32 to index
      %parallel_loop3A_790 = tpu.vector_load %arg4[%parallel_loop3A_788, %parallel_loop3A_789] {strides = array<i32>} : memref<4x16384xf32, #tpu.memory_space<vmem>>, vector<16xf32>,
      %parallel_loop3A_791 = arith.cmpf ogt, %parallel_loop3A_790, %mul3A_488 : vector<16xf32>
      %parallel_loop3A_792 = arith.cmpf olt, %parallel_loop3A_790, %neg3A_491 : vector<16xf32>
      %parallel_loop3A_793 = arith.select %parallel_loop3A_792, %broadcast_in_dim3A_495, %broadcast_in_dim3A_497 : vector<16xi1>, vector<16xf32>
      %parallel_loop3A_794 = arith.select %parallel_loop3A_791, %broadcast_in_dim3A_493, %parallel_loop3A_793 : vector<16xi1>, vector<16xf32>
      %parallel_loop3A_795 = arith.constant 48 : i32
      %parallel_loop3A_796 = arith.addi %parallel_loop3A_736, %parallel_loop3A_795 : i32
      %parallel_loop3A_797 = arith.constant 0 : i32
      %parallel_loop3A_798 = arith.index_cast %parallel_loop3A_797 : i32 to index
      %parallel_loop3A_799 = arith.index_cast %parallel_loop3A_796 : i32 to index
      %parallel_loop3A_800 = tpu.vector_load %arg5[%parallel_loop3A_798, %parallel_loop3A_799] {strides = array<i32>} : memref<2x16384xf32, #tpu.memory_space<vmem>>, vector<16xf32>,
      tpu.vector_store %arg5[%parallel_loop3A_798, %parallel_loop3A_799], %parallel_loop3A_794 {strides = array<i32>} : memref<2x16384xf32, #tpu.memory_space<vmem>>, vector<16xf32>,
      %parallel_loop3A_801 = arith.constant 64 : i32
      %parallel_loop3A_802 = arith.addi %parallel_loop3A_736, %parallel_loop3A_801 : i32
      %parallel_loop3A_803 = arith.constant 0 : i32
      %parallel_loop3A_804 = arith.index_cast %parallel_loop3A_803 : i32 to index
      %parallel_loop3A_805 = arith.index_cast %parallel_loop3A_802 : i32 to index
      %parallel_loop3A_806 = tpu.vector_load %arg4[%parallel_loop3A_804, %parallel_loop3A_805] {strides = array<i32>} : memref<4x16384xf32, #tpu.memory_space<vmem>>, vector<16xf32>,
      %parallel_loop3A_807 = arith.cmpf ogt, %parallel_loop3A_806, %mul3A_488 : vector<16xf32>
      %parallel_loop3A_808 = arith.cmpf olt, %parallel_loop3A_806, %neg3A_491 : vector<16xf32>
      %parallel_loop3A_809 = arith.select %parallel_loop3A_808, %broadcast_in_dim3A_495, %broadcast_in_dim3A_497 : vector<16xi1>, vector<16xf32>
      %parallel_loop3A_810 = arith.select %parallel_loop3A_807, %broadcast_in_dim3A_493, %parallel_loop3A_809 : vector<16xi1>, vector<16xf32>
      %parallel_loop3A_811 = arith.constant 64 : i32
      %parallel_loop3A_812 = arith.addi %parallel_loop3A_736, %parallel_loop3A_811 : i32
      %parallel_loop3A_813 = arith.constant 0 : i32
      %parallel_loop3A_814 = arith.index_cast %parallel_loop3A_813 : i32 to index
      %parallel_loop3A_815 = arith.index_cast %parallel_loop3A_812 : i32 to index
      %parallel_loop3A_816 = tpu.vector_load %arg5[%parallel_loop3A_814, %parallel_loop3A_815] {strides = array<i32>} : memref<2x16384xf32, #tpu.memory_space<vmem>>, vector<16xf32>,
      tpu.vector_store %arg5[%parallel_loop3A_814, %parallel_loop3A_815], %parallel_loop3A_810 {strides = array<i32>} : memref<2x16384xf32, #tpu.memory_space<vmem>>, vector<16xf32>,
      %parallel_loop3A_817 = arith.constant 80 : i32
      %parallel_loop3A_818 = arith.addi %parallel_loop3A_736, %parallel_loop3A_817 : i32
      %parallel_loop3A_819 = arith.constant 0 : i32
      %parallel_loop3A_820 = arith.index_cast %parallel_loop3A_819 : i32 to index
      %parallel_loop3A_821 = arith.index_cast %parallel_loop3A_818 : i32 to index
      %parallel_loop3A_822 = tpu.vector_load %arg4[%parallel_loop3A_820, %parallel_loop3A_821] {strides = array<i32>} : memref<4x16384xf32, #tpu.memory_space<vmem>>, vector<16xf32>,
      %parallel_loop3A_823 = arith.cmpf ogt, %parallel_loop3A_822, %mul3A_488 : vector<16xf32>
      %parallel_loop3A_824 = arith.cmpf olt, %parallel_loop3A_822, %neg3A_491 : vector<16xf32>
      %parallel_loop3A_825 = arith.select %parallel_loop3A_824, %broadcast_in_dim3A_495, %broadcast_in_dim3A_497 : vector<16xi1>, vector<16xf32>
      %parallel_loop3A_826 = arith.select %parallel_loop3A_823, %broadcast_in_dim3A_493, %parallel_loop3A_825 : vector<16xi1>, vector<16xf32>
      %parallel_loop3A_827 = arith.constant 80 : i32
      %parallel_loop3A_828 = arith.addi %parallel_loop3A_736, %parallel_loop3A_827 : i32
      %parallel_loop3A_829 = arith.constant 0 : i32
      %parallel_loop3A_830 = arith.index_cast %parallel_loop3A_829 : i32 to index
      %parallel_loop3A_831 = arith.index_cast %parallel_loop3A_828 : i32 to index
      %parallel_loop3A_832 = tpu.vector_load %arg5[%parallel_loop3A_830, %parallel_loop3A_831] {strides = array<i32>} : memref<2x16384xf32, #tpu.memory_space<vmem>>, vector<16xf32>,
      tpu.vector_store %arg5[%parallel_loop3A_830, %parallel_loop3A_831], %parallel_loop3A_826 {strides = array<i32>} : memref<2x16384xf32, #tpu.memory_space<vmem>>, vector<16xf32>,
      %parallel_loop3A_833 = arith.constant 96 : i32
      %parallel_loop3A_834 = arith.addi %parallel_loop3A_736, %parallel_loop3A_833 : i32
      %parallel_loop3A_835 = arith.constant 0 : i32
      %parallel_loop3A_836 = arith.index_cast %parallel_loop3A_835 : i32 to index
      %parallel_loop3A_837 = arith.index_cast %parallel_loop3A_834 : i32 to index
      %parallel_loop3A_838 = tpu.vector_load %arg4[%parallel_loop3A_836, %parallel_loop3A_837] {strides = array<i32>} : memref<4x16384xf32, #tpu.memory_space<vmem>>, vector<16xf32>,
      %parallel_loop3A_839 = arith.cmpf ogt, %parallel_loop3A_838, %mul3A_488 : vector<16xf32>
      %parallel_loop3A_840 = arith.cmpf olt, %parallel_loop3A_838, %neg3A_491 : vector<16xf32>
      %parallel_loop3A_841 = arith.select %parallel_loop3A_840, %broadcast_in_dim3A_495, %broadcast_in_dim3A_497 : vector<16xi1>, vector<16xf32>
      %parallel_loop3A_842 = arith.select %parallel_loop3A_839, %broadcast_in_dim3A_493, %parallel_loop3A_841 : vector<16xi1>, vector<16xf32>
      %parallel_loop3A_843 = arith.constant 96 : i32
      %parallel_loop3A_844 = arith.addi %parallel_loop3A_736, %parallel_loop3A_843 : i32
      %parallel_loop3A_845 = arith.constant 0 : i32
      %parallel_loop3A_846 = arith.index_cast %parallel_loop3A_845 : i32 to index
      %parallel_loop3A_847 = arith.index_cast %parallel_loop3A_844 : i32 to index
      %parallel_loop3A_848 = tpu.vector_load %arg5[%parallel_loop3A_846, %parallel_loop3A_847] {strides = array<i32>} : memref<2x16384xf32, #tpu.memory_space<vmem>>, vector<16xf32>,
      tpu.vector_store %arg5[%parallel_loop3A_846, %parallel_loop3A_847], %parallel_loop3A_842 {strides = array<i32>} : memref<2x16384xf32, #tpu.memory_space<vmem>>, vector<16xf32>,
      %parallel_loop3A_849 = arith.constant 112 : i32
      %parallel_loop3A_850 = arith.addi %parallel_loop3A_736, %parallel_loop3A_849 : i32
      %parallel_loop3A_851 = arith.constant 0 : i32
      %parallel_loop3A_852 = arith.index_cast %parallel_loop3A_851 : i32 to index
      %parallel_loop3A_853 = arith.index_cast %parallel_loop3A_850 : i32 to index
      %parallel_loop3A_854 = tpu.vector_load %arg4[%parallel_loop3A_852, %parallel_loop3A_853] {strides = array<i32>} : memref<4x16384xf32, #tpu.memory_space<vmem>>, vector<16xf32>,
      %parallel_loop3A_855 = arith.cmpf ogt, %parallel_loop3A_854, %mul3A_488 : vector<16xf32>
      %parallel_loop3A_856 = arith.cmpf olt, %parallel_loop3A_854, %neg3A_491 : vector<16xf32>
      %parallel_loop3A_857 = arith.select %parallel_loop3A_856, %broadcast_in_dim3A_495, %broadcast_in_dim3A_497 : vector<16xi1>, vector<16xf32>
      %parallel_loop3A_858 = arith.select %parallel_loop3A_855, %broadcast_in_dim3A_493, %parallel_loop3A_857 : vector<16xi1>, vector<16xf32>
      %parallel_loop3A_859 = arith.constant 112 : i32
      %parallel_loop3A_860 = arith.addi %parallel_loop3A_736, %parallel_loop3A_859 : i32
      %parallel_loop3A_861 = arith.constant 0 : i32
      %parallel_loop3A_862 = arith.index_cast %parallel_loop3A_861 : i32 to index
      %parallel_loop3A_863 = arith.index_cast %parallel_loop3A_860 : i32 to index
      %parallel_loop3A_864 = tpu.vector_load %arg5[%parallel_loop3A_862, %parallel_loop3A_863] {strides = array<i32>} : memref<2x16384xf32, #tpu.memory_space<vmem>>, vector<16xf32>,
      tpu.vector_store %arg5[%parallel_loop3A_862, %parallel_loop3A_863], %parallel_loop3A_858 {strides = array<i32>} : memref<2x16384xf32, #tpu.memory_space<vmem>>, vector<16xf32>,
    } {sc.loop_unroll_factor = 1 : i64, sc.parallel_access}
    %dma_start3A_527 = arith.constant 0 : i32
    %dma_start3A_528 = arith.constant 0 : i32
    %dma_start3A_529 = tpu.memref_slice %arg5[%dma_start3A_527, %dma_start3A_528] : memref<2x16384xf32, #tpu.memory_space<vmem>> -> memref<1x16384xf32, #tpu.memory_space<vmem>>
    %dma_start3A_530 = tpu.memref_squeeze %dma_start3A_529 : memref<1x16384xf32, #tpu.memory_space<vmem>> -> memref<16384xf32, #tpu.memory_space<vmem>>
    %dma_start3A_531 = arith.constant 0 : i32
    %dma_start3A_532 = tpu.memref_slice %arg3[%add3A_375, %dma_start3A_531] : memref<128x32768xf32, #tpu.memory_space<hbm>> -> memref<1x16384xf32, #tpu.memory_space<hbm>>
    %dma_start3A_533 = tpu.memref_squeeze %dma_start3A_532 : memref<1x16384xf32, #tpu.memory_space<hbm>> -> memref<16384xf32, #tpu.memory_space<hbm>>
    %dma_start3A_534 = arith.constant 0 : i32
    %dma_start3A_535 = tpu.memref_slice %arg3[%add3A_375, %dma_start3A_534] : memref<128x32768xf32, #tpu.memory_space<hbm>> -> memref<1x16384xf32, #tpu.memory_space<hbm>>
    %dma_start3A_536 = tpu.memref_squeeze %dma_start3A_535 : memref<1x16384xf32, #tpu.memory_space<hbm>> -> memref<16384xf32, #tpu.memory_space<hbm>>
    %dma_start3A_537 = arith.constant 0 : i32
    %dma_start3A_538 = tpu.memref_slice %arg5[%dma_start3A_527, %dma_start3A_537] : memref<2x16384xf32, #tpu.memory_space<vmem>> -> memref<1x16384xf32, #tpu.memory_space<vmem>>
    %dma_start3A_539 = tpu.memref_squeeze %dma_start3A_538 : memref<1x16384xf32, #tpu.memory_space<vmem>> -> memref<16384xf32, #tpu.memory_space<vmem>>
    tpu.enqueue_dma source(%dma_start3A_539 : memref<16384xf32, #tpu.memory_space<vmem>>) target(%dma_start3A_536 : memref<16384xf32, #tpu.memory_space<hbm>>) target_semaphore(%arg8 : memref<!tpu.dma_semaphore, #tpu.memory_space<semaphore_mem>>)
    %parallel_loop3A_540 = arith.constant 0 : i32
    %parallel_loop3A_541 = arith.constant 128 : i32
    %parallel_loop3A_542 = arith.constant 1 : i32
    scf.for %parallel_loop3A_734 = %parallel_loop3A_540 to %parallel_loop3A_541 step %parallel_loop3A_542  : i32 {
      %parallel_loop3A_735 = arith.constant 128 : i32
      %parallel_loop3A_736 = arith.muli %parallel_loop3A_734, %parallel_loop3A_735 : i32
      %parallel_loop3A_737 = arith.constant 0 : i32
      %parallel_loop3A_738 = arith.addi %parallel_loop3A_736, %parallel_loop3A_737 : i32
      %parallel_loop3A_739 = arith.constant 1 : i32
      %parallel_loop3A_740 = arith.index_cast %parallel_loop3A_739 : i32 to index
      %parallel_loop3A_741 = arith.index_cast %parallel_loop3A_738 : i32 to index
      %parallel_loop3A_742 = tpu.vector_load %arg4[%parallel_loop3A_740, %parallel_loop3A_741] {strides = array<i32>} : memref<4x16384xf32, #tpu.memory_space<vmem>>, vector<16xf32>,
      %parallel_loop3A_743 = arith.cmpf ogt, %parallel_loop3A_742, %mul3A_488 : vector<16xf32>
      %parallel_loop3A_744 = arith.cmpf olt, %parallel_loop3A_742, %neg3A_491 : vector<16xf32>
      %parallel_loop3A_745 = arith.select %parallel_loop3A_744, %broadcast_in_dim3A_495, %broadcast_in_dim3A_497 : vector<16xi1>, vector<16xf32>
      %parallel_loop3A_746 = arith.select %parallel_loop3A_743, %broadcast_in_dim3A_493, %parallel_loop3A_745 : vector<16xi1>, vector<16xf32>
      %parallel_loop3A_747 = arith.constant 0 : i32
      %parallel_loop3A_748 = arith.addi %parallel_loop3A_736, %parallel_loop3A_747 : i32
      %parallel_loop3A_749 = arith.constant 1 : i32
      %parallel_loop3A_750 = arith.index_cast %parallel_loop3A_749 : i32 to index
      %parallel_loop3A_751 = arith.index_cast %parallel_loop3A_748 : i32 to index
      %parallel_loop3A_752 = tpu.vector_load %arg5[%parallel_loop3A_750, %parallel_loop3A_751] {strides = array<i32>} : memref<2x16384xf32, #tpu.memory_space<vmem>>, vector<16xf32>,
      tpu.vector_store %arg5[%parallel_loop3A_750, %parallel_loop3A_751], %parallel_loop3A_746 {strides = array<i32>} : memref<2x16384xf32, #tpu.memory_space<vmem>>, vector<16xf32>,
      %parallel_loop3A_753 = arith.constant 16 : i32
      %parallel_loop3A_754 = arith.addi %parallel_loop3A_736, %parallel_loop3A_753 : i32
      %parallel_loop3A_755 = arith.constant 1 : i32
      %parallel_loop3A_756 = arith.index_cast %parallel_loop3A_755 : i32 to index
      %parallel_loop3A_757 = arith.index_cast %parallel_loop3A_754 : i32 to index
      %parallel_loop3A_758 = tpu.vector_load %arg4[%parallel_loop3A_756, %parallel_loop3A_757] {strides = array<i32>} : memref<4x16384xf32, #tpu.memory_space<vmem>>, vector<16xf32>,
      %parallel_loop3A_759 = arith.cmpf ogt, %parallel_loop3A_758, %mul3A_488 : vector<16xf32>
      %parallel_loop3A_760 = arith.cmpf olt, %parallel_loop3A_758, %neg3A_491 : vector<16xf32>
      %parallel_loop3A_761 = arith.select %parallel_loop3A_760, %broadcast_in_dim3A_495, %broadcast_in_dim3A_497 : vector<16xi1>, vector<16xf32>
      %parallel_loop3A_762 = arith.select %parallel_loop3A_759, %broadcast_in_dim3A_493, %parallel_loop3A_761 : vector<16xi1>, vector<16xf32>
      %parallel_loop3A_763 = arith.constant 16 : i32
      %parallel_loop3A_764 = arith.addi %parallel_loop3A_736, %parallel_loop3A_763 : i32
      %parallel_loop3A_765 = arith.constant 1 : i32
      %parallel_loop3A_766 = arith.index_cast %parallel_loop3A_765 : i32 to index
      %parallel_loop3A_767 = arith.index_cast %parallel_loop3A_764 : i32 to index
      %parallel_loop3A_768 = tpu.vector_load %arg5[%parallel_loop3A_766, %parallel_loop3A_767] {strides = array<i32>} : memref<2x16384xf32, #tpu.memory_space<vmem>>, vector<16xf32>,
      tpu.vector_store %arg5[%parallel_loop3A_766, %parallel_loop3A_767], %parallel_loop3A_762 {strides = array<i32>} : memref<2x16384xf32, #tpu.memory_space<vmem>>, vector<16xf32>,
      %parallel_loop3A_769 = arith.constant 32 : i32
      %parallel_loop3A_770 = arith.addi %parallel_loop3A_736, %parallel_loop3A_769 : i32
      %parallel_loop3A_771 = arith.constant 1 : i32
      %parallel_loop3A_772 = arith.index_cast %parallel_loop3A_771 : i32 to index
      %parallel_loop3A_773 = arith.index_cast %parallel_loop3A_770 : i32 to index
      %parallel_loop3A_774 = tpu.vector_load %arg4[%parallel_loop3A_772, %parallel_loop3A_773] {strides = array<i32>} : memref<4x16384xf32, #tpu.memory_space<vmem>>, vector<16xf32>,
      %parallel_loop3A_775 = arith.cmpf ogt, %parallel_loop3A_774, %mul3A_488 : vector<16xf32>
      %parallel_loop3A_776 = arith.cmpf olt, %parallel_loop3A_774, %neg3A_491 : vector<16xf32>
      %parallel_loop3A_777 = arith.select %parallel_loop3A_776, %broadcast_in_dim3A_495, %broadcast_in_dim3A_497 : vector<16xi1>, vector<16xf32>
      %parallel_loop3A_778 = arith.select %parallel_loop3A_775, %broadcast_in_dim3A_493, %parallel_loop3A_777 : vector<16xi1>, vector<16xf32>
      %parallel_loop3A_779 = arith.constant 32 : i32
      %parallel_loop3A_780 = arith.addi %parallel_loop3A_736, %parallel_loop3A_779 : i32
      %parallel_loop3A_781 = arith.constant 1 : i32
      %parallel_loop3A_782 = arith.index_cast %parallel_loop3A_781 : i32 to index
      %parallel_loop3A_783 = arith.index_cast %parallel_loop3A_780 : i32 to index
      %parallel_loop3A_784 = tpu.vector_load %arg5[%parallel_loop3A_782, %parallel_loop3A_783] {strides = array<i32>} : memref<2x16384xf32, #tpu.memory_space<vmem>>, vector<16xf32>,
      tpu.vector_store %arg5[%parallel_loop3A_782, %parallel_loop3A_783], %parallel_loop3A_778 {strides = array<i32>} : memref<2x16384xf32, #tpu.memory_space<vmem>>, vector<16xf32>,
      %parallel_loop3A_785 = arith.constant 48 : i32
      %parallel_loop3A_786 = arith.addi %parallel_loop3A_736, %parallel_loop3A_785 : i32
      %parallel_loop3A_787 = arith.constant 1 : i32
      %parallel_loop3A_788 = arith.index_cast %parallel_loop3A_787 : i32 to index
      %parallel_loop3A_789 = arith.index_cast %parallel_loop3A_786 : i32 to index
      %parallel_loop3A_790 = tpu.vector_load %arg4[%parallel_loop3A_788, %parallel_loop3A_789] {strides = array<i32>} : memref<4x16384xf32, #tpu.memory_space<vmem>>, vector<16xf32>,
      %parallel_loop3A_791 = arith.cmpf ogt, %parallel_loop3A_790, %mul3A_488 : vector<16xf32>
      %parallel_loop3A_792 = arith.cmpf olt, %parallel_loop3A_790, %neg3A_491 : vector<16xf32>
      %parallel_loop3A_793 = arith.select %parallel_loop3A_792, %broadcast_in_dim3A_495, %broadcast_in_dim3A_497 : vector<16xi1>, vector<16xf32>
      %parallel_loop3A_794 = arith.select %parallel_loop3A_791, %broadcast_in_dim3A_493, %parallel_loop3A_793 : vector<16xi1>, vector<16xf32>
      %parallel_loop3A_795 = arith.constant 48 : i32
      %parallel_loop3A_796 = arith.addi %parallel_loop3A_736, %parallel_loop3A_795 : i32
      %parallel_loop3A_797 = arith.constant 1 : i32
      %parallel_loop3A_798 = arith.index_cast %parallel_loop3A_797 : i32 to index
      %parallel_loop3A_799 = arith.index_cast %parallel_loop3A_796 : i32 to index
      %parallel_loop3A_800 = tpu.vector_load %arg5[%parallel_loop3A_798, %parallel_loop3A_799] {strides = array<i32>} : memref<2x16384xf32, #tpu.memory_space<vmem>>, vector<16xf32>,
      tpu.vector_store %arg5[%parallel_loop3A_798, %parallel_loop3A_799], %parallel_loop3A_794 {strides = array<i32>} : memref<2x16384xf32, #tpu.memory_space<vmem>>, vector<16xf32>,
      %parallel_loop3A_801 = arith.constant 64 : i32
      %parallel_loop3A_802 = arith.addi %parallel_loop3A_736, %parallel_loop3A_801 : i32
      %parallel_loop3A_803 = arith.constant 1 : i32
      %parallel_loop3A_804 = arith.index_cast %parallel_loop3A_803 : i32 to index
      %parallel_loop3A_805 = arith.index_cast %parallel_loop3A_802 : i32 to index
      %parallel_loop3A_806 = tpu.vector_load %arg4[%parallel_loop3A_804, %parallel_loop3A_805] {strides = array<i32>} : memref<4x16384xf32, #tpu.memory_space<vmem>>, vector<16xf32>,
      %parallel_loop3A_807 = arith.cmpf ogt, %parallel_loop3A_806, %mul3A_488 : vector<16xf32>
      %parallel_loop3A_808 = arith.cmpf olt, %parallel_loop3A_806, %neg3A_491 : vector<16xf32>
      %parallel_loop3A_809 = arith.select %parallel_loop3A_808, %broadcast_in_dim3A_495, %broadcast_in_dim3A_497 : vector<16xi1>, vector<16xf32>
      %parallel_loop3A_810 = arith.select %parallel_loop3A_807, %broadcast_in_dim3A_493, %parallel_loop3A_809 : vector<16xi1>, vector<16xf32>
      %parallel_loop3A_811 = arith.constant 64 : i32
      %parallel_loop3A_812 = arith.addi %parallel_loop3A_736, %parallel_loop3A_811 : i32
      %parallel_loop3A_813 = arith.constant 1 : i32
      %parallel_loop3A_814 = arith.index_cast %parallel_loop3A_813 : i32 to index
      %parallel_loop3A_815 = arith.index_cast %parallel_loop3A_812 : i32 to index
      %parallel_loop3A_816 = tpu.vector_load %arg5[%parallel_loop3A_814, %parallel_loop3A_815] {strides = array<i32>} : memref<2x16384xf32, #tpu.memory_space<vmem>>, vector<16xf32>,
      tpu.vector_store %arg5[%parallel_loop3A_814, %parallel_loop3A_815], %parallel_loop3A_810 {strides = array<i32>} : memref<2x16384xf32, #tpu.memory_space<vmem>>, vector<16xf32>,
      %parallel_loop3A_817 = arith.constant 80 : i32
      %parallel_loop3A_818 = arith.addi %parallel_loop3A_736, %parallel_loop3A_817 : i32
      %parallel_loop3A_819 = arith.constant 1 : i32
      %parallel_loop3A_820 = arith.index_cast %parallel_loop3A_819 : i32 to index
      %parallel_loop3A_821 = arith.index_cast %parallel_loop3A_818 : i32 to index
      %parallel_loop3A_822 = tpu.vector_load %arg4[%parallel_loop3A_820, %parallel_loop3A_821] {strides = array<i32>} : memref<4x16384xf32, #tpu.memory_space<vmem>>, vector<16xf32>,
      %parallel_loop3A_823 = arith.cmpf ogt, %parallel_loop3A_822, %mul3A_488 : vector<16xf32>
      %parallel_loop3A_824 = arith.cmpf olt, %parallel_loop3A_822, %neg3A_491 : vector<16xf32>
      %parallel_loop3A_825 = arith.select %parallel_loop3A_824, %broadcast_in_dim3A_495, %broadcast_in_dim3A_497 : vector<16xi1>, vector<16xf32>
      %parallel_loop3A_826 = arith.select %parallel_loop3A_823, %broadcast_in_dim3A_493, %parallel_loop3A_825 : vector<16xi1>, vector<16xf32>
      %parallel_loop3A_827 = arith.constant 80 : i32
      %parallel_loop3A_828 = arith.addi %parallel_loop3A_736, %parallel_loop3A_827 : i32
      %parallel_loop3A_829 = arith.constant 1 : i32
      %parallel_loop3A_830 = arith.index_cast %parallel_loop3A_829 : i32 to index
      %parallel_loop3A_831 = arith.index_cast %parallel_loop3A_828 : i32 to index
      %parallel_loop3A_832 = tpu.vector_load %arg5[%parallel_loop3A_830, %parallel_loop3A_831] {strides = array<i32>} : memref<2x16384xf32, #tpu.memory_space<vmem>>, vector<16xf32>,
      tpu.vector_store %arg5[%parallel_loop3A_830, %parallel_loop3A_831], %parallel_loop3A_826 {strides = array<i32>} : memref<2x16384xf32, #tpu.memory_space<vmem>>, vector<16xf32>,
      %parallel_loop3A_833 = arith.constant 96 : i32
      %parallel_loop3A_834 = arith.addi %parallel_loop3A_736, %parallel_loop3A_833 : i32
      %parallel_loop3A_835 = arith.constant 1 : i32
      %parallel_loop3A_836 = arith.index_cast %parallel_loop3A_835 : i32 to index
      %parallel_loop3A_837 = arith.index_cast %parallel_loop3A_834 : i32 to index
      %parallel_loop3A_838 = tpu.vector_load %arg4[%parallel_loop3A_836, %parallel_loop3A_837] {strides = array<i32>} : memref<4x16384xf32, #tpu.memory_space<vmem>>, vector<16xf32>,
      %parallel_loop3A_839 = arith.cmpf ogt, %parallel_loop3A_838, %mul3A_488 : vector<16xf32>
      %parallel_loop3A_840 = arith.cmpf olt, %parallel_loop3A_838, %neg3A_491 : vector<16xf32>
      %parallel_loop3A_841 = arith.select %parallel_loop3A_840, %broadcast_in_dim3A_495, %broadcast_in_dim3A_497 : vector<16xi1>, vector<16xf32>
      %parallel_loop3A_842 = arith.select %parallel_loop3A_839, %broadcast_in_dim3A_493, %parallel_loop3A_841 : vector<16xi1>, vector<16xf32>
      %parallel_loop3A_843 = arith.constant 96 : i32
      %parallel_loop3A_844 = arith.addi %parallel_loop3A_736, %parallel_loop3A_843 : i32
      %parallel_loop3A_845 = arith.constant 1 : i32
      %parallel_loop3A_846 = arith.index_cast %parallel_loop3A_845 : i32 to index
      %parallel_loop3A_847 = arith.index_cast %parallel_loop3A_844 : i32 to index
      %parallel_loop3A_848 = tpu.vector_load %arg5[%parallel_loop3A_846, %parallel_loop3A_847] {strides = array<i32>} : memref<2x16384xf32, #tpu.memory_space<vmem>>, vector<16xf32>,
      tpu.vector_store %arg5[%parallel_loop3A_846, %parallel_loop3A_847], %parallel_loop3A_842 {strides = array<i32>} : memref<2x16384xf32, #tpu.memory_space<vmem>>, vector<16xf32>,
      %parallel_loop3A_849 = arith.constant 112 : i32
      %parallel_loop3A_850 = arith.addi %parallel_loop3A_736, %parallel_loop3A_849 : i32
      %parallel_loop3A_851 = arith.constant 1 : i32
      %parallel_loop3A_852 = arith.index_cast %parallel_loop3A_851 : i32 to index
      %parallel_loop3A_853 = arith.index_cast %parallel_loop3A_850 : i32 to index
      %parallel_loop3A_854 = tpu.vector_load %arg4[%parallel_loop3A_852, %parallel_loop3A_853] {strides = array<i32>} : memref<4x16384xf32, #tpu.memory_space<vmem>>, vector<16xf32>,
      %parallel_loop3A_855 = arith.cmpf ogt, %parallel_loop3A_854, %mul3A_488 : vector<16xf32>
      %parallel_loop3A_856 = arith.cmpf olt, %parallel_loop3A_854, %neg3A_491 : vector<16xf32>
      %parallel_loop3A_857 = arith.select %parallel_loop3A_856, %broadcast_in_dim3A_495, %broadcast_in_dim3A_497 : vector<16xi1>, vector<16xf32>
      %parallel_loop3A_858 = arith.select %parallel_loop3A_855, %broadcast_in_dim3A_493, %parallel_loop3A_857 : vector<16xi1>, vector<16xf32>
      %parallel_loop3A_859 = arith.constant 112 : i32
      %parallel_loop3A_860 = arith.addi %parallel_loop3A_736, %parallel_loop3A_859 : i32
      %parallel_loop3A_861 = arith.constant 1 : i32
      %parallel_loop3A_862 = arith.index_cast %parallel_loop3A_861 : i32 to index
      %parallel_loop3A_863 = arith.index_cast %parallel_loop3A_860 : i32 to index
      %parallel_loop3A_864 = tpu.vector_load %arg5[%parallel_loop3A_862, %parallel_loop3A_863] {strides = array<i32>} : memref<2x16384xf32, #tpu.memory_space<vmem>>, vector<16xf32>,
      tpu.vector_store %arg5[%parallel_loop3A_862, %parallel_loop3A_863], %parallel_loop3A_858 {strides = array<i32>} : memref<2x16384xf32, #tpu.memory_space<vmem>>, vector<16xf32>,
    } {sc.loop_unroll_factor = 1 : i64, sc.parallel_access}
    %dma_start3A_543 = arith.constant 1 : i32
    %dma_start3A_544 = arith.constant 0 : i32
    %dma_start3A_545 = tpu.memref_slice %arg5[%dma_start3A_543, %dma_start3A_544] : memref<2x16384xf32, #tpu.memory_space<vmem>> -> memref<1x16384xf32, #tpu.memory_space<vmem>>
    %dma_start3A_546 = tpu.memref_squeeze %dma_start3A_545 : memref<1x16384xf32, #tpu.memory_space<vmem>> -> memref<16384xf32, #tpu.memory_space<vmem>>
    %dma_start3A_547 = arith.constant 16384 : i32
    %dma_start3A_548 = tpu.memref_slice %arg3[%add3A_375, %dma_start3A_547] : memref<128x32768xf32, #tpu.memory_space<hbm>> -> memref<1x16384xf32, #tpu.memory_space<hbm>>
    %dma_start3A_549 = tpu.memref_squeeze %dma_start3A_548 : memref<1x16384xf32, #tpu.memory_space<hbm>> -> memref<16384xf32, #tpu.memory_space<hbm>>
    %dma_start3A_550 = arith.constant 16384 : i32
    %dma_start3A_551 = tpu.memref_slice %arg3[%add3A_375, %dma_start3A_550] : memref<128x32768xf32, #tpu.memory_space<hbm>> -> memref<1x16384xf32, #tpu.memory_space<hbm>>
    %dma_start3A_552 = tpu.memref_squeeze %dma_start3A_551 : memref<1x16384xf32, #tpu.memory_space<hbm>> -> memref<16384xf32, #tpu.memory_space<hbm>>
    %dma_start3A_553 = arith.constant 0 : i32
    %dma_start3A_554 = tpu.memref_slice %arg5[%dma_start3A_543, %dma_start3A_553] : memref<2x16384xf32, #tpu.memory_space<vmem>> -> memref<1x16384xf32, #tpu.memory_space<vmem>>
    %dma_start3A_555 = tpu.memref_squeeze %dma_start3A_554 : memref<1x16384xf32, #tpu.memory_space<vmem>> -> memref<16384xf32, #tpu.memory_space<vmem>>
    tpu.enqueue_dma source(%dma_start3A_555 : memref<16384xf32, #tpu.memory_space<vmem>>) target(%dma_start3A_552 : memref<16384xf32, #tpu.memory_space<hbm>>) target_semaphore(%arg8 : memref<!tpu.dma_semaphore, #tpu.memory_space<semaphore_mem>>)
    %add3A_556 = arith.constant 3 : i32
    %add3A_557 = arith.addi %mul3A_2, %add3A_556 : i32
    %dma_wait3A_558 = arith.constant 2 : i32
    %dma_wait3A_559 = arith.constant 0 : i32
    %dma_wait3A_560 = tpu.memref_slice %arg4[%dma_wait3A_558, %dma_wait3A_559] : memref<4x16384xf32, #tpu.memory_space<vmem>> -> memref<1x16384xf32, #tpu.memory_space<vmem>>
    %dma_wait3A_561 = tpu.memref_squeeze %dma_wait3A_560 : memref<1x16384xf32, #tpu.memory_space<vmem>> -> memref<16384xf32, #tpu.memory_space<vmem>>
    %dma_wait3A_562 = arith.constant 0 : i32
    %dma_wait3A_563 = tpu.memref_slice %arg2[%add3A_426, %dma_wait3A_562] : memref<128x32768xf32, #tpu.memory_space<hbm>> -> memref<1x16384xf32, #tpu.memory_space<hbm>>
    %dma_wait3A_564 = tpu.memref_squeeze %dma_wait3A_563 : memref<1x16384xf32, #tpu.memory_space<hbm>> -> memref<16384xf32, #tpu.memory_space<hbm>>
    %dma_wait3A_565 = arith.constant 0 : i32
    %dma_wait3A_566 = tpu.memref_slice %arg4[%dma_wait3A_558, %dma_wait3A_565] : memref<4x16384xf32, #tpu.memory_space<vmem>> -> memref<1x16384xf32, #tpu.memory_space<vmem>>
    %dma_wait3A_567 = tpu.memref_squeeze %dma_wait3A_566 : memref<1x16384xf32, #tpu.memory_space<vmem>> -> memref<16384xf32, #tpu.memory_space<vmem>>
    %dma_wait3A_568 = arith.constant 0 : i32
    %dma_wait3A_569 = tpu.memref_slice %arg2[%add3A_426, %dma_wait3A_568] : memref<128x32768xf32, #tpu.memory_space<hbm>> -> memref<1x16384xf32, #tpu.memory_space<hbm>>
    %dma_wait3A_570 = tpu.memref_squeeze %dma_wait3A_569 : memref<1x16384xf32, #tpu.memory_space<hbm>> -> memref<16384xf32, #tpu.memory_space<hbm>>
    tpu.wait_dma2 semaphore(%arg7 : memref<!tpu.dma_semaphore, #tpu.memory_space<semaphore_mem>>) src(%dma_wait3A_570 : memref<16384xf32, #tpu.memory_space<hbm>>) dst(%dma_wait3A_567 : memref<16384xf32, #tpu.memory_space<vmem>>)
    %dma_wait3A_571 = arith.constant 3 : i32
    %dma_wait3A_572 = arith.constant 0 : i32
    %dma_wait3A_573 = tpu.memref_slice %arg4[%dma_wait3A_571, %dma_wait3A_572] : memref<4x16384xf32, #tpu.memory_space<vmem>> -> memref<1x16384xf32, #tpu.memory_space<vmem>>
    %dma_wait3A_574 = tpu.memref_squeeze %dma_wait3A_573 : memref<1x16384xf32, #tpu.memory_space<vmem>> -> memref<16384xf32, #tpu.memory_space<vmem>>
    %dma_wait3A_575 = arith.constant 16384 : i32
    %dma_wait3A_576 = tpu.memref_slice %arg2[%add3A_441, %dma_wait3A_575] : memref<128x32768xf32, #tpu.memory_space<hbm>> -> memref<1x16384xf32, #tpu.memory_space<hbm>>
    %dma_wait3A_577 = tpu.memref_squeeze %dma_wait3A_576 : memref<1x16384xf32, #tpu.memory_space<hbm>> -> memref<16384xf32, #tpu.memory_space<hbm>>
    %dma_wait3A_578 = arith.constant 0 : i32
    %dma_wait3A_579 = tpu.memref_slice %arg4[%dma_wait3A_571, %dma_wait3A_578] : memref<4x16384xf32, #tpu.memory_space<vmem>> -> memref<1x16384xf32, #tpu.memory_space<vmem>>
    %dma_wait3A_580 = tpu.memref_squeeze %dma_wait3A_579 : memref<1x16384xf32, #tpu.memory_space<vmem>> -> memref<16384xf32, #tpu.memory_space<vmem>>
    %dma_wait3A_581 = arith.constant 16384 : i32
    %dma_wait3A_582 = tpu.memref_slice %arg2[%add3A_441, %dma_wait3A_581] : memref<128x32768xf32, #tpu.memory_space<hbm>> -> memref<1x16384xf32, #tpu.memory_space<hbm>>
    %dma_wait3A_583 = tpu.memref_squeeze %dma_wait3A_582 : memref<1x16384xf32, #tpu.memory_space<hbm>> -> memref<16384xf32, #tpu.memory_space<hbm>>
    tpu.wait_dma2 semaphore(%arg7 : memref<!tpu.dma_semaphore, #tpu.memory_space<semaphore_mem>>) src(%dma_wait3A_583 : memref<16384xf32, #tpu.memory_space<hbm>>) dst(%dma_wait3A_580 : memref<16384xf32, #tpu.memory_space<vmem>>)
    %parallel_loop3A_584 = arith.constant 0 : i32
    %parallel_loop3A_585 = arith.constant 128 : i32
    %parallel_loop3A_586 = arith.constant 1 : i32
    %parallel_loop3A_587:8 = scf.for %parallel_loop3A_734 = %parallel_loop3A_584 to %parallel_loop3A_585 step %parallel_loop3A_586 iter_args(%parallel_loop3A_735 = %broadcast_in_dim3A_3, %parallel_loop3A_736 = %broadcast_in_dim3A_5, %parallel_loop3A_737 = %broadcast_in_dim3A_7, %parallel_loop3A_738 = %broadcast_in_dim3A_9, %parallel_loop3A_739 = %broadcast_in_dim3A_11, %parallel_loop3A_740 = %broadcast_in_dim3A_13, %parallel_loop3A_741 = %broadcast_in_dim3A_15, %parallel_loop3A_742 = %broadcast_in_dim3A_17) -> (vector<16xf32>, vector<16xf32>, vector<16xf32>, vector<16xf32>, vector<16xf32>, vector<16xf32>, vector<16xf32>, vector<16xf32>)  : i32 {
      %parallel_loop3A_743 = arith.constant 128 : i32
      %parallel_loop3A_744 = arith.muli %parallel_loop3A_734, %parallel_loop3A_743 : i32
      %parallel_loop3A_745 = arith.constant 0 : i32
      %parallel_loop3A_746 = arith.addi %parallel_loop3A_744, %parallel_loop3A_745 : i32
      %parallel_loop3A_747 = arith.constant 2 : i32
      %parallel_loop3A_748 = arith.index_cast %parallel_loop3A_747 : i32 to index
      %parallel_loop3A_749 = arith.index_cast %parallel_loop3A_746 : i32 to index
      %parallel_loop3A_750 = tpu.vector_load %arg4[%parallel_loop3A_748, %parallel_loop3A_749] {strides = array<i32>} : memref<4x16384xf32, #tpu.memory_space<vmem>>, vector<16xf32>,
      %parallel_loop3A_751 = math.absf %parallel_loop3A_750 : vector<16xf32>
      %parallel_loop3A_752 = arith.maximumf %parallel_loop3A_735, %parallel_loop3A_751 : vector<16xf32>
      %parallel_loop3A_753 = arith.constant 16 : i32
      %parallel_loop3A_754 = arith.addi %parallel_loop3A_744, %parallel_loop3A_753 : i32
      %parallel_loop3A_755 = arith.constant 2 : i32
      %parallel_loop3A_756 = arith.index_cast %parallel_loop3A_755 : i32 to index
      %parallel_loop3A_757 = arith.index_cast %parallel_loop3A_754 : i32 to index
      %parallel_loop3A_758 = tpu.vector_load %arg4[%parallel_loop3A_756, %parallel_loop3A_757] {strides = array<i32>} : memref<4x16384xf32, #tpu.memory_space<vmem>>, vector<16xf32>,
      %parallel_loop3A_759 = math.absf %parallel_loop3A_758 : vector<16xf32>
      %parallel_loop3A_760 = arith.maximumf %parallel_loop3A_736, %parallel_loop3A_759 : vector<16xf32>
      %parallel_loop3A_761 = arith.constant 32 : i32
      %parallel_loop3A_762 = arith.addi %parallel_loop3A_744, %parallel_loop3A_761 : i32
      %parallel_loop3A_763 = arith.constant 2 : i32
      %parallel_loop3A_764 = arith.index_cast %parallel_loop3A_763 : i32 to index
      %parallel_loop3A_765 = arith.index_cast %parallel_loop3A_762 : i32 to index
      %parallel_loop3A_766 = tpu.vector_load %arg4[%parallel_loop3A_764, %parallel_loop3A_765] {strides = array<i32>} : memref<4x16384xf32, #tpu.memory_space<vmem>>, vector<16xf32>,
      %parallel_loop3A_767 = math.absf %parallel_loop3A_766 : vector<16xf32>
      %parallel_loop3A_768 = arith.maximumf %parallel_loop3A_737, %parallel_loop3A_767 : vector<16xf32>
      %parallel_loop3A_769 = arith.constant 48 : i32
      %parallel_loop3A_770 = arith.addi %parallel_loop3A_744, %parallel_loop3A_769 : i32
      %parallel_loop3A_771 = arith.constant 2 : i32
      %parallel_loop3A_772 = arith.index_cast %parallel_loop3A_771 : i32 to index
      %parallel_loop3A_773 = arith.index_cast %parallel_loop3A_770 : i32 to index
      %parallel_loop3A_774 = tpu.vector_load %arg4[%parallel_loop3A_772, %parallel_loop3A_773] {strides = array<i32>} : memref<4x16384xf32, #tpu.memory_space<vmem>>, vector<16xf32>,
      %parallel_loop3A_775 = math.absf %parallel_loop3A_774 : vector<16xf32>
      %parallel_loop3A_776 = arith.maximumf %parallel_loop3A_738, %parallel_loop3A_775 : vector<16xf32>
      %parallel_loop3A_777 = arith.constant 64 : i32
      %parallel_loop3A_778 = arith.addi %parallel_loop3A_744, %parallel_loop3A_777 : i32
      %parallel_loop3A_779 = arith.constant 2 : i32
      %parallel_loop3A_780 = arith.index_cast %parallel_loop3A_779 : i32 to index
      %parallel_loop3A_781 = arith.index_cast %parallel_loop3A_778 : i32 to index
      %parallel_loop3A_782 = tpu.vector_load %arg4[%parallel_loop3A_780, %parallel_loop3A_781] {strides = array<i32>} : memref<4x16384xf32, #tpu.memory_space<vmem>>, vector<16xf32>,
      %parallel_loop3A_783 = math.absf %parallel_loop3A_782 : vector<16xf32>
      %parallel_loop3A_784 = arith.maximumf %parallel_loop3A_739, %parallel_loop3A_783 : vector<16xf32>
      %parallel_loop3A_785 = arith.constant 80 : i32
      %parallel_loop3A_786 = arith.addi %parallel_loop3A_744, %parallel_loop3A_785 : i32
      %parallel_loop3A_787 = arith.constant 2 : i32
      %parallel_loop3A_788 = arith.index_cast %parallel_loop3A_787 : i32 to index
      %parallel_loop3A_789 = arith.index_cast %parallel_loop3A_786 : i32 to index
      %parallel_loop3A_790 = tpu.vector_load %arg4[%parallel_loop3A_788, %parallel_loop3A_789] {strides = array<i32>} : memref<4x16384xf32, #tpu.memory_space<vmem>>, vector<16xf32>,
      %parallel_loop3A_791 = math.absf %parallel_loop3A_790 : vector<16xf32>
      %parallel_loop3A_792 = arith.maximumf %parallel_loop3A_740, %parallel_loop3A_791 : vector<16xf32>
      %parallel_loop3A_793 = arith.constant 96 : i32
      %parallel_loop3A_794 = arith.addi %parallel_loop3A_744, %parallel_loop3A_793 : i32
      %parallel_loop3A_795 = arith.constant 2 : i32
      %parallel_loop3A_796 = arith.index_cast %parallel_loop3A_795 : i32 to index
      %parallel_loop3A_797 = arith.index_cast %parallel_loop3A_794 : i32 to index
      %parallel_loop3A_798 = tpu.vector_load %arg4[%parallel_loop3A_796, %parallel_loop3A_797] {strides = array<i32>} : memref<4x16384xf32, #tpu.memory_space<vmem>>, vector<16xf32>,
      %parallel_loop3A_799 = math.absf %parallel_loop3A_798 : vector<16xf32>
      %parallel_loop3A_800 = arith.maximumf %parallel_loop3A_741, %parallel_loop3A_799 : vector<16xf32>
      %parallel_loop3A_801 = arith.constant 112 : i32
      %parallel_loop3A_802 = arith.addi %parallel_loop3A_744, %parallel_loop3A_801 : i32
      %parallel_loop3A_803 = arith.constant 2 : i32
      %parallel_loop3A_804 = arith.index_cast %parallel_loop3A_803 : i32 to index
      %parallel_loop3A_805 = arith.index_cast %parallel_loop3A_802 : i32 to index
      %parallel_loop3A_806 = tpu.vector_load %arg4[%parallel_loop3A_804, %parallel_loop3A_805] {strides = array<i32>} : memref<4x16384xf32, #tpu.memory_space<vmem>>, vector<16xf32>,
      %parallel_loop3A_807 = math.absf %parallel_loop3A_806 : vector<16xf32>
      %parallel_loop3A_808 = arith.maximumf %parallel_loop3A_742, %parallel_loop3A_807 : vector<16xf32>
      scf.yield %parallel_loop3A_752, %parallel_loop3A_760, %parallel_loop3A_768, %parallel_loop3A_776, %parallel_loop3A_784, %parallel_loop3A_792, %parallel_loop3A_800, %parallel_loop3A_808 : vector<16xf32>, vector<16xf32>, vector<16xf32>, vector<16xf32>, vector<16xf32>, vector<16xf32>, vector<16xf32>, vector<16xf32>
    } {sc.loop_unroll_factor = 1 : i64, sc.parallel_access}
    %max3A_588 = arith.maximumf %parallel_loop3A_587#0, %parallel_loop3A_587#1 : vector<16xf32>
    %max3A_589 = arith.maximumf %max3A_588, %parallel_loop3A_587#2 : vector<16xf32>
    %max3A_590 = arith.maximumf %max3A_589, %parallel_loop3A_587#3 : vector<16xf32>
    %max3A_591 = arith.maximumf %max3A_590, %parallel_loop3A_587#4 : vector<16xf32>
    %max3A_592 = arith.maximumf %max3A_591, %parallel_loop3A_587#5 : vector<16xf32>
    %max3A_593 = arith.maximumf %max3A_592, %parallel_loop3A_587#6 : vector<16xf32>
    %max3A_594 = arith.maximumf %max3A_593, %parallel_loop3A_587#7 : vector<16xf32>
    %parallel_loop3A_595 = arith.constant 0 : i32
    %parallel_loop3A_596 = arith.constant 128 : i32
    %parallel_loop3A_597 = arith.constant 1 : i32
    %parallel_loop3A_598:8 = scf.for %parallel_loop3A_734 = %parallel_loop3A_595 to %parallel_loop3A_596 step %parallel_loop3A_597 iter_args(%parallel_loop3A_735 = %broadcast_in_dim3A_3, %parallel_loop3A_736 = %broadcast_in_dim3A_5, %parallel_loop3A_737 = %broadcast_in_dim3A_7, %parallel_loop3A_738 = %broadcast_in_dim3A_9, %parallel_loop3A_739 = %broadcast_in_dim3A_11, %parallel_loop3A_740 = %broadcast_in_dim3A_13, %parallel_loop3A_741 = %broadcast_in_dim3A_15, %parallel_loop3A_742 = %broadcast_in_dim3A_17) -> (vector<16xf32>, vector<16xf32>, vector<16xf32>, vector<16xf32>, vector<16xf32>, vector<16xf32>, vector<16xf32>, vector<16xf32>)  : i32 {
      %parallel_loop3A_743 = arith.constant 128 : i32
      %parallel_loop3A_744 = arith.muli %parallel_loop3A_734, %parallel_loop3A_743 : i32
      %parallel_loop3A_745 = arith.constant 0 : i32
      %parallel_loop3A_746 = arith.addi %parallel_loop3A_744, %parallel_loop3A_745 : i32
      %parallel_loop3A_747 = arith.constant 3 : i32
      %parallel_loop3A_748 = arith.index_cast %parallel_loop3A_747 : i32 to index
      %parallel_loop3A_749 = arith.index_cast %parallel_loop3A_746 : i32 to index
      %parallel_loop3A_750 = tpu.vector_load %arg4[%parallel_loop3A_748, %parallel_loop3A_749] {strides = array<i32>} : memref<4x16384xf32, #tpu.memory_space<vmem>>, vector<16xf32>,
      %parallel_loop3A_751 = math.absf %parallel_loop3A_750 : vector<16xf32>
      %parallel_loop3A_752 = arith.maximumf %parallel_loop3A_735, %parallel_loop3A_751 : vector<16xf32>
      %parallel_loop3A_753 = arith.constant 16 : i32
      %parallel_loop3A_754 = arith.addi %parallel_loop3A_744, %parallel_loop3A_753 : i32
      %parallel_loop3A_755 = arith.constant 3 : i32
      %parallel_loop3A_756 = arith.index_cast %parallel_loop3A_755 : i32 to index
      %parallel_loop3A_757 = arith.index_cast %parallel_loop3A_754 : i32 to index
      %parallel_loop3A_758 = tpu.vector_load %arg4[%parallel_loop3A_756, %parallel_loop3A_757] {strides = array<i32>} : memref<4x16384xf32, #tpu.memory_space<vmem>>, vector<16xf32>,
      %parallel_loop3A_759 = math.absf %parallel_loop3A_758 : vector<16xf32>
      %parallel_loop3A_760 = arith.maximumf %parallel_loop3A_736, %parallel_loop3A_759 : vector<16xf32>
      %parallel_loop3A_761 = arith.constant 32 : i32
      %parallel_loop3A_762 = arith.addi %parallel_loop3A_744, %parallel_loop3A_761 : i32
      %parallel_loop3A_763 = arith.constant 3 : i32
      %parallel_loop3A_764 = arith.index_cast %parallel_loop3A_763 : i32 to index
      %parallel_loop3A_765 = arith.index_cast %parallel_loop3A_762 : i32 to index
      %parallel_loop3A_766 = tpu.vector_load %arg4[%parallel_loop3A_764, %parallel_loop3A_765] {strides = array<i32>} : memref<4x16384xf32, #tpu.memory_space<vmem>>, vector<16xf32>,
      %parallel_loop3A_767 = math.absf %parallel_loop3A_766 : vector<16xf32>
      %parallel_loop3A_768 = arith.maximumf %parallel_loop3A_737, %parallel_loop3A_767 : vector<16xf32>
      %parallel_loop3A_769 = arith.constant 48 : i32
      %parallel_loop3A_770 = arith.addi %parallel_loop3A_744, %parallel_loop3A_769 : i32
      %parallel_loop3A_771 = arith.constant 3 : i32
      %parallel_loop3A_772 = arith.index_cast %parallel_loop3A_771 : i32 to index
      %parallel_loop3A_773 = arith.index_cast %parallel_loop3A_770 : i32 to index
      %parallel_loop3A_774 = tpu.vector_load %arg4[%parallel_loop3A_772, %parallel_loop3A_773] {strides = array<i32>} : memref<4x16384xf32, #tpu.memory_space<vmem>>, vector<16xf32>,
      %parallel_loop3A_775 = math.absf %parallel_loop3A_774 : vector<16xf32>
      %parallel_loop3A_776 = arith.maximumf %parallel_loop3A_738, %parallel_loop3A_775 : vector<16xf32>
      %parallel_loop3A_777 = arith.constant 64 : i32
      %parallel_loop3A_778 = arith.addi %parallel_loop3A_744, %parallel_loop3A_777 : i32
      %parallel_loop3A_779 = arith.constant 3 : i32
      %parallel_loop3A_780 = arith.index_cast %parallel_loop3A_779 : i32 to index
      %parallel_loop3A_781 = arith.index_cast %parallel_loop3A_778 : i32 to index
      %parallel_loop3A_782 = tpu.vector_load %arg4[%parallel_loop3A_780, %parallel_loop3A_781] {strides = array<i32>} : memref<4x16384xf32, #tpu.memory_space<vmem>>, vector<16xf32>,
      %parallel_loop3A_783 = math.absf %parallel_loop3A_782 : vector<16xf32>
      %parallel_loop3A_784 = arith.maximumf %parallel_loop3A_739, %parallel_loop3A_783 : vector<16xf32>
      %parallel_loop3A_785 = arith.constant 80 : i32
      %parallel_loop3A_786 = arith.addi %parallel_loop3A_744, %parallel_loop3A_785 : i32
      %parallel_loop3A_787 = arith.constant 3 : i32
      %parallel_loop3A_788 = arith.index_cast %parallel_loop3A_787 : i32 to index
      %parallel_loop3A_789 = arith.index_cast %parallel_loop3A_786 : i32 to index
      %parallel_loop3A_790 = tpu.vector_load %arg4[%parallel_loop3A_788, %parallel_loop3A_789] {strides = array<i32>} : memref<4x16384xf32, #tpu.memory_space<vmem>>, vector<16xf32>,
      %parallel_loop3A_791 = math.absf %parallel_loop3A_790 : vector<16xf32>
      %parallel_loop3A_792 = arith.maximumf %parallel_loop3A_740, %parallel_loop3A_791 : vector<16xf32>
      %parallel_loop3A_793 = arith.constant 96 : i32
      %parallel_loop3A_794 = arith.addi %parallel_loop3A_744, %parallel_loop3A_793 : i32
      %parallel_loop3A_795 = arith.constant 3 : i32
      %parallel_loop3A_796 = arith.index_cast %parallel_loop3A_795 : i32 to index
      %parallel_loop3A_797 = arith.index_cast %parallel_loop3A_794 : i32 to index
      %parallel_loop3A_798 = tpu.vector_load %arg4[%parallel_loop3A_796, %parallel_loop3A_797] {strides = array<i32>} : memref<4x16384xf32, #tpu.memory_space<vmem>>, vector<16xf32>,
      %parallel_loop3A_799 = math.absf %parallel_loop3A_798 : vector<16xf32>
      %parallel_loop3A_800 = arith.maximumf %parallel_loop3A_741, %parallel_loop3A_799 : vector<16xf32>
      %parallel_loop3A_801 = arith.constant 112 : i32
      %parallel_loop3A_802 = arith.addi %parallel_loop3A_744, %parallel_loop3A_801 : i32
      %parallel_loop3A_803 = arith.constant 3 : i32
      %parallel_loop3A_804 = arith.index_cast %parallel_loop3A_803 : i32 to index
      %parallel_loop3A_805 = arith.index_cast %parallel_loop3A_802 : i32 to index
      %parallel_loop3A_806 = tpu.vector_load %arg4[%parallel_loop3A_804, %parallel_loop3A_805] {strides = array<i32>} : memref<4x16384xf32, #tpu.memory_space<vmem>>, vector<16xf32>,
      %parallel_loop3A_807 = math.absf %parallel_loop3A_806 : vector<16xf32>
      %parallel_loop3A_808 = arith.maximumf %parallel_loop3A_742, %parallel_loop3A_807 : vector<16xf32>
      scf.yield %parallel_loop3A_752, %parallel_loop3A_760, %parallel_loop3A_768, %parallel_loop3A_776, %parallel_loop3A_784, %parallel_loop3A_792, %parallel_loop3A_800, %parallel_loop3A_808 : vector<16xf32>, vector<16xf32>, vector<16xf32>, vector<16xf32>, vector<16xf32>, vector<16xf32>, vector<16xf32>, vector<16xf32>
    } {sc.loop_unroll_factor = 1 : i64, sc.parallel_access}
    %max3A_599 = arith.maximumf %parallel_loop3A_598#0, %parallel_loop3A_598#1 : vector<16xf32>
    %max3A_600 = arith.maximumf %max3A_599, %parallel_loop3A_598#2 : vector<16xf32>
    %max3A_601 = arith.maximumf %max3A_600, %parallel_loop3A_598#3 : vector<16xf32>
    %max3A_602 = arith.maximumf %max3A_601, %parallel_loop3A_598#4 : vector<16xf32>
    %max3A_603 = arith.maximumf %max3A_602, %parallel_loop3A_598#5 : vector<16xf32>
    %max3A_604 = arith.maximumf %max3A_603, %parallel_loop3A_598#6 : vector<16xf32>
    %max3A_605 = arith.maximumf %max3A_604, %parallel_loop3A_598#7 : vector<16xf32>
    %max3A_606 = arith.maximumf %max3A_594, %max3A_605 : vector<16xf32>
    %swap3A_607 = arith.constant 0 : index
    %swap3A_608 = tpu.vector_load %arg6[%swap3A_607] {strides = array<i32>} : memref<16xf32, #tpu.memory_space<vmem>>, vector<16xf32>,
    tpu.vector_store %arg6[%swap3A_607], %max3A_606 {strides = array<i32>} : memref<16xf32, #tpu.memory_space<vmem>>, vector<16xf32>,
    %xor3A_609 = arith.constant 1 : i32
    %xor3A_610 = vector.broadcast %xor3A_609 : i32 to vector<16xi32>
    %xor3A_611 = arith.xori %iota3A, %xor3A_610 : vector<16xi32>
    %gather3A_612 = tpu.vector_load_idx %arg6[%xor3A_611] : memref<16xf32, #tpu.memory_space<vmem>>[vector<16xi32>], vector<16xf32>,
    %max3A_613 = arith.maximumf %max3A_606, %gather3A_612 : vector<16xf32>
    %swap3A_614 = arith.constant 0 : index
    %swap3A_615 = tpu.vector_load %arg6[%swap3A_614] {strides = array<i32>} : memref<16xf32, #tpu.memory_space<vmem>>, vector<16xf32>,
    tpu.vector_store %arg6[%swap3A_614], %max3A_613 {strides = array<i32>} : memref<16xf32, #tpu.memory_space<vmem>>, vector<16xf32>,
    %xor3A_616 = arith.constant 2 : i32
    %xor3A_617 = vector.broadcast %xor3A_616 : i32 to vector<16xi32>
    %xor3A_618 = arith.xori %iota3A, %xor3A_617 : vector<16xi32>
    %gather3A_619 = tpu.vector_load_idx %arg6[%xor3A_618] : memref<16xf32, #tpu.memory_space<vmem>>[vector<16xi32>], vector<16xf32>,
    %max3A_620 = arith.maximumf %max3A_613, %gather3A_619 : vector<16xf32>
    %swap3A_621 = arith.constant 0 : index
    %swap3A_622 = tpu.vector_load %arg6[%swap3A_621] {strides = array<i32>} : memref<16xf32, #tpu.memory_space<vmem>>, vector<16xf32>,
    tpu.vector_store %arg6[%swap3A_621], %max3A_620 {strides = array<i32>} : memref<16xf32, #tpu.memory_space<vmem>>, vector<16xf32>,
    %xor3A_623 = arith.constant 4 : i32
    %xor3A_624 = vector.broadcast %xor3A_623 : i32 to vector<16xi32>
    %xor3A_625 = arith.xori %iota3A, %xor3A_624 : vector<16xi32>
    %gather3A_626 = tpu.vector_load_idx %arg6[%xor3A_625] : memref<16xf32, #tpu.memory_space<vmem>>[vector<16xi32>], vector<16xf32>,
    %max3A_627 = arith.maximumf %max3A_620, %gather3A_626 : vector<16xf32>
    %swap3A_628 = arith.constant 0 : index
    %swap3A_629 = tpu.vector_load %arg6[%swap3A_628] {strides = array<i32>} : memref<16xf32, #tpu.memory_space<vmem>>, vector<16xf32>,
    tpu.vector_store %arg6[%swap3A_628], %max3A_627 {strides = array<i32>} : memref<16xf32, #tpu.memory_space<vmem>>, vector<16xf32>,
    %xor3A_630 = arith.constant 8 : i32
    %xor3A_631 = vector.broadcast %xor3A_630 : i32 to vector<16xi32>
    %xor3A_632 = arith.xori %iota3A, %xor3A_631 : vector<16xi32>
    %gather3A_633 = tpu.vector_load_idx %arg6[%xor3A_632] : memref<16xf32, #tpu.memory_space<vmem>>[vector<16xi32>], vector<16xf32>,
    %max3A_634 = arith.maximumf %max3A_627, %gather3A_633 : vector<16xf32>
    %add3A_635 = arith.constant 9.99999997E-7 : f32
    %add3A_636 = vector.broadcast %add3A_635 : f32 to vector<16xf32>
    %add3A_637 = arith.addf %max3A_634, %add3A_636 : vector<16xf32>
    %mul3A_638 = arith.constant 5.000000e-01 : f32
    %mul3A_639 = vector.broadcast %mul3A_638 : f32 to vector<16xf32>
    %mul3A_640 = arith.mulf %mul3A_639, %add3A_637 : vector<16xf32>
    %neg3A_641 = arith.constant 0.000000e+00 : f32
    %neg3A_642 = vector.broadcast %neg3A_641 : f32 to vector<16xf32>
    %neg3A_643 = arith.subf %neg3A_642, %mul3A_640 : vector<16xf32>
    %broadcast_in_dim3A_644 = arith.constant 1.000000e+00 : f32
    %broadcast_in_dim3A_645 = vector.broadcast %broadcast_in_dim3A_644 : f32 to vector<16xf32>
    %broadcast_in_dim3A_646 = arith.constant -1.000000e+00 : f32
    %broadcast_in_dim3A_647 = vector.broadcast %broadcast_in_dim3A_646 : f32 to vector<16xf32>
    %broadcast_in_dim3A_648 = arith.constant 0.000000e+00 : f32
    %broadcast_in_dim3A_649 = vector.broadcast %broadcast_in_dim3A_648 : f32 to vector<16xf32>
    %dma_wait3A_650 = arith.constant 0 : i32
    %dma_wait3A_651 = arith.constant 0 : i32
    %dma_wait3A_652 = tpu.memref_slice %arg5[%dma_wait3A_650, %dma_wait3A_651] : memref<2x16384xf32, #tpu.memory_space<vmem>> -> memref<1x16384xf32, #tpu.memory_space<vmem>>
    %dma_wait3A_653 = tpu.memref_squeeze %dma_wait3A_652 : memref<1x16384xf32, #tpu.memory_space<vmem>> -> memref<16384xf32, #tpu.memory_space<vmem>>
    %dma_wait3A_654 = arith.constant 0 : i32
    %dma_wait3A_655 = tpu.memref_slice %arg3[%add3A_375, %dma_wait3A_654] : memref<128x32768xf32, #tpu.memory_space<hbm>> -> memref<1x16384xf32, #tpu.memory_space<hbm>>
    %dma_wait3A_656 = tpu.memref_squeeze %dma_wait3A_655 : memref<1x16384xf32, #tpu.memory_space<hbm>> -> memref<16384xf32, #tpu.memory_space<hbm>>
    %dma_wait3A_657 = arith.constant 0 : i32
    %dma_wait3A_658 = tpu.memref_slice %arg3[%add3A_375, %dma_wait3A_657] : memref<128x32768xf32, #tpu.memory_space<hbm>> -> memref<1x16384xf32, #tpu.memory_space<hbm>>
    %dma_wait3A_659 = tpu.memref_squeeze %dma_wait3A_658 : memref<1x16384xf32, #tpu.memory_space<hbm>> -> memref<16384xf32, #tpu.memory_space<hbm>>
    %dma_wait3A_660 = arith.constant 0 : i32
    %dma_wait3A_661 = tpu.memref_slice %arg5[%dma_wait3A_650, %dma_wait3A_660] : memref<2x16384xf32, #tpu.memory_space<vmem>> -> memref<1x16384xf32, #tpu.memory_space<vmem>>
    %dma_wait3A_662 = tpu.memref_squeeze %dma_wait3A_661 : memref<1x16384xf32, #tpu.memory_space<vmem>> -> memref<16384xf32, #tpu.memory_space<vmem>>
    tpu.wait_dma2 semaphore(%arg8 : memref<!tpu.dma_semaphore, #tpu.memory_space<semaphore_mem>>) src(%dma_wait3A_662 : memref<16384xf32, #tpu.memory_space<vmem>>) dst(%dma_wait3A_659 : memref<16384xf32, #tpu.memory_space<hbm>>)
    %dma_wait3A_663 = arith.constant 1 : i32
    %dma_wait3A_664 = arith.constant 0 : i32
    %dma_wait3A_665 = tpu.memref_slice %arg5[%dma_wait3A_663, %dma_wait3A_664] : memref<2x16384xf32, #tpu.memory_space<vmem>> -> memref<1x16384xf32, #tpu.memory_space<vmem>>
    %dma_wait3A_666 = tpu.memref_squeeze %dma_wait3A_665 : memref<1x16384xf32, #tpu.memory_space<vmem>> -> memref<16384xf32, #tpu.memory_space<vmem>>
    %dma_wait3A_667 = arith.constant 16384 : i32
    %dma_wait3A_668 = tpu.memref_slice %arg3[%add3A_375, %dma_wait3A_667] : memref<128x32768xf32, #tpu.memory_space<hbm>> -> memref<1x16384xf32, #tpu.memory_space<hbm>>
    %dma_wait3A_669 = tpu.memref_squeeze %dma_wait3A_668 : memref<1x16384xf32, #tpu.memory_space<hbm>> -> memref<16384xf32, #tpu.memory_space<hbm>>
    %dma_wait3A_670 = arith.constant 16384 : i32
    %dma_wait3A_671 = tpu.memref_slice %arg3[%add3A_375, %dma_wait3A_670] : memref<128x32768xf32, #tpu.memory_space<hbm>> -> memref<1x16384xf32, #tpu.memory_space<hbm>>
    %dma_wait3A_672 = tpu.memref_squeeze %dma_wait3A_671 : memref<1x16384xf32, #tpu.memory_space<hbm>> -> memref<16384xf32, #tpu.memory_space<hbm>>
    %dma_wait3A_673 = arith.constant 0 : i32
    %dma_wait3A_674 = tpu.memref_slice %arg5[%dma_wait3A_663, %dma_wait3A_673] : memref<2x16384xf32, #tpu.memory_space<vmem>> -> memref<1x16384xf32, #tpu.memory_space<vmem>>
    %dma_wait3A_675 = tpu.memref_squeeze %dma_wait3A_674 : memref<1x16384xf32, #tpu.memory_space<vmem>> -> memref<16384xf32, #tpu.memory_space<vmem>>
    tpu.wait_dma2 semaphore(%arg8 : memref<!tpu.dma_semaphore, #tpu.memory_space<semaphore_mem>>) src(%dma_wait3A_675 : memref<16384xf32, #tpu.memory_space<vmem>>) dst(%dma_wait3A_672 : memref<16384xf32, #tpu.memory_space<hbm>>)
    %parallel_loop3A_676 = arith.constant 0 : i32
    %parallel_loop3A_677 = arith.constant 128 : i32
    %parallel_loop3A_678 = arith.constant 1 : i32
    scf.for %parallel_loop3A_734 = %parallel_loop3A_676 to %parallel_loop3A_677 step %parallel_loop3A_678  : i32 {
      %parallel_loop3A_735 = arith.constant 128 : i32
      %parallel_loop3A_736 = arith.muli %parallel_loop3A_734, %parallel_loop3A_735 : i32
      %parallel_loop3A_737 = arith.constant 0 : i32
      %parallel_loop3A_738 = arith.addi %parallel_loop3A_736, %parallel_loop3A_737 : i32
      %parallel_loop3A_739 = arith.constant 2 : i32
      %parallel_loop3A_740 = arith.index_cast %parallel_loop3A_739 : i32 to index
      %parallel_loop3A_741 = arith.index_cast %parallel_loop3A_738 : i32 to index
      %parallel_loop3A_742 = tpu.vector_load %arg4[%parallel_loop3A_740, %parallel_loop3A_741] {strides = array<i32>} : memref<4x16384xf32, #tpu.memory_space<vmem>>, vector<16xf32>,
      %parallel_loop3A_743 = arith.cmpf ogt, %parallel_loop3A_742, %mul3A_640 : vector<16xf32>
      %parallel_loop3A_744 = arith.cmpf olt, %parallel_loop3A_742, %neg3A_643 : vector<16xf32>
      %parallel_loop3A_745 = arith.select %parallel_loop3A_744, %broadcast_in_dim3A_647, %broadcast_in_dim3A_649 : vector<16xi1>, vector<16xf32>
      %parallel_loop3A_746 = arith.select %parallel_loop3A_743, %broadcast_in_dim3A_645, %parallel_loop3A_745 : vector<16xi1>, vector<16xf32>
      %parallel_loop3A_747 = arith.constant 0 : i32
      %parallel_loop3A_748 = arith.addi %parallel_loop3A_736, %parallel_loop3A_747 : i32
      %parallel_loop3A_749 = arith.constant 0 : i32
      %parallel_loop3A_750 = arith.index_cast %parallel_loop3A_749 : i32 to index
      %parallel_loop3A_751 = arith.index_cast %parallel_loop3A_748 : i32 to index
      %parallel_loop3A_752 = tpu.vector_load %arg5[%parallel_loop3A_750, %parallel_loop3A_751] {strides = array<i32>} : memref<2x16384xf32, #tpu.memory_space<vmem>>, vector<16xf32>,
      tpu.vector_store %arg5[%parallel_loop3A_750, %parallel_loop3A_751], %parallel_loop3A_746 {strides = array<i32>} : memref<2x16384xf32, #tpu.memory_space<vmem>>, vector<16xf32>,
      %parallel_loop3A_753 = arith.constant 16 : i32
      %parallel_loop3A_754 = arith.addi %parallel_loop3A_736, %parallel_loop3A_753 : i32
      %parallel_loop3A_755 = arith.constant 2 : i32
      %parallel_loop3A_756 = arith.index_cast %parallel_loop3A_755 : i32 to index
      %parallel_loop3A_757 = arith.index_cast %parallel_loop3A_754 : i32 to index
      %parallel_loop3A_758 = tpu.vector_load %arg4[%parallel_loop3A_756, %parallel_loop3A_757] {strides = array<i32>} : memref<4x16384xf32, #tpu.memory_space<vmem>>, vector<16xf32>,
      %parallel_loop3A_759 = arith.cmpf ogt, %parallel_loop3A_758, %mul3A_640 : vector<16xf32>
      %parallel_loop3A_760 = arith.cmpf olt, %parallel_loop3A_758, %neg3A_643 : vector<16xf32>
      %parallel_loop3A_761 = arith.select %parallel_loop3A_760, %broadcast_in_dim3A_647, %broadcast_in_dim3A_649 : vector<16xi1>, vector<16xf32>
      %parallel_loop3A_762 = arith.select %parallel_loop3A_759, %broadcast_in_dim3A_645, %parallel_loop3A_761 : vector<16xi1>, vector<16xf32>
      %parallel_loop3A_763 = arith.constant 16 : i32
      %parallel_loop3A_764 = arith.addi %parallel_loop3A_736, %parallel_loop3A_763 : i32
      %parallel_loop3A_765 = arith.constant 0 : i32
      %parallel_loop3A_766 = arith.index_cast %parallel_loop3A_765 : i32 to index
      %parallel_loop3A_767 = arith.index_cast %parallel_loop3A_764 : i32 to index
      %parallel_loop3A_768 = tpu.vector_load %arg5[%parallel_loop3A_766, %parallel_loop3A_767] {strides = array<i32>} : memref<2x16384xf32, #tpu.memory_space<vmem>>, vector<16xf32>,
      tpu.vector_store %arg5[%parallel_loop3A_766, %parallel_loop3A_767], %parallel_loop3A_762 {strides = array<i32>} : memref<2x16384xf32, #tpu.memory_space<vmem>>, vector<16xf32>,
      %parallel_loop3A_769 = arith.constant 32 : i32
      %parallel_loop3A_770 = arith.addi %parallel_loop3A_736, %parallel_loop3A_769 : i32
      %parallel_loop3A_771 = arith.constant 2 : i32
      %parallel_loop3A_772 = arith.index_cast %parallel_loop3A_771 : i32 to index
      %parallel_loop3A_773 = arith.index_cast %parallel_loop3A_770 : i32 to index
      %parallel_loop3A_774 = tpu.vector_load %arg4[%parallel_loop3A_772, %parallel_loop3A_773] {strides = array<i32>} : memref<4x16384xf32, #tpu.memory_space<vmem>>, vector<16xf32>,
      %parallel_loop3A_775 = arith.cmpf ogt, %parallel_loop3A_774, %mul3A_640 : vector<16xf32>
      %parallel_loop3A_776 = arith.cmpf olt, %parallel_loop3A_774, %neg3A_643 : vector<16xf32>
      %parallel_loop3A_777 = arith.select %parallel_loop3A_776, %broadcast_in_dim3A_647, %broadcast_in_dim3A_649 : vector<16xi1>, vector<16xf32>
      %parallel_loop3A_778 = arith.select %parallel_loop3A_775, %broadcast_in_dim3A_645, %parallel_loop3A_777 : vector<16xi1>, vector<16xf32>
      %parallel_loop3A_779 = arith.constant 32 : i32
      %parallel_loop3A_780 = arith.addi %parallel_loop3A_736, %parallel_loop3A_779 : i32
      %parallel_loop3A_781 = arith.constant 0 : i32
      %parallel_loop3A_782 = arith.index_cast %parallel_loop3A_781 : i32 to index
      %parallel_loop3A_783 = arith.index_cast %parallel_loop3A_780 : i32 to index
      %parallel_loop3A_784 = tpu.vector_load %arg5[%parallel_loop3A_782, %parallel_loop3A_783] {strides = array<i32>} : memref<2x16384xf32, #tpu.memory_space<vmem>>, vector<16xf32>,
      tpu.vector_store %arg5[%parallel_loop3A_782, %parallel_loop3A_783], %parallel_loop3A_778 {strides = array<i32>} : memref<2x16384xf32, #tpu.memory_space<vmem>>, vector<16xf32>,
      %parallel_loop3A_785 = arith.constant 48 : i32
      %parallel_loop3A_786 = arith.addi %parallel_loop3A_736, %parallel_loop3A_785 : i32
      %parallel_loop3A_787 = arith.constant 2 : i32
      %parallel_loop3A_788 = arith.index_cast %parallel_loop3A_787 : i32 to index
      %parallel_loop3A_789 = arith.index_cast %parallel_loop3A_786 : i32 to index
      %parallel_loop3A_790 = tpu.vector_load %arg4[%parallel_loop3A_788, %parallel_loop3A_789] {strides = array<i32>} : memref<4x16384xf32, #tpu.memory_space<vmem>>, vector<16xf32>,
      %parallel_loop3A_791 = arith.cmpf ogt, %parallel_loop3A_790, %mul3A_640 : vector<16xf32>
      %parallel_loop3A_792 = arith.cmpf olt, %parallel_loop3A_790, %neg3A_643 : vector<16xf32>
      %parallel_loop3A_793 = arith.select %parallel_loop3A_792, %broadcast_in_dim3A_647, %broadcast_in_dim3A_649 : vector<16xi1>, vector<16xf32>
      %parallel_loop3A_794 = arith.select %parallel_loop3A_791, %broadcast_in_dim3A_645, %parallel_loop3A_793 : vector<16xi1>, vector<16xf32>
      %parallel_loop3A_795 = arith.constant 48 : i32
      %parallel_loop3A_796 = arith.addi %parallel_loop3A_736, %parallel_loop3A_795 : i32
      %parallel_loop3A_797 = arith.constant 0 : i32
      %parallel_loop3A_798 = arith.index_cast %parallel_loop3A_797 : i32 to index
      %parallel_loop3A_799 = arith.index_cast %parallel_loop3A_796 : i32 to index
      %parallel_loop3A_800 = tpu.vector_load %arg5[%parallel_loop3A_798, %parallel_loop3A_799] {strides = array<i32>} : memref<2x16384xf32, #tpu.memory_space<vmem>>, vector<16xf32>,
      tpu.vector_store %arg5[%parallel_loop3A_798, %parallel_loop3A_799], %parallel_loop3A_794 {strides = array<i32>} : memref<2x16384xf32, #tpu.memory_space<vmem>>, vector<16xf32>,
      %parallel_loop3A_801 = arith.constant 64 : i32
      %parallel_loop3A_802 = arith.addi %parallel_loop3A_736, %parallel_loop3A_801 : i32
      %parallel_loop3A_803 = arith.constant 2 : i32
      %parallel_loop3A_804 = arith.index_cast %parallel_loop3A_803 : i32 to index
      %parallel_loop3A_805 = arith.index_cast %parallel_loop3A_802 : i32 to index
      %parallel_loop3A_806 = tpu.vector_load %arg4[%parallel_loop3A_804, %parallel_loop3A_805] {strides = array<i32>} : memref<4x16384xf32, #tpu.memory_space<vmem>>, vector<16xf32>,
      %parallel_loop3A_807 = arith.cmpf ogt, %parallel_loop3A_806, %mul3A_640 : vector<16xf32>
      %parallel_loop3A_808 = arith.cmpf olt, %parallel_loop3A_806, %neg3A_643 : vector<16xf32>
      %parallel_loop3A_809 = arith.select %parallel_loop3A_808, %broadcast_in_dim3A_647, %broadcast_in_dim3A_649 : vector<16xi1>, vector<16xf32>
      %parallel_loop3A_810 = arith.select %parallel_loop3A_807, %broadcast_in_dim3A_645, %parallel_loop3A_809 : vector<16xi1>, vector<16xf32>
      %parallel_loop3A_811 = arith.constant 64 : i32
      %parallel_loop3A_812 = arith.addi %parallel_loop3A_736, %parallel_loop3A_811 : i32
      %parallel_loop3A_813 = arith.constant 0 : i32
      %parallel_loop3A_814 = arith.index_cast %parallel_loop3A_813 : i32 to index
      %parallel_loop3A_815 = arith.index_cast %parallel_loop3A_812 : i32 to index
      %parallel_loop3A_816 = tpu.vector_load %arg5[%parallel_loop3A_814, %parallel_loop3A_815] {strides = array<i32>} : memref<2x16384xf32, #tpu.memory_space<vmem>>, vector<16xf32>,
      tpu.vector_store %arg5[%parallel_loop3A_814, %parallel_loop3A_815], %parallel_loop3A_810 {strides = array<i32>} : memref<2x16384xf32, #tpu.memory_space<vmem>>, vector<16xf32>,
      %parallel_loop3A_817 = arith.constant 80 : i32
      %parallel_loop3A_818 = arith.addi %parallel_loop3A_736, %parallel_loop3A_817 : i32
      %parallel_loop3A_819 = arith.constant 2 : i32
      %parallel_loop3A_820 = arith.index_cast %parallel_loop3A_819 : i32 to index
      %parallel_loop3A_821 = arith.index_cast %parallel_loop3A_818 : i32 to index
      %parallel_loop3A_822 = tpu.vector_load %arg4[%parallel_loop3A_820, %parallel_loop3A_821] {strides = array<i32>} : memref<4x16384xf32, #tpu.memory_space<vmem>>, vector<16xf32>,
      %parallel_loop3A_823 = arith.cmpf ogt, %parallel_loop3A_822, %mul3A_640 : vector<16xf32>
      %parallel_loop3A_824 = arith.cmpf olt, %parallel_loop3A_822, %neg3A_643 : vector<16xf32>
      %parallel_loop3A_825 = arith.select %parallel_loop3A_824, %broadcast_in_dim3A_647, %broadcast_in_dim3A_649 : vector<16xi1>, vector<16xf32>
      %parallel_loop3A_826 = arith.select %parallel_loop3A_823, %broadcast_in_dim3A_645, %parallel_loop3A_825 : vector<16xi1>, vector<16xf32>
      %parallel_loop3A_827 = arith.constant 80 : i32
      %parallel_loop3A_828 = arith.addi %parallel_loop3A_736, %parallel_loop3A_827 : i32
      %parallel_loop3A_829 = arith.constant 0 : i32
      %parallel_loop3A_830 = arith.index_cast %parallel_loop3A_829 : i32 to index
      %parallel_loop3A_831 = arith.index_cast %parallel_loop3A_828 : i32 to index
      %parallel_loop3A_832 = tpu.vector_load %arg5[%parallel_loop3A_830, %parallel_loop3A_831] {strides = array<i32>} : memref<2x16384xf32, #tpu.memory_space<vmem>>, vector<16xf32>,
      tpu.vector_store %arg5[%parallel_loop3A_830, %parallel_loop3A_831], %parallel_loop3A_826 {strides = array<i32>} : memref<2x16384xf32, #tpu.memory_space<vmem>>, vector<16xf32>,
      %parallel_loop3A_833 = arith.constant 96 : i32
      %parallel_loop3A_834 = arith.addi %parallel_loop3A_736, %parallel_loop3A_833 : i32
      %parallel_loop3A_835 = arith.constant 2 : i32
      %parallel_loop3A_836 = arith.index_cast %parallel_loop3A_835 : i32 to index
      %parallel_loop3A_837 = arith.index_cast %parallel_loop3A_834 : i32 to index
      %parallel_loop3A_838 = tpu.vector_load %arg4[%parallel_loop3A_836, %parallel_loop3A_837] {strides = array<i32>} : memref<4x16384xf32, #tpu.memory_space<vmem>>, vector<16xf32>,
      %parallel_loop3A_839 = arith.cmpf ogt, %parallel_loop3A_838, %mul3A_640 : vector<16xf32>
      %parallel_loop3A_840 = arith.cmpf olt, %parallel_loop3A_838, %neg3A_643 : vector<16xf32>
      %parallel_loop3A_841 = arith.select %parallel_loop3A_840, %broadcast_in_dim3A_647, %broadcast_in_dim3A_649 : vector<16xi1>, vector<16xf32>
      %parallel_loop3A_842 = arith.select %parallel_loop3A_839, %broadcast_in_dim3A_645, %parallel_loop3A_841 : vector<16xi1>, vector<16xf32>
      %parallel_loop3A_843 = arith.constant 96 : i32
      %parallel_loop3A_844 = arith.addi %parallel_loop3A_736, %parallel_loop3A_843 : i32
      %parallel_loop3A_845 = arith.constant 0 : i32
      %parallel_loop3A_846 = arith.index_cast %parallel_loop3A_845 : i32 to index
      %parallel_loop3A_847 = arith.index_cast %parallel_loop3A_844 : i32 to index
      %parallel_loop3A_848 = tpu.vector_load %arg5[%parallel_loop3A_846, %parallel_loop3A_847] {strides = array<i32>} : memref<2x16384xf32, #tpu.memory_space<vmem>>, vector<16xf32>,
      tpu.vector_store %arg5[%parallel_loop3A_846, %parallel_loop3A_847], %parallel_loop3A_842 {strides = array<i32>} : memref<2x16384xf32, #tpu.memory_space<vmem>>, vector<16xf32>,
      %parallel_loop3A_849 = arith.constant 112 : i32
      %parallel_loop3A_850 = arith.addi %parallel_loop3A_736, %parallel_loop3A_849 : i32
      %parallel_loop3A_851 = arith.constant 2 : i32
      %parallel_loop3A_852 = arith.index_cast %parallel_loop3A_851 : i32 to index
      %parallel_loop3A_853 = arith.index_cast %parallel_loop3A_850 : i32 to index
      %parallel_loop3A_854 = tpu.vector_load %arg4[%parallel_loop3A_852, %parallel_loop3A_853] {strides = array<i32>} : memref<4x16384xf32, #tpu.memory_space<vmem>>, vector<16xf32>,
      %parallel_loop3A_855 = arith.cmpf ogt, %parallel_loop3A_854, %mul3A_640 : vector<16xf32>
      %parallel_loop3A_856 = arith.cmpf olt, %parallel_loop3A_854, %neg3A_643 : vector<16xf32>
      %parallel_loop3A_857 = arith.select %parallel_loop3A_856, %broadcast_in_dim3A_647, %broadcast_in_dim3A_649 : vector<16xi1>, vector<16xf32>
      %parallel_loop3A_858 = arith.select %parallel_loop3A_855, %broadcast_in_dim3A_645, %parallel_loop3A_857 : vector<16xi1>, vector<16xf32>
      %parallel_loop3A_859 = arith.constant 112 : i32
      %parallel_loop3A_860 = arith.addi %parallel_loop3A_736, %parallel_loop3A_859 : i32
      %parallel_loop3A_861 = arith.constant 0 : i32
      %parallel_loop3A_862 = arith.index_cast %parallel_loop3A_861 : i32 to index
      %parallel_loop3A_863 = arith.index_cast %parallel_loop3A_860 : i32 to index
      %parallel_loop3A_864 = tpu.vector_load %arg5[%parallel_loop3A_862, %parallel_loop3A_863] {strides = array<i32>} : memref<2x16384xf32, #tpu.memory_space<vmem>>, vector<16xf32>,
      tpu.vector_store %arg5[%parallel_loop3A_862, %parallel_loop3A_863], %parallel_loop3A_858 {strides = array<i32>} : memref<2x16384xf32, #tpu.memory_space<vmem>>, vector<16xf32>,
    } {sc.loop_unroll_factor = 1 : i64, sc.parallel_access}
    %dma_start3A_679 = arith.constant 0 : i32
    %dma_start3A_680 = arith.constant 0 : i32
    %dma_start3A_681 = tpu.memref_slice %arg5[%dma_start3A_679, %dma_start3A_680] : memref<2x16384xf32, #tpu.memory_space<vmem>> -> memref<1x16384xf32, #tpu.memory_space<vmem>>
    %dma_start3A_682 = tpu.memref_squeeze %dma_start3A_681 : memref<1x16384xf32, #tpu.memory_space<vmem>> -> memref<16384xf32, #tpu.memory_space<vmem>>
    %dma_start3A_683 = arith.constant 0 : i32
    %dma_start3A_684 = tpu.memref_slice %arg3[%add3A_557, %dma_start3A_683] : memref<128x32768xf32, #tpu.memory_space<hbm>> -> memref<1x16384xf32, #tpu.memory_space<hbm>>
    %dma_start3A_685 = tpu.memref_squeeze %dma_start3A_684 : memref<1x16384xf32, #tpu.memory_space<hbm>> -> memref<16384xf32, #tpu.memory_space<hbm>>
    %dma_start3A_686 = arith.constant 0 : i32
    %dma_start3A_687 = tpu.memref_slice %arg3[%add3A_557, %dma_start3A_686] : memref<128x32768xf32, #tpu.memory_space<hbm>> -> memref<1x16384xf32, #tpu.memory_space<hbm>>
    %dma_start3A_688 = tpu.memref_squeeze %dma_start3A_687 : memref<1x16384xf32, #tpu.memory_space<hbm>> -> memref<16384xf32, #tpu.memory_space<hbm>>
    %dma_start3A_689 = arith.constant 0 : i32
    %dma_start3A_690 = tpu.memref_slice %arg5[%dma_start3A_679, %dma_start3A_689] : memref<2x16384xf32, #tpu.memory_space<vmem>> -> memref<1x16384xf32, #tpu.memory_space<vmem>>
    %dma_start3A_691 = tpu.memref_squeeze %dma_start3A_690 : memref<1x16384xf32, #tpu.memory_space<vmem>> -> memref<16384xf32, #tpu.memory_space<vmem>>
    tpu.enqueue_dma source(%dma_start3A_691 : memref<16384xf32, #tpu.memory_space<vmem>>) target(%dma_start3A_688 : memref<16384xf32, #tpu.memory_space<hbm>>) target_semaphore(%arg8 : memref<!tpu.dma_semaphore, #tpu.memory_space<semaphore_mem>>)
    %parallel_loop3A_692 = arith.constant 0 : i32
    %parallel_loop3A_693 = arith.constant 128 : i32
    %parallel_loop3A_694 = arith.constant 1 : i32
    scf.for %parallel_loop3A_734 = %parallel_loop3A_692 to %parallel_loop3A_693 step %parallel_loop3A_694  : i32 {
      %parallel_loop3A_735 = arith.constant 128 : i32
      %parallel_loop3A_736 = arith.muli %parallel_loop3A_734, %parallel_loop3A_735 : i32
      %parallel_loop3A_737 = arith.constant 0 : i32
      %parallel_loop3A_738 = arith.addi %parallel_loop3A_736, %parallel_loop3A_737 : i32
      %parallel_loop3A_739 = arith.constant 3 : i32
      %parallel_loop3A_740 = arith.index_cast %parallel_loop3A_739 : i32 to index
      %parallel_loop3A_741 = arith.index_cast %parallel_loop3A_738 : i32 to index
      %parallel_loop3A_742 = tpu.vector_load %arg4[%parallel_loop3A_740, %parallel_loop3A_741] {strides = array<i32>} : memref<4x16384xf32, #tpu.memory_space<vmem>>, vector<16xf32>,
      %parallel_loop3A_743 = arith.cmpf ogt, %parallel_loop3A_742, %mul3A_640 : vector<16xf32>
      %parallel_loop3A_744 = arith.cmpf olt, %parallel_loop3A_742, %neg3A_643 : vector<16xf32>
      %parallel_loop3A_745 = arith.select %parallel_loop3A_744, %broadcast_in_dim3A_647, %broadcast_in_dim3A_649 : vector<16xi1>, vector<16xf32>
      %parallel_loop3A_746 = arith.select %parallel_loop3A_743, %broadcast_in_dim3A_645, %parallel_loop3A_745 : vector<16xi1>, vector<16xf32>
      %parallel_loop3A_747 = arith.constant 0 : i32
      %parallel_loop3A_748 = arith.addi %parallel_loop3A_736, %parallel_loop3A_747 : i32
      %parallel_loop3A_749 = arith.constant 1 : i32
      %parallel_loop3A_750 = arith.index_cast %parallel_loop3A_749 : i32 to index
      %parallel_loop3A_751 = arith.index_cast %parallel_loop3A_748 : i32 to index
      %parallel_loop3A_752 = tpu.vector_load %arg5[%parallel_loop3A_750, %parallel_loop3A_751] {strides = array<i32>} : memref<2x16384xf32, #tpu.memory_space<vmem>>, vector<16xf32>,
      tpu.vector_store %arg5[%parallel_loop3A_750, %parallel_loop3A_751], %parallel_loop3A_746 {strides = array<i32>} : memref<2x16384xf32, #tpu.memory_space<vmem>>, vector<16xf32>,
      %parallel_loop3A_753 = arith.constant 16 : i32
      %parallel_loop3A_754 = arith.addi %parallel_loop3A_736, %parallel_loop3A_753 : i32
      %parallel_loop3A_755 = arith.constant 3 : i32
      %parallel_loop3A_756 = arith.index_cast %parallel_loop3A_755 : i32 to index
      %parallel_loop3A_757 = arith.index_cast %parallel_loop3A_754 : i32 to index
      %parallel_loop3A_758 = tpu.vector_load %arg4[%parallel_loop3A_756, %parallel_loop3A_757] {strides = array<i32>} : memref<4x16384xf32, #tpu.memory_space<vmem>>, vector<16xf32>,
      %parallel_loop3A_759 = arith.cmpf ogt, %parallel_loop3A_758, %mul3A_640 : vector<16xf32>
      %parallel_loop3A_760 = arith.cmpf olt, %parallel_loop3A_758, %neg3A_643 : vector<16xf32>
      %parallel_loop3A_761 = arith.select %parallel_loop3A_760, %broadcast_in_dim3A_647, %broadcast_in_dim3A_649 : vector<16xi1>, vector<16xf32>
      %parallel_loop3A_762 = arith.select %parallel_loop3A_759, %broadcast_in_dim3A_645, %parallel_loop3A_761 : vector<16xi1>, vector<16xf32>
      %parallel_loop3A_763 = arith.constant 16 : i32
      %parallel_loop3A_764 = arith.addi %parallel_loop3A_736, %parallel_loop3A_763 : i32
      %parallel_loop3A_765 = arith.constant 1 : i32
      %parallel_loop3A_766 = arith.index_cast %parallel_loop3A_765 : i32 to index
      %parallel_loop3A_767 = arith.index_cast %parallel_loop3A_764 : i32 to index
      %parallel_loop3A_768 = tpu.vector_load %arg5[%parallel_loop3A_766, %parallel_loop3A_767] {strides = array<i32>} : memref<2x16384xf32, #tpu.memory_space<vmem>>, vector<16xf32>,
      tpu.vector_store %arg5[%parallel_loop3A_766, %parallel_loop3A_767], %parallel_loop3A_762 {strides = array<i32>} : memref<2x16384xf32, #tpu.memory_space<vmem>>, vector<16xf32>,
      %parallel_loop3A_769 = arith.constant 32 : i32
      %parallel_loop3A_770 = arith.addi %parallel_loop3A_736, %parallel_loop3A_769 : i32
      %parallel_loop3A_771 = arith.constant 3 : i32
      %parallel_loop3A_772 = arith.index_cast %parallel_loop3A_771 : i32 to index
      %parallel_loop3A_773 = arith.index_cast %parallel_loop3A_770 : i32 to index
      %parallel_loop3A_774 = tpu.vector_load %arg4[%parallel_loop3A_772, %parallel_loop3A_773] {strides = array<i32>} : memref<4x16384xf32, #tpu.memory_space<vmem>>, vector<16xf32>,
      %parallel_loop3A_775 = arith.cmpf ogt, %parallel_loop3A_774, %mul3A_640 : vector<16xf32>
      %parallel_loop3A_776 = arith.cmpf olt, %parallel_loop3A_774, %neg3A_643 : vector<16xf32>
      %parallel_loop3A_777 = arith.select %parallel_loop3A_776, %broadcast_in_dim3A_647, %broadcast_in_dim3A_649 : vector<16xi1>, vector<16xf32>
      %parallel_loop3A_778 = arith.select %parallel_loop3A_775, %broadcast_in_dim3A_645, %parallel_loop3A_777 : vector<16xi1>, vector<16xf32>
      %parallel_loop3A_779 = arith.constant 32 : i32
      %parallel_loop3A_780 = arith.addi %parallel_loop3A_736, %parallel_loop3A_779 : i32
      %parallel_loop3A_781 = arith.constant 1 : i32
      %parallel_loop3A_782 = arith.index_cast %parallel_loop3A_781 : i32 to index
      %parallel_loop3A_783 = arith.index_cast %parallel_loop3A_780 : i32 to index
      %parallel_loop3A_784 = tpu.vector_load %arg5[%parallel_loop3A_782, %parallel_loop3A_783] {strides = array<i32>} : memref<2x16384xf32, #tpu.memory_space<vmem>>, vector<16xf32>,
      tpu.vector_store %arg5[%parallel_loop3A_782, %parallel_loop3A_783], %parallel_loop3A_778 {strides = array<i32>} : memref<2x16384xf32, #tpu.memory_space<vmem>>, vector<16xf32>,
      %parallel_loop3A_785 = arith.constant 48 : i32
      %parallel_loop3A_786 = arith.addi %parallel_loop3A_736, %parallel_loop3A_785 : i32
      %parallel_loop3A_787 = arith.constant 3 : i32
      %parallel_loop3A_788 = arith.index_cast %parallel_loop3A_787 : i32 to index
      %parallel_loop3A_789 = arith.index_cast %parallel_loop3A_786 : i32 to index
      %parallel_loop3A_790 = tpu.vector_load %arg4[%parallel_loop3A_788, %parallel_loop3A_789] {strides = array<i32>} : memref<4x16384xf32, #tpu.memory_space<vmem>>, vector<16xf32>,
      %parallel_loop3A_791 = arith.cmpf ogt, %parallel_loop3A_790, %mul3A_640 : vector<16xf32>
      %parallel_loop3A_792 = arith.cmpf olt, %parallel_loop3A_790, %neg3A_643 : vector<16xf32>
      %parallel_loop3A_793 = arith.select %parallel_loop3A_792, %broadcast_in_dim3A_647, %broadcast_in_dim3A_649 : vector<16xi1>, vector<16xf32>
      %parallel_loop3A_794 = arith.select %parallel_loop3A_791, %broadcast_in_dim3A_645, %parallel_loop3A_793 : vector<16xi1>, vector<16xf32>
      %parallel_loop3A_795 = arith.constant 48 : i32
      %parallel_loop3A_796 = arith.addi %parallel_loop3A_736, %parallel_loop3A_795 : i32
      %parallel_loop3A_797 = arith.constant 1 : i32
      %parallel_loop3A_798 = arith.index_cast %parallel_loop3A_797 : i32 to index
      %parallel_loop3A_799 = arith.index_cast %parallel_loop3A_796 : i32 to index
      %parallel_loop3A_800 = tpu.vector_load %arg5[%parallel_loop3A_798, %parallel_loop3A_799] {strides = array<i32>} : memref<2x16384xf32, #tpu.memory_space<vmem>>, vector<16xf32>,
      tpu.vector_store %arg5[%parallel_loop3A_798, %parallel_loop3A_799], %parallel_loop3A_794 {strides = array<i32>} : memref<2x16384xf32, #tpu.memory_space<vmem>>, vector<16xf32>,
      %parallel_loop3A_801 = arith.constant 64 : i32
      %parallel_loop3A_802 = arith.addi %parallel_loop3A_736, %parallel_loop3A_801 : i32
      %parallel_loop3A_803 = arith.constant 3 : i32
      %parallel_loop3A_804 = arith.index_cast %parallel_loop3A_803 : i32 to index
      %parallel_loop3A_805 = arith.index_cast %parallel_loop3A_802 : i32 to index
      %parallel_loop3A_806 = tpu.vector_load %arg4[%parallel_loop3A_804, %parallel_loop3A_805] {strides = array<i32>} : memref<4x16384xf32, #tpu.memory_space<vmem>>, vector<16xf32>,
      %parallel_loop3A_807 = arith.cmpf ogt, %parallel_loop3A_806, %mul3A_640 : vector<16xf32>
      %parallel_loop3A_808 = arith.cmpf olt, %parallel_loop3A_806, %neg3A_643 : vector<16xf32>
      %parallel_loop3A_809 = arith.select %parallel_loop3A_808, %broadcast_in_dim3A_647, %broadcast_in_dim3A_649 : vector<16xi1>, vector<16xf32>
      %parallel_loop3A_810 = arith.select %parallel_loop3A_807, %broadcast_in_dim3A_645, %parallel_loop3A_809 : vector<16xi1>, vector<16xf32>
      %parallel_loop3A_811 = arith.constant 64 : i32
      %parallel_loop3A_812 = arith.addi %parallel_loop3A_736, %parallel_loop3A_811 : i32
      %parallel_loop3A_813 = arith.constant 1 : i32
      %parallel_loop3A_814 = arith.index_cast %parallel_loop3A_813 : i32 to index
      %parallel_loop3A_815 = arith.index_cast %parallel_loop3A_812 : i32 to index
      %parallel_loop3A_816 = tpu.vector_load %arg5[%parallel_loop3A_814, %parallel_loop3A_815] {strides = array<i32>} : memref<2x16384xf32, #tpu.memory_space<vmem>>, vector<16xf32>,
      tpu.vector_store %arg5[%parallel_loop3A_814, %parallel_loop3A_815], %parallel_loop3A_810 {strides = array<i32>} : memref<2x16384xf32, #tpu.memory_space<vmem>>, vector<16xf32>,
      %parallel_loop3A_817 = arith.constant 80 : i32
      %parallel_loop3A_818 = arith.addi %parallel_loop3A_736, %parallel_loop3A_817 : i32
      %parallel_loop3A_819 = arith.constant 3 : i32
      %parallel_loop3A_820 = arith.index_cast %parallel_loop3A_819 : i32 to index
      %parallel_loop3A_821 = arith.index_cast %parallel_loop3A_818 : i32 to index
      %parallel_loop3A_822 = tpu.vector_load %arg4[%parallel_loop3A_820, %parallel_loop3A_821] {strides = array<i32>} : memref<4x16384xf32, #tpu.memory_space<vmem>>, vector<16xf32>,
      %parallel_loop3A_823 = arith.cmpf ogt, %parallel_loop3A_822, %mul3A_640 : vector<16xf32>
      %parallel_loop3A_824 = arith.cmpf olt, %parallel_loop3A_822, %neg3A_643 : vector<16xf32>
      %parallel_loop3A_825 = arith.select %parallel_loop3A_824, %broadcast_in_dim3A_647, %broadcast_in_dim3A_649 : vector<16xi1>, vector<16xf32>
      %parallel_loop3A_826 = arith.select %parallel_loop3A_823, %broadcast_in_dim3A_645, %parallel_loop3A_825 : vector<16xi1>, vector<16xf32>
      %parallel_loop3A_827 = arith.constant 80 : i32
      %parallel_loop3A_828 = arith.addi %parallel_loop3A_736, %parallel_loop3A_827 : i32
      %parallel_loop3A_829 = arith.constant 1 : i32
      %parallel_loop3A_830 = arith.index_cast %parallel_loop3A_829 : i32 to index
      %parallel_loop3A_831 = arith.index_cast %parallel_loop3A_828 : i32 to index
      %parallel_loop3A_832 = tpu.vector_load %arg5[%parallel_loop3A_830, %parallel_loop3A_831] {strides = array<i32>} : memref<2x16384xf32, #tpu.memory_space<vmem>>, vector<16xf32>,
      tpu.vector_store %arg5[%parallel_loop3A_830, %parallel_loop3A_831], %parallel_loop3A_826 {strides = array<i32>} : memref<2x16384xf32, #tpu.memory_space<vmem>>, vector<16xf32>,
      %parallel_loop3A_833 = arith.constant 96 : i32
      %parallel_loop3A_834 = arith.addi %parallel_loop3A_736, %parallel_loop3A_833 : i32
      %parallel_loop3A_835 = arith.constant 3 : i32
      %parallel_loop3A_836 = arith.index_cast %parallel_loop3A_835 : i32 to index
      %parallel_loop3A_837 = arith.index_cast %parallel_loop3A_834 : i32 to index
      %parallel_loop3A_838 = tpu.vector_load %arg4[%parallel_loop3A_836, %parallel_loop3A_837] {strides = array<i32>} : memref<4x16384xf32, #tpu.memory_space<vmem>>, vector<16xf32>,
      %parallel_loop3A_839 = arith.cmpf ogt, %parallel_loop3A_838, %mul3A_640 : vector<16xf32>
      %parallel_loop3A_840 = arith.cmpf olt, %parallel_loop3A_838, %neg3A_643 : vector<16xf32>
      %parallel_loop3A_841 = arith.select %parallel_loop3A_840, %broadcast_in_dim3A_647, %broadcast_in_dim3A_649 : vector<16xi1>, vector<16xf32>
      %parallel_loop3A_842 = arith.select %parallel_loop3A_839, %broadcast_in_dim3A_645, %parallel_loop3A_841 : vector<16xi1>, vector<16xf32>
      %parallel_loop3A_843 = arith.constant 96 : i32
      %parallel_loop3A_844 = arith.addi %parallel_loop3A_736, %parallel_loop3A_843 : i32
      %parallel_loop3A_845 = arith.constant 1 : i32
      %parallel_loop3A_846 = arith.index_cast %parallel_loop3A_845 : i32 to index
      %parallel_loop3A_847 = arith.index_cast %parallel_loop3A_844 : i32 to index
      %parallel_loop3A_848 = tpu.vector_load %arg5[%parallel_loop3A_846, %parallel_loop3A_847] {strides = array<i32>} : memref<2x16384xf32, #tpu.memory_space<vmem>>, vector<16xf32>,
      tpu.vector_store %arg5[%parallel_loop3A_846, %parallel_loop3A_847], %parallel_loop3A_842 {strides = array<i32>} : memref<2x16384xf32, #tpu.memory_space<vmem>>, vector<16xf32>,
      %parallel_loop3A_849 = arith.constant 112 : i32
      %parallel_loop3A_850 = arith.addi %parallel_loop3A_736, %parallel_loop3A_849 : i32
      %parallel_loop3A_851 = arith.constant 3 : i32
      %parallel_loop3A_852 = arith.index_cast %parallel_loop3A_851 : i32 to index
      %parallel_loop3A_853 = arith.index_cast %parallel_loop3A_850 : i32 to index
      %parallel_loop3A_854 = tpu.vector_load %arg4[%parallel_loop3A_852, %parallel_loop3A_853] {strides = array<i32>} : memref<4x16384xf32, #tpu.memory_space<vmem>>, vector<16xf32>,
      %parallel_loop3A_855 = arith.cmpf ogt, %parallel_loop3A_854, %mul3A_640 : vector<16xf32>
      %parallel_loop3A_856 = arith.cmpf olt, %parallel_loop3A_854, %neg3A_643 : vector<16xf32>
      %parallel_loop3A_857 = arith.select %parallel_loop3A_856, %broadcast_in_dim3A_647, %broadcast_in_dim3A_649 : vector<16xi1>, vector<16xf32>
      %parallel_loop3A_858 = arith.select %parallel_loop3A_855, %broadcast_in_dim3A_645, %parallel_loop3A_857 : vector<16xi1>, vector<16xf32>
      %parallel_loop3A_859 = arith.constant 112 : i32
      %parallel_loop3A_860 = arith.addi %parallel_loop3A_736, %parallel_loop3A_859 : i32
      %parallel_loop3A_861 = arith.constant 1 : i32
      %parallel_loop3A_862 = arith.index_cast %parallel_loop3A_861 : i32 to index
      %parallel_loop3A_863 = arith.index_cast %parallel_loop3A_860 : i32 to index
      %parallel_loop3A_864 = tpu.vector_load %arg5[%parallel_loop3A_862, %parallel_loop3A_863] {strides = array<i32>} : memref<2x16384xf32, #tpu.memory_space<vmem>>, vector<16xf32>,
      tpu.vector_store %arg5[%parallel_loop3A_862, %parallel_loop3A_863], %parallel_loop3A_858 {strides = array<i32>} : memref<2x16384xf32, #tpu.memory_space<vmem>>, vector<16xf32>,
    } {sc.loop_unroll_factor = 1 : i64, sc.parallel_access}
    %dma_start3A_695 = arith.constant 1 : i32
    %dma_start3A_696 = arith.constant 0 : i32
    %dma_start3A_697 = tpu.memref_slice %arg5[%dma_start3A_695, %dma_start3A_696] : memref<2x16384xf32, #tpu.memory_space<vmem>> -> memref<1x16384xf32, #tpu.memory_space<vmem>>
    %dma_start3A_698 = tpu.memref_squeeze %dma_start3A_697 : memref<1x16384xf32, #tpu.memory_space<vmem>> -> memref<16384xf32, #tpu.memory_space<vmem>>
    %dma_start3A_699 = arith.constant 16384 : i32
    %dma_start3A_700 = tpu.memref_slice %arg3[%add3A_557, %dma_start3A_699] : memref<128x32768xf32, #tpu.memory_space<hbm>> -> memref<1x16384xf32, #tpu.memory_space<hbm>>
    %dma_start3A_701 = tpu.memref_squeeze %dma_start3A_700 : memref<1x16384xf32, #tpu.memory_space<hbm>> -> memref<16384xf32, #tpu.memory_space<hbm>>
    %dma_start3A_702 = arith.constant 16384 : i32
    %dma_start3A_703 = tpu.memref_slice %arg3[%add3A_557, %dma_start3A_702] : memref<128x32768xf32, #tpu.memory_space<hbm>> -> memref<1x16384xf32, #tpu.memory_space<hbm>>
    %dma_start3A_704 = tpu.memref_squeeze %dma_start3A_703 : memref<1x16384xf32, #tpu.memory_space<hbm>> -> memref<16384xf32, #tpu.memory_space<hbm>>
    %dma_start3A_705 = arith.constant 0 : i32
    %dma_start3A_706 = tpu.memref_slice %arg5[%dma_start3A_695, %dma_start3A_705] : memref<2x16384xf32, #tpu.memory_space<vmem>> -> memref<1x16384xf32, #tpu.memory_space<vmem>>
    %dma_start3A_707 = tpu.memref_squeeze %dma_start3A_706 : memref<1x16384xf32, #tpu.memory_space<vmem>> -> memref<16384xf32, #tpu.memory_space<vmem>>
    tpu.enqueue_dma source(%dma_start3A_707 : memref<16384xf32, #tpu.memory_space<vmem>>) target(%dma_start3A_704 : memref<16384xf32, #tpu.memory_space<hbm>>) target_semaphore(%arg8 : memref<!tpu.dma_semaphore, #tpu.memory_space<semaphore_mem>>)
    %dma_wait3A_708 = arith.constant 0 : i32
    %dma_wait3A_709 = arith.constant 0 : i32
    %dma_wait3A_710 = tpu.memref_slice %arg5[%dma_wait3A_708, %dma_wait3A_709] : memref<2x16384xf32, #tpu.memory_space<vmem>> -> memref<1x16384xf32, #tpu.memory_space<vmem>>
    %dma_wait3A_711 = tpu.memref_squeeze %dma_wait3A_710 : memref<1x16384xf32, #tpu.memory_space<vmem>> -> memref<16384xf32, #tpu.memory_space<vmem>>
    %dma_wait3A_712 = arith.constant 0 : i32
    %dma_wait3A_713 = tpu.memref_slice %arg3[%add3A_557, %dma_wait3A_712] : memref<128x32768xf32, #tpu.memory_space<hbm>> -> memref<1x16384xf32, #tpu.memory_space<hbm>>
    %dma_wait3A_714 = tpu.memref_squeeze %dma_wait3A_713 : memref<1x16384xf32, #tpu.memory_space<hbm>> -> memref<16384xf32, #tpu.memory_space<hbm>>
    %dma_wait3A_715 = arith.constant 0 : i32
    %dma_wait3A_716 = tpu.memref_slice %arg3[%add3A_557, %dma_wait3A_715] : memref<128x32768xf32, #tpu.memory_space<hbm>> -> memref<1x16384xf32, #tpu.memory_space<hbm>>
    %dma_wait3A_717 = tpu.memref_squeeze %dma_wait3A_716 : memref<1x16384xf32, #tpu.memory_space<hbm>> -> memref<16384xf32, #tpu.memory_space<hbm>>
    %dma_wait3A_718 = arith.constant 0 : i32
    %dma_wait3A_719 = tpu.memref_slice %arg5[%dma_wait3A_708, %dma_wait3A_718] : memref<2x16384xf32, #tpu.memory_space<vmem>> -> memref<1x16384xf32, #tpu.memory_space<vmem>>
    %dma_wait3A_720 = tpu.memref_squeeze %dma_wait3A_719 : memref<1x16384xf32, #tpu.memory_space<vmem>> -> memref<16384xf32, #tpu.memory_space<vmem>>
    tpu.wait_dma2 semaphore(%arg8 : memref<!tpu.dma_semaphore, #tpu.memory_space<semaphore_mem>>) src(%dma_wait3A_720 : memref<16384xf32, #tpu.memory_space<vmem>>) dst(%dma_wait3A_717 : memref<16384xf32, #tpu.memory_space<hbm>>)
    %dma_wait3A_721 = arith.constant 1 : i32
    %dma_wait3A_722 = arith.constant 0 : i32
    %dma_wait3A_723 = tpu.memref_slice %arg5[%dma_wait3A_721, %dma_wait3A_722] : memref<2x16384xf32, #tpu.memory_space<vmem>> -> memref<1x16384xf32, #tpu.memory_space<vmem>>
    %dma_wait3A_724 = tpu.memref_squeeze %dma_wait3A_723 : memref<1x16384xf32, #tpu.memory_space<vmem>> -> memref<16384xf32, #tpu.memory_space<vmem>>
    %dma_wait3A_725 = arith.constant 16384 : i32
    %dma_wait3A_726 = tpu.memref_slice %arg3[%add3A_557, %dma_wait3A_725] : memref<128x32768xf32, #tpu.memory_space<hbm>> -> memref<1x16384xf32, #tpu.memory_space<hbm>>
    %dma_wait3A_727 = tpu.memref_squeeze %dma_wait3A_726 : memref<1x16384xf32, #tpu.memory_space<hbm>> -> memref<16384xf32, #tpu.memory_space<hbm>>
    %dma_wait3A_728 = arith.constant 16384 : i32
    %dma_wait3A_729 = tpu.memref_slice %arg3[%add3A_557, %dma_wait3A_728] : memref<128x32768xf32, #tpu.memory_space<hbm>> -> memref<1x16384xf32, #tpu.memory_space<hbm>>
    %dma_wait3A_730 = tpu.memref_squeeze %dma_wait3A_729 : memref<1x16384xf32, #tpu.memory_space<hbm>> -> memref<16384xf32, #tpu.memory_space<hbm>>
    %dma_wait3A_731 = arith.constant 0 : i32
    %dma_wait3A_732 = tpu.memref_slice %arg5[%dma_wait3A_721, %dma_wait3A_731] : memref<2x16384xf32, #tpu.memory_space<vmem>> -> memref<1x16384xf32, #tpu.memory_space<vmem>>
    %dma_wait3A_733 = tpu.memref_squeeze %dma_wait3A_732 : memref<1x16384xf32, #tpu.memory_space<vmem>> -> memref<16384xf32, #tpu.memory_space<vmem>>
    tpu.wait_dma2 semaphore(%arg8 : memref<!tpu.dma_semaphore, #tpu.memory_space<semaphore_mem>>) src(%dma_wait3A_733 : memref<16384xf32, #tpu.memory_space<vmem>>) dst(%dma_wait3A_730 : memref<16384xf32, #tpu.memory_space<hbm>>)
    return
  }
}

</mosaic_0001>

<sc_bundles>
// kernel: kernel.3.cloned.1.call-start
scs
__scs_entry_jumppad:
0x0: {  	(pc) =	sbr.rel $0x88, $3  }
0x1: {  	(tag) =	ssettag $0x0;
	lr =	simm.s32 $0x1  }
0x2: {  	[smem:$0x3FA0] =	sst lr;
	_ =	strace $0xD0000000  }
0x3: {  	_ = 	snop  }
0x4: {  	_ = 	snop  }
0x5: {  	_ = 	snop  }
0x6: {  	_ = 	snop  }
0x7: {  	_ = 	snop  }
__scs_overlays_trampoline_lowered:
0x8: {  	[smem:$0x3FAF] =	sst s0  }
0x9: {  	[smem:$0x3FB0] =	sst s1  }
0xa: {  	[smem:$0x3FB1] =	sst s2  }
0xb: {  	[smem:$0x3FB2] =	sst s3  }
0xc: {  	[smem:$0x3FB3] =	sst s4  }
0xd: {  	[smem:$0x3FB4] =	sst s5  }
0xe: {  	[smem:$0x3FB5] =	sst s6  }
0xf: {  	[smem:$0x3FB6] =	sst s7  }
0x10: {  	[smem:$0x3FB7] =	sst s8  }
0x11: {  	[smem:$0x3FB8] =	sst s9;
	s0 =	simm.s32 @!p0 $0x0  }
0x12: {  	s1 =	sld [smem:$0x3F9E];
	s0 =	simm.s32 @p0 $0x1  }
0x13: {  	[smem:$0x3FB9] =	sst s0;
	s0 =	simm.s32 @!p1 $0x0  }
0x14: {  	s2 =	sld [smem:$0x3F9D];
	s0 =	simm.s32 @p1 $0x1  }
0x15: {  	[smem:$0x3FBA] =	sst s0;
	s0 =	simm.s32 @!p2 $0x0  }
0x16: {  	s3 =	sld [smem:$0x3FDB];
	s0 =	simm.s32 @p2 $0x1  }
0x17: {  	s4 =	simm.s32 $0x1BF5;
	[smem:$0x3FBC] =	sst s0  }
0x18: {  	s0 =	sld [smem:$0x3F9F];
	_ =	swait.ge [sflag:s4], $0x0  }
0x19: {  	s7 =	sld [smem:$0x3FA0]  }
0x1a: {  	s8 =	sadd.s32 $0xFFFFE003, lr  }
0x1b: {  	s9 =	sadd.s32 $0xFFFFFEF7, lr;
	s5 =	simm.s32 $0xFFFFFFFF;
	p2 =	slt.u32 s8, $0xFFFFF086  }
0x1c: {  	p1 =	slt.u32 s9, $0xF7A;
	s5 =	simm.s32 @!p2 $0x0  }
0x1d: {  	s5 =	simm.s32 @p1 $0x1;
	p0 =	seq.s32 s7, s2  }
0x1e: {  	s7 =	smul.u32 @!p0 $0xF7A, s2;
	p2 =	seq.s32 @!p0 s5, $0x0  }
0x1f: {  	s9 =	smul.u32 $0xF7A, s1;
	s8 =	simm.s32 @!p0 $0x1BF5;
	p2 =	por !p2, p0  }
0x20: {  	[sflag:s8] =	ssyncset.s32 @!p0 $0xFFFFF086;
	s6 =	sadd.s32 @!p0 s3, s7;
	s7 =	simm.s32 @!p0 $0x108  }
0x21: {  	s3 =	sadd.s32 s3, s9;
	s6 =	sadd.s32 @!p0 $0x88, s6;
	s7 =	simm.s32 @p2 $0x1082  }
0x22: {  	[simem:s7], [sflag:s8] =	dma.local @!p0 [hbm:s6], $0xF7A  }
0x23: {  	s9 =	sor.u32 $0xD0000000, s2;
	s6 =	simm.s32 $0x108;
	_ =	swait.ge @!p0 [sflag:s8], $0x0  }
0x24: {  	s3 =	sadd.s32 $0x88, s3;
	s6 =	simm.s32 @!p1 $0x1082;
	[sflag:s4] =	ssyncset.s32 $0xFFFFF086  }
0x25: {  	[simem:s6], [sflag:s4] =	dma.local [hbm:s3], $0xF7A  }
0x26: {  	[smem:$0x3FA0] =	sst s1;
	(tag) =	ssettag s2;
	_ =	strace s9  }
0x27: {  	s1 =	sld [smem:$0x3FB0]  }
0x28: {  	s2 =	sld [smem:$0x3FB1]  }
0x29: {  	s4 =	sld [smem:$0x3FB3]  }
0x2a: {  	p0 =	seq.s32 s5, $0x0;
	s5 =	sld [smem:$0x3FB4]  }
0x2b: {  	s6 =	sld [smem:$0x3FB5]  }
0x2c: {  	s7 =	sld [smem:$0x3FB6]  }
0x2d: {  	s3 =	simm.s32 $0x108;
	s8 =	sld [smem:$0x3FB7]  }
0x2e: {  	s3 =	simm.s32 @!p0 $0x1082;
	s9 =	sld [smem:$0x3FB8]  }
0x2f: {  	lr =	sadd.s32 s0, s3;
	s0 =	sld [smem:$0x3FAF]  }
0x30: {  	s3 =	sld [smem:$0x3FB2]  }
0x31: {  	[smem:$0x3FBB] =	sst s10  }
0x32: {  	s10 =	sld [smem:$0x3FB9];
	_ =	sdelay $0x3  }
0x33: {  	p0 =	seq.s32 s10, $0x1;
	s10 =	sld [smem:$0x3FBB];
	_ =	sdelay $0x3  }
0x34: {  	[smem:$0x3FBB] =	sst s10  }
0x35: {  	s10 =	sld [smem:$0x3FBA];
	_ =	sdelay $0x3  }
0x36: {  	p1 =	seq.s32 s10, $0x1;
	s10 =	sld [smem:$0x3FBB];
	_ =	sdelay $0x3  }
0x37: {  	[smem:$0x3FBB] =	sst s10  }
0x38: {  	s10 =	sld [smem:$0x3FBC]  }
0x39: {  	_ = 	snop;
	(pc) =	sbr.ind lr, $3  }
0x3a: {  	_ = 	snop  }
0x3b: {  	_ = 	snop  }
0x3c: {  	p2 =	seq.s32 s10, $0x1;
	s10 =	sld [smem:$0x3FBB]  }
0x3d: {  	_ =	shalt  }
0x3e: {  	_ =	shalt  }
0x3f: {  	_ =	shalt  }
0x40: {  	_ =	shalt  }
0x41: {  	_ =	shalt  }
0x42: {  	_ =	shalt  }
0x43: {  	_ =	shalt  }
0x44: {  	_ =	shalt  }
0x45: {  	_ =	shalt  }
0x46: {  	_ =	shalt  }
0x47: {  	_ =	shalt  }
0x48: {  	_ =	shalt  }
0x49: {  	_ =	shalt  }
0x4a: {  	_ =	shalt  }
0x4b: {  	_ =	shalt  }
0x4c: {  	_ =	shalt  }
0x4d: {  	_ =	shalt  }
0x4e: {  	_ =	shalt  }
0x4f: {  	_ =	shalt  }
0x50: {  	_ =	shalt  }
0x51: {  	_ =	shalt  }
0x52: {  	_ =	shalt  }
0x53: {  	_ =	shalt  }
0x54: {  	_ =	shalt  }
0x55: {  	_ =	shalt  }
0x56: {  	_ =	shalt  }
0x57: {  	_ =	shalt  }
0x58: {  	_ =	shalt  }
0x59: {  	_ =	shalt  }
0x5a: {  	_ =	shalt  }
0x5b: {  	_ =	shalt  }
0x5c: {  	_ =	shalt  }
0x5d: {  	_ =	shalt  }
0x5e: {  	_ =	shalt  }
0x5f: {  	_ =	shalt  }
0x60: {  	_ =	shalt  }
0x61: {  	_ =	shalt  }
0x62: {  	_ =	shalt  }
0x63: {  	_ =	shalt  }
0x64: {  	_ =	shalt  }
0x65: {  	_ =	shalt  }
0x66: {  	_ =	shalt  }
0x67: {  	_ =	shalt  }
0x68: {  	_ =	shalt  }
0x69: {  	_ =	shalt  }
0x6a: {  	_ =	shalt  }
0x6b: {  	_ =	shalt  }
0x6c: {  	_ =	shalt  }
0x6d: {  	_ =	shalt  }
0x6e: {  	_ =	shalt  }
0x6f: {  	_ =	shalt  }
0x70: {  	_ =	shalt  }
0x71: {  	_ =	shalt  }
0x72: {  	_ =	shalt  }
0x73: {  	_ =	shalt  }
0x74: {  	_ =	shalt  }
0x75: {  	_ =	shalt  }
0x76: {  	_ =	shalt  }
0x77: {  	_ =	shalt  }
0x78: {  	_ =	shalt  }
0x79: {  	_ =	shalt  }
0x7a: {  	_ =	shalt  }
0x7b: {  	_ =	shalt  }
0x7c: {  	_ =	shalt  }
0x7d: {  	_ =	shalt  }
0x7e: {  	_ =	shalt  }
0x7f: {  	_ =	shalt  }
0x80: {  	_ =	shalt  }
0x81: {  	_ =	shalt  }
0x82: {  	_ =	shalt  }
0x83: {  	_ =	shalt  }
0x84: {  	_ =	shalt  }
0x85: {  	_ =	shalt  }
0x86: {  	_ =	shalt  }
0x87: {  	_ =	shalt  }
.Lfunc_end0:
.L_simem_size_0:
called_computation_lowered:
.L_overlay_start_0:
0x88: {  	s2 =	sld [smem:$0x3FD9]  }
0x89: {  	s3 =	sld [smem:$0x3FFE];
	_ =	sdelay $0x1  }
0x8a: {  	s1 =	srdreg.scid  }
0x8b: {  	s0 =	sand.u32 $0x1, s1  }
0x8c: {  	s18 =	sshll.u32 s0, $0xA;
	s2 =	sadd.s32 s3, s2  }
0x8d: {  	s2 =	sadd.s32 s2, s18  }
0x8e: {  	[smem:$0x3FC7] =	sst s2  }
0x8f: {  	_ = 	snop  }
0x90: {  	s2 =	sld [smem:$0x3FC9]  }
0x91: {  	s19 =	sld [smem:$0x3FD0];
	(tm) =	ssettm $0x1  }
0x92: {  	s4 =	sld [smem:$0x3FFB];
	_ =	sdelay $0x3  }
0x93: {  	_ =	strace s4  }
0x94: {  	s4 =	sld [smem:$0x3FFC];
	_ =	sdelay $0x3  }
0x95: {  	_ =	strace s4  }
0x96: {  	s4 =	sld [smem:$0x3FFD];
	_ =	sdelay $0x3  }
0x97: {  	_ =	strace s4  }
0x98: {  	_ =	strace $0x8FFFFFFF  }
0x99: {  	s20 =	sld [smem:$0x3FDB];
	_ =	sdelay $0x1  }
0x9a: {  	s5 =	simm.s32 $_scs_section_size  }
0x9b: {  	s6 =	simm.s32 $_size__tile_overlayer_lowered;
	s7 =	simm.s32 $_tile_overlayer_lowered  }
0x9c: {  	s23 =	simm.s32 $0x1BFF;
	s22 =	sshll.u32 s7, $0x1;
	s4 =	sadd.s32 s5, s20  }
0x9d: {  	s8 =	simm.s32 $0x0;
	s21 =	sshll.u32 s6, $0x1;
	s6 =	sadd.s32 s22, s4  }
0x9e: {  	[timem:s8], [sflag:s23] =	dma.local [hbm:s6], s21  }
0x9f: {  	_ =	swait.ge [sflag:s23], s21  }
0xa0: {  	s5 =	ssub.s32 $0x0, s21;
	[sflag:s23] =	ssyncset.done $0x0  }
0xa1: {  	[sflag:s23] =	ssyncadd.s32 s5;
	_ =	sdelay $0x1  }
0xa2: {  	s24 =	simm.s32 $0x1B8B  }
0xa3: {  	_ =	swait.ge [sflag:s24], $0x1  }
0xa4: {  	[sflag:s24] =	ssyncset.done $0x0  }
0xa5: {  	s25 =	simm.s32 $0x1B8E;
	[sflag:s24] =	ssyncadd.s32 $0xFFFFFFFF  }
0xa6: {  	s26 =	simm.s32 $execute0_lowered;
	[smem:$0x3FD2] =	sst s25  }
0xa7: {  	s5 =	sshll.u32 s26, $0x1;
	_ =	strace $0x80000046;
	[dreg:$0x1] =	wrdreg $0xFFFFFFFF  }
0xa8: {  	s28 =	simm.s32 $_size_execute0_lowered;
	s4 =	sadd.s32 s4, s5;
	[dreg:$0x0] =	wrdreg $0x0  }
0xa9: {  	s5 =	sshll.u32 s28, $0x1;
	[dreg:$0x2] =	wrdreg s4  }
0xaa: {  	[dreg:$0x3] =	wrdreg s5  }
0xab: {  	[dreg:$0x4] =	wrdreg $0xC0  }
0xac: {  	_ =	task [dreg:s8], $0x5FFFF  }
0xad: {  	[dreg:$0x1] =	wrdreg $0xFFFFFFFF  }
0xae: {  	[dreg:$0x0] =	wrdreg $0x60  }
0xaf: {  	[dreg:$0x2] =	wrdreg s2  }
0xb0: {  	[dreg:$0x3] =	wrdreg s19  }
0xb1: {  	[dreg:$0x4] =	wrdreg $0x9  }
0xb2: {  	_ =	task.clear_ibuf [dreg:s8], $0x5FFFF;
	_ =	strace $0x90000046  }
0xb3: {  	s29 =	simm.s32 $0x9;
	_ =	strace $0x80000048  }
0xb4: {  	_ =	swait.ge [sflag:s29], $0x1  }
0xb5: {  	[sflag:s29] =	ssyncadd.s32 $0xFFFFFFFF  }
0xb6: {  	_ =	strace $0x90000048  }
0xb7: {  	_ =	sfence  }
0xb8: {  	s30 =	sld [smem:$0x0];
	_ =	sdelay $0x2  }
0xb9: {  	s31 =	sshll.u32 s1, $0xD;
	s1 =	sshrl.u32 s1, $0x2  }
0xba: {  	s3 =	sand.u32 $0x4000, s31;
	s1 =	sadd.s32 s1, s30  }
0xbb: {  	s0 =	sor.u32 s3, s0;
	s1 =	sshll.u32 s1, $0x11  }
0xbc: {  	s0 =	sor.u32 s1, s0  }
0xbd: {  	s0 =	sadd.s32 $0x8F2B, s0  }
0xbe: {  	[sflag:s0] =	ssyncadd.remote.s32 $0x1  }
0xbf: {  	_ =	sfence.sel $0xFFFF  }
0xc0: {  	[dreg:$0x0] =	wrdreg $0xFFFFFFFF;
	(pc) =	sbr.abs _section_cstart, $3  }
0xc1: {  	[dreg:$0x1] =	wrdreg $0xFFFFFFFF  }
0xc2: {  	_ =	task.clear_ibuf [dreg:s8], $0x2FFFF;
	_ =	strace $0x9FFFFFFF  }
0xc3: {  	(tm) =	ssettm $0x7FFFFFFF  }
tec
execute0_lowered:
.L_overlay_start_1:
0x0: {  	(tag) =	ssettag $0x1  }
0x1: {  	s1 =	rddreg [dreg:$0x0]  }
0x2: {  	s0 =	rddreg [dreg:$0x1];
	s3 =	srdreg.scid  }
0x3: {  	s2 =	simm.s32 $0x0;
	s5 =	stileid.u32;
	v0 =	vimm.s32 $0xEFCDAB89;
	s3 =	sand.u32 $0x1, s3  }
0x4: {  	v1 =	vimm.s32 $0x67452301;
	v2 =	vimm.s32 $0xDCFE98BA;
	s5 =	sshll.u32 s5, $0xF;
	s4 =	ssub.s32 $0x2, s3;
	s3 =	sshll.u32 s3, $0x6  }
0x5: {  	v3 =	vimm.s32 $0x54761032;
	v4 =	vimm.s32 $0xBA98FEDC;
	[smem:$0x7FF] =	sst s2;
	s6 =	sshrl.u32 s4, $0x1;
	s7 =	sor.u32 s3, s5  }
0x6: {  	v5 =	vimm.s32 $0x32107654;
	v6 =	vimm.s32 $0xFEDCBA98;
	_ =	strace $0x80000047;
	s19 =	ssub.s32 s4, s6;
	s3 =	sadd.s32 s1, s7  }
0x7: {  	v7 =	vimm.s32 $0x76543210;
	v0 =	vunpack.c.l.s4.s8 v0;
	v1 =	vunpack.c.l.s4.s8 v1;
	s8 =	sor.u32 $0x4000, s7;
	s11 =	sor.u32 $0x10, s7;
	s12 =	sor.u32 $0x4010, s7  }
0x8: {  	v2 =	vunpack.c.l.s4.s8 v2;
	v3 =	vunpack.c.l.s4.s8 v3;
	v4 =	vunpack.c.l.s4.s8 v4;
	s9 =	sadd.s32 s0, s7;
	s15 =	sor.u32 $0x20, s7;
	s16 =	sor.u32 $0x4020, s7  }
0x9: {  	v5 =	vunpack.c.l.s4.s8 v5;
	v6 =	vunpack.c.l.s4.s8 v6;
	v0 =	vunpack.c.0.s8.s32 v0;
	s17 =	sor.u32 $0x30, s7;
	s7 =	sor.u32 $0x4030, s7;
	s4 =	sadd.s32 s1, s8  }
0xa: {  	v1 =	vunpack.c.0.s8.s32 v1;
	v2 =	vunpack.c.0.s8.s32 v2;
	v3 =	vunpack.c.0.s8.s32 v3;
	s5 =	sadd.s32 s1, s11;
	s6 =	sadd.s32 s1, s12;
	[dreg:$0x3] =	wrdreg s9  }
0xb: {  	v7 =	vunpack.c.l.s4.s8 v7;
	v4 =	vunpack.c.0.s8.s32 v4;
	v5 =	vunpack.c.0.s8.s32 v5;
	s8 =	sadd.s32 s0, s8;
	s9 =	sadd.s32 s1, s15;
	s10 =	sadd.s32 s1, s16  }
0xc: {  	s11 =	sadd.s32 s0, s11;
	v0 =	vcombine.low v1, v0;
	v1 =	vcombine.low v3, v2;
	s12 =	sadd.s32 s0, s12;
	s13 =	sadd.s32 s1, s17;
	v2 =	vunpack.c.0.s8.s32 v6  }
0xd: {  	s14 =	sadd.s32 s1, s7;
	v3 =	vcombine.low v5, v4;
	s15 =	sadd.s32 s0, s15;
	s16 =	sadd.s32 s0, s16;
	v4 =	vunpack.c.0.s8.s32 v7  }
0xe: {  	s17 =	sadd.s32 s0, s17;
	s31 =	smax.u32 s19, $0x1;
	[dreg:$0x4] =	wrdreg s11;
	v0 =	vand.u32 $0xF, v0;
	v1 =	vand.u32 $0xF, v1;
	v5 =	vand.u32 $0xF, v2  }
0xf: {  	s18 =	sadd.s32 s0, s7;
	s7 =	simm.s32 $0x0;
	[dreg:$0x5] =	wrdreg s31;
	v2 =	vand.u32 $0xF, v3;
	v3 =	vcombine.low v5, v4;
	v4 =	vimm.f32 $0.0e+00  }
.LBB2_1:
0x10: {  	[dreg:$0x6] =	wrdreg s7;
	s0 =	simm.s32 $0x80  }
0x11: {  	s19 =	sadd.s32 $0x0, s3;
	s1 =	simm.s32 $0x200;
	s7 =	simm.s32 $0x0  }
.LBB2_2:
0x12: {  	[tilespmem:s7], [sflag:$0x1] =	stream.linear.gather [hbm4b:s19+s2], $0x80, $0x38;
	[tilespmem:$0x18080] =	vst v63  }
0x13: {  	s19 =	smov.u32 s0;
	s7 =	smov.u32 s1;
	p0 =	sne.s32 s0, $0x3F80  }
.Ltmp0:
0x14: {  	s0 =	sadd.s32 $0x80, s0;
	(pc) =	sbr.rel @p0 .LBB2_2-.Ltmp0, $2  }
0x15: {  	_ =	sdelay $0x2  }
0x16: {  	s1 =	sadd.s32 $0x200, s1;
	s19 =	sadd.s32 s19, s3  }
0x17: {  	[tilespmem:s7], [sflag:$0x1] =	stream.linear.gather [hbm4b:s19+s2], $0x80, $0x38;
	[tilespmem:$0x18080] =	vst v63  }
0x18: {  	s0 =	simm.s32 $0x80  }
0x19: {  	s1 =	simm.s32 $0x80;
	s19 =	sadd.s32 $0x0, s4;
	s7 =	simm.s32 $0x280  }
.LBB2_4:
0x1a: {  	[tilespmem:s0], [sflag:$0x1] =	stream.linear.gather [hbm4b:s19+s2], $0x80, $0x38;
	[tilespmem:$0x18080] =	vst v63  }
0x1b: {  	s19 =	smov.u32 s1;
	s0 =	smov.u32 s7;
	p0 =	sne.s32 s1, $0x3F80  }
.Ltmp1:
0x1c: {  	s1 =	sadd.s32 $0x80, s1;
	(pc) =	sbr.rel @p0 .LBB2_4-.Ltmp1, $2  }
0x1d: {  	_ =	sdelay $0x2  }
0x1e: {  	s7 =	sadd.s32 $0x200, s7;
	s19 =	sadd.s32 s19, s4  }
0x1f: {  	[tilespmem:s0], [sflag:$0x1] =	stream.linear.gather [hbm4b:s19+s2], $0x80, $0x38;
	[tilespmem:$0x18080] =	vst v63  }
0x20: {  	s31 =	simm.s32 $0x1  }
0x21: {  	_ =	swait.ge [sflag:s31], $0x4000  }
0x22: {  	[sflag:s31] =	ssyncset.done $0x0  }
0x23: {  	[sflag:s31] =	ssyncadd.s32 $0xFFFFC000  }
0x24: {  	_ =	swait.ge [sflag:s31], $0x4000  }
0x25: {  	[sflag:s31] =	ssyncset.done $0x0  }
0x26: {  	s0 =	simm.s32 $0x0;
	[sflag:s31] =	ssyncadd.s32 $0xFFFFC000  }
0x27: {  	v5 =	vld [tilespmem:s0+$0x70]  }
0x28: {  	v7 =	vld [tilespmem:s0+$0x0]  }
0x29: {  	v8 =	vld [tilespmem:s0+$0x10];
	_ =	sdelay $0x1  }
0x2a: {  	v16 =	vld [tilespmem:s0+$0x20]  }
0x2b: {  	v6 =	vimm.f32 $0.0e+00;
	v12 =	vimm.f32 $0.0e+00;
	v13 =	vimm.f32 $0.0e+00;
	v14 =	vld [tilespmem:s0+$0x30]  }
0x2c: {  	v9 =	vimm.f32 $0.0e+00;
	v10 =	vimm.f32 $0.0e+00;
	v11 =	vimm.f32 $0.0e+00;
	v15 =	vld [tilespmem:s0+$0x40]  }
0x2d: {  	v17 =	vld [tilespmem:s0+$0x50];
	v5 =	vand.u32 $0x7FFFFFFF, v5;
	v7 =	vand.u32 $0x7FFFFFFF, v7;
	v19 =	vand.u32 $0x7FFFFFFF, v8  }
0x2e: {  	s1 =	simm.s32 $0x200;
	s7 =	simm.s32 $0x1000;
	v18 =	vld [tilespmem:s0+$0x60];
	v8 =	vimm.f32 $0.0e+00;
	v5 =	vmax.f32 v6, v5;
	v7 =	vmax.f32 v6, v7  }
.LBB2_6:
0x2f: {  	p0 =	sne.s32 s7, $0x3F800;
	v20 =	vld [tilespmem:s1+$0x70];
	v12 =	vmax.f32 v12, v19;
	v16 =	vand.u32 $0x7FFFFFFF, v16  }
0x30: {  	v19 =	vld [tilespmem:s1+$0x0];
	v13 =	vmax.f32 v13, v16;
	v14 =	vand.u32 $0x7FFFFFFF, v14  }
0x31: {  	v21 =	vld [tilespmem:s1+$0x10];
	v9 =	vmax.f32 v9, v14;
	v14 =	vand.u32 $0x7FFFFFFF, v15  }
.Ltmp2:
0x32: {  	v16 =	vld [tilespmem:s1+$0x20];
	v10 =	vmax.f32 v10, v14;
	v15 =	vand.u32 $0x7FFFFFFF, v17;
	(pc) =	sbr.rel @p0 .LBB2_6-.Ltmp2, $4  }
0x33: {  	v14 =	vld [tilespmem:s1+$0x30];
	v11 =	vmax.f32 v11, v15;
	v17 =	vand.u32 $0x7FFFFFFF, v18  }
0x34: {  	v15 =	vld [tilespmem:s1+$0x40];
	v18 =	vand.u32 $0x7FFFFFFF, v20;
	v8 =	vmax.f32 v8, v17  }
0x35: {  	v19 =	vand.u32 $0x7FFFFFFF, v19;
	v17 =	vld [tilespmem:s1+$0x50];
	v5 =	vmax.f32 v5, v18  }
0x36: {  	v7 =	vmax.f32 v7, v19;
	v19 =	vand.u32 $0x7FFFFFFF, v21;
	v18 =	vld [tilespmem:s1+$0x60];
	s1 =	sshra.s32 s7, $0x2;
	s7 =	sadd.s32 $0x800, s7  }
0x37: {  	v20 =	vld [tilespmem:s1+$0x70]  }
0x38: {  	v21 =	vld [tilespmem:s1+$0x0]  }
0x39: {  	v22 =	vld [tilespmem:s1+$0x10]  }
0x3a: {  	v23 =	vld [tilespmem:s1+$0x20]  }
0x3b: {  	v16 =	vand.u32 $0x7FFFFFFF, v16;
	v26 =	vld [tilespmem:s0+$0x90]  }
0x3c: {  	v24 =	vld [tilespmem:s1+$0x30];
	v12 =	vmax.f32 v12, v19;
	v13 =	vmax.f32 v13, v16;
	v14 =	vand.u32 $0x7FFFFFFF, v14  }
0x3d: {  	v25 =	vld [tilespmem:s1+$0x40];
	v14 =	vmax.f32 v9, v14;
	v9 =	vand.u32 $0x7FFFFFFF, v15;
	v15 =	vand.u32 $0x7FFFFFFF, v17  }
0x3e: {  	v16 =	vld [tilespmem:s1+$0x50];
	v10 =	vmax.f32 v10, v9;
	v15 =	vmax.f32 v11, v15;
	v9 =	vand.u32 $0x7FFFFFFF, v18  }
0x3f: {  	v17 =	vld [tilespmem:s1+$0x60];
	v11 =	vand.u32 $0x7FFFFFFF, v20;
	v19 =	vmax.f32 v8, v9;
	v8 =	vand.u32 $0x7FFFFFFF, v21  }
0x40: {  	v18 =	vld [tilespmem:s0+$0xF0];
	v9 =	vand.u32 $0x7FFFFFFF, v22;
	v26 =	vand.u32 $0x7FFFFFFF, v26;
	v5 =	vmax.f32 v5, v11  }
0x41: {  	v21 =	vld [tilespmem:s0+$0x80];
	v11 =	vand.u32 $0x7FFFFFFF, v23;
	v8 =	vmax.f32 v7, v8;
	v9 =	vmax.f32 v12, v9  }
0x42: {  	v7 =	vmax.f32 v13, v11;
	v11 =	vand.u32 $0x7FFFFFFF, v24;
	v13 =	vand.u32 $0x7FFFFFFF, v25  }
0x43: {  	v22 =	vld [tilespmem:s0+$0xA0];
	v16 =	vand.u32 $0x7FFFFFFF, v16;
	v12 =	vmax.f32 v14, v11;
	v11 =	vmax.f32 v10, v13  }
0x44: {  	v20 =	vld [tilespmem:s0+$0xB0];
	v10 =	vmax.f32 v15, v16;
	v13 =	vand.u32 $0x7FFFFFFF, v17;
	v17 =	vimm.f32 $0.0e+00  }
0x45: {  	v23 =	vld [tilespmem:s0+$0xC0];
	v16 =	vimm.f32 $0.0e+00;
	v14 =	vand.u32 $0x7FFFFFFF, v18;
	v13 =	vmax.f32 v19, v13  }
0x46: {  	v24 =	vld [tilespmem:s0+$0xD0];
	v18 =	vimm.f32 $0.0e+00;
	v19 =	vimm.f32 $0.0e+00;
	v15 =	vand.u32 $0x7FFFFFFF, v21  }
0x47: {  	s7 =	simm.s32 $0x1000;
	s1 =	simm.s32 $0x200;
	v25 =	vld [tilespmem:s0+$0xE0];
	v14 =	vmax.f32 v6, v14;
	v21 =	vimm.f32 $0.0e+00;
	v15 =	vmax.f32 v6, v15  }
.LBB2_8:
0x48: {  	p0 =	sne.s32 s7, $0x3F800;
	v27 =	vld [tilespmem:s1+$0xF0];
	v6 =	vmax.f32 v6, v26;
	v22 =	vand.u32 $0x7FFFFFFF, v22  }
0x49: {  	v26 =	vld [tilespmem:s1+$0x80];
	v21 =	vmax.f32 v21, v22;
	v20 =	vand.u32 $0x7FFFFFFF, v20  }
0x4a: {  	v28 =	vld [tilespmem:s1+$0x90];
	v17 =	vmax.f32 v17, v20;
	v20 =	vand.u32 $0x7FFFFFFF, v23  }
.Ltmp3:
0x4b: {  	v22 =	vld [tilespmem:s1+$0xA0];
	v18 =	vmax.f32 v18, v20;
	v23 =	vand.u32 $0x7FFFFFFF, v24;
	(pc) =	sbr.rel @p0 .LBB2_8-.Ltmp3, $4  }
0x4c: {  	v20 =	vld [tilespmem:s1+$0xB0];
	v19 =	vmax.f32 v19, v23;
	v24 =	vand.u32 $0x7FFFFFFF, v25  }
0x4d: {  	v23 =	vld [tilespmem:s1+$0xC0];
	v25 =	vand.u32 $0x7FFFFFFF, v27;
	v16 =	vmax.f32 v16, v24  }
0x4e: {  	v26 =	vand.u32 $0x7FFFFFFF, v26;
	v24 =	vld [tilespmem:s1+$0xD0];
	v14 =	vmax.f32 v14, v25  }
0x4f: {  	v15 =	vmax.f32 v15, v26;
	v26 =	vand.u32 $0x7FFFFFFF, v28;
	v25 =	vld [tilespmem:s1+$0xE0];
	s1 =	sshra.s32 s7, $0x2;
	s7 =	sadd.s32 $0x800, s7  }
0x50: {  	v27 =	vld [tilespmem:s1+$0xF0]  }
0x51: {  	v28 =	vld [tilespmem:s1+$0x80]  }
0x52: {  	v29 =	vld [tilespmem:s1+$0x90]  }
0x53: {  	v30 =	vld [tilespmem:s1+$0xA0]  }
0x54: {  	v22 =	vand.u32 $0x7FFFFFFF, v22;
	v31 =	vld [tilespmem:s1+$0xB0]  }
0x55: {  	v26 =	vmax.f32 v6, v26;
	v60 =	vld [tilespmem:s1+$0xD0];
	v21 =	vmax.f32 v21, v22  }
0x56: {  	v22 =	vld [tilespmem:s1+$0xC0];
	v6 =	vand.u32 $0x7FFFFFFF, v20;
	v20 =	vand.u32 $0x7FFFFFFF, v23;
	v23 =	vand.u32 $0x7FFFFFFF, v24  }
0x57: {  	v17 =	vmax.f32 v17, v6;
	v20 =	vmax.f32 v18, v20;
	v19 =	vmax.f32 v19, v23;
	v23 =	vld [tilespmem:s1+$0xE0]  }
0x58: {  	v6 =	vand.u32 $0x7FFFFFFF, v25;
	v18 =	vand.u32 $0x7FFFFFFF, v27;
	v61 =	vand.u32 $0x7FFFFFFF, v28  }
0x59: {  	v62 =	vmax.f32 v16, v6;
	v16 =	vand.u32 $0x7FFFFFFF, v30;
	v63 =	vand.u32 $0x7FFFFFFF, v31  }
0x5a: {  	v6 =	vmax.f32 v14, v18;
	v14 =	vmax.f32 v15, v61;
	v15 =	vand.u32 $0x7FFFFFFF, v29  }
0x5b: {  	v16 =	vmax.f32 v21, v16;
	v21 =	vand.u32 $0x7FFFFFFF, v60;
	v18 =	vmax.f32 v26, v15  }
0x5c: {  	s0 =	simm.s32 $0x100;
	v15 =	vmax.f32 v17, v63;
	v17 =	vand.u32 $0x7FFFFFFF, v22;
	v22 =	vand.u32 $0x7FFFFFFF, v23  }
0x5d: {  	s19 =	sadd.s32 $0x0, s5;
	s7 =	simm.s32 $0x300;
	s1 =	simm.s32 $0x80;
	v19 =	vmax.f32 v19, v21;
	v20 =	vmax.f32 v20, v17;
	v17 =	vmax.f32 v62, v22  }
.LBB2_10:
0x5e: {  	[tilespmem:s0], [sflag:$0x1] =	stream.linear.gather [hbm4b:s19+s2], $0x80, $0x38;
	[tilespmem:$0x18080] =	vst v63  }
0x5f: {  	s19 =	smov.u32 s1;
	s0 =	smov.u32 s7;
	p0 =	sne.s32 s1, $0x3F80  }
.Ltmp4:
0x60: {  	s1 =	sadd.s32 $0x80, s1;
	(pc) =	sbr.rel @p0 .LBB2_10-.Ltmp4, $2  }
0x61: {  	_ =	sdelay $0x2  }
0x62: {  	s7 =	sadd.s32 $0x200, s7;
	s19 =	sadd.s32 s19, s5  }
0x63: {  	[tilespmem:s0], [sflag:$0x1] =	stream.linear.gather [hbm4b:s19+s2], $0x80, $0x38;
	[tilespmem:$0x18080] =	vst v63  }
0x64: {  	s0 =	simm.s32 $0x180  }
0x65: {  	s7 =	simm.s32 $0x80;
	s1 =	sadd.s32 $0x0, s6;
	s19 =	simm.s32 $0x380  }
.LBB2_12:
0x66: {  	[tilespmem:s0], [sflag:$0x1] =	stream.linear.gather [hbm4b:s1+s2], $0x80, $0x38;
	[tilespmem:$0x18080] =	vst v63  }
0x67: {  	s1 =	smov.u32 s7;
	s0 =	smov.u32 s19;
	p0 =	sne.s32 s7, $0x3F80  }
.Ltmp5:
0x68: {  	s7 =	sadd.s32 $0x80, s7;
	(pc) =	sbr.rel @p0 .LBB2_12-.Ltmp5, $2  }
0x69: {  	_ =	sdelay $0x2  }
0x6a: {  	s19 =	sadd.s32 $0x200, s19;
	s1 =	sadd.s32 s1, s6  }
0x6b: {  	v8 =	vmax.f32 v8, v9;
	v9 =	vmax.f32 v14, v18  }
0x6c: {  	v7 =	vmax.f32 v8, v7;
	v8 =	vmax.f32 v9, v16  }
0x6d: {  	v7 =	vmax.f32 v7, v12;
	v8 =	vmax.f32 v8, v15  }
0x6e: {  	v7 =	vmax.f32 v7, v11;
	v8 =	vmax.f32 v8, v20  }
0x6f: {  	v7 =	vmax.f32 v7, v10;
	v8 =	vmax.f32 v8, v19  }
0x70: {  	v7 =	vmax.f32 v7, v13;
	v8 =	vmax.f32 v8, v17  }
0x71: {  	v5 =	vmax.f32 v7, v5;
	v6 =	vmax.f32 v8, v6  }
0x72: {  	[tilespmem:s0], [sflag:$0x1] =	stream.linear.gather [hbm4b:s1+s2], $0x80, $0x38;
	v5 =	vmax.f32 v5, v6;
	[tilespmem:$0x18080] =	vst v63  }
0x73: {  	s26 =	simm.s32 $0x18000;
	[tilespmem:$0x18000] =	vst v5  }
0x74: {  	v6 =	vld.idx.msk [tilespmem:v0+s26+$0x0], $0xffff;
	_ =	sdelay $0x4  }
0x75: {  	v5 =	vmax.f32 v5, v6  }
0x76: {  	[tilespmem:$0x18000] =	vst v5  }
0x77: {  	v6 =	vld.idx.msk [tilespmem:v1+s26+$0x0], $0xffff;
	_ =	sdelay $0x4  }
0x78: {  	v5 =	vmax.f32 v5, v6  }
0x79: {  	[tilespmem:$0x18000] =	vst v5  }
0x7a: {  	v6 =	vld.idx.msk [tilespmem:v2+s26+$0x0], $0xffff;
	_ =	sdelay $0x4  }
0x7b: {  	v5 =	vmax.f32 v5, v6  }
0x7c: {  	[tilespmem:$0x18000] =	vst v5  }
0x7d: {  	v6 =	vld.idx.msk [tilespmem:v3+s26+$0x0], $0xffff;
	_ =	sdelay $0x4  }
0x7e: {  	v5 =	vmax.f32 v5, v6  }
0x7f: {  	s20 =	simm.s32 $0x40;
	v5 =	vadd.f32 $9.999999970e-07, v5  }
0x80: {  	v7 =	vld [tilespmem:s20+$0xFFFFFFC0]  }
0x81: {  	v5 =	vmul.f32 $5.000000000e-01, v5;
	_ =	sdelay $0x1  }
0x82: {  	v6 =	vsub.f32 $0.0e+00, v5;
	_ =	sdelay $0x1  }
0x83: {  	vm0 =	vlt.f32 v7, v6  }
0x84: {  	vm1 =	vgt.f32 v7, v5;
	v7 =	vsel vm0, $0xBF800000, v4  }
0x85: {  	s24 =	simm.s32 $0x0;
	v7 =	vsel vm1, $0x3F800000, v7  }
0x86: {  	[tilespmem:s24+$0x10000] =	vst v7  }
0x87: {  	v7 =	vld [tilespmem:s20+$0xFFFFFFD0]  }
0x88: {  	s28 =	simm.s32 $0x240  }
0x89: {  	v8 =	vld [tilespmem:s28+$0xFFFFFFC0];
	_ =	sdelay $0x2  }
0x8a: {  	vm0 =	vlt.f32 v7, v6  }
0x8b: {  	vm1 =	vgt.f32 v7, v5;
	v7 =	vsel vm0, $0xBF800000, v4  }
0x8c: {  	vm0 =	vlt.f32 v8, v6;
	v7 =	vsel vm1, $0x3F800000, v7  }
0x8d: {  	vm1 =	vgt.f32 v8, v5;
	v8 =	vsel vm0, $0xBF800000, v4;
	[tilespmem:s24+$0x10010] =	vst v7  }
0x8e: {  	s25 =	simm.s32 $0x100;
	v7 =	vsel vm1, $0x3F800000, v8;
	v8 =	vld [tilespmem:s20+$0xFFFFFFE0]  }
0x8f: {  	[tilespmem:s25+$0x10000] =	vst v7  }
0x90: {  	s29 =	simm.s32 $0x440;
	v7 =	vld [tilespmem:s28+$0xFFFFFFD0]  }
0x91: {  	v9 =	vld [tilespmem:s29+$0xFFFFFFC0];
	_ =	sdelay $0x1  }
0x92: {  	vm0 =	vlt.f32 v8, v6  }
0x93: {  	vm1 =	vgt.f32 v8, v5;
	v8 =	vsel vm0, $0xBF800000, v4  }
0x94: {  	vm0 =	vlt.f32 v7, v6;
	v8 =	vsel vm1, $0x3F800000, v8  }
0x95: {  	vm1 =	vgt.f32 v7, v5;
	v7 =	vsel vm0, $0xBF800000, v4;
	vm0 =	vlt.f32 v9, v6;
	[tilespmem:s24+$0x10020] =	vst v8  }
0x96: {  	v7 =	vsel vm1, $0x3F800000, v7;
	vm1 =	vgt.f32 v9, v5;
	v9 =	vsel vm0, $0xBF800000, v4;
	v8 =	vld [tilespmem:s20+$0xFFFFFFF0]  }
0x97: {  	s26 =	simm.s32 $0x200;
	[tilespmem:s25+$0x10010] =	vst v7;
	v7 =	vsel vm1, $0x3F800000, v9  }
0x98: {  	v9 =	vld [tilespmem:s28+$0xFFFFFFE0];
	[tilespmem:s26+$0x10000] =	vst v7  }
0x99: {  	v7 =	vld [tilespmem:s29+$0xFFFFFFD0]  }
0x9a: {  	s31 =	simm.s32 $0x640  }
0x9b: {  	v10 =	vld [tilespmem:s31+$0xFFFFFFC0];
	vm0 =	vlt.f32 v8, v6  }
0x9c: {  	vm1 =	vgt.f32 v8, v5;
	v8 =	vsel vm0, $0xBF800000, v4  }
0x9d: {  	vm0 =	vlt.f32 v9, v6;
	v8 =	vsel vm1, $0x3F800000, v8  }
0x9e: {  	vm1 =	vgt.f32 v9, v5;
	v9 =	vsel vm0, $0xBF800000, v4;
	vm0 =	vlt.f32 v7, v6;
	[tilespmem:s24+$0x10030] =	vst v8  }
0x9f: {  	v8 =	vsel vm1, $0x3F800000, v9;
	vm1 =	vgt.f32 v7, v5;
	v7 =	vsel vm0, $0xBF800000, v4;
	v9 =	vld [tilespmem:s20+$0x0]  }
0xa0: {  	vm0 =	vlt.f32 v10, v6;
	[tilespmem:s25+$0x10020] =	vst v8;
	v7 =	vsel vm1, $0x3F800000, v7  }
0xa1: {  	vm1 =	vgt.f32 v10, v5;
	v10 =	vsel vm0, $0xBF800000, v4;
	v8 =	vld [tilespmem:s28+$0xFFFFFFF0];
	[tilespmem:s26+$0x10010] =	vst v7  }
0xa2: {  	s30 =	simm.s32 $0x300;
	v7 =	vsel vm1, $0x3F800000, v10;
	v10 =	vld [tilespmem:s29+$0xFFFFFFE0]  }
0xa3: {  	[tilespmem:s30+$0x10000] =	vst v7  }
0xa4: {  	v7 =	vld [tilespmem:s31+$0xFFFFFFD0];
	vm0 =	vlt.f32 v9, v6  }
0xa5: {  	s1 =	simm.s32 $0x840;
	vm1 =	vgt.f32 v9, v5;
	v9 =	vsel vm0, $0xBF800000, v4  }
0xa6: {  	v11 =	vld [tilespmem:s1+$0xFFFFFFC0];
	vm0 =	vlt.f32 v8, v6;
	v9 =	vsel vm1, $0x3F800000, v9  }
0xa7: {  	vm1 =	vgt.f32 v8, v5;
	v8 =	vsel vm0, $0xBF800000, v4;
	vm0 =	vlt.f32 v10, v6;
	[tilespmem:s24+$0x10040] =	vst v9  }
0xa8: {  	v8 =	vsel vm1, $0x3F800000, v8;
	vm1 =	vgt.f32 v10, v5;
	v10 =	vsel vm0, $0xBF800000, v4;
	v9 =	vld [tilespmem:s20+$0x10]  }
0xa9: {  	vm0 =	vlt.f32 v7, v6;
	[tilespmem:s25+$0x10030] =	vst v8;
	v8 =	vsel vm1, $0x3F800000, v10  }
0xaa: {  	vm1 =	vgt.f32 v7, v5;
	v7 =	vsel vm0, $0xBF800000, v4;
	v10 =	vld [tilespmem:s28+$0x0];
	[tilespmem:s26+$0x10020] =	vst v8  }
0xab: {  	s19 =	simm.s32 $0xA40;
	vm0 =	vlt.f32 v11, v6;
	v7 =	vsel vm1, $0x3F800000, v7;
	v8 =	vld [tilespmem:s29+$0xFFFFFFF0]  }
0xac: {  	v12 =	vld [tilespmem:s19+$0xFFFFFFC0];
	vm1 =	vgt.f32 v11, v5;
	v11 =	vsel vm0, $0xBF800000, v4;
	[tilespmem:s30+$0x10010] =	vst v7  }
0xad: {  	v7 =	vsel vm1, $0x3F800000, v11;
	v11 =	vld [tilespmem:s31+$0xFFFFFFE0];
	vm0 =	vlt.f32 v9, v6  }
0xae: {  	s0 =	simm.s32 $0x400;
	vm1 =	vgt.f32 v9, v5;
	v9 =	vsel vm0, $0xBF800000, v4  }
0xaf: {  	[tilespmem:s0+$0x10000] =	vst v7;
	vm0 =	vlt.f32 v10, v6;
	v7 =	vsel vm1, $0x3F800000, v9;
	vm1 =	vgt.f32 v10, v5  }
0xb0: {  	v9 =	vld [tilespmem:s1+$0xFFFFFFD0];
	v10 =	vsel vm0, $0xBF800000, v4;
	vm0 =	vlt.f32 v8, v6;
	vm2 =	vgt.f32 v8, v5;
	[tilespmem:s24+$0x10050] =	vst v7  }
0xb1: {  	v7 =	vsel vm1, $0x3F800000, v10;
	vm1 =	vgt.f32 v12, v5;
	v8 =	vsel vm0, $0xBF800000, v4;
	v10 =	vld [tilespmem:s20+$0x20]  }
0xb2: {  	vm0 =	vlt.f32 v12, v6;
	vm3 =	vlt.f32 v11, v6;
	[tilespmem:s25+$0x10040] =	vst v7;
	v7 =	vsel vm2, $0x3F800000, v8  }
0xb3: {  	s22 =	simm.s32 $0xC40;
	v12 =	vsel vm0, $0xBF800000, v4;
	vm0 =	vgt.f32 v11, v5;
	v11 =	vsel vm3, $0xBF800000, v4;
	v8 =	vld [tilespmem:s28+$0x10]  }
0xb4: {  	v13 =	vld [tilespmem:s22+$0xFFFFFFC0];
	[tilespmem:s26+$0x10030] =	vst v7;
	v11 =	vsel vm0, $0x3F800000, v11  }
0xb5: {  	s23 =	simm.s32 $0x500;
	v7 =	vsel vm1, $0x3F800000, v12;
	v12 =	vld [tilespmem:s29+$0x0];
	[tilespmem:s30+$0x10020] =	vst v11;
	vm1 =	vlt.f32 v9, v6  }
0xb6: {  	[tilespmem:s23+$0x10000] =	vst v7;
	vm0 =	vgt.f32 v9, v5;
	v7 =	vsel vm1, $0xBF800000, v4;
	vm2 =	vlt.f32 v10, v6  }
0xb7: {  	v11 =	vld [tilespmem:s31+$0xFFFFFFF0];
	vm1 =	vgt.f32 v10, v5;
	v7 =	vsel vm0, $0x3F800000, v7;
	v10 =	vsel vm2, $0xBF800000, v4  }
0xb8: {  	v9 =	vld [tilespmem:s19+$0xFFFFFFD0];
	vm0 =	vlt.f32 v8, v6;
	[tilespmem:s0+$0x10010] =	vst v7;
	v14 =	vsel vm1, $0x3F800000, v10  }
0xb9: {  	vm2 =	vgt.f32 v8, v5;
	vm1 =	vgt.f32 v13, v5;
	v8 =	vsel vm0, $0xBF800000, v4;
	v10 =	vld [tilespmem:s1+$0xFFFFFFE0];
	[tilespmem:s24+$0x10060] =	vst v14  }
0xba: {  	vm0 =	vlt.f32 v13, v6;
	vm3 =	vlt.f32 v12, v6;
	v8 =	vsel vm2, $0x3F800000, v8;
	v7 =	vld [tilespmem:s20+$0x30]  }
0xbb: {  	v13 =	vsel vm0, $0xBF800000, v4;
	vm0 =	vgt.f32 v12, v5;
	v14 =	vsel vm3, $0xBF800000, v4;
	[tilespmem:s25+$0x10050] =	vst v8  }
0xbc: {  	vm2 =	vlt.f32 v11, v6;
	v12 =	vsel vm1, $0x3F800000, v13;
	v13 =	vsel vm0, $0x3F800000, v14;
	v8 =	vld [tilespmem:s28+$0x20]  }
0xbd: {  	s7 =	simm.s32 $0x1800;
	s21 =	simm.s32 $0xC40;
	s20 =	simm.s32 $0x1C00;
	vm1 =	vgt.f32 v9, v5;
	vm0 =	vgt.f32 v11, v5;
	v11 =	vsel vm2, $0xBF800000, v4;
	[tilespmem:s26+$0x10040] =	vst v13  }
.LBB2_14:
0xbe: {  	p0 =	sne.s32 s20, $0x1FC00;
	s22 =	sadd.s32 $0x200, s22;
	vm2 =	vlt.f32 v9, v6;
	vm3 =	vlt.f32 v10, v6;
	v9 =	vsel vm0, $0x3F800000, v11;
	v11 =	vld [tilespmem:s29+$0x10]  }
0xbf: {  	s11 =	sshra.s32 s7, $0x2;
	vm0 =	vgt.f32 v10, v5;
	s7 =	smov.u32 s20;
	v13 =	vld [tilespmem:s22+$0xFFFFFFC0];
	v10 =	vsel vm3, $0xBF800000, v4;
	[tilespmem:s30+$0x10030] =	vst v9;
	vm3 =	vlt.f32 v7, v6  }
0xc0: {  	[tilespmem:s11+$0x10000] =	vst v12;
	v9 =	vsel vm0, $0x3F800000, v10;
	v12 =	vld [tilespmem:s31+$0x0];
	vm0 =	vgt.f32 v7, v5;
	v7 =	vsel vm3, $0xBF800000, v4  }
0xc1: {  	v10 =	vsel vm2, $0xBF800000, v4;
	[tilespmem:s0+$0x10020] =	vst v9;
	vm2 =	vlt.f32 v8, v6;
	v7 =	vsel vm0, $0x3F800000, v7  }
0xc2: {  	v10 =	vsel vm1, $0x3F800000, v10;
	vm0 =	vgt.f32 v8, v5;
	v14 =	vld [tilespmem:s1+$0xFFFFFFF0];
	v8 =	vsel vm2, $0xBF800000, v4;
	[tilespmem:s24+$0x10070] =	vst v7;
	s24 =	smov.u32 s25;
	s25 =	smov.u32 s26;
	s26 =	smov.u32 s30  }
0xc3: {  	s30 =	smov.u32 s0;
	s0 =	smov.u32 s23;
	v9 =	vld [tilespmem:s21+$0xFFFFFFD0];
	[tilespmem:s23+$0x10010] =	vst v10;
	vm1 =	vlt.f32 v11, v6;
	v7 =	vsel vm0, $0x3F800000, v8;
	s23 =	smov.u32 s11  }
.Ltmp6:
0xc4: {  	vm2 =	vgt.f32 v11, v5;
	vm0 =	vgt.f32 v13, v5;
	v10 =	vld [tilespmem:s19+$0xFFFFFFE0];
	v8 =	vsel vm1, $0xBF800000, v4;
	[tilespmem:s24+$0x10060] =	vst v7;
	(pc) =	sbr.rel @p0 .LBB2_14-.Ltmp6, $4  }
0xc5: {  	vm1 =	vlt.f32 v13, v6;
	vm3 =	vlt.f32 v12, v6;
	v8 =	vsel vm2, $0x3F800000, v8;
	v7 =	vld [tilespmem:s28+$0x30];
	s28 =	smov.u32 s29;
	s29 =	smov.u32 s31;
	s31 =	smov.u32 s1  }
0xc6: {  	v11 =	vsel vm1, $0xBF800000, v4;
	vm1 =	vgt.f32 v12, v5;
	s1 =	smov.u32 s19;
	s19 =	smov.u32 s21;
	s21 =	smov.u32 s22;
	v13 =	vsel vm3, $0xBF800000, v4;
	[tilespmem:s25+$0x10050] =	vst v8  }
0xc7: {  	v12 =	vsel vm0, $0x3F800000, v11;
	vm2 =	vlt.f32 v14, v6;
	v13 =	vsel vm1, $0x3F800000, v13;
	v8 =	vld [tilespmem:s28+$0x20]  }
0xc8: {  	s20 =	sadd.s32 $0x400, s20;
	vm0 =	vgt.f32 v14, v5;
	vm1 =	vgt.f32 v9, v5;
	v11 =	vsel vm2, $0xBF800000, v4;
	[tilespmem:s26+$0x10040] =	vst v13  }
0xc9: {  	s20 =	sshra.s32 s7, $0x2  }
0xca: {  	[tilespmem:s20+$0x10000] =	vst v12  }
0xcb: {  	v12 =	vld [tilespmem:s21+$0xFFFFFFD0];
	_ =	sdelay $0x3  }
0xcc: {  	vm2 =	vlt.f32 v9, v6  }
0xcd: {  	v9 =	vsel vm2, $0xBF800000, v4;
	vm5 =	vlt.f32 v12, v6  }
0xce: {  	v9 =	vsel vm1, $0x3F800000, v9;
	vm6 =	vgt.f32 v12, v5;
	v25 =	vsel vm5, $0xBF800000, v4  }
0xcf: {  	[tilespmem:s23+$0x10010] =	vst v9;
	v26 =	vsel vm6, $0x3F800000, v25  }
0xd0: {  	v27 =	vld [tilespmem:s19+$0xFFFFFFE0];
	[tilespmem:s20+$0x10010] =	vst v26  }
0xd1: {  	v9 =	vld [tilespmem:s21+$0xFFFFFFE0];
	_ =	sdelay $0x1  }
0xd2: {  	vm7 =	vlt.f32 v10, v6  }
0xd3: {  	vm8 =	vgt.f32 v10, v5;
	v28 =	vsel vm7, $0xBF800000, v4  }
0xd4: {  	v10 =	vsel vm8, $0x3F800000, v28;
	vm9 =	vlt.f32 v27, v6  }
0xd5: {  	[tilespmem:s0+$0x10020] =	vst v10;
	vm10 =	vgt.f32 v27, v5;
	v29 =	vsel vm9, $0xBF800000, v4;
	vm11 =	vlt.f32 v9, v6  }
0xd6: {  	v30 =	vld [tilespmem:s1+$0xFFFFFFF0];
	v10 =	vsel vm10, $0x3F800000, v29;
	vm12 =	vgt.f32 v9, v5;
	v31 =	vsel vm11, $0xBF800000, v4  }
0xd7: {  	[tilespmem:s23+$0x10020] =	vst v10;
	v9 =	vsel vm12, $0x3F800000, v31  }
0xd8: {  	v10 =	vld [tilespmem:s19+$0xFFFFFFF0];
	[tilespmem:s20+$0x10020] =	vst v9  }
0xd9: {  	v9 =	vld [tilespmem:s21+$0xFFFFFFF0];
	_ =	sdelay $0x1  }
0xda: {  	vm13 =	vlt.f32 v30, v6  }
0xdb: {  	v11 =	vsel vm0, $0x3F800000, v11;
	vm14 =	vgt.f32 v30, v5;
	v32 =	vsel vm13, $0xBF800000, v4  }
0xdc: {  	[tilespmem:s30+$0x10030] =	vst v11;
	v33 =	vsel vm14, $0x3F800000, v32;
	vm15 =	vlt.f32 v10, v6  }
0xdd: {  	v34 =	vld [tilespmem:s31+$0x0];
	[tilespmem:s0+$0x10030] =	vst v33;
	vm4 =	vgt.f32 v10, v5;
	v35 =	vsel vm15, $0xBF800000, v4;
	vm5 =	vlt.f32 v9, v6  }
0xde: {  	v11 =	vld [tilespmem:s1+$0x0];
	v10 =	vsel vm4, $0x3F800000, v35;
	vm6 =	vgt.f32 v9, v5;
	v36 =	vsel vm5, $0xBF800000, v4  }
0xdf: {  	[tilespmem:s23+$0x10030] =	vst v10;
	v9 =	vsel vm6, $0x3F800000, v36  }
0xe0: {  	v10 =	vld [tilespmem:s19+$0x0];
	[tilespmem:s20+$0x10030] =	vst v9  }
0xe1: {  	v9 =	vld [tilespmem:s21+$0x0]  }
0xe2: {  	vm7 =	vlt.f32 v34, v6  }
0xe3: {  	vm8 =	vgt.f32 v34, v5;
	v37 =	vsel vm7, $0xBF800000, v4;
	vm9 =	vlt.f32 v11, v6  }
0xe4: {  	v13 =	vld [tilespmem:s29+$0x10];
	v12 =	vsel vm8, $0x3F800000, v37;
	vm10 =	vgt.f32 v11, v5;
	v38 =	vsel vm9, $0xBF800000, v4  }
0xe5: {  	[tilespmem:s30+$0x10040] =	vst v12;
	v11 =	vsel vm10, $0x3F800000, v38;
	vm11 =	vlt.f32 v10, v6  }
0xe6: {  	v12 =	vld [tilespmem:s31+$0x10];
	[tilespmem:s0+$0x10040] =	vst v11;
	vm12 =	vgt.f32 v10, v5;
	v39 =	vsel vm11, $0xBF800000, v4;
	vm13 =	vlt.f32 v9, v6  }
0xe7: {  	v11 =	vld [tilespmem:s1+$0x10];
	v10 =	vsel vm12, $0x3F800000, v39;
	vm14 =	vgt.f32 v9, v5;
	v40 =	vsel vm13, $0xBF800000, v4  }
0xe8: {  	[tilespmem:s23+$0x10040] =	vst v10;
	v9 =	vsel vm14, $0x3F800000, v40  }
0xe9: {  	vm15 =	vlt.f32 v13, v6;
	v10 =	vld [tilespmem:s19+$0x10];
	[tilespmem:s20+$0x10040] =	vst v9  }
0xea: {  	vm4 =	vgt.f32 v13, v5;
	v41 =	vsel vm15, $0xBF800000, v4;
	v42 =	vld [tilespmem:s21+$0x10]  }
0xeb: {  	vm5 =	vlt.f32 v12, v6;
	v9 =	vsel vm4, $0x3F800000, v41  }
0xec: {  	vm6 =	vgt.f32 v12, v5;
	v43 =	vsel vm5, $0xBF800000, v4;
	vm7 =	vlt.f32 v11, v6;
	[tilespmem:s26+$0x10050] =	vst v9  }
0xed: {  	vm8 =	vgt.f32 v11, v5;
	v45 =	vsel vm7, $0xBF800000, v4;
	v9 =	vsel vm6, $0x3F800000, v43;
	v44 =	vld [tilespmem:s29+$0x20]  }
0xee: {  	v46 =	vsel vm8, $0x3F800000, v45;
	vm9 =	vlt.f32 v10, v6;
	[tilespmem:s30+$0x10050] =	vst v9  }
0xef: {  	[tilespmem:s0+$0x10050] =	vst v46;
	vm10 =	vgt.f32 v10, v5;
	v48 =	vsel vm9, $0xBF800000, v4;
	v47 =	vld [tilespmem:s31+$0x20];
	vm11 =	vlt.f32 v42, v6  }
0xf0: {  	v49 =	vld [tilespmem:s1+$0x20];
	v9 =	vsel vm10, $0x3F800000, v48;
	vm12 =	vgt.f32 v42, v5;
	v50 =	vsel vm11, $0xBF800000, v4  }
0xf1: {  	vm13 =	vlt.f32 v8, v6;
	[tilespmem:s23+$0x10050] =	vst v9;
	v51 =	vsel vm12, $0x3F800000, v50  }
0xf2: {  	vm14 =	vgt.f32 v8, v5;
	v8 =	vsel vm13, $0xBF800000, v4;
	v52 =	vld [tilespmem:s19+$0x20];
	vm15 =	vlt.f32 v44, v6;
	[tilespmem:s20+$0x10050] =	vst v51  }
0xf3: {  	v8 =	vsel vm14, $0x3F800000, v8;
	vm4 =	vgt.f32 v44, v5;
	v53 =	vsel vm15, $0xBF800000, v4;
	v54 =	vld [tilespmem:s21+$0x20]  }
0xf4: {  	[tilespmem:s25+$0x10060] =	vst v8;
	vm5 =	vlt.f32 v47, v6;
	v8 =	vsel vm4, $0x3F800000, v53  }
0xf5: {  	vm7 =	vlt.f32 v49, v6;
	v55 =	vld [tilespmem:s28+$0x30];
	vm6 =	vgt.f32 v47, v5;
	[tilespmem:s26+$0x10060] =	vst v8;
	v8 =	vsel vm5, $0xBF800000, v4  }
0xf6: {  	vm8 =	vgt.f32 v49, v5;
	v57 =	vsel vm7, $0xBF800000, v4;
	v56 =	vld [tilespmem:s29+$0x30];
	v8 =	vsel vm6, $0x3F800000, v8  }
0xf7: {  	vm9 =	vlt.f32 v7, v6;
	vm10 =	vlt.f32 v52, v6;
	[tilespmem:s30+$0x10060] =	vst v8;
	v8 =	vsel vm8, $0x3F800000, v57  }
0xf8: {  	vm11 =	vgt.f32 v52, v5;
	v58 =	vld [tilespmem:s31+$0x30];
	[tilespmem:s0+$0x10060] =	vst v8;
	v8 =	vsel vm10, $0xBF800000, v4;
	vm12 =	vlt.f32 v54, v6  }
0xf9: {  	v59 =	vld [tilespmem:s1+$0x30];
	v8 =	vsel vm11, $0x3F800000, v8;
	vm13 =	vgt.f32 v54, v5;
	v60 =	vsel vm12, $0xBF800000, v4  }
0xfa: {  	vm14 =	vgt.f32 v7, v5;
	v7 =	vsel vm9, $0xBF800000, v4;
	[tilespmem:s23+$0x10060] =	vst v8;
	v8 =	vsel vm13, $0x3F800000, v60  }
0xfb: {  	v7 =	vsel vm14, $0x3F800000, v7;
	vm15 =	vlt.f32 v55, v6;
	vm3 =	vlt.f32 v56, v6;
	v61 =	vld [tilespmem:s19+$0x30];
	[tilespmem:s20+$0x10060] =	vst v8  }
0xfc: {  	vm6 =	vgt.f32 v55, v5;
	vm7 =	vgt.f32 v56, v5;
	v62 =	vsel vm3, $0xBF800000, v4;
	v63 =	vld [tilespmem:s21+$0x30]  }
0xfd: {  	v8 =	vsel vm15, $0xBF800000, v4;
	v11 =	vsel vm7, $0x3F800000, v62;
	vm8 =	vlt.f32 v58, v6  }
0xfe: {  	[tilespmem:s24+$0x10070] =	vst v7;
	vm9 =	vgt.f32 v58, v5;
	v8 =	vsel vm6, $0x3F800000, v8;
	vm10 =	vlt.f32 v59, v6  }
0xff: {  	v7 =	vsel vm8, $0xBF800000, v4;
	vm11 =	vgt.f32 v59, v5;
	[tilespmem:s25+$0x10070] =	vst v8;
	v8 =	vsel vm10, $0xBF800000, v4  }
0x100: {  	[tilespmem:s26+$0x10070] =	vst v11;
	v7 =	vsel vm9, $0x3F800000, v7;
	v8 =	vsel vm11, $0x3F800000, v8;
	vm12 =	vlt.f32 v61, v6  }
0x101: {  	[tilespmem:s30+$0x10070] =	vst v7;
	vm13 =	vgt.f32 v61, v5;
	v7 =	vsel vm12, $0xBF800000, v4;
	vm14 =	vlt.f32 v63, v6  }
0x102: {  	[tilespmem:s0+$0x10070] =	vst v8;
	v7 =	vsel vm13, $0x3F800000, v7;
	vm15 =	vgt.f32 v63, v5;
	v8 =	vsel vm14, $0xBF800000, v4  }
0x103: {  	[tilespmem:s23+$0x10070] =	vst v7;
	v7 =	vsel vm15, $0x3F800000, v8  }
0x104: {  	s7 =	simm.s32 $0x0;
	[tilespmem:s20+$0x10070] =	vst v7  }
0x105: {  	s1 =	simm.s32 $0x10000;
	s0 =	simm.s32 $0x0;
	s19 =	rddreg [dreg:$0x3]  }
.LBB2_16:
0x106: {  	p0 =	sne.s32 s7, $0x3F80  }
.Ltmp7:
0x107: {  	_ = 	snop;
	(pc) =	sbr.rel @p0 .LBB2_16-.Ltmp7, $4  }
0x108: {  	_ = 	snop  }
0x109: {  	s11 =	sadd.s32 s7, s19  }
0x10a: {  	[hbm4b:s11+s0] =	stream.linear.scatter [tilespmem:s1], [sflag:$0x2], $0x80, $0x38;
	[tilespmem:$0x18080] =	vst v63  }
0x10b: {  	s7 =	sadd.s32 $0x80, s7;
	s1 =	sadd.s32 $0x100, s1  }
0x10c: {  	s20 =	simm.s32 $0x0  }
0x10d: {  	v7 =	vld [tilespmem:s20+$0x80];
	_ =	sdelay $0x4  }
0x10e: {  	vm0 =	vlt.f32 v7, v6  }
0x10f: {  	vm1 =	vgt.f32 v7, v5;
	v7 =	vsel vm0, $0xBF800000, v4  }
0x110: {  	s24 =	simm.s32 $0x100F0;
	v7 =	vsel vm1, $0x3F800000, v7  }
0x111: {  	[tilespmem:s24+$0xFFFFFF90] =	vst v7  }
0x112: {  	v7 =	vld [tilespmem:s20+$0x90]  }
0x113: {  	s28 =	simm.s32 $0x200  }
0x114: {  	v8 =	vld [tilespmem:s28+$0x80];
	_ =	sdelay $0x2  }
0x115: {  	vm0 =	vlt.f32 v7, v6  }
0x116: {  	vm1 =	vgt.f32 v7, v5;
	v7 =	vsel vm0, $0xBF800000, v4  }
0x117: {  	vm0 =	vlt.f32 v8, v6;
	v7 =	vsel vm1, $0x3F800000, v7  }
0x118: {  	vm1 =	vgt.f32 v8, v5;
	v8 =	vsel vm0, $0xBF800000, v4;
	[tilespmem:s24+$0xFFFFFFA0] =	vst v7  }
0x119: {  	s25 =	simm.s32 $0x101F0;
	v7 =	vsel vm1, $0x3F800000, v8;
	v8 =	vld [tilespmem:s20+$0xA0]  }
0x11a: {  	[tilespmem:s25+$0xFFFFFF90] =	vst v7  }
0x11b: {  	v7 =	vld [tilespmem:s28+$0x90]  }
0x11c: {  	s29 =	simm.s32 $0x400  }
0x11d: {  	v9 =	vld [tilespmem:s29+$0x80]  }
0x11e: {  	vm0 =	vlt.f32 v8, v6  }
0x11f: {  	vm1 =	vgt.f32 v8, v5;
	v8 =	vsel vm0, $0xBF800000, v4  }
0x120: {  	vm0 =	vlt.f32 v7, v6;
	v8 =	vsel vm1, $0x3F800000, v8  }
0x121: {  	vm1 =	vgt.f32 v7, v5;
	v7 =	vsel vm0, $0xBF800000, v4;
	[tilespmem:s24+$0xFFFFFFB0] =	vst v8  }
0x122: {  	vm0 =	vlt.f32 v9, v6;
	v7 =	vsel vm1, $0x3F800000, v7;
	v8 =	vld [tilespmem:s20+$0xB0]  }
0x123: {  	vm1 =	vgt.f32 v9, v5;
	v9 =	vsel vm0, $0xBF800000, v4;
	[tilespmem:s25+$0xFFFFFFA0] =	vst v7  }
0x124: {  	s26 =	simm.s32 $0x102F0;
	v7 =	vsel vm1, $0x3F800000, v9;
	v9 =	vld [tilespmem:s28+$0xA0]  }
0x125: {  	[tilespmem:s26+$0xFFFFFF90] =	vst v7  }
0x126: {  	v7 =	vld [tilespmem:s29+$0x90]  }
0x127: {  	s31 =	simm.s32 $0x600;
	vm0 =	vlt.f32 v8, v6  }
0x128: {  	v10 =	vld [tilespmem:s31+$0x80];
	vm1 =	vgt.f32 v8, v5;
	v8 =	vsel vm0, $0xBF800000, v4  }
0x129: {  	vm0 =	vlt.f32 v9, v6;
	v8 =	vsel vm1, $0x3F800000, v8  }
0x12a: {  	vm1 =	vgt.f32 v9, v5;
	v9 =	vsel vm0, $0xBF800000, v4;
	[tilespmem:s24+$0xFFFFFFC0] =	vst v8  }
0x12b: {  	vm0 =	vlt.f32 v7, v6;
	v8 =	vsel vm1, $0x3F800000, v9;
	v9 =	vld [tilespmem:s20+$0xC0]  }
0x12c: {  	vm1 =	vgt.f32 v7, v5;
	v7 =	vsel vm0, $0xBF800000, v4;
	[tilespmem:s25+$0xFFFFFFB0] =	vst v8  }
0x12d: {  	vm0 =	vlt.f32 v10, v6;
	v7 =	vsel vm1, $0x3F800000, v7;
	v8 =	vld [tilespmem:s28+$0xB0]  }
0x12e: {  	vm1 =	vgt.f32 v10, v5;
	v10 =	vsel vm0, $0xBF800000, v4;
	[tilespmem:s26+$0xFFFFFFA0] =	vst v7  }
0x12f: {  	s30 =	simm.s32 $0x103F0;
	v7 =	vsel vm1, $0x3F800000, v10;
	v10 =	vld [tilespmem:s29+$0xA0]  }
0x130: {  	[tilespmem:s30+$0xFFFFFF90] =	vst v7;
	vm0 =	vlt.f32 v9, v6  }
0x131: {  	v7 =	vld [tilespmem:s31+$0x90];
	vm1 =	vgt.f32 v9, v5;
	v9 =	vsel vm0, $0xBF800000, v4  }
0x132: {  	s1 =	simm.s32 $0x800;
	vm0 =	vlt.f32 v8, v6;
	v9 =	vsel vm1, $0x3F800000, v9  }
0x133: {  	v11 =	vld [tilespmem:s1+$0x80];
	vm1 =	vgt.f32 v8, v5;
	v8 =	vsel vm0, $0xBF800000, v4;
	[tilespmem:s24+$0xFFFFFFD0] =	vst v9  }
0x134: {  	vm0 =	vlt.f32 v10, v6;
	v8 =	vsel vm1, $0x3F800000, v8;
	v9 =	vld [tilespmem:s20+$0xD0]  }
0x135: {  	vm1 =	vgt.f32 v10, v5;
	v10 =	vsel vm0, $0xBF800000, v4;
	[tilespmem:s25+$0xFFFFFFC0] =	vst v8  }
0x136: {  	vm0 =	vlt.f32 v7, v6;
	v8 =	vsel vm1, $0x3F800000, v10;
	v10 =	vld [tilespmem:s28+$0xC0]  }
0x137: {  	vm1 =	vgt.f32 v7, v5;
	v7 =	vsel vm0, $0xBF800000, v4;
	[tilespmem:s26+$0xFFFFFFB0] =	vst v8  }
0x138: {  	s19 =	simm.s32 $0xA00;
	vm0 =	vlt.f32 v11, v6;
	v7 =	vsel vm1, $0x3F800000, v7;
	v8 =	vld [tilespmem:s29+$0xB0]  }
0x139: {  	v12 =	vld [tilespmem:s19+$0x80];
	vm1 =	vgt.f32 v11, v5;
	v11 =	vsel vm0, $0xBF800000, v4;
	[tilespmem:s30+$0xFFFFFFA0] =	vst v7;
	vm0 =	vlt.f32 v9, v6  }
0x13a: {  	s0 =	simm.s32 $0x104F0;
	v7 =	vsel vm1, $0x3F800000, v11;
	v11 =	vld [tilespmem:s31+$0xA0];
	vm1 =	vgt.f32 v9, v5;
	v9 =	vsel vm0, $0xBF800000, v4  }
0x13b: {  	[tilespmem:s0+$0xFFFFFF90] =	vst v7;
	vm0 =	vlt.f32 v10, v6;
	v7 =	vsel vm1, $0x3F800000, v9  }
0x13c: {  	v9 =	vld [tilespmem:s1+$0x90];
	vm1 =	vgt.f32 v10, v5;
	v10 =	vsel vm0, $0xBF800000, v4;
	[tilespmem:s24+$0xFFFFFFE0] =	vst v7  }
0x13d: {  	vm0 =	vlt.f32 v8, v6;
	v7 =	vsel vm1, $0x3F800000, v10;
	v10 =	vld [tilespmem:s20+$0xE0]  }
0x13e: {  	vm2 =	vgt.f32 v8, v5;
	vm1 =	vgt.f32 v12, v5;
	v8 =	vsel vm0, $0xBF800000, v4;
	[tilespmem:s25+$0xFFFFFFD0] =	vst v7  }
0x13f: {  	s23 =	simm.s32 $0xC00;
	vm0 =	vlt.f32 v12, v6;
	vm3 =	vlt.f32 v11, v6;
	v7 =	vsel vm2, $0x3F800000, v8;
	v8 =	vld [tilespmem:s28+$0xD0]  }
0x140: {  	v13 =	vld [tilespmem:s23+$0x80];
	v12 =	vsel vm0, $0xBF800000, v4;
	vm0 =	vgt.f32 v11, v5;
	v11 =	vsel vm3, $0xBF800000, v4;
	[tilespmem:s26+$0xFFFFFFC0] =	vst v7  }
0x141: {  	v7 =	vsel vm1, $0x3F800000, v12;
	v11 =	vsel vm0, $0x3F800000, v11;
	v12 =	vld [tilespmem:s29+$0xC0];
	vm1 =	vlt.f32 v9, v6  }
0x142: {  	s22 =	simm.s32 $0x105F0;
	[tilespmem:s30+$0xFFFFFFB0] =	vst v11;
	vm0 =	vgt.f32 v9, v5;
	v11 =	vsel vm1, $0xBF800000, v4;
	vm2 =	vlt.f32 v10, v6  }
0x143: {  	[tilespmem:s22+$0xFFFFFF90] =	vst v7;
	v9 =	vld [tilespmem:s31+$0xB0];
	vm1 =	vgt.f32 v10, v5;
	v7 =	vsel vm0, $0x3F800000, v11;
	v10 =	vsel vm2, $0xBF800000, v4  }
0x144: {  	v11 =	vld [tilespmem:s19+$0x90];
	vm0 =	vlt.f32 v8, v6;
	[tilespmem:s0+$0xFFFFFFA0] =	vst v7;
	v14 =	vsel vm1, $0x3F800000, v10  }
0x145: {  	vm2 =	vgt.f32 v8, v5;
	vm1 =	vgt.f32 v13, v5;
	v7 =	vsel vm0, $0xBF800000, v4;
	v10 =	vld [tilespmem:s1+$0xA0];
	[tilespmem:s24+$0xFFFFFFF0] =	vst v14  }
0x146: {  	vm0 =	vlt.f32 v13, v6;
	vm3 =	vlt.f32 v12, v6;
	v8 =	vsel vm2, $0x3F800000, v7;
	v7 =	vld [tilespmem:s20+$0xF0]  }
0x147: {  	v13 =	vsel vm0, $0xBF800000, v4;
	vm2 =	vgt.f32 v12, v5;
	v12 =	vsel vm3, $0xBF800000, v4;
	[tilespmem:s25+$0xFFFFFFE0] =	vst v8  }
0x148: {  	s7 =	simm.s32 $0x3800;
	s21 =	simm.s32 $0x105F0;
	vm0 =	vlt.f32 v9, v6;
	v13 =	vsel vm1, $0x3F800000, v13;
	v12 =	vsel vm2, $0x3F800000, v12;
	v8 =	vld [tilespmem:s28+$0xE0]  }
.LBB2_18:
0x149: {  	p0 =	sne.s32 s7, $0x3F800;
	vm1 =	vgt.f32 v11, v5;
	vm2 =	vgt.f32 v9, v5;
	v9 =	vsel vm0, $0xBF800000, v4;
	[tilespmem:s26+$0xFFFFFFD0] =	vst v12  }
0x14a: {  	s11 =	sshra.s32 s7, $0x2;
	vm0 =	vlt.f32 v11, v6;
	vm3 =	vlt.f32 v10, v6;
	v9 =	vsel vm2, $0x3F800000, v9;
	v12 =	vld [tilespmem:s29+$0xD0]  }
0x14b: {  	s22 =	sadd.s32 $0x100, s22;
	vm2 =	vgt.f32 v10, v5;
	v14 =	vld [tilespmem:s11+$0x80];
	v10 =	vsel vm3, $0xBF800000, v4;
	[tilespmem:s30+$0xFFFFFFC0] =	vst v9;
	vm3 =	vlt.f32 v7, v6  }
0x14c: {  	[tilespmem:s22+$0xFFFFFF90] =	vst v13;
	v9 =	vsel vm2, $0x3F800000, v10;
	v13 =	vld [tilespmem:s31+$0xC0];
	vm2 =	vgt.f32 v7, v5;
	v7 =	vsel vm3, $0xBF800000, v4  }
0x14d: {  	v10 =	vsel vm0, $0xBF800000, v4;
	[tilespmem:s0+$0xFFFFFFB0] =	vst v9;
	vm0 =	vlt.f32 v8, v6;
	v7 =	vsel vm2, $0x3F800000, v7  }
0x14e: {  	v10 =	vsel vm1, $0x3F800000, v10;
	vm1 =	vgt.f32 v8, v5;
	v9 =	vld [tilespmem:s1+$0xB0];
	v8 =	vsel vm0, $0xBF800000, v4;
	[tilespmem:s24+$0x0] =	vst v7;
	s24 =	smov.u32 s25;
	s25 =	smov.u32 s26;
	s26 =	smov.u32 s30  }
.Ltmp8:
0x14f: {  	s30 =	smov.u32 s0;
	s0 =	smov.u32 s21;
	v11 =	vld [tilespmem:s23+$0x90];
	[tilespmem:s21+$0xFFFFFFA0] =	vst v10;
	vm0 =	vlt.f32 v12, v6;
	v7 =	vsel vm1, $0x3F800000, v8;
	(pc) =	sbr.rel @p0 .LBB2_18-.Ltmp8, $4  }
0x150: {  	vm2 =	vgt.f32 v12, v5;
	s21 =	smov.u32 s22;
	vm1 =	vgt.f32 v14, v5;
	v10 =	vld [tilespmem:s19+$0xA0];
	v8 =	vsel vm0, $0xBF800000, v4;
	[tilespmem:s24+$0xFFFFFFF0] =	vst v7  }
0x151: {  	vm0 =	vlt.f32 v14, v6;
	vm3 =	vlt.f32 v13, v6;
	v8 =	vsel vm2, $0x3F800000, v8;
	v7 =	vld [tilespmem:s28+$0xF0];
	s28 =	smov.u32 s29;
	s29 =	smov.u32 s31;
	s31 =	smov.u32 s1  }
0x152: {  	v12 =	vsel vm0, $0xBF800000, v4;
	vm2 =	vgt.f32 v13, v5;
	s1 =	smov.u32 s19;
	s19 =	smov.u32 s23;
	s23 =	smov.u32 s11;
	v14 =	vsel vm3, $0xBF800000, v4;
	[tilespmem:s25+$0xFFFFFFE0] =	vst v8  }
0x153: {  	s7 =	sadd.s32 $0x800, s7;
	v13 =	vsel vm1, $0x3F800000, v12;
	vm0 =	vlt.f32 v9, v6;
	v12 =	vsel vm2, $0x3F800000, v14;
	v8 =	vld [tilespmem:s28+$0xE0]  }
0x154: {  	s20 =	sadd.s32 $0x100, s22  }
0x155: {  	[tilespmem:s20+$0xFFFFFF90] =	vst v13  }
0x156: {  	v13 =	vld [tilespmem:s23+$0x90];
	_ =	sdelay $0x3  }
0x157: {  	vm1 =	vlt.f32 v11, v6  }
0x158: {  	vm2 =	vgt.f32 v11, v5;
	v57 =	vsel vm1, $0xBF800000, v4;
	vm4 =	vlt.f32 v13, v6  }
0x159: {  	v11 =	vsel vm2, $0x3F800000, v57;
	vm5 =	vgt.f32 v13, v5;
	v58 =	vsel vm4, $0xBF800000, v4  }
0x15a: {  	[tilespmem:s21+$0xFFFFFFA0] =	vst v11;
	v59 =	vsel vm5, $0x3F800000, v58  }
0x15b: {  	vm6 =	vlt.f32 v10, v6;
	v60 =	vld [tilespmem:s19+$0xA0];
	[tilespmem:s20+$0xFFFFFFA0] =	vst v59  }
0x15c: {  	vm7 =	vgt.f32 v10, v5;
	v61 =	vsel vm6, $0xBF800000, v4;
	v11 =	vld [tilespmem:s23+$0xA0]  }
0x15d: {  	v10 =	vsel vm7, $0x3F800000, v61  }
0x15e: {  	[tilespmem:s0+$0xFFFFFFB0] =	vst v10  }
0x15f: {  	v63 =	vld [tilespmem:s1+$0xB0]  }
0x160: {  	vm8 =	vlt.f32 v60, v6  }
0x161: {  	vm9 =	vgt.f32 v60, v5;
	v62 =	vsel vm8, $0xBF800000, v4;
	vm10 =	vlt.f32 v11, v6  }
0x162: {  	v10 =	vsel vm9, $0x3F800000, v62;
	vm11 =	vgt.f32 v11, v5;
	v16 =	vsel vm10, $0xBF800000, v4  }
0x163: {  	[tilespmem:s21+$0xFFFFFFB0] =	vst v10;
	v17 =	vsel vm11, $0x3F800000, v16  }
0x164: {  	vm13 =	vlt.f32 v63, v6;
	v18 =	vld [tilespmem:s19+$0xB0];
	[tilespmem:s20+$0xFFFFFFB0] =	vst v17  }
0x165: {  	vm14 =	vgt.f32 v63, v5;
	v20 =	vsel vm13, $0xBF800000, v4;
	v10 =	vld [tilespmem:s23+$0xB0]  }
0x166: {  	v21 =	vsel vm14, $0x3F800000, v20  }
0x167: {  	[tilespmem:s0+$0xFFFFFFC0] =	vst v21  }
0x168: {  	vm12 =	vgt.f32 v9, v5;
	v19 =	vsel vm0, $0xBF800000, v4;
	v24 =	vld [tilespmem:s1+$0xC0]  }
0x169: {  	v9 =	vsel vm12, $0x3F800000, v19;
	vm15 =	vlt.f32 v18, v6  }
0x16a: {  	[tilespmem:s30+$0xFFFFFFC0] =	vst v9;
	vm4 =	vgt.f32 v18, v5;
	v23 =	vsel vm15, $0xBF800000, v4;
	vm5 =	vlt.f32 v10, v6  }
0x16b: {  	v22 =	vld [tilespmem:s31+$0xC0];
	v9 =	vsel vm4, $0x3F800000, v23;
	vm6 =	vgt.f32 v10, v5;
	v25 =	vsel vm5, $0xBF800000, v4  }
0x16c: {  	[tilespmem:s21+$0xFFFFFFC0] =	vst v9;
	v26 =	vsel vm6, $0x3F800000, v25  }
0x16d: {  	vm9 =	vlt.f32 v24, v6;
	v27 =	vld [tilespmem:s19+$0xC0];
	[tilespmem:s20+$0xFFFFFFC0] =	vst v26  }
0x16e: {  	vm10 =	vgt.f32 v24, v5;
	v30 =	vsel vm9, $0xBF800000, v4;
	v9 =	vld [tilespmem:s23+$0xC0]  }
0x16f: {  	v11 =	vsel vm10, $0x3F800000, v30  }
0x170: {  	vm7 =	vlt.f32 v22, v6;
	[tilespmem:s0+$0xFFFFFFD0] =	vst v11  }
0x171: {  	v28 =	vsel vm7, $0xBF800000, v4;
	vm8 =	vgt.f32 v22, v5;
	v11 =	vld [tilespmem:s1+$0xD0]  }
0x172: {  	[tilespmem:s26+$0xFFFFFFD0] =	vst v12;
	v12 =	vsel vm8, $0x3F800000, v28;
	vm11 =	vlt.f32 v27, v6  }
0x173: {  	v29 =	vld [tilespmem:s29+$0xD0];
	[tilespmem:s30+$0xFFFFFFD0] =	vst v12;
	vm12 =	vgt.f32 v27, v5;
	v31 =	vsel vm11, $0xBF800000, v4;
	vm13 =	vlt.f32 v9, v6  }
0x174: {  	v12 =	vld [tilespmem:s31+$0xD0];
	v10 =	vsel vm12, $0x3F800000, v31;
	vm14 =	vgt.f32 v9, v5;
	v32 =	vsel vm13, $0xBF800000, v4  }
0x175: {  	[tilespmem:s21+$0xFFFFFFD0] =	vst v10;
	v9 =	vsel vm14, $0x3F800000, v32  }
0x176: {  	vm7 =	vlt.f32 v11, v6;
	v10 =	vld [tilespmem:s19+$0xD0];
	[tilespmem:s20+$0xFFFFFFD0] =	vst v9  }
0x177: {  	vm8 =	vgt.f32 v11, v5;
	v37 =	vsel vm7, $0xBF800000, v4;
	v34 =	vld [tilespmem:s23+$0xD0]  }
0x178: {  	vm15 =	vlt.f32 v29, v6;
	v38 =	vsel vm8, $0x3F800000, v37  }
0x179: {  	vm4 =	vgt.f32 v29, v5;
	v33 =	vsel vm15, $0xBF800000, v4;
	vm5 =	vlt.f32 v12, v6;
	[tilespmem:s0+$0xFFFFFFE0] =	vst v38  }
0x17a: {  	vm6 =	vgt.f32 v12, v5;
	v35 =	vsel vm5, $0xBF800000, v4;
	v41 =	vld [tilespmem:s1+$0xE0];
	v9 =	vsel vm4, $0x3F800000, v33  }
0x17b: {  	vm9 =	vlt.f32 v10, v6;
	[tilespmem:s26+$0xFFFFFFE0] =	vst v9;
	v9 =	vsel vm6, $0x3F800000, v35  }
0x17c: {  	vm10 =	vgt.f32 v10, v5;
	v40 =	vsel vm9, $0xBF800000, v4;
	v36 =	vld [tilespmem:s29+$0xE0];
	[tilespmem:s30+$0xFFFFFFE0] =	vst v9;
	vm11 =	vlt.f32 v34, v6  }
0x17d: {  	v9 =	vsel vm10, $0x3F800000, v40;
	v39 =	vld [tilespmem:s31+$0xE0];
	vm12 =	vgt.f32 v34, v5;
	v42 =	vsel vm11, $0xBF800000, v4  }
0x17e: {  	vm13 =	vlt.f32 v8, v6;
	[tilespmem:s21+$0xFFFFFFE0] =	vst v9;
	v43 =	vsel vm12, $0x3F800000, v42  }
0x17f: {  	vm14 =	vgt.f32 v8, v5;
	v44 =	vsel vm13, $0xBF800000, v4;
	vm7 =	vlt.f32 v41, v6;
	v45 =	vld [tilespmem:s19+$0xE0];
	[tilespmem:s20+$0xFFFFFFE0] =	vst v43  }
0x180: {  	v8 =	vsel vm14, $0x3F800000, v44;
	vm8 =	vgt.f32 v41, v5;
	v52 =	vsel vm7, $0xBF800000, v4;
	v47 =	vld [tilespmem:s23+$0xE0]  }
0x181: {  	vm9 =	vlt.f32 v7, v6;
	[tilespmem:s25+$0xFFFFFFF0] =	vst v8;
	v53 =	vsel vm8, $0x3F800000, v52;
	vm15 =	vlt.f32 v36, v6  }
0x182: {  	v49 =	vld [tilespmem:s28+$0xF0];
	[tilespmem:s0+$0xFFFFFFF0] =	vst v53;
	vm4 =	vgt.f32 v36, v5;
	v46 =	vsel vm15, $0xBF800000, v4;
	vm5 =	vlt.f32 v39, v6  }
0x183: {  	v56 =	vld [tilespmem:s1+$0xF0];
	vm6 =	vgt.f32 v39, v5;
	v48 =	vsel vm4, $0x3F800000, v46;
	v50 =	vsel vm5, $0xBF800000, v4  }
0x184: {  	vm14 =	vgt.f32 v7, v5;
	vm10 =	vlt.f32 v45, v6;
	[tilespmem:s26+$0xFFFFFFF0] =	vst v48;
	v8 =	vsel vm6, $0x3F800000, v50  }
0x185: {  	vm11 =	vgt.f32 v45, v5;
	v55 =	vsel vm10, $0xBF800000, v4;
	v51 =	vld [tilespmem:s29+$0xF0];
	[tilespmem:s30+$0xFFFFFFF0] =	vst v8;
	vm12 =	vlt.f32 v47, v6  }
0x186: {  	v8 =	vsel vm11, $0x3F800000, v55;
	v54 =	vld [tilespmem:s31+$0xF0];
	vm13 =	vgt.f32 v47, v5;
	v57 =	vsel vm12, $0xBF800000, v4  }
0x187: {  	v7 =	vsel vm9, $0xBF800000, v4;
	vm15 =	vlt.f32 v49, v6;
	[tilespmem:s21+$0xFFFFFFF0] =	vst v8;
	v58 =	vsel vm13, $0x3F800000, v57  }
0x188: {  	v60 =	vsel vm15, $0xBF800000, v4;
	vm6 =	vgt.f32 v49, v5;
	vm10 =	vlt.f32 v56, v6;
	v59 =	vld [tilespmem:s19+$0xF0];
	[tilespmem:s20+$0xFFFFFFF0] =	vst v58  }
0x189: {  	vm11 =	vgt.f32 v56, v5;
	v63 =	vsel vm10, $0xBF800000, v4;
	v8 =	vsel vm6, $0x3F800000, v60;
	v62 =	vld [tilespmem:s23+$0xF0]  }
0x18a: {  	v7 =	vsel vm14, $0x3F800000, v7;
	[tilespmem:s25+$0x0] =	vst v8;
	v8 =	vsel vm11, $0x3F800000, v63  }
0x18b: {  	vm3 =	vlt.f32 v51, v6;
	vm7 =	vgt.f32 v51, v5;
	vm8 =	vlt.f32 v54, v6  }
0x18c: {  	[tilespmem:s24+$0x0] =	vst v7;
	v61 =	vsel vm3, $0xBF800000, v4;
	vm9 =	vgt.f32 v54, v5;
	v7 =	vsel vm8, $0xBF800000, v4  }
0x18d: {  	[tilespmem:s0+$0x0] =	vst v8;
	v11 =	vsel vm7, $0x3F800000, v61;
	vm12 =	vlt.f32 v59, v6;
	v7 =	vsel vm9, $0x3F800000, v7  }
0x18e: {  	vm13 =	vgt.f32 v59, v5;
	[tilespmem:s30+$0x0] =	vst v7;
	v7 =	vsel vm12, $0xBF800000, v4;
	vm14 =	vlt.f32 v62, v6  }
0x18f: {  	[tilespmem:s26+$0x0] =	vst v11;
	v6 =	vsel vm13, $0x3F800000, v7;
	vm15 =	vgt.f32 v62, v5;
	v5 =	vsel vm14, $0xBF800000, v4  }
0x190: {  	s7 =	simm.s32 $0x10180;
	[tilespmem:s21+$0x0] =	vst v6;
	v5 =	vsel vm15, $0x3F800000, v5  }
0x191: {  	s1 =	simm.s32 $0x80;
	s19 =	sadd.s32 $0x0, s8;
	s0 =	simm.s32 $0x10080;
	[tilespmem:s20+$0x0] =	vst v5  }
.LBB2_20:
0x192: {  	[hbm4b:s19+s2] =	stream.linear.scatter [tilespmem:s0], [sflag:$0x2], $0x80, $0x38;
	[tilespmem:$0x18080] =	vst v63  }
0x193: {  	s11 =	smov.u32 s1;
	s0 =	smov.u32 s7;
	p0 =	sne.s32 s1, $0x3F80  }
.Ltmp9:
0x194: {  	s1 =	sadd.s32 $0x80, s1;
	(pc) =	sbr.rel @p0 .LBB2_20-.Ltmp9, $2  }
0x195: {  	_ =	sdelay $0x2  }
0x196: {  	s7 =	sadd.s32 $0x100, s7;
	s19 =	sadd.s32 s11, s8  }
0x197: {  	[hbm4b:s19+s2] =	stream.linear.scatter [tilespmem:s0], [sflag:$0x2], $0x80, $0x38;
	[tilespmem:$0x18080] =	vst v63  }
0x198: {  	s31 =	simm.s32 $0x1  }
0x199: {  	_ =	swait.ge [sflag:s31], $0x4000  }
0x19a: {  	[sflag:s31] =	ssyncset.done $0x0  }
0x19b: {  	[sflag:s31] =	ssyncadd.s32 $0xFFFFC000  }
0x19c: {  	_ =	swait.ge [sflag:s31], $0x4000  }
0x19d: {  	[sflag:s31] =	ssyncset.done $0x0  }
0x19e: {  	s0 =	simm.s32 $0x0;
	[sflag:s31] =	ssyncadd.s32 $0xFFFFC000  }
0x19f: {  	v5 =	vld [tilespmem:s0+$0x170]  }
0x1a0: {  	v7 =	vld [tilespmem:s0+$0x100]  }
0x1a1: {  	v8 =	vld [tilespmem:s0+$0x110];
	_ =	sdelay $0x1  }
0x1a2: {  	v16 =	vld [tilespmem:s0+$0x120]  }
0x1a3: {  	v6 =	vimm.f32 $0.0e+00;
	v12 =	vimm.f32 $0.0e+00;
	v13 =	vimm.f32 $0.0e+00;
	v14 =	vld [tilespmem:s0+$0x130]  }
0x1a4: {  	v9 =	vimm.f32 $0.0e+00;
	v10 =	vimm.f32 $0.0e+00;
	v11 =	vimm.f32 $0.0e+00;
	v15 =	vld [tilespmem:s0+$0x140]  }
0x1a5: {  	v17 =	vld [tilespmem:s0+$0x150];
	v5 =	vand.u32 $0x7FFFFFFF, v5;
	v7 =	vand.u32 $0x7FFFFFFF, v7;
	v19 =	vand.u32 $0x7FFFFFFF, v8  }
0x1a6: {  	s1 =	simm.s32 $0x200;
	s7 =	simm.s32 $0x1000;
	v18 =	vld [tilespmem:s0+$0x160];
	v8 =	vimm.f32 $0.0e+00;
	v5 =	vmax.f32 v6, v5;
	v7 =	vmax.f32 v6, v7  }
.LBB2_22:
0x1a7: {  	p0 =	sne.s32 s7, $0x3F800;
	v20 =	vld [tilespmem:s1+$0x170];
	v12 =	vmax.f32 v12, v19;
	v16 =	vand.u32 $0x7FFFFFFF, v16  }
0x1a8: {  	v19 =	vld [tilespmem:s1+$0x100];
	v13 =	vmax.f32 v13, v16;
	v14 =	vand.u32 $0x7FFFFFFF, v14  }
0x1a9: {  	v21 =	vld [tilespmem:s1+$0x110];
	v9 =	vmax.f32 v9, v14;
	v14 =	vand.u32 $0x7FFFFFFF, v15  }
.Ltmp10:
0x1aa: {  	v16 =	vld [tilespmem:s1+$0x120];
	v10 =	vmax.f32 v10, v14;
	v15 =	vand.u32 $0x7FFFFFFF, v17;
	(pc) =	sbr.rel @p0 .LBB2_22-.Ltmp10, $4  }
0x1ab: {  	v14 =	vld [tilespmem:s1+$0x130];
	v11 =	vmax.f32 v11, v15;
	v17 =	vand.u32 $0x7FFFFFFF, v18  }
0x1ac: {  	v15 =	vld [tilespmem:s1+$0x140];
	v18 =	vand.u32 $0x7FFFFFFF, v20;
	v8 =	vmax.f32 v8, v17  }
0x1ad: {  	v19 =	vand.u32 $0x7FFFFFFF, v19;
	v17 =	vld [tilespmem:s1+$0x150];
	v5 =	vmax.f32 v5, v18  }
0x1ae: {  	v7 =	vmax.f32 v7, v19;
	v19 =	vand.u32 $0x7FFFFFFF, v21;
	v18 =	vld [tilespmem:s1+$0x160];
	s1 =	sshra.s32 s7, $0x2;
	s7 =	sadd.s32 $0x800, s7  }
0x1af: {  	v20 =	vld [tilespmem:s1+$0x170]  }
0x1b0: {  	v21 =	vld [tilespmem:s1+$0x100]  }
0x1b1: {  	v22 =	vld [tilespmem:s1+$0x110]  }
0x1b2: {  	v23 =	vld [tilespmem:s1+$0x120]  }
0x1b3: {  	v16 =	vand.u32 $0x7FFFFFFF, v16;
	v26 =	vld [tilespmem:s0+$0x190]  }
0x1b4: {  	v24 =	vld [tilespmem:s1+$0x130];
	v12 =	vmax.f32 v12, v19;
	v13 =	vmax.f32 v13, v16;
	v14 =	vand.u32 $0x7FFFFFFF, v14  }
0x1b5: {  	v25 =	vld [tilespmem:s1+$0x140];
	v14 =	vmax.f32 v9, v14;
	v9 =	vand.u32 $0x7FFFFFFF, v15;
	v15 =	vand.u32 $0x7FFFFFFF, v17  }
0x1b6: {  	v16 =	vld [tilespmem:s1+$0x150];
	v10 =	vmax.f32 v10, v9;
	v15 =	vmax.f32 v11, v15;
	v9 =	vand.u32 $0x7FFFFFFF, v18  }
0x1b7: {  	v17 =	vld [tilespmem:s1+$0x160];
	v11 =	vand.u32 $0x7FFFFFFF, v20;
	v19 =	vmax.f32 v8, v9;
	v8 =	vand.u32 $0x7FFFFFFF, v21  }
0x1b8: {  	v18 =	vld [tilespmem:s0+$0x1F0];
	v9 =	vand.u32 $0x7FFFFFFF, v22;
	v26 =	vand.u32 $0x7FFFFFFF, v26;
	v5 =	vmax.f32 v5, v11  }
0x1b9: {  	v21 =	vld [tilespmem:s0+$0x180];
	v11 =	vand.u32 $0x7FFFFFFF, v23;
	v8 =	vmax.f32 v7, v8;
	v9 =	vmax.f32 v12, v9  }
0x1ba: {  	v7 =	vmax.f32 v13, v11;
	v11 =	vand.u32 $0x7FFFFFFF, v24;
	v13 =	vand.u32 $0x7FFFFFFF, v25  }
0x1bb: {  	v22 =	vld [tilespmem:s0+$0x1A0];
	v16 =	vand.u32 $0x7FFFFFFF, v16;
	v12 =	vmax.f32 v14, v11;
	v11 =	vmax.f32 v10, v13  }
0x1bc: {  	v20 =	vld [tilespmem:s0+$0x1B0];
	v10 =	vmax.f32 v15, v16;
	v13 =	vand.u32 $0x7FFFFFFF, v17;
	v17 =	vimm.f32 $0.0e+00  }
0x1bd: {  	v23 =	vld [tilespmem:s0+$0x1C0];
	v16 =	vimm.f32 $0.0e+00;
	v14 =	vand.u32 $0x7FFFFFFF, v18;
	v13 =	vmax.f32 v19, v13  }
0x1be: {  	v24 =	vld [tilespmem:s0+$0x1D0];
	v18 =	vimm.f32 $0.0e+00;
	v19 =	vimm.f32 $0.0e+00;
	v15 =	vand.u32 $0x7FFFFFFF, v21  }
0x1bf: {  	s7 =	simm.s32 $0x1000;
	s1 =	simm.s32 $0x200;
	v25 =	vld [tilespmem:s0+$0x1E0];
	v14 =	vmax.f32 v6, v14;
	v21 =	vimm.f32 $0.0e+00;
	v15 =	vmax.f32 v6, v15  }
.LBB2_24:
0x1c0: {  	p0 =	sne.s32 s7, $0x3F800;
	v27 =	vld [tilespmem:s1+$0x1F0];
	v6 =	vmax.f32 v6, v26;
	v22 =	vand.u32 $0x7FFFFFFF, v22  }
0x1c1: {  	v26 =	vld [tilespmem:s1+$0x180];
	v21 =	vmax.f32 v21, v22;
	v20 =	vand.u32 $0x7FFFFFFF, v20  }
0x1c2: {  	v28 =	vld [tilespmem:s1+$0x190];
	v17 =	vmax.f32 v17, v20;
	v20 =	vand.u32 $0x7FFFFFFF, v23  }
.Ltmp11:
0x1c3: {  	v22 =	vld [tilespmem:s1+$0x1A0];
	v18 =	vmax.f32 v18, v20;
	v23 =	vand.u32 $0x7FFFFFFF, v24;
	(pc) =	sbr.rel @p0 .LBB2_24-.Ltmp11, $4  }
0x1c4: {  	v20 =	vld [tilespmem:s1+$0x1B0];
	v19 =	vmax.f32 v19, v23;
	v24 =	vand.u32 $0x7FFFFFFF, v25  }
0x1c5: {  	v23 =	vld [tilespmem:s1+$0x1C0];
	v25 =	vand.u32 $0x7FFFFFFF, v27;
	v16 =	vmax.f32 v16, v24  }
0x1c6: {  	v26 =	vand.u32 $0x7FFFFFFF, v26;
	v24 =	vld [tilespmem:s1+$0x1D0];
	v14 =	vmax.f32 v14, v25  }
0x1c7: {  	v15 =	vmax.f32 v15, v26;
	v26 =	vand.u32 $0x7FFFFFFF, v28;
	v25 =	vld [tilespmem:s1+$0x1E0];
	s1 =	sshra.s32 s7, $0x2;
	s7 =	sadd.s32 $0x800, s7  }
0x1c8: {  	v27 =	vld [tilespmem:s1+$0x1F0]  }
0x1c9: {  	v28 =	vld [tilespmem:s1+$0x180]  }
0x1ca: {  	v29 =	vld [tilespmem:s1+$0x190]  }
0x1cb: {  	v30 =	vld [tilespmem:s1+$0x1A0]  }
0x1cc: {  	v22 =	vand.u32 $0x7FFFFFFF, v22;
	v31 =	vld [tilespmem:s1+$0x1B0]  }
0x1cd: {  	v26 =	vmax.f32 v6, v26;
	v60 =	vld [tilespmem:s1+$0x1D0];
	v21 =	vmax.f32 v21, v22  }
0x1ce: {  	v22 =	vld [tilespmem:s1+$0x1C0];
	v6 =	vand.u32 $0x7FFFFFFF, v20;
	v20 =	vand.u32 $0x7FFFFFFF, v23;
	v23 =	vand.u32 $0x7FFFFFFF, v24  }
0x1cf: {  	v17 =	vmax.f32 v17, v6;
	v20 =	vmax.f32 v18, v20;
	v19 =	vmax.f32 v19, v23;
	v23 =	vld [tilespmem:s1+$0x1E0]  }
0x1d0: {  	v6 =	vand.u32 $0x7FFFFFFF, v25;
	v18 =	vand.u32 $0x7FFFFFFF, v27;
	v61 =	vand.u32 $0x7FFFFFFF, v28  }
0x1d1: {  	v62 =	vmax.f32 v16, v6;
	v16 =	vand.u32 $0x7FFFFFFF, v30;
	v63 =	vand.u32 $0x7FFFFFFF, v31  }
0x1d2: {  	v6 =	vmax.f32 v14, v18;
	v14 =	vmax.f32 v15, v61;
	v15 =	vand.u32 $0x7FFFFFFF, v29  }
0x1d3: {  	v16 =	vmax.f32 v21, v16;
	v21 =	vand.u32 $0x7FFFFFFF, v60;
	v18 =	vmax.f32 v26, v15  }
0x1d4: {  	s0 =	simm.s32 $0x0;
	v15 =	vmax.f32 v17, v63;
	v17 =	vand.u32 $0x7FFFFFFF, v22;
	v22 =	vand.u32 $0x7FFFFFFF, v23  }
0x1d5: {  	s19 =	sadd.s32 $0x0, s9;
	s7 =	simm.s32 $0x200;
	s1 =	simm.s32 $0x80;
	v19 =	vmax.f32 v19, v21;
	v20 =	vmax.f32 v20, v17;
	v17 =	vmax.f32 v62, v22  }
.LBB2_26:
0x1d6: {  	[tilespmem:s0], [sflag:$0x1] =	stream.linear.gather [hbm4b:s19+s2], $0x80, $0x38;
	[tilespmem:$0x18080] =	vst v63  }
0x1d7: {  	s11 =	smov.u32 s1;
	s0 =	smov.u32 s7;
	p0 =	sne.s32 s1, $0x3F80  }
.Ltmp12:
0x1d8: {  	s1 =	sadd.s32 $0x80, s1;
	(pc) =	sbr.rel @p0 .LBB2_26-.Ltmp12, $2  }
0x1d9: {  	_ =	sdelay $0x2  }
0x1da: {  	s7 =	sadd.s32 $0x200, s7;
	s19 =	sadd.s32 s11, s9  }
0x1db: {  	[tilespmem:s0], [sflag:$0x1] =	stream.linear.gather [hbm4b:s19+s2], $0x80, $0x38;
	[tilespmem:$0x18080] =	vst v63  }
0x1dc: {  	s0 =	simm.s32 $0x80  }
0x1dd: {  	s7 =	simm.s32 $0x80;
	s1 =	sadd.s32 $0x0, s10;
	s19 =	simm.s32 $0x280  }
.LBB2_28:
0x1de: {  	[tilespmem:s0], [sflag:$0x1] =	stream.linear.gather [hbm4b:s1+s2], $0x80, $0x38;
	[tilespmem:$0x18080] =	vst v63  }
0x1df: {  	s1 =	smov.u32 s7;
	s0 =	smov.u32 s19;
	p0 =	sne.s32 s7, $0x3F80  }
.Ltmp13:
0x1e0: {  	s7 =	sadd.s32 $0x80, s7;
	(pc) =	sbr.rel @p0 .LBB2_28-.Ltmp13, $2  }
0x1e1: {  	_ =	sdelay $0x2  }
0x1e2: {  	s19 =	sadd.s32 $0x200, s19;
	s1 =	sadd.s32 s1, s10  }
0x1e3: {  	v8 =	vmax.f32 v8, v9;
	v9 =	vmax.f32 v14, v18  }
0x1e4: {  	v7 =	vmax.f32 v8, v7;
	v8 =	vmax.f32 v9, v16  }
0x1e5: {  	v7 =	vmax.f32 v7, v12;
	v8 =	vmax.f32 v8, v15  }
0x1e6: {  	v7 =	vmax.f32 v7, v11;
	v8 =	vmax.f32 v8, v20  }
0x1e7: {  	v7 =	vmax.f32 v7, v10;
	v8 =	vmax.f32 v8, v19  }
0x1e8: {  	v7 =	vmax.f32 v7, v13;
	v8 =	vmax.f32 v8, v17  }
0x1e9: {  	v5 =	vmax.f32 v7, v5;
	v6 =	vmax.f32 v8, v6  }
0x1ea: {  	[tilespmem:s0], [sflag:$0x1] =	stream.linear.gather [hbm4b:s1+s2], $0x80, $0x38;
	v5 =	vmax.f32 v5, v6;
	[tilespmem:$0x18080] =	vst v63  }
0x1eb: {  	s25 =	simm.s32 $0x18000;
	[tilespmem:$0x18000] =	vst v5  }
0x1ec: {  	v6 =	vld.idx.msk [tilespmem:v0+s25+$0x0], $0xffff;
	_ =	sdelay $0x4  }
0x1ed: {  	v5 =	vmax.f32 v5, v6  }
0x1ee: {  	[tilespmem:$0x18000] =	vst v5  }
0x1ef: {  	v6 =	vld.idx.msk [tilespmem:v1+s25+$0x0], $0xffff;
	_ =	sdelay $0x4  }
0x1f0: {  	v5 =	vmax.f32 v5, v6  }
0x1f1: {  	[tilespmem:$0x18000] =	vst v5  }
0x1f2: {  	v6 =	vld.idx.msk [tilespmem:v2+s25+$0x0], $0xffff;
	_ =	sdelay $0x4  }
0x1f3: {  	v5 =	vmax.f32 v5, v6  }
0x1f4: {  	[tilespmem:$0x18000] =	vst v5  }
0x1f5: {  	s26 =	simm.s32 $0x2;
	v6 =	vld.idx.msk [tilespmem:v3+s25+$0x0], $0xffff  }
0x1f6: {  	_ =	swait.ge [sflag:s26], $0x4000  }
0x1f7: {  	[sflag:s26] =	ssyncset.done $0x0  }
0x1f8: {  	[sflag:s26] =	ssyncadd.s32 $0xFFFFC000  }
0x1f9: {  	_ =	swait.ge [sflag:s26], $0x4000  }
0x1fa: {  	[sflag:s26] =	ssyncset.done $0x0;
	v5 =	vmax.f32 v5, v6  }
0x1fb: {  	s20 =	simm.s32 $0x170;
	[sflag:s26] =	ssyncadd.s32 $0xFFFFC000;
	v5 =	vadd.f32 $9.999999970e-07, v5  }
0x1fc: {  	v7 =	vld [tilespmem:s20+$0xFFFFFF90]  }
0x1fd: {  	v5 =	vmul.f32 $5.000000000e-01, v5;
	_ =	sdelay $0x1  }
0x1fe: {  	v6 =	vsub.f32 $0.0e+00, v5;
	_ =	sdelay $0x1  }
0x1ff: {  	vm0 =	vlt.f32 v7, v6  }
0x200: {  	vm1 =	vgt.f32 v7, v5;
	v7 =	vsel vm0, $0xBF800000, v4  }
0x201: {  	s24 =	simm.s32 $0x0;
	v7 =	vsel vm1, $0x3F800000, v7  }
0x202: {  	[tilespmem:s24+$0x10000] =	vst v7  }
0x203: {  	v7 =	vld [tilespmem:s20+$0xFFFFFFA0]  }
0x204: {  	s28 =	simm.s32 $0x370  }
0x205: {  	v8 =	vld [tilespmem:s28+$0xFFFFFF90];
	_ =	sdelay $0x2  }
0x206: {  	vm0 =	vlt.f32 v7, v6  }
0x207: {  	vm1 =	vgt.f32 v7, v5;
	v7 =	vsel vm0, $0xBF800000, v4  }
0x208: {  	vm0 =	vlt.f32 v8, v6;
	v7 =	vsel vm1, $0x3F800000, v7  }
0x209: {  	vm1 =	vgt.f32 v8, v5;
	v8 =	vsel vm0, $0xBF800000, v4;
	[tilespmem:s24+$0x10010] =	vst v7  }
0x20a: {  	s25 =	simm.s32 $0x100;
	v7 =	vsel vm1, $0x3F800000, v8;
	v8 =	vld [tilespmem:s20+$0xFFFFFFB0]  }
0x20b: {  	[tilespmem:s25+$0x10000] =	vst v7  }
0x20c: {  	s29 =	simm.s32 $0x570;
	v7 =	vld [tilespmem:s28+$0xFFFFFFA0]  }
0x20d: {  	v9 =	vld [tilespmem:s29+$0xFFFFFF90];
	_ =	sdelay $0x1  }
0x20e: {  	vm0 =	vlt.f32 v8, v6  }
0x20f: {  	vm1 =	vgt.f32 v8, v5;
	v8 =	vsel vm0, $0xBF800000, v4  }
0x210: {  	vm0 =	vlt.f32 v7, v6;
	v8 =	vsel vm1, $0x3F800000, v8  }
0x211: {  	vm1 =	vgt.f32 v7, v5;
	v7 =	vsel vm0, $0xBF800000, v4;
	vm0 =	vlt.f32 v9, v6;
	[tilespmem:s24+$0x10020] =	vst v8  }
0x212: {  	v7 =	vsel vm1, $0x3F800000, v7;
	vm1 =	vgt.f32 v9, v5;
	v9 =	vsel vm0, $0xBF800000, v4;
	v8 =	vld [tilespmem:s20+$0xFFFFFFC0]  }
0x213: {  	s26 =	simm.s32 $0x200;
	[tilespmem:s25+$0x10010] =	vst v7;
	v7 =	vsel vm1, $0x3F800000, v9  }
0x214: {  	v9 =	vld [tilespmem:s28+$0xFFFFFFB0];
	[tilespmem:s26+$0x10000] =	vst v7  }
0x215: {  	v7 =	vld [tilespmem:s29+$0xFFFFFFA0]  }
0x216: {  	s31 =	simm.s32 $0x770  }
0x217: {  	v10 =	vld [tilespmem:s31+$0xFFFFFF90];
	vm0 =	vlt.f32 v8, v6  }
0x218: {  	vm1 =	vgt.f32 v8, v5;
	v8 =	vsel vm0, $0xBF800000, v4  }
0x219: {  	vm0 =	vlt.f32 v9, v6;
	v8 =	vsel vm1, $0x3F800000, v8  }
0x21a: {  	vm1 =	vgt.f32 v9, v5;
	v9 =	vsel vm0, $0xBF800000, v4;
	vm0 =	vlt.f32 v7, v6;
	[tilespmem:s24+$0x10030] =	vst v8  }
0x21b: {  	v8 =	vsel vm1, $0x3F800000, v9;
	vm1 =	vgt.f32 v7, v5;
	v7 =	vsel vm0, $0xBF800000, v4;
	v9 =	vld [tilespmem:s20+$0xFFFFFFD0]  }
0x21c: {  	vm0 =	vlt.f32 v10, v6;
	[tilespmem:s25+$0x10020] =	vst v8;
	v7 =	vsel vm1, $0x3F800000, v7  }
0x21d: {  	vm1 =	vgt.f32 v10, v5;
	v10 =	vsel vm0, $0xBF800000, v4;
	v8 =	vld [tilespmem:s28+$0xFFFFFFC0];
	[tilespmem:s26+$0x10010] =	vst v7  }
0x21e: {  	s30 =	simm.s32 $0x300;
	v7 =	vsel vm1, $0x3F800000, v10;
	v10 =	vld [tilespmem:s29+$0xFFFFFFB0]  }
0x21f: {  	[tilespmem:s30+$0x10000] =	vst v7  }
0x220: {  	v7 =	vld [tilespmem:s31+$0xFFFFFFA0];
	vm0 =	vlt.f32 v9, v6  }
0x221: {  	s1 =	simm.s32 $0x970;
	vm1 =	vgt.f32 v9, v5;
	v9 =	vsel vm0, $0xBF800000, v4  }
0x222: {  	v11 =	vld [tilespmem:s1+$0xFFFFFF90];
	vm0 =	vlt.f32 v8, v6;
	v9 =	vsel vm1, $0x3F800000, v9  }
0x223: {  	vm1 =	vgt.f32 v8, v5;
	v8 =	vsel vm0, $0xBF800000, v4;
	vm0 =	vlt.f32 v10, v6;
	[tilespmem:s24+$0x10040] =	vst v9  }
0x224: {  	v8 =	vsel vm1, $0x3F800000, v8;
	vm1 =	vgt.f32 v10, v5;
	v10 =	vsel vm0, $0xBF800000, v4;
	v9 =	vld [tilespmem:s20+$0xFFFFFFE0]  }
0x225: {  	vm0 =	vlt.f32 v7, v6;
	[tilespmem:s25+$0x10030] =	vst v8;
	v8 =	vsel vm1, $0x3F800000, v10  }
0x226: {  	vm1 =	vgt.f32 v7, v5;
	v7 =	vsel vm0, $0xBF800000, v4;
	v10 =	vld [tilespmem:s28+$0xFFFFFFD0];
	[tilespmem:s26+$0x10020] =	vst v8  }
0x227: {  	s19 =	simm.s32 $0xB70;
	vm0 =	vlt.f32 v11, v6;
	v7 =	vsel vm1, $0x3F800000, v7;
	v8 =	vld [tilespmem:s29+$0xFFFFFFC0]  }
0x228: {  	v12 =	vld [tilespmem:s19+$0xFFFFFF90];
	vm1 =	vgt.f32 v11, v5;
	v11 =	vsel vm0, $0xBF800000, v4;
	[tilespmem:s30+$0x10010] =	vst v7  }
0x229: {  	v7 =	vsel vm1, $0x3F800000, v11;
	v11 =	vld [tilespmem:s31+$0xFFFFFFB0];
	vm0 =	vlt.f32 v9, v6  }
0x22a: {  	s0 =	simm.s32 $0x400;
	vm1 =	vgt.f32 v9, v5;
	v9 =	vsel vm0, $0xBF800000, v4  }
0x22b: {  	[tilespmem:s0+$0x10000] =	vst v7;
	vm0 =	vlt.f32 v10, v6;
	v7 =	vsel vm1, $0x3F800000, v9;
	vm1 =	vgt.f32 v10, v5  }
0x22c: {  	v9 =	vld [tilespmem:s1+$0xFFFFFFA0];
	v10 =	vsel vm0, $0xBF800000, v4;
	vm0 =	vlt.f32 v8, v6;
	vm2 =	vgt.f32 v8, v5;
	[tilespmem:s24+$0x10050] =	vst v7  }
0x22d: {  	v7 =	vsel vm1, $0x3F800000, v10;
	vm1 =	vgt.f32 v12, v5;
	v8 =	vsel vm0, $0xBF800000, v4;
	v10 =	vld [tilespmem:s20+$0xFFFFFFF0]  }
0x22e: {  	vm0 =	vlt.f32 v12, v6;
	vm3 =	vlt.f32 v11, v6;
	[tilespmem:s25+$0x10040] =	vst v7;
	v7 =	vsel vm2, $0x3F800000, v8  }
0x22f: {  	s22 =	simm.s32 $0xD70;
	v12 =	vsel vm0, $0xBF800000, v4;
	vm0 =	vgt.f32 v11, v5;
	v11 =	vsel vm3, $0xBF800000, v4;
	v8 =	vld [tilespmem:s28+$0xFFFFFFE0]  }
0x230: {  	v13 =	vld [tilespmem:s22+$0xFFFFFF90];
	[tilespmem:s26+$0x10030] =	vst v7;
	v11 =	vsel vm0, $0x3F800000, v11  }
0x231: {  	s23 =	simm.s32 $0x500;
	v7 =	vsel vm1, $0x3F800000, v12;
	v12 =	vld [tilespmem:s29+$0xFFFFFFD0];
	[tilespmem:s30+$0x10020] =	vst v11;
	vm1 =	vlt.f32 v9, v6  }
0x232: {  	[tilespmem:s23+$0x10000] =	vst v7;
	vm0 =	vgt.f32 v9, v5;
	v7 =	vsel vm1, $0xBF800000, v4;
	vm2 =	vlt.f32 v10, v6  }
0x233: {  	v11 =	vld [tilespmem:s31+$0xFFFFFFC0];
	vm1 =	vgt.f32 v10, v5;
	v7 =	vsel vm0, $0x3F800000, v7;
	v10 =	vsel vm2, $0xBF800000, v4  }
0x234: {  	v9 =	vld [tilespmem:s19+$0xFFFFFFA0];
	vm0 =	vlt.f32 v8, v6;
	[tilespmem:s0+$0x10010] =	vst v7;
	v14 =	vsel vm1, $0x3F800000, v10  }
0x235: {  	vm2 =	vgt.f32 v8, v5;
	vm1 =	vgt.f32 v13, v5;
	v8 =	vsel vm0, $0xBF800000, v4;
	v10 =	vld [tilespmem:s1+$0xFFFFFFB0];
	[tilespmem:s24+$0x10060] =	vst v14  }
0x236: {  	vm0 =	vlt.f32 v13, v6;
	vm3 =	vlt.f32 v12, v6;
	v8 =	vsel vm2, $0x3F800000, v8;
	v7 =	vld [tilespmem:s20+$0x0]  }
0x237: {  	v13 =	vsel vm0, $0xBF800000, v4;
	vm0 =	vgt.f32 v12, v5;
	v14 =	vsel vm3, $0xBF800000, v4;
	[tilespmem:s25+$0x10050] =	vst v8  }
0x238: {  	vm2 =	vlt.f32 v11, v6;
	v12 =	vsel vm1, $0x3F800000, v13;
	v13 =	vsel vm0, $0x3F800000, v14;
	v8 =	vld [tilespmem:s28+$0xFFFFFFF0]  }
0x239: {  	s7 =	simm.s32 $0x1800;
	s21 =	simm.s32 $0xD70;
	s20 =	simm.s32 $0x1C00;
	vm1 =	vgt.f32 v9, v5;
	vm0 =	vgt.f32 v11, v5;
	v11 =	vsel vm2, $0xBF800000, v4;
	[tilespmem:s26+$0x10040] =	vst v13  }
.LBB2_30:
0x23a: {  	p0 =	sne.s32 s20, $0x1FC00;
	s22 =	sadd.s32 $0x200, s22;
	vm2 =	vlt.f32 v9, v6;
	vm3 =	vlt.f32 v10, v6;
	v9 =	vsel vm0, $0x3F800000, v11;
	v11 =	vld [tilespmem:s29+$0xFFFFFFE0]  }
0x23b: {  	s11 =	sshra.s32 s7, $0x2;
	vm0 =	vgt.f32 v10, v5;
	s7 =	smov.u32 s20;
	v13 =	vld [tilespmem:s22+$0xFFFFFF90];
	v10 =	vsel vm3, $0xBF800000, v4;
	[tilespmem:s30+$0x10030] =	vst v9;
	vm3 =	vlt.f32 v7, v6  }
0x23c: {  	[tilespmem:s11+$0x10000] =	vst v12;
	v9 =	vsel vm0, $0x3F800000, v10;
	v12 =	vld [tilespmem:s31+$0xFFFFFFD0];
	vm0 =	vgt.f32 v7, v5;
	v7 =	vsel vm3, $0xBF800000, v4  }
0x23d: {  	v10 =	vsel vm2, $0xBF800000, v4;
	[tilespmem:s0+$0x10020] =	vst v9;
	vm2 =	vlt.f32 v8, v6;
	v7 =	vsel vm0, $0x3F800000, v7  }
0x23e: {  	v10 =	vsel vm1, $0x3F800000, v10;
	vm0 =	vgt.f32 v8, v5;
	v14 =	vld [tilespmem:s1+$0xFFFFFFC0];
	v8 =	vsel vm2, $0xBF800000, v4;
	[tilespmem:s24+$0x10070] =	vst v7;
	s24 =	smov.u32 s25;
	s25 =	smov.u32 s26;
	s26 =	smov.u32 s30  }
0x23f: {  	s30 =	smov.u32 s0;
	s0 =	smov.u32 s23;
	v9 =	vld [tilespmem:s21+$0xFFFFFFA0];
	[tilespmem:s23+$0x10010] =	vst v10;
	vm1 =	vlt.f32 v11, v6;
	v7 =	vsel vm0, $0x3F800000, v8;
	s23 =	smov.u32 s11  }
.Ltmp14:
0x240: {  	vm2 =	vgt.f32 v11, v5;
	vm0 =	vgt.f32 v13, v5;
	v10 =	vld [tilespmem:s19+$0xFFFFFFB0];
	v8 =	vsel vm1, $0xBF800000, v4;
	[tilespmem:s24+$0x10060] =	vst v7;
	(pc) =	sbr.rel @p0 .LBB2_30-.Ltmp14, $4  }
0x241: {  	vm1 =	vlt.f32 v13, v6;
	vm3 =	vlt.f32 v12, v6;
	v8 =	vsel vm2, $0x3F800000, v8;
	v7 =	vld [tilespmem:s28+$0x0];
	s28 =	smov.u32 s29;
	s29 =	smov.u32 s31;
	s31 =	smov.u32 s1  }
0x242: {  	v11 =	vsel vm1, $0xBF800000, v4;
	vm1 =	vgt.f32 v12, v5;
	s1 =	smov.u32 s19;
	s19 =	smov.u32 s21;
	s21 =	smov.u32 s22;
	v13 =	vsel vm3, $0xBF800000, v4;
	[tilespmem:s25+$0x10050] =	vst v8  }
0x243: {  	v12 =	vsel vm0, $0x3F800000, v11;
	vm2 =	vlt.f32 v14, v6;
	v13 =	vsel vm1, $0x3F800000, v13;
	v8 =	vld [tilespmem:s28+$0xFFFFFFF0]  }
0x244: {  	s20 =	sadd.s32 $0x400, s20;
	vm0 =	vgt.f32 v14, v5;
	vm1 =	vgt.f32 v9, v5;
	v11 =	vsel vm2, $0xBF800000, v4;
	[tilespmem:s26+$0x10040] =	vst v13  }
0x245: {  	s20 =	sshra.s32 s7, $0x2  }
0x246: {  	[tilespmem:s20+$0x10000] =	vst v12  }
0x247: {  	v12 =	vld [tilespmem:s21+$0xFFFFFFA0];
	_ =	sdelay $0x3  }
0x248: {  	vm2 =	vlt.f32 v9, v6  }
0x249: {  	v9 =	vsel vm2, $0xBF800000, v4;
	vm5 =	vlt.f32 v12, v6  }
0x24a: {  	v9 =	vsel vm1, $0x3F800000, v9;
	vm6 =	vgt.f32 v12, v5;
	v25 =	vsel vm5, $0xBF800000, v4  }
0x24b: {  	[tilespmem:s23+$0x10010] =	vst v9;
	v26 =	vsel vm6, $0x3F800000, v25  }
0x24c: {  	v27 =	vld [tilespmem:s19+$0xFFFFFFB0];
	[tilespmem:s20+$0x10010] =	vst v26  }
0x24d: {  	v9 =	vld [tilespmem:s21+$0xFFFFFFB0];
	_ =	sdelay $0x1  }
0x24e: {  	vm7 =	vlt.f32 v10, v6  }
0x24f: {  	vm8 =	vgt.f32 v10, v5;
	v28 =	vsel vm7, $0xBF800000, v4  }
0x250: {  	v10 =	vsel vm8, $0x3F800000, v28;
	vm9 =	vlt.f32 v27, v6  }
0x251: {  	[tilespmem:s0+$0x10020] =	vst v10;
	vm10 =	vgt.f32 v27, v5;
	v29 =	vsel vm9, $0xBF800000, v4;
	vm11 =	vlt.f32 v9, v6  }
0x252: {  	v30 =	vld [tilespmem:s1+$0xFFFFFFC0];
	v10 =	vsel vm10, $0x3F800000, v29;
	vm12 =	vgt.f32 v9, v5;
	v31 =	vsel vm11, $0xBF800000, v4  }
0x253: {  	[tilespmem:s23+$0x10020] =	vst v10;
	v9 =	vsel vm12, $0x3F800000, v31  }
0x254: {  	v10 =	vld [tilespmem:s19+$0xFFFFFFC0];
	[tilespmem:s20+$0x10020] =	vst v9  }
0x255: {  	v9 =	vld [tilespmem:s21+$0xFFFFFFC0];
	_ =	sdelay $0x1  }
0x256: {  	vm13 =	vlt.f32 v30, v6  }
0x257: {  	v11 =	vsel vm0, $0x3F800000, v11;
	vm14 =	vgt.f32 v30, v5;
	v32 =	vsel vm13, $0xBF800000, v4  }
0x258: {  	[tilespmem:s30+$0x10030] =	vst v11;
	v33 =	vsel vm14, $0x3F800000, v32;
	vm15 =	vlt.f32 v10, v6  }
0x259: {  	v34 =	vld [tilespmem:s31+$0xFFFFFFD0];
	[tilespmem:s0+$0x10030] =	vst v33;
	vm4 =	vgt.f32 v10, v5;
	v35 =	vsel vm15, $0xBF800000, v4;
	vm5 =	vlt.f32 v9, v6  }
0x25a: {  	v11 =	vld [tilespmem:s1+$0xFFFFFFD0];
	v10 =	vsel vm4, $0x3F800000, v35;
	vm6 =	vgt.f32 v9, v5;
	v36 =	vsel vm5, $0xBF800000, v4  }
0x25b: {  	[tilespmem:s23+$0x10030] =	vst v10;
	v9 =	vsel vm6, $0x3F800000, v36  }
0x25c: {  	v10 =	vld [tilespmem:s19+$0xFFFFFFD0];
	[tilespmem:s20+$0x10030] =	vst v9  }
0x25d: {  	v9 =	vld [tilespmem:s21+$0xFFFFFFD0]  }
0x25e: {  	vm7 =	vlt.f32 v34, v6  }
0x25f: {  	vm8 =	vgt.f32 v34, v5;
	v37 =	vsel vm7, $0xBF800000, v4;
	vm9 =	vlt.f32 v11, v6  }
0x260: {  	v13 =	vld [tilespmem:s29+$0xFFFFFFE0];
	v12 =	vsel vm8, $0x3F800000, v37;
	vm10 =	vgt.f32 v11, v5;
	v38 =	vsel vm9, $0xBF800000, v4  }
0x261: {  	[tilespmem:s30+$0x10040] =	vst v12;
	v11 =	vsel vm10, $0x3F800000, v38;
	vm11 =	vlt.f32 v10, v6  }
0x262: {  	v12 =	vld [tilespmem:s31+$0xFFFFFFE0];
	[tilespmem:s0+$0x10040] =	vst v11;
	vm12 =	vgt.f32 v10, v5;
	v39 =	vsel vm11, $0xBF800000, v4;
	vm13 =	vlt.f32 v9, v6  }
0x263: {  	v11 =	vld [tilespmem:s1+$0xFFFFFFE0];
	v10 =	vsel vm12, $0x3F800000, v39;
	vm14 =	vgt.f32 v9, v5;
	v40 =	vsel vm13, $0xBF800000, v4  }
0x264: {  	[tilespmem:s23+$0x10040] =	vst v10;
	v9 =	vsel vm14, $0x3F800000, v40  }
0x265: {  	vm15 =	vlt.f32 v13, v6;
	v10 =	vld [tilespmem:s19+$0xFFFFFFE0];
	[tilespmem:s20+$0x10040] =	vst v9  }
0x266: {  	vm4 =	vgt.f32 v13, v5;
	v41 =	vsel vm15, $0xBF800000, v4;
	v42 =	vld [tilespmem:s21+$0xFFFFFFE0]  }
0x267: {  	vm5 =	vlt.f32 v12, v6;
	v9 =	vsel vm4, $0x3F800000, v41  }
0x268: {  	vm6 =	vgt.f32 v12, v5;
	v43 =	vsel vm5, $0xBF800000, v4;
	vm7 =	vlt.f32 v11, v6;
	[tilespmem:s26+$0x10050] =	vst v9  }
0x269: {  	vm8 =	vgt.f32 v11, v5;
	v45 =	vsel vm7, $0xBF800000, v4;
	v9 =	vsel vm6, $0x3F800000, v43;
	v44 =	vld [tilespmem:s29+$0xFFFFFFF0]  }
0x26a: {  	v46 =	vsel vm8, $0x3F800000, v45;
	vm9 =	vlt.f32 v10, v6;
	[tilespmem:s30+$0x10050] =	vst v9  }
0x26b: {  	[tilespmem:s0+$0x10050] =	vst v46;
	vm10 =	vgt.f32 v10, v5;
	v48 =	vsel vm9, $0xBF800000, v4;
	v47 =	vld [tilespmem:s31+$0xFFFFFFF0];
	vm11 =	vlt.f32 v42, v6  }
0x26c: {  	v49 =	vld [tilespmem:s1+$0xFFFFFFF0];
	v9 =	vsel vm10, $0x3F800000, v48;
	vm12 =	vgt.f32 v42, v5;
	v50 =	vsel vm11, $0xBF800000, v4  }
0x26d: {  	vm13 =	vlt.f32 v8, v6;
	[tilespmem:s23+$0x10050] =	vst v9;
	v51 =	vsel vm12, $0x3F800000, v50  }
0x26e: {  	vm14 =	vgt.f32 v8, v5;
	v8 =	vsel vm13, $0xBF800000, v4;
	v52 =	vld [tilespmem:s19+$0xFFFFFFF0];
	vm15 =	vlt.f32 v44, v6;
	[tilespmem:s20+$0x10050] =	vst v51  }
0x26f: {  	v8 =	vsel vm14, $0x3F800000, v8;
	vm4 =	vgt.f32 v44, v5;
	v53 =	vsel vm15, $0xBF800000, v4;
	v54 =	vld [tilespmem:s21+$0xFFFFFFF0]  }
0x270: {  	[tilespmem:s25+$0x10060] =	vst v8;
	vm5 =	vlt.f32 v47, v6;
	v8 =	vsel vm4, $0x3F800000, v53  }
0x271: {  	vm7 =	vlt.f32 v49, v6;
	v55 =	vld [tilespmem:s28+$0x0];
	vm6 =	vgt.f32 v47, v5;
	[tilespmem:s26+$0x10060] =	vst v8;
	v8 =	vsel vm5, $0xBF800000, v4  }
0x272: {  	vm8 =	vgt.f32 v49, v5;
	v57 =	vsel vm7, $0xBF800000, v4;
	v56 =	vld [tilespmem:s29+$0x0];
	v8 =	vsel vm6, $0x3F800000, v8  }
0x273: {  	vm9 =	vlt.f32 v7, v6;
	vm10 =	vlt.f32 v52, v6;
	[tilespmem:s30+$0x10060] =	vst v8;
	v8 =	vsel vm8, $0x3F800000, v57  }
0x274: {  	vm11 =	vgt.f32 v52, v5;
	v58 =	vld [tilespmem:s31+$0x0];
	[tilespmem:s0+$0x10060] =	vst v8;
	v8 =	vsel vm10, $0xBF800000, v4;
	vm12 =	vlt.f32 v54, v6  }
0x275: {  	v59 =	vld [tilespmem:s1+$0x0];
	v8 =	vsel vm11, $0x3F800000, v8;
	vm13 =	vgt.f32 v54, v5;
	v60 =	vsel vm12, $0xBF800000, v4  }
0x276: {  	vm14 =	vgt.f32 v7, v5;
	v7 =	vsel vm9, $0xBF800000, v4;
	[tilespmem:s23+$0x10060] =	vst v8;
	v8 =	vsel vm13, $0x3F800000, v60  }
0x277: {  	v7 =	vsel vm14, $0x3F800000, v7;
	vm15 =	vlt.f32 v55, v6;
	vm3 =	vlt.f32 v56, v6;
	v61 =	vld [tilespmem:s19+$0x0];
	[tilespmem:s20+$0x10060] =	vst v8  }
0x278: {  	vm6 =	vgt.f32 v55, v5;
	vm7 =	vgt.f32 v56, v5;
	v62 =	vsel vm3, $0xBF800000, v4;
	v63 =	vld [tilespmem:s21+$0x0]  }
0x279: {  	v8 =	vsel vm15, $0xBF800000, v4;
	v11 =	vsel vm7, $0x3F800000, v62;
	vm8 =	vlt.f32 v58, v6  }
0x27a: {  	[tilespmem:s24+$0x10070] =	vst v7;
	vm9 =	vgt.f32 v58, v5;
	v8 =	vsel vm6, $0x3F800000, v8;
	vm10 =	vlt.f32 v59, v6  }
0x27b: {  	v7 =	vsel vm8, $0xBF800000, v4;
	vm11 =	vgt.f32 v59, v5;
	[tilespmem:s25+$0x10070] =	vst v8;
	v8 =	vsel vm10, $0xBF800000, v4  }
0x27c: {  	[tilespmem:s26+$0x10070] =	vst v11;
	v7 =	vsel vm9, $0x3F800000, v7;
	v8 =	vsel vm11, $0x3F800000, v8;
	vm12 =	vlt.f32 v61, v6  }
0x27d: {  	[tilespmem:s30+$0x10070] =	vst v7;
	vm13 =	vgt.f32 v61, v5;
	v7 =	vsel vm12, $0xBF800000, v4;
	vm14 =	vlt.f32 v63, v6  }
0x27e: {  	[tilespmem:s0+$0x10070] =	vst v8;
	v7 =	vsel vm13, $0x3F800000, v7;
	vm15 =	vgt.f32 v63, v5;
	v8 =	vsel vm14, $0xBF800000, v4  }
0x27f: {  	[tilespmem:s23+$0x10070] =	vst v7;
	v7 =	vsel vm15, $0x3F800000, v8  }
0x280: {  	s7 =	simm.s32 $0x0;
	[tilespmem:s20+$0x10070] =	vst v7  }
0x281: {  	s1 =	simm.s32 $0x10000;
	s0 =	simm.s32 $0x0;
	s19 =	rddreg [dreg:$0x4]  }
.LBB2_32:
0x282: {  	p0 =	sne.s32 s7, $0x3F80  }
.Ltmp15:
0x283: {  	_ = 	snop;
	(pc) =	sbr.rel @p0 .LBB2_32-.Ltmp15, $4  }
0x284: {  	_ = 	snop  }
0x285: {  	s11 =	sadd.s32 s7, s19  }
0x286: {  	[hbm4b:s11+s0] =	stream.linear.scatter [tilespmem:s1], [sflag:$0x2], $0x80, $0x38;
	[tilespmem:$0x18080] =	vst v63  }
0x287: {  	s7 =	sadd.s32 $0x80, s7;
	s1 =	sadd.s32 $0x100, s1  }
0x288: {  	s20 =	simm.s32 $0x0  }
0x289: {  	v7 =	vld [tilespmem:s20+$0x180];
	_ =	sdelay $0x4  }
0x28a: {  	vm0 =	vlt.f32 v7, v6  }
0x28b: {  	vm1 =	vgt.f32 v7, v5;
	v7 =	vsel vm0, $0xBF800000, v4  }
0x28c: {  	s24 =	simm.s32 $0x100F0;
	v7 =	vsel vm1, $0x3F800000, v7  }
0x28d: {  	[tilespmem:s24+$0xFFFFFF90] =	vst v7  }
0x28e: {  	v7 =	vld [tilespmem:s20+$0x190]  }
0x28f: {  	s28 =	simm.s32 $0x200  }
0x290: {  	v8 =	vld [tilespmem:s28+$0x180];
	_ =	sdelay $0x2  }
0x291: {  	vm0 =	vlt.f32 v7, v6  }
0x292: {  	vm1 =	vgt.f32 v7, v5;
	v7 =	vsel vm0, $0xBF800000, v4  }
0x293: {  	vm0 =	vlt.f32 v8, v6;
	v7 =	vsel vm1, $0x3F800000, v7  }
0x294: {  	vm1 =	vgt.f32 v8, v5;
	v8 =	vsel vm0, $0xBF800000, v4;
	[tilespmem:s24+$0xFFFFFFA0] =	vst v7  }
0x295: {  	s25 =	simm.s32 $0x101F0;
	v7 =	vsel vm1, $0x3F800000, v8;
	v8 =	vld [tilespmem:s20+$0x1A0]  }
0x296: {  	[tilespmem:s25+$0xFFFFFF90] =	vst v7  }
0x297: {  	v7 =	vld [tilespmem:s28+$0x190]  }
0x298: {  	s29 =	simm.s32 $0x400  }
0x299: {  	v9 =	vld [tilespmem:s29+$0x180]  }
0x29a: {  	vm0 =	vlt.f32 v8, v6  }
0x29b: {  	vm1 =	vgt.f32 v8, v5;
	v8 =	vsel vm0, $0xBF800000, v4  }
0x29c: {  	vm0 =	vlt.f32 v7, v6;
	v8 =	vsel vm1, $0x3F800000, v8  }
0x29d: {  	vm1 =	vgt.f32 v7, v5;
	v7 =	vsel vm0, $0xBF800000, v4;
	[tilespmem:s24+$0xFFFFFFB0] =	vst v8  }
0x29e: {  	vm0 =	vlt.f32 v9, v6;
	v7 =	vsel vm1, $0x3F800000, v7;
	v8 =	vld [tilespmem:s20+$0x1B0]  }
0x29f: {  	vm1 =	vgt.f32 v9, v5;
	v9 =	vsel vm0, $0xBF800000, v4;
	[tilespmem:s25+$0xFFFFFFA0] =	vst v7  }
0x2a0: {  	s26 =	simm.s32 $0x102F0;
	v7 =	vsel vm1, $0x3F800000, v9;
	v9 =	vld [tilespmem:s28+$0x1A0]  }
0x2a1: {  	[tilespmem:s26+$0xFFFFFF90] =	vst v7  }
0x2a2: {  	v7 =	vld [tilespmem:s29+$0x190]  }
0x2a3: {  	s31 =	simm.s32 $0x600;
	vm0 =	vlt.f32 v8, v6  }
0x2a4: {  	v10 =	vld [tilespmem:s31+$0x180];
	vm1 =	vgt.f32 v8, v5;
	v8 =	vsel vm0, $0xBF800000, v4  }
0x2a5: {  	vm0 =	vlt.f32 v9, v6;
	v8 =	vsel vm1, $0x3F800000, v8  }
0x2a6: {  	vm1 =	vgt.f32 v9, v5;
	v9 =	vsel vm0, $0xBF800000, v4;
	[tilespmem:s24+$0xFFFFFFC0] =	vst v8  }
0x2a7: {  	vm0 =	vlt.f32 v7, v6;
	v8 =	vsel vm1, $0x3F800000, v9;
	v9 =	vld [tilespmem:s20+$0x1C0]  }
0x2a8: {  	vm1 =	vgt.f32 v7, v5;
	v7 =	vsel vm0, $0xBF800000, v4;
	[tilespmem:s25+$0xFFFFFFB0] =	vst v8  }
0x2a9: {  	vm0 =	vlt.f32 v10, v6;
	v7 =	vsel vm1, $0x3F800000, v7;
	v8 =	vld [tilespmem:s28+$0x1B0]  }
0x2aa: {  	vm1 =	vgt.f32 v10, v5;
	v10 =	vsel vm0, $0xBF800000, v4;
	[tilespmem:s26+$0xFFFFFFA0] =	vst v7  }
0x2ab: {  	s30 =	simm.s32 $0x103F0;
	v7 =	vsel vm1, $0x3F800000, v10;
	v10 =	vld [tilespmem:s29+$0x1A0]  }
0x2ac: {  	[tilespmem:s30+$0xFFFFFF90] =	vst v7;
	vm0 =	vlt.f32 v9, v6  }
0x2ad: {  	v7 =	vld [tilespmem:s31+$0x190];
	vm1 =	vgt.f32 v9, v5;
	v9 =	vsel vm0, $0xBF800000, v4  }
0x2ae: {  	s1 =	simm.s32 $0x800;
	vm0 =	vlt.f32 v8, v6;
	v9 =	vsel vm1, $0x3F800000, v9  }
0x2af: {  	v11 =	vld [tilespmem:s1+$0x180];
	vm1 =	vgt.f32 v8, v5;
	v8 =	vsel vm0, $0xBF800000, v4;
	[tilespmem:s24+$0xFFFFFFD0] =	vst v9  }
0x2b0: {  	vm0 =	vlt.f32 v10, v6;
	v8 =	vsel vm1, $0x3F800000, v8;
	v9 =	vld [tilespmem:s20+$0x1D0]  }
0x2b1: {  	vm1 =	vgt.f32 v10, v5;
	v10 =	vsel vm0, $0xBF800000, v4;
	[tilespmem:s25+$0xFFFFFFC0] =	vst v8  }
0x2b2: {  	vm0 =	vlt.f32 v7, v6;
	v8 =	vsel vm1, $0x3F800000, v10;
	v10 =	vld [tilespmem:s28+$0x1C0]  }
0x2b3: {  	vm1 =	vgt.f32 v7, v5;
	v7 =	vsel vm0, $0xBF800000, v4;
	[tilespmem:s26+$0xFFFFFFB0] =	vst v8  }
0x2b4: {  	s19 =	simm.s32 $0xA00;
	vm0 =	vlt.f32 v11, v6;
	v7 =	vsel vm1, $0x3F800000, v7;
	v8 =	vld [tilespmem:s29+$0x1B0]  }
0x2b5: {  	v12 =	vld [tilespmem:s19+$0x180];
	vm1 =	vgt.f32 v11, v5;
	v11 =	vsel vm0, $0xBF800000, v4;
	[tilespmem:s30+$0xFFFFFFA0] =	vst v7;
	vm0 =	vlt.f32 v9, v6  }
0x2b6: {  	s0 =	simm.s32 $0x104F0;
	v7 =	vsel vm1, $0x3F800000, v11;
	v11 =	vld [tilespmem:s31+$0x1A0];
	vm1 =	vgt.f32 v9, v5;
	v9 =	vsel vm0, $0xBF800000, v4  }
0x2b7: {  	[tilespmem:s0+$0xFFFFFF90] =	vst v7;
	vm0 =	vlt.f32 v10, v6;
	v7 =	vsel vm1, $0x3F800000, v9  }
0x2b8: {  	v9 =	vld [tilespmem:s1+$0x190];
	vm1 =	vgt.f32 v10, v5;
	v10 =	vsel vm0, $0xBF800000, v4;
	[tilespmem:s24+$0xFFFFFFE0] =	vst v7  }
0x2b9: {  	vm0 =	vlt.f32 v8, v6;
	v7 =	vsel vm1, $0x3F800000, v10;
	v10 =	vld [tilespmem:s20+$0x1E0]  }
0x2ba: {  	vm2 =	vgt.f32 v8, v5;
	vm1 =	vgt.f32 v12, v5;
	v8 =	vsel vm0, $0xBF800000, v4;
	[tilespmem:s25+$0xFFFFFFD0] =	vst v7  }
0x2bb: {  	s23 =	simm.s32 $0xC00;
	vm0 =	vlt.f32 v12, v6;
	vm3 =	vlt.f32 v11, v6;
	v7 =	vsel vm2, $0x3F800000, v8;
	v8 =	vld [tilespmem:s28+$0x1D0]  }
0x2bc: {  	v13 =	vld [tilespmem:s23+$0x180];
	v12 =	vsel vm0, $0xBF800000, v4;
	vm0 =	vgt.f32 v11, v5;
	v11 =	vsel vm3, $0xBF800000, v4;
	[tilespmem:s26+$0xFFFFFFC0] =	vst v7  }
0x2bd: {  	v7 =	vsel vm1, $0x3F800000, v12;
	v11 =	vsel vm0, $0x3F800000, v11;
	v12 =	vld [tilespmem:s29+$0x1C0];
	vm1 =	vlt.f32 v9, v6  }
0x2be: {  	s22 =	simm.s32 $0x105F0;
	[tilespmem:s30+$0xFFFFFFB0] =	vst v11;
	vm0 =	vgt.f32 v9, v5;
	v11 =	vsel vm1, $0xBF800000, v4;
	vm2 =	vlt.f32 v10, v6  }
0x2bf: {  	[tilespmem:s22+$0xFFFFFF90] =	vst v7;
	v9 =	vld [tilespmem:s31+$0x1B0];
	vm1 =	vgt.f32 v10, v5;
	v7 =	vsel vm0, $0x3F800000, v11;
	v10 =	vsel vm2, $0xBF800000, v4  }
0x2c0: {  	v11 =	vld [tilespmem:s19+$0x190];
	vm0 =	vlt.f32 v8, v6;
	[tilespmem:s0+$0xFFFFFFA0] =	vst v7;
	v14 =	vsel vm1, $0x3F800000, v10  }
0x2c1: {  	vm2 =	vgt.f32 v8, v5;
	vm1 =	vgt.f32 v13, v5;
	v7 =	vsel vm0, $0xBF800000, v4;
	v10 =	vld [tilespmem:s1+$0x1A0];
	[tilespmem:s24+$0xFFFFFFF0] =	vst v14  }
0x2c2: {  	vm0 =	vlt.f32 v13, v6;
	vm3 =	vlt.f32 v12, v6;
	v8 =	vsel vm2, $0x3F800000, v7;
	v7 =	vld [tilespmem:s20+$0x1F0]  }
0x2c3: {  	v13 =	vsel vm0, $0xBF800000, v4;
	vm2 =	vgt.f32 v12, v5;
	v12 =	vsel vm3, $0xBF800000, v4;
	[tilespmem:s25+$0xFFFFFFE0] =	vst v8  }
0x2c4: {  	s7 =	simm.s32 $0x3800;
	s21 =	simm.s32 $0x105F0;
	vm0 =	vlt.f32 v9, v6;
	v13 =	vsel vm1, $0x3F800000, v13;
	v12 =	vsel vm2, $0x3F800000, v12;
	v8 =	vld [tilespmem:s28+$0x1E0]  }
.LBB2_34:
0x2c5: {  	p0 =	sne.s32 s7, $0x3F800;
	vm1 =	vgt.f32 v11, v5;
	vm2 =	vgt.f32 v9, v5;
	v9 =	vsel vm0, $0xBF800000, v4;
	[tilespmem:s26+$0xFFFFFFD0] =	vst v12  }
0x2c6: {  	s11 =	sshra.s32 s7, $0x2;
	vm0 =	vlt.f32 v11, v6;
	vm3 =	vlt.f32 v10, v6;
	v9 =	vsel vm2, $0x3F800000, v9;
	v12 =	vld [tilespmem:s29+$0x1D0]  }
0x2c7: {  	s22 =	sadd.s32 $0x100, s22;
	vm2 =	vgt.f32 v10, v5;
	v14 =	vld [tilespmem:s11+$0x180];
	v10 =	vsel vm3, $0xBF800000, v4;
	[tilespmem:s30+$0xFFFFFFC0] =	vst v9;
	vm3 =	vlt.f32 v7, v6  }
0x2c8: {  	[tilespmem:s22+$0xFFFFFF90] =	vst v13;
	v9 =	vsel vm2, $0x3F800000, v10;
	v13 =	vld [tilespmem:s31+$0x1C0];
	vm2 =	vgt.f32 v7, v5;
	v7 =	vsel vm3, $0xBF800000, v4  }
0x2c9: {  	v10 =	vsel vm0, $0xBF800000, v4;
	[tilespmem:s0+$0xFFFFFFB0] =	vst v9;
	vm0 =	vlt.f32 v8, v6;
	v7 =	vsel vm2, $0x3F800000, v7  }
0x2ca: {  	v10 =	vsel vm1, $0x3F800000, v10;
	vm1 =	vgt.f32 v8, v5;
	v9 =	vld [tilespmem:s1+$0x1B0];
	v8 =	vsel vm0, $0xBF800000, v4;
	[tilespmem:s24+$0x0] =	vst v7;
	s24 =	smov.u32 s25;
	s25 =	smov.u32 s26;
	s26 =	smov.u32 s30  }
.Ltmp16:
0x2cb: {  	s30 =	smov.u32 s0;
	s0 =	smov.u32 s21;
	v11 =	vld [tilespmem:s23+$0x190];
	[tilespmem:s21+$0xFFFFFFA0] =	vst v10;
	vm0 =	vlt.f32 v12, v6;
	v7 =	vsel vm1, $0x3F800000, v8;
	(pc) =	sbr.rel @p0 .LBB2_34-.Ltmp16, $4  }
0x2cc: {  	vm2 =	vgt.f32 v12, v5;
	s21 =	smov.u32 s22;
	vm1 =	vgt.f32 v14, v5;
	v10 =	vld [tilespmem:s19+$0x1A0];
	v8 =	vsel vm0, $0xBF800000, v4;
	[tilespmem:s24+$0xFFFFFFF0] =	vst v7  }
0x2cd: {  	vm0 =	vlt.f32 v14, v6;
	vm3 =	vlt.f32 v13, v6;
	v8 =	vsel vm2, $0x3F800000, v8;
	v7 =	vld [tilespmem:s28+$0x1F0];
	s28 =	smov.u32 s29;
	s29 =	smov.u32 s31;
	s31 =	smov.u32 s1  }
0x2ce: {  	v12 =	vsel vm0, $0xBF800000, v4;
	vm2 =	vgt.f32 v13, v5;
	s1 =	smov.u32 s19;
	s19 =	smov.u32 s23;
	s23 =	smov.u32 s11;
	v14 =	vsel vm3, $0xBF800000, v4;
	[tilespmem:s25+$0xFFFFFFE0] =	vst v8  }
0x2cf: {  	s7 =	sadd.s32 $0x800, s7;
	v13 =	vsel vm1, $0x3F800000, v12;
	vm0 =	vlt.f32 v9, v6;
	v12 =	vsel vm2, $0x3F800000, v14;
	v8 =	vld [tilespmem:s28+$0x1E0]  }
0x2d0: {  	s20 =	sadd.s32 $0x100, s22  }
0x2d1: {  	[tilespmem:s20+$0xFFFFFF90] =	vst v13  }
0x2d2: {  	v13 =	vld [tilespmem:s23+$0x190];
	_ =	sdelay $0x3  }
0x2d3: {  	vm1 =	vlt.f32 v11, v6  }
0x2d4: {  	vm2 =	vgt.f32 v11, v5;
	v57 =	vsel vm1, $0xBF800000, v4;
	vm4 =	vlt.f32 v13, v6  }
0x2d5: {  	v11 =	vsel vm2, $0x3F800000, v57;
	vm5 =	vgt.f32 v13, v5;
	v58 =	vsel vm4, $0xBF800000, v4  }
0x2d6: {  	[tilespmem:s21+$0xFFFFFFA0] =	vst v11;
	v59 =	vsel vm5, $0x3F800000, v58  }
0x2d7: {  	vm6 =	vlt.f32 v10, v6;
	v60 =	vld [tilespmem:s19+$0x1A0];
	[tilespmem:s20+$0xFFFFFFA0] =	vst v59  }
0x2d8: {  	vm7 =	vgt.f32 v10, v5;
	v61 =	vsel vm6, $0xBF800000, v4;
	v11 =	vld [tilespmem:s23+$0x1A0]  }
0x2d9: {  	v10 =	vsel vm7, $0x3F800000, v61  }
0x2da: {  	[tilespmem:s0+$0xFFFFFFB0] =	vst v10  }
0x2db: {  	v63 =	vld [tilespmem:s1+$0x1B0]  }
0x2dc: {  	vm8 =	vlt.f32 v60, v6  }
0x2dd: {  	vm9 =	vgt.f32 v60, v5;
	v62 =	vsel vm8, $0xBF800000, v4;
	vm10 =	vlt.f32 v11, v6  }
0x2de: {  	v10 =	vsel vm9, $0x3F800000, v62;
	vm11 =	vgt.f32 v11, v5;
	v16 =	vsel vm10, $0xBF800000, v4  }
0x2df: {  	[tilespmem:s21+$0xFFFFFFB0] =	vst v10;
	v17 =	vsel vm11, $0x3F800000, v16  }
0x2e0: {  	vm13 =	vlt.f32 v63, v6;
	v18 =	vld [tilespmem:s19+$0x1B0];
	[tilespmem:s20+$0xFFFFFFB0] =	vst v17  }
0x2e1: {  	vm14 =	vgt.f32 v63, v5;
	v20 =	vsel vm13, $0xBF800000, v4;
	v10 =	vld [tilespmem:s23+$0x1B0]  }
0x2e2: {  	v21 =	vsel vm14, $0x3F800000, v20  }
0x2e3: {  	[tilespmem:s0+$0xFFFFFFC0] =	vst v21  }
0x2e4: {  	vm12 =	vgt.f32 v9, v5;
	v19 =	vsel vm0, $0xBF800000, v4;
	v24 =	vld [tilespmem:s1+$0x1C0]  }
0x2e5: {  	v9 =	vsel vm12, $0x3F800000, v19;
	vm15 =	vlt.f32 v18, v6  }
0x2e6: {  	[tilespmem:s30+$0xFFFFFFC0] =	vst v9;
	vm4 =	vgt.f32 v18, v5;
	v23 =	vsel vm15, $0xBF800000, v4;
	vm5 =	vlt.f32 v10, v6  }
0x2e7: {  	v22 =	vld [tilespmem:s31+$0x1C0];
	v9 =	vsel vm4, $0x3F800000, v23;
	vm6 =	vgt.f32 v10, v5;
	v25 =	vsel vm5, $0xBF800000, v4  }
0x2e8: {  	[tilespmem:s21+$0xFFFFFFC0] =	vst v9;
	v26 =	vsel vm6, $0x3F800000, v25  }
0x2e9: {  	vm9 =	vlt.f32 v24, v6;
	v27 =	vld [tilespmem:s19+$0x1C0];
	[tilespmem:s20+$0xFFFFFFC0] =	vst v26  }
0x2ea: {  	vm10 =	vgt.f32 v24, v5;
	v30 =	vsel vm9, $0xBF800000, v4;
	v9 =	vld [tilespmem:s23+$0x1C0]  }
0x2eb: {  	v11 =	vsel vm10, $0x3F800000, v30  }
0x2ec: {  	vm7 =	vlt.f32 v22, v6;
	[tilespmem:s0+$0xFFFFFFD0] =	vst v11  }
0x2ed: {  	v28 =	vsel vm7, $0xBF800000, v4;
	vm8 =	vgt.f32 v22, v5;
	v11 =	vld [tilespmem:s1+$0x1D0]  }
0x2ee: {  	[tilespmem:s26+$0xFFFFFFD0] =	vst v12;
	v12 =	vsel vm8, $0x3F800000, v28;
	vm11 =	vlt.f32 v27, v6  }
0x2ef: {  	v29 =	vld [tilespmem:s29+$0x1D0];
	[tilespmem:s30+$0xFFFFFFD0] =	vst v12;
	vm12 =	vgt.f32 v27, v5;
	v31 =	vsel vm11, $0xBF800000, v4;
	vm13 =	vlt.f32 v9, v6  }
0x2f0: {  	v12 =	vld [tilespmem:s31+$0x1D0];
	v10 =	vsel vm12, $0x3F800000, v31;
	vm14 =	vgt.f32 v9, v5;
	v32 =	vsel vm13, $0xBF800000, v4  }
0x2f1: {  	[tilespmem:s21+$0xFFFFFFD0] =	vst v10;
	v9 =	vsel vm14, $0x3F800000, v32  }
0x2f2: {  	vm7 =	vlt.f32 v11, v6;
	v10 =	vld [tilespmem:s19+$0x1D0];
	[tilespmem:s20+$0xFFFFFFD0] =	vst v9  }
0x2f3: {  	vm8 =	vgt.f32 v11, v5;
	v37 =	vsel vm7, $0xBF800000, v4;
	v34 =	vld [tilespmem:s23+$0x1D0]  }
0x2f4: {  	vm15 =	vlt.f32 v29, v6;
	v38 =	vsel vm8, $0x3F800000, v37  }
0x2f5: {  	vm4 =	vgt.f32 v29, v5;
	v33 =	vsel vm15, $0xBF800000, v4;
	vm5 =	vlt.f32 v12, v6;
	[tilespmem:s0+$0xFFFFFFE0] =	vst v38  }
0x2f6: {  	vm6 =	vgt.f32 v12, v5;
	v35 =	vsel vm5, $0xBF800000, v4;
	v41 =	vld [tilespmem:s1+$0x1E0];
	v9 =	vsel vm4, $0x3F800000, v33  }
0x2f7: {  	vm9 =	vlt.f32 v10, v6;
	[tilespmem:s26+$0xFFFFFFE0] =	vst v9;
	v9 =	vsel vm6, $0x3F800000, v35  }
0x2f8: {  	vm10 =	vgt.f32 v10, v5;
	v40 =	vsel vm9, $0xBF800000, v4;
	v36 =	vld [tilespmem:s29+$0x1E0];
	[tilespmem:s30+$0xFFFFFFE0] =	vst v9;
	vm11 =	vlt.f32 v34, v6  }
0x2f9: {  	v9 =	vsel vm10, $0x3F800000, v40;
	v39 =	vld [tilespmem:s31+$0x1E0];
	vm12 =	vgt.f32 v34, v5;
	v42 =	vsel vm11, $0xBF800000, v4  }
0x2fa: {  	vm13 =	vlt.f32 v8, v6;
	[tilespmem:s21+$0xFFFFFFE0] =	vst v9;
	v43 =	vsel vm12, $0x3F800000, v42  }
0x2fb: {  	vm14 =	vgt.f32 v8, v5;
	v44 =	vsel vm13, $0xBF800000, v4;
	vm7 =	vlt.f32 v41, v6;
	v45 =	vld [tilespmem:s19+$0x1E0];
	[tilespmem:s20+$0xFFFFFFE0] =	vst v43  }
0x2fc: {  	v8 =	vsel vm14, $0x3F800000, v44;
	vm8 =	vgt.f32 v41, v5;
	v52 =	vsel vm7, $0xBF800000, v4;
	v47 =	vld [tilespmem:s23+$0x1E0]  }
0x2fd: {  	vm9 =	vlt.f32 v7, v6;
	[tilespmem:s25+$0xFFFFFFF0] =	vst v8;
	v53 =	vsel vm8, $0x3F800000, v52;
	vm15 =	vlt.f32 v36, v6  }
0x2fe: {  	v49 =	vld [tilespmem:s28+$0x1F0];
	[tilespmem:s0+$0xFFFFFFF0] =	vst v53;
	vm4 =	vgt.f32 v36, v5;
	v46 =	vsel vm15, $0xBF800000, v4;
	vm5 =	vlt.f32 v39, v6  }
0x2ff: {  	v56 =	vld [tilespmem:s1+$0x1F0];
	vm6 =	vgt.f32 v39, v5;
	v48 =	vsel vm4, $0x3F800000, v46;
	v50 =	vsel vm5, $0xBF800000, v4  }
0x300: {  	vm14 =	vgt.f32 v7, v5;
	vm10 =	vlt.f32 v45, v6;
	[tilespmem:s26+$0xFFFFFFF0] =	vst v48;
	v8 =	vsel vm6, $0x3F800000, v50  }
0x301: {  	vm11 =	vgt.f32 v45, v5;
	v55 =	vsel vm10, $0xBF800000, v4;
	v51 =	vld [tilespmem:s29+$0x1F0];
	[tilespmem:s30+$0xFFFFFFF0] =	vst v8;
	vm12 =	vlt.f32 v47, v6  }
0x302: {  	v8 =	vsel vm11, $0x3F800000, v55;
	v54 =	vld [tilespmem:s31+$0x1F0];
	vm13 =	vgt.f32 v47, v5;
	v57 =	vsel vm12, $0xBF800000, v4  }
0x303: {  	v7 =	vsel vm9, $0xBF800000, v4;
	vm15 =	vlt.f32 v49, v6;
	[tilespmem:s21+$0xFFFFFFF0] =	vst v8;
	v58 =	vsel vm13, $0x3F800000, v57  }
0x304: {  	v60 =	vsel vm15, $0xBF800000, v4;
	vm6 =	vgt.f32 v49, v5;
	vm10 =	vlt.f32 v56, v6;
	v59 =	vld [tilespmem:s19+$0x1F0];
	[tilespmem:s20+$0xFFFFFFF0] =	vst v58  }
0x305: {  	vm11 =	vgt.f32 v56, v5;
	v63 =	vsel vm10, $0xBF800000, v4;
	v8 =	vsel vm6, $0x3F800000, v60;
	v62 =	vld [tilespmem:s23+$0x1F0]  }
0x306: {  	v7 =	vsel vm14, $0x3F800000, v7;
	[tilespmem:s25+$0x0] =	vst v8;
	v8 =	vsel vm11, $0x3F800000, v63  }
0x307: {  	vm3 =	vlt.f32 v51, v6;
	vm7 =	vgt.f32 v51, v5;
	vm8 =	vlt.f32 v54, v6  }
0x308: {  	[tilespmem:s24+$0x0] =	vst v7;
	v61 =	vsel vm3, $0xBF800000, v4;
	vm9 =	vgt.f32 v54, v5;
	v7 =	vsel vm8, $0xBF800000, v4  }
0x309: {  	[tilespmem:s0+$0x0] =	vst v8;
	v11 =	vsel vm7, $0x3F800000, v61;
	vm12 =	vlt.f32 v59, v6;
	v7 =	vsel vm9, $0x3F800000, v7  }
0x30a: {  	vm13 =	vgt.f32 v59, v5;
	[tilespmem:s30+$0x0] =	vst v7;
	v7 =	vsel vm12, $0xBF800000, v4;
	vm14 =	vlt.f32 v62, v6  }
0x30b: {  	[tilespmem:s26+$0x0] =	vst v11;
	v6 =	vsel vm13, $0x3F800000, v7;
	vm15 =	vgt.f32 v62, v5;
	v5 =	vsel vm14, $0xBF800000, v4  }
0x30c: {  	s7 =	simm.s32 $0x10180;
	[tilespmem:s21+$0x0] =	vst v6;
	v5 =	vsel vm15, $0x3F800000, v5  }
0x30d: {  	s1 =	simm.s32 $0x80;
	s19 =	sadd.s32 $0x0, s12;
	s0 =	simm.s32 $0x10080;
	[tilespmem:s20+$0x0] =	vst v5  }
.LBB2_36:
0x30e: {  	[hbm4b:s19+s2] =	stream.linear.scatter [tilespmem:s0], [sflag:$0x2], $0x80, $0x38;
	[tilespmem:$0x18080] =	vst v63  }
0x30f: {  	s11 =	smov.u32 s1;
	s0 =	smov.u32 s7;
	p0 =	sne.s32 s1, $0x3F80  }
.Ltmp17:
0x310: {  	s1 =	sadd.s32 $0x80, s1;
	(pc) =	sbr.rel @p0 .LBB2_36-.Ltmp17, $2  }
0x311: {  	_ =	sdelay $0x2  }
0x312: {  	s7 =	sadd.s32 $0x100, s7;
	s19 =	sadd.s32 s11, s12  }
0x313: {  	[hbm4b:s19+s2] =	stream.linear.scatter [tilespmem:s0], [sflag:$0x2], $0x80, $0x38;
	[tilespmem:$0x18080] =	vst v63  }
0x314: {  	s31 =	simm.s32 $0x1  }
0x315: {  	_ =	swait.ge [sflag:s31], $0x4000  }
0x316: {  	[sflag:s31] =	ssyncset.done $0x0  }
0x317: {  	[sflag:s31] =	ssyncadd.s32 $0xFFFFC000  }
0x318: {  	_ =	swait.ge [sflag:s31], $0x4000  }
0x319: {  	[sflag:s31] =	ssyncset.done $0x0  }
0x31a: {  	s0 =	simm.s32 $0x0;
	[sflag:s31] =	ssyncadd.s32 $0xFFFFC000  }
0x31b: {  	v5 =	vld [tilespmem:s0+$0x70]  }
0x31c: {  	v7 =	vld [tilespmem:s0+$0x0]  }
0x31d: {  	v8 =	vld [tilespmem:s0+$0x10];
	_ =	sdelay $0x1  }
0x31e: {  	v16 =	vld [tilespmem:s0+$0x20]  }
0x31f: {  	v6 =	vimm.f32 $0.0e+00;
	v12 =	vimm.f32 $0.0e+00;
	v13 =	vimm.f32 $0.0e+00;
	v14 =	vld [tilespmem:s0+$0x30]  }
0x320: {  	v9 =	vimm.f32 $0.0e+00;
	v10 =	vimm.f32 $0.0e+00;
	v11 =	vimm.f32 $0.0e+00;
	v15 =	vld [tilespmem:s0+$0x40]  }
0x321: {  	v17 =	vld [tilespmem:s0+$0x50];
	v5 =	vand.u32 $0x7FFFFFFF, v5;
	v7 =	vand.u32 $0x7FFFFFFF, v7;
	v19 =	vand.u32 $0x7FFFFFFF, v8  }
0x322: {  	s1 =	simm.s32 $0x200;
	s7 =	simm.s32 $0x1000;
	v18 =	vld [tilespmem:s0+$0x60];
	v8 =	vimm.f32 $0.0e+00;
	v5 =	vmax.f32 v6, v5;
	v7 =	vmax.f32 v6, v7  }
.LBB2_38:
0x323: {  	p0 =	sne.s32 s7, $0x3F800;
	v20 =	vld [tilespmem:s1+$0x70];
	v12 =	vmax.f32 v12, v19;
	v16 =	vand.u32 $0x7FFFFFFF, v16  }
0x324: {  	v19 =	vld [tilespmem:s1+$0x0];
	v13 =	vmax.f32 v13, v16;
	v14 =	vand.u32 $0x7FFFFFFF, v14  }
0x325: {  	v21 =	vld [tilespmem:s1+$0x10];
	v9 =	vmax.f32 v9, v14;
	v14 =	vand.u32 $0x7FFFFFFF, v15  }
.Ltmp18:
0x326: {  	v16 =	vld [tilespmem:s1+$0x20];
	v10 =	vmax.f32 v10, v14;
	v15 =	vand.u32 $0x7FFFFFFF, v17;
	(pc) =	sbr.rel @p0 .LBB2_38-.Ltmp18, $4  }
0x327: {  	v14 =	vld [tilespmem:s1+$0x30];
	v11 =	vmax.f32 v11, v15;
	v17 =	vand.u32 $0x7FFFFFFF, v18  }
0x328: {  	v15 =	vld [tilespmem:s1+$0x40];
	v18 =	vand.u32 $0x7FFFFFFF, v20;
	v8 =	vmax.f32 v8, v17  }
0x329: {  	v19 =	vand.u32 $0x7FFFFFFF, v19;
	v17 =	vld [tilespmem:s1+$0x50];
	v5 =	vmax.f32 v5, v18  }
0x32a: {  	v7 =	vmax.f32 v7, v19;
	v19 =	vand.u32 $0x7FFFFFFF, v21;
	v18 =	vld [tilespmem:s1+$0x60];
	s1 =	sshra.s32 s7, $0x2;
	s7 =	sadd.s32 $0x800, s7  }
0x32b: {  	v20 =	vld [tilespmem:s1+$0x70]  }
0x32c: {  	v21 =	vld [tilespmem:s1+$0x0]  }
0x32d: {  	v22 =	vld [tilespmem:s1+$0x10]  }
0x32e: {  	v23 =	vld [tilespmem:s1+$0x20]  }
0x32f: {  	v16 =	vand.u32 $0x7FFFFFFF, v16;
	v26 =	vld [tilespmem:s0+$0x90]  }
0x330: {  	v24 =	vld [tilespmem:s1+$0x30];
	v12 =	vmax.f32 v12, v19;
	v13 =	vmax.f32 v13, v16;
	v14 =	vand.u32 $0x7FFFFFFF, v14  }
0x331: {  	v25 =	vld [tilespmem:s1+$0x40];
	v14 =	vmax.f32 v9, v14;
	v9 =	vand.u32 $0x7FFFFFFF, v15;
	v15 =	vand.u32 $0x7FFFFFFF, v17  }
0x332: {  	v16 =	vld [tilespmem:s1+$0x50];
	v10 =	vmax.f32 v10, v9;
	v15 =	vmax.f32 v11, v15;
	v9 =	vand.u32 $0x7FFFFFFF, v18  }
0x333: {  	v17 =	vld [tilespmem:s1+$0x60];
	v11 =	vand.u32 $0x7FFFFFFF, v20;
	v19 =	vmax.f32 v8, v9;
	v8 =	vand.u32 $0x7FFFFFFF, v21  }
0x334: {  	v18 =	vld [tilespmem:s0+$0xF0];
	v9 =	vand.u32 $0x7FFFFFFF, v22;
	v26 =	vand.u32 $0x7FFFFFFF, v26;
	v5 =	vmax.f32 v5, v11  }
0x335: {  	v21 =	vld [tilespmem:s0+$0x80];
	v11 =	vand.u32 $0x7FFFFFFF, v23;
	v8 =	vmax.f32 v7, v8;
	v9 =	vmax.f32 v12, v9  }
0x336: {  	v7 =	vmax.f32 v13, v11;
	v11 =	vand.u32 $0x7FFFFFFF, v24;
	v13 =	vand.u32 $0x7FFFFFFF, v25  }
0x337: {  	v22 =	vld [tilespmem:s0+$0xA0];
	v16 =	vand.u32 $0x7FFFFFFF, v16;
	v12 =	vmax.f32 v14, v11;
	v11 =	vmax.f32 v10, v13  }
0x338: {  	v20 =	vld [tilespmem:s0+$0xB0];
	v10 =	vmax.f32 v15, v16;
	v13 =	vand.u32 $0x7FFFFFFF, v17;
	v17 =	vimm.f32 $0.0e+00  }
0x339: {  	v23 =	vld [tilespmem:s0+$0xC0];
	v16 =	vimm.f32 $0.0e+00;
	v14 =	vand.u32 $0x7FFFFFFF, v18;
	v13 =	vmax.f32 v19, v13  }
0x33a: {  	v24 =	vld [tilespmem:s0+$0xD0];
	v18 =	vimm.f32 $0.0e+00;
	v19 =	vimm.f32 $0.0e+00;
	v15 =	vand.u32 $0x7FFFFFFF, v21  }
0x33b: {  	s7 =	simm.s32 $0x1000;
	s1 =	simm.s32 $0x200;
	v25 =	vld [tilespmem:s0+$0xE0];
	v14 =	vmax.f32 v6, v14;
	v21 =	vimm.f32 $0.0e+00;
	v15 =	vmax.f32 v6, v15  }
.LBB2_40:
0x33c: {  	p0 =	sne.s32 s7, $0x3F800;
	v27 =	vld [tilespmem:s1+$0xF0];
	v6 =	vmax.f32 v6, v26;
	v22 =	vand.u32 $0x7FFFFFFF, v22  }
0x33d: {  	v26 =	vld [tilespmem:s1+$0x80];
	v21 =	vmax.f32 v21, v22;
	v20 =	vand.u32 $0x7FFFFFFF, v20  }
0x33e: {  	v28 =	vld [tilespmem:s1+$0x90];
	v17 =	vmax.f32 v17, v20;
	v20 =	vand.u32 $0x7FFFFFFF, v23  }
.Ltmp19:
0x33f: {  	v22 =	vld [tilespmem:s1+$0xA0];
	v18 =	vmax.f32 v18, v20;
	v23 =	vand.u32 $0x7FFFFFFF, v24;
	(pc) =	sbr.rel @p0 .LBB2_40-.Ltmp19, $4  }
0x340: {  	v20 =	vld [tilespmem:s1+$0xB0];
	v19 =	vmax.f32 v19, v23;
	v24 =	vand.u32 $0x7FFFFFFF, v25  }
0x341: {  	v23 =	vld [tilespmem:s1+$0xC0];
	v25 =	vand.u32 $0x7FFFFFFF, v27;
	v16 =	vmax.f32 v16, v24  }
0x342: {  	v26 =	vand.u32 $0x7FFFFFFF, v26;
	v24 =	vld [tilespmem:s1+$0xD0];
	v14 =	vmax.f32 v14, v25  }
0x343: {  	v15 =	vmax.f32 v15, v26;
	v26 =	vand.u32 $0x7FFFFFFF, v28;
	v25 =	vld [tilespmem:s1+$0xE0];
	s1 =	sshra.s32 s7, $0x2;
	s7 =	sadd.s32 $0x800, s7  }
0x344: {  	v27 =	vld [tilespmem:s1+$0xF0]  }
0x345: {  	v28 =	vld [tilespmem:s1+$0x80]  }
0x346: {  	v29 =	vld [tilespmem:s1+$0x90]  }
0x347: {  	v30 =	vld [tilespmem:s1+$0xA0]  }
0x348: {  	v22 =	vand.u32 $0x7FFFFFFF, v22;
	v31 =	vld [tilespmem:s1+$0xB0]  }
0x349: {  	v26 =	vmax.f32 v6, v26;
	v60 =	vld [tilespmem:s1+$0xD0];
	v21 =	vmax.f32 v21, v22  }
0x34a: {  	v22 =	vld [tilespmem:s1+$0xC0];
	v6 =	vand.u32 $0x7FFFFFFF, v20;
	v20 =	vand.u32 $0x7FFFFFFF, v23;
	v23 =	vand.u32 $0x7FFFFFFF, v24  }
0x34b: {  	v17 =	vmax.f32 v17, v6;
	v20 =	vmax.f32 v18, v20;
	v19 =	vmax.f32 v19, v23;
	v23 =	vld [tilespmem:s1+$0xE0]  }
0x34c: {  	v6 =	vand.u32 $0x7FFFFFFF, v25;
	v18 =	vand.u32 $0x7FFFFFFF, v27;
	v61 =	vand.u32 $0x7FFFFFFF, v28  }
0x34d: {  	v62 =	vmax.f32 v16, v6;
	v16 =	vand.u32 $0x7FFFFFFF, v30;
	v63 =	vand.u32 $0x7FFFFFFF, v31  }
0x34e: {  	v6 =	vmax.f32 v14, v18;
	v14 =	vmax.f32 v15, v61;
	v15 =	vand.u32 $0x7FFFFFFF, v29  }
0x34f: {  	v16 =	vmax.f32 v21, v16;
	v21 =	vand.u32 $0x7FFFFFFF, v60;
	v18 =	vmax.f32 v26, v15  }
0x350: {  	s0 =	simm.s32 $0x100;
	v15 =	vmax.f32 v17, v63;
	v17 =	vand.u32 $0x7FFFFFFF, v22;
	v22 =	vand.u32 $0x7FFFFFFF, v23  }
0x351: {  	s19 =	sadd.s32 $0x0, s13;
	s7 =	simm.s32 $0x300;
	s1 =	simm.s32 $0x80;
	v19 =	vmax.f32 v19, v21;
	v20 =	vmax.f32 v20, v17;
	v17 =	vmax.f32 v62, v22  }
.LBB2_42:
0x352: {  	[tilespmem:s0], [sflag:$0x1] =	stream.linear.gather [hbm4b:s19+s2], $0x80, $0x38;
	[tilespmem:$0x18080] =	vst v63  }
0x353: {  	s11 =	smov.u32 s1;
	s0 =	smov.u32 s7;
	p0 =	sne.s32 s1, $0x3F80  }
.Ltmp20:
0x354: {  	s1 =	sadd.s32 $0x80, s1;
	(pc) =	sbr.rel @p0 .LBB2_42-.Ltmp20, $2  }
0x355: {  	_ =	sdelay $0x2  }
0x356: {  	s7 =	sadd.s32 $0x200, s7;
	s19 =	sadd.s32 s11, s13  }
0x357: {  	[tilespmem:s0], [sflag:$0x1] =	stream.linear.gather [hbm4b:s19+s2], $0x80, $0x38;
	[tilespmem:$0x18080] =	vst v63  }
0x358: {  	s0 =	simm.s32 $0x180  }
0x359: {  	s7 =	simm.s32 $0x80;
	s1 =	sadd.s32 $0x0, s14;
	s19 =	simm.s32 $0x380  }
.LBB2_44:
0x35a: {  	[tilespmem:s0], [sflag:$0x1] =	stream.linear.gather [hbm4b:s1+s2], $0x80, $0x38;
	[tilespmem:$0x18080] =	vst v63  }
0x35b: {  	s1 =	smov.u32 s7;
	s0 =	smov.u32 s19;
	p0 =	sne.s32 s7, $0x3F80  }
.Ltmp21:
0x35c: {  	s7 =	sadd.s32 $0x80, s7;
	(pc) =	sbr.rel @p0 .LBB2_44-.Ltmp21, $2  }
0x35d: {  	_ =	sdelay $0x2  }
0x35e: {  	s19 =	sadd.s32 $0x200, s19;
	s1 =	sadd.s32 s1, s14  }
0x35f: {  	v8 =	vmax.f32 v8, v9;
	v9 =	vmax.f32 v14, v18  }
0x360: {  	v7 =	vmax.f32 v8, v7;
	v8 =	vmax.f32 v9, v16  }
0x361: {  	v7 =	vmax.f32 v7, v12;
	v8 =	vmax.f32 v8, v15  }
0x362: {  	v7 =	vmax.f32 v7, v11;
	v8 =	vmax.f32 v8, v20  }
0x363: {  	v7 =	vmax.f32 v7, v10;
	v8 =	vmax.f32 v8, v19  }
0x364: {  	v7 =	vmax.f32 v7, v13;
	v8 =	vmax.f32 v8, v17  }
0x365: {  	v5 =	vmax.f32 v7, v5;
	v6 =	vmax.f32 v8, v6  }
0x366: {  	[tilespmem:s0], [sflag:$0x1] =	stream.linear.gather [hbm4b:s1+s2], $0x80, $0x38;
	v5 =	vmax.f32 v5, v6;
	[tilespmem:$0x18080] =	vst v63  }
0x367: {  	s25 =	simm.s32 $0x18000;
	[tilespmem:$0x18000] =	vst v5  }
0x368: {  	v6 =	vld.idx.msk [tilespmem:v0+s25+$0x0], $0xffff;
	_ =	sdelay $0x4  }
0x369: {  	v5 =	vmax.f32 v5, v6  }
0x36a: {  	[tilespmem:$0x18000] =	vst v5  }
0x36b: {  	v6 =	vld.idx.msk [tilespmem:v1+s25+$0x0], $0xffff;
	_ =	sdelay $0x4  }
0x36c: {  	v5 =	vmax.f32 v5, v6  }
0x36d: {  	[tilespmem:$0x18000] =	vst v5  }
0x36e: {  	v6 =	vld.idx.msk [tilespmem:v2+s25+$0x0], $0xffff;
	_ =	sdelay $0x4  }
0x36f: {  	v5 =	vmax.f32 v5, v6  }
0x370: {  	[tilespmem:$0x18000] =	vst v5  }
0x371: {  	s26 =	simm.s32 $0x2;
	v6 =	vld.idx.msk [tilespmem:v3+s25+$0x0], $0xffff  }
0x372: {  	_ =	swait.ge [sflag:s26], $0x4000  }
0x373: {  	[sflag:s26] =	ssyncset.done $0x0  }
0x374: {  	[sflag:s26] =	ssyncadd.s32 $0xFFFFC000  }
0x375: {  	_ =	swait.ge [sflag:s26], $0x4000  }
0x376: {  	[sflag:s26] =	ssyncset.done $0x0;
	v5 =	vmax.f32 v5, v6  }
0x377: {  	s20 =	simm.s32 $0x40;
	[sflag:s26] =	ssyncadd.s32 $0xFFFFC000;
	v5 =	vadd.f32 $9.999999970e-07, v5  }
0x378: {  	v7 =	vld [tilespmem:s20+$0xFFFFFFC0]  }
0x379: {  	v5 =	vmul.f32 $5.000000000e-01, v5;
	_ =	sdelay $0x1  }
0x37a: {  	v6 =	vsub.f32 $0.0e+00, v5;
	_ =	sdelay $0x1  }
0x37b: {  	vm0 =	vlt.f32 v7, v6  }
0x37c: {  	vm1 =	vgt.f32 v7, v5;
	v7 =	vsel vm0, $0xBF800000, v4  }
0x37d: {  	s24 =	simm.s32 $0x0;
	v7 =	vsel vm1, $0x3F800000, v7  }
0x37e: {  	[tilespmem:s24+$0x10000] =	vst v7  }
0x37f: {  	v7 =	vld [tilespmem:s20+$0xFFFFFFD0]  }
0x380: {  	s28 =	simm.s32 $0x240  }
0x381: {  	v8 =	vld [tilespmem:s28+$0xFFFFFFC0];
	_ =	sdelay $0x2  }
0x382: {  	vm0 =	vlt.f32 v7, v6  }
0x383: {  	vm1 =	vgt.f32 v7, v5;
	v7 =	vsel vm0, $0xBF800000, v4  }
0x384: {  	vm0 =	vlt.f32 v8, v6;
	v7 =	vsel vm1, $0x3F800000, v7  }
0x385: {  	vm1 =	vgt.f32 v8, v5;
	v8 =	vsel vm0, $0xBF800000, v4;
	[tilespmem:s24+$0x10010] =	vst v7  }
0x386: {  	s25 =	simm.s32 $0x100;
	v7 =	vsel vm1, $0x3F800000, v8;
	v8 =	vld [tilespmem:s20+$0xFFFFFFE0]  }
0x387: {  	[tilespmem:s25+$0x10000] =	vst v7  }
0x388: {  	s29 =	simm.s32 $0x440;
	v7 =	vld [tilespmem:s28+$0xFFFFFFD0]  }
0x389: {  	v9 =	vld [tilespmem:s29+$0xFFFFFFC0];
	_ =	sdelay $0x1  }
0x38a: {  	vm0 =	vlt.f32 v8, v6  }
0x38b: {  	vm1 =	vgt.f32 v8, v5;
	v8 =	vsel vm0, $0xBF800000, v4  }
0x38c: {  	vm0 =	vlt.f32 v7, v6;
	v8 =	vsel vm1, $0x3F800000, v8  }
0x38d: {  	vm1 =	vgt.f32 v7, v5;
	v7 =	vsel vm0, $0xBF800000, v4;
	vm0 =	vlt.f32 v9, v6;
	[tilespmem:s24+$0x10020] =	vst v8  }
0x38e: {  	v7 =	vsel vm1, $0x3F800000, v7;
	vm1 =	vgt.f32 v9, v5;
	v9 =	vsel vm0, $0xBF800000, v4;
	v8 =	vld [tilespmem:s20+$0xFFFFFFF0]  }
0x38f: {  	s26 =	simm.s32 $0x200;
	[tilespmem:s25+$0x10010] =	vst v7;
	v7 =	vsel vm1, $0x3F800000, v9  }
0x390: {  	v9 =	vld [tilespmem:s28+$0xFFFFFFE0];
	[tilespmem:s26+$0x10000] =	vst v7  }
0x391: {  	v7 =	vld [tilespmem:s29+$0xFFFFFFD0]  }
0x392: {  	s31 =	simm.s32 $0x640  }
0x393: {  	v10 =	vld [tilespmem:s31+$0xFFFFFFC0];
	vm0 =	vlt.f32 v8, v6  }
0x394: {  	vm1 =	vgt.f32 v8, v5;
	v8 =	vsel vm0, $0xBF800000, v4  }
0x395: {  	vm0 =	vlt.f32 v9, v6;
	v8 =	vsel vm1, $0x3F800000, v8  }
0x396: {  	vm1 =	vgt.f32 v9, v5;
	v9 =	vsel vm0, $0xBF800000, v4;
	vm0 =	vlt.f32 v7, v6;
	[tilespmem:s24+$0x10030] =	vst v8  }
0x397: {  	v8 =	vsel vm1, $0x3F800000, v9;
	vm1 =	vgt.f32 v7, v5;
	v7 =	vsel vm0, $0xBF800000, v4;
	v9 =	vld [tilespmem:s20+$0x0]  }
0x398: {  	vm0 =	vlt.f32 v10, v6;
	[tilespmem:s25+$0x10020] =	vst v8;
	v7 =	vsel vm1, $0x3F800000, v7  }
0x399: {  	vm1 =	vgt.f32 v10, v5;
	v10 =	vsel vm0, $0xBF800000, v4;
	v8 =	vld [tilespmem:s28+$0xFFFFFFF0];
	[tilespmem:s26+$0x10010] =	vst v7  }
0x39a: {  	s30 =	simm.s32 $0x300;
	v7 =	vsel vm1, $0x3F800000, v10;
	v10 =	vld [tilespmem:s29+$0xFFFFFFE0]  }
0x39b: {  	[tilespmem:s30+$0x10000] =	vst v7  }
0x39c: {  	v7 =	vld [tilespmem:s31+$0xFFFFFFD0];
	vm0 =	vlt.f32 v9, v6  }
0x39d: {  	s1 =	simm.s32 $0x840;
	vm1 =	vgt.f32 v9, v5;
	v9 =	vsel vm0, $0xBF800000, v4  }
0x39e: {  	v11 =	vld [tilespmem:s1+$0xFFFFFFC0];
	vm0 =	vlt.f32 v8, v6;
	v9 =	vsel vm1, $0x3F800000, v9  }
0x39f: {  	vm1 =	vgt.f32 v8, v5;
	v8 =	vsel vm0, $0xBF800000, v4;
	vm0 =	vlt.f32 v10, v6;
	[tilespmem:s24+$0x10040] =	vst v9  }
0x3a0: {  	v8 =	vsel vm1, $0x3F800000, v8;
	vm1 =	vgt.f32 v10, v5;
	v10 =	vsel vm0, $0xBF800000, v4;
	v9 =	vld [tilespmem:s20+$0x10]  }
0x3a1: {  	vm0 =	vlt.f32 v7, v6;
	[tilespmem:s25+$0x10030] =	vst v8;
	v8 =	vsel vm1, $0x3F800000, v10  }
0x3a2: {  	vm1 =	vgt.f32 v7, v5;
	v7 =	vsel vm0, $0xBF800000, v4;
	v10 =	vld [tilespmem:s28+$0x0];
	[tilespmem:s26+$0x10020] =	vst v8  }
0x3a3: {  	s19 =	simm.s32 $0xA40;
	vm0 =	vlt.f32 v11, v6;
	v7 =	vsel vm1, $0x3F800000, v7;
	v8 =	vld [tilespmem:s29+$0xFFFFFFF0]  }
0x3a4: {  	v12 =	vld [tilespmem:s19+$0xFFFFFFC0];
	vm1 =	vgt.f32 v11, v5;
	v11 =	vsel vm0, $0xBF800000, v4;
	[tilespmem:s30+$0x10010] =	vst v7  }
0x3a5: {  	v7 =	vsel vm1, $0x3F800000, v11;
	v11 =	vld [tilespmem:s31+$0xFFFFFFE0];
	vm0 =	vlt.f32 v9, v6  }
0x3a6: {  	s0 =	simm.s32 $0x400;
	vm1 =	vgt.f32 v9, v5;
	v9 =	vsel vm0, $0xBF800000, v4  }
0x3a7: {  	[tilespmem:s0+$0x10000] =	vst v7;
	vm0 =	vlt.f32 v10, v6;
	v7 =	vsel vm1, $0x3F800000, v9;
	vm1 =	vgt.f32 v10, v5  }
0x3a8: {  	v9 =	vld [tilespmem:s1+$0xFFFFFFD0];
	v10 =	vsel vm0, $0xBF800000, v4;
	vm0 =	vlt.f32 v8, v6;
	vm2 =	vgt.f32 v8, v5;
	[tilespmem:s24+$0x10050] =	vst v7  }
0x3a9: {  	v7 =	vsel vm1, $0x3F800000, v10;
	vm1 =	vgt.f32 v12, v5;
	v8 =	vsel vm0, $0xBF800000, v4;
	v10 =	vld [tilespmem:s20+$0x20]  }
0x3aa: {  	vm0 =	vlt.f32 v12, v6;
	vm3 =	vlt.f32 v11, v6;
	[tilespmem:s25+$0x10040] =	vst v7;
	v7 =	vsel vm2, $0x3F800000, v8  }
0x3ab: {  	s22 =	simm.s32 $0xC40;
	v12 =	vsel vm0, $0xBF800000, v4;
	vm0 =	vgt.f32 v11, v5;
	v11 =	vsel vm3, $0xBF800000, v4;
	v8 =	vld [tilespmem:s28+$0x10]  }
0x3ac: {  	v13 =	vld [tilespmem:s22+$0xFFFFFFC0];
	[tilespmem:s26+$0x10030] =	vst v7;
	v11 =	vsel vm0, $0x3F800000, v11  }
0x3ad: {  	s23 =	simm.s32 $0x500;
	v7 =	vsel vm1, $0x3F800000, v12;
	v12 =	vld [tilespmem:s29+$0x0];
	[tilespmem:s30+$0x10020] =	vst v11;
	vm1 =	vlt.f32 v9, v6  }
0x3ae: {  	[tilespmem:s23+$0x10000] =	vst v7;
	vm0 =	vgt.f32 v9, v5;
	v7 =	vsel vm1, $0xBF800000, v4;
	vm2 =	vlt.f32 v10, v6  }
0x3af: {  	v11 =	vld [tilespmem:s31+$0xFFFFFFF0];
	vm1 =	vgt.f32 v10, v5;
	v7 =	vsel vm0, $0x3F800000, v7;
	v10 =	vsel vm2, $0xBF800000, v4  }
0x3b0: {  	v9 =	vld [tilespmem:s19+$0xFFFFFFD0];
	vm0 =	vlt.f32 v8, v6;
	[tilespmem:s0+$0x10010] =	vst v7;
	v14 =	vsel vm1, $0x3F800000, v10  }
0x3b1: {  	vm2 =	vgt.f32 v8, v5;
	vm1 =	vgt.f32 v13, v5;
	v8 =	vsel vm0, $0xBF800000, v4;
	v10 =	vld [tilespmem:s1+$0xFFFFFFE0];
	[tilespmem:s24+$0x10060] =	vst v14  }
0x3b2: {  	vm0 =	vlt.f32 v13, v6;
	vm3 =	vlt.f32 v12, v6;
	v8 =	vsel vm2, $0x3F800000, v8;
	v7 =	vld [tilespmem:s20+$0x30]  }
0x3b3: {  	v13 =	vsel vm0, $0xBF800000, v4;
	vm0 =	vgt.f32 v12, v5;
	v14 =	vsel vm3, $0xBF800000, v4;
	[tilespmem:s25+$0x10050] =	vst v8  }
0x3b4: {  	vm2 =	vlt.f32 v11, v6;
	v12 =	vsel vm1, $0x3F800000, v13;
	v13 =	vsel vm0, $0x3F800000, v14;
	v8 =	vld [tilespmem:s28+$0x20]  }
0x3b5: {  	s7 =	simm.s32 $0x1800;
	s21 =	simm.s32 $0xC40;
	s20 =	simm.s32 $0x1C00;
	vm1 =	vgt.f32 v9, v5;
	vm0 =	vgt.f32 v11, v5;
	v11 =	vsel vm2, $0xBF800000, v4;
	[tilespmem:s26+$0x10040] =	vst v13  }
.LBB2_46:
0x3b6: {  	p0 =	sne.s32 s20, $0x1FC00;
	s22 =	sadd.s32 $0x200, s22;
	vm2 =	vlt.f32 v9, v6;
	vm3 =	vlt.f32 v10, v6;
	v9 =	vsel vm0, $0x3F800000, v11;
	v11 =	vld [tilespmem:s29+$0x10]  }
0x3b7: {  	s11 =	sshra.s32 s7, $0x2;
	vm0 =	vgt.f32 v10, v5;
	s7 =	smov.u32 s20;
	v13 =	vld [tilespmem:s22+$0xFFFFFFC0];
	v10 =	vsel vm3, $0xBF800000, v4;
	[tilespmem:s30+$0x10030] =	vst v9;
	vm3 =	vlt.f32 v7, v6  }
0x3b8: {  	[tilespmem:s11+$0x10000] =	vst v12;
	v9 =	vsel vm0, $0x3F800000, v10;
	v12 =	vld [tilespmem:s31+$0x0];
	vm0 =	vgt.f32 v7, v5;
	v7 =	vsel vm3, $0xBF800000, v4  }
0x3b9: {  	v10 =	vsel vm2, $0xBF800000, v4;
	[tilespmem:s0+$0x10020] =	vst v9;
	vm2 =	vlt.f32 v8, v6;
	v7 =	vsel vm0, $0x3F800000, v7  }
0x3ba: {  	v10 =	vsel vm1, $0x3F800000, v10;
	vm0 =	vgt.f32 v8, v5;
	v14 =	vld [tilespmem:s1+$0xFFFFFFF0];
	v8 =	vsel vm2, $0xBF800000, v4;
	[tilespmem:s24+$0x10070] =	vst v7;
	s24 =	smov.u32 s25;
	s25 =	smov.u32 s26;
	s26 =	smov.u32 s30  }
0x3bb: {  	s30 =	smov.u32 s0;
	s0 =	smov.u32 s23;
	v9 =	vld [tilespmem:s21+$0xFFFFFFD0];
	[tilespmem:s23+$0x10010] =	vst v10;
	vm1 =	vlt.f32 v11, v6;
	v7 =	vsel vm0, $0x3F800000, v8;
	s23 =	smov.u32 s11  }
.Ltmp22:
0x3bc: {  	vm2 =	vgt.f32 v11, v5;
	vm0 =	vgt.f32 v13, v5;
	v10 =	vld [tilespmem:s19+$0xFFFFFFE0];
	v8 =	vsel vm1, $0xBF800000, v4;
	[tilespmem:s24+$0x10060] =	vst v7;
	(pc) =	sbr.rel @p0 .LBB2_46-.Ltmp22, $4  }
0x3bd: {  	vm1 =	vlt.f32 v13, v6;
	vm3 =	vlt.f32 v12, v6;
	v8 =	vsel vm2, $0x3F800000, v8;
	v7 =	vld [tilespmem:s28+$0x30];
	s28 =	smov.u32 s29;
	s29 =	smov.u32 s31;
	s31 =	smov.u32 s1  }
0x3be: {  	v11 =	vsel vm1, $0xBF800000, v4;
	vm1 =	vgt.f32 v12, v5;
	s1 =	smov.u32 s19;
	s19 =	smov.u32 s21;
	s21 =	smov.u32 s22;
	v13 =	vsel vm3, $0xBF800000, v4;
	[tilespmem:s25+$0x10050] =	vst v8  }
0x3bf: {  	v12 =	vsel vm0, $0x3F800000, v11;
	vm2 =	vlt.f32 v14, v6;
	v13 =	vsel vm1, $0x3F800000, v13;
	v8 =	vld [tilespmem:s28+$0x20]  }
0x3c0: {  	s20 =	sadd.s32 $0x400, s20;
	vm0 =	vgt.f32 v14, v5;
	vm1 =	vgt.f32 v9, v5;
	v11 =	vsel vm2, $0xBF800000, v4;
	[tilespmem:s26+$0x10040] =	vst v13  }
0x3c1: {  	s20 =	sshra.s32 s7, $0x2  }
0x3c2: {  	[tilespmem:s20+$0x10000] =	vst v12  }
0x3c3: {  	v12 =	vld [tilespmem:s21+$0xFFFFFFD0];
	_ =	sdelay $0x3  }
0x3c4: {  	vm2 =	vlt.f32 v9, v6  }
0x3c5: {  	v9 =	vsel vm2, $0xBF800000, v4;
	vm5 =	vlt.f32 v12, v6  }
0x3c6: {  	v9 =	vsel vm1, $0x3F800000, v9;
	vm6 =	vgt.f32 v12, v5;
	v25 =	vsel vm5, $0xBF800000, v4  }
0x3c7: {  	[tilespmem:s23+$0x10010] =	vst v9;
	v26 =	vsel vm6, $0x3F800000, v25  }
0x3c8: {  	v27 =	vld [tilespmem:s19+$0xFFFFFFE0];
	[tilespmem:s20+$0x10010] =	vst v26  }
0x3c9: {  	v9 =	vld [tilespmem:s21+$0xFFFFFFE0];
	_ =	sdelay $0x1  }
0x3ca: {  	vm7 =	vlt.f32 v10, v6  }
0x3cb: {  	vm8 =	vgt.f32 v10, v5;
	v28 =	vsel vm7, $0xBF800000, v4  }
0x3cc: {  	v10 =	vsel vm8, $0x3F800000, v28;
	vm9 =	vlt.f32 v27, v6  }
0x3cd: {  	[tilespmem:s0+$0x10020] =	vst v10;
	vm10 =	vgt.f32 v27, v5;
	v29 =	vsel vm9, $0xBF800000, v4;
	vm11 =	vlt.f32 v9, v6  }
0x3ce: {  	v30 =	vld [tilespmem:s1+$0xFFFFFFF0];
	v10 =	vsel vm10, $0x3F800000, v29;
	vm12 =	vgt.f32 v9, v5;
	v31 =	vsel vm11, $0xBF800000, v4  }
0x3cf: {  	[tilespmem:s23+$0x10020] =	vst v10;
	v9 =	vsel vm12, $0x3F800000, v31  }
0x3d0: {  	v10 =	vld [tilespmem:s19+$0xFFFFFFF0];
	[tilespmem:s20+$0x10020] =	vst v9  }
0x3d1: {  	v9 =	vld [tilespmem:s21+$0xFFFFFFF0];
	_ =	sdelay $0x1  }
0x3d2: {  	vm13 =	vlt.f32 v30, v6  }
0x3d3: {  	v11 =	vsel vm0, $0x3F800000, v11;
	vm14 =	vgt.f32 v30, v5;
	v32 =	vsel vm13, $0xBF800000, v4  }
0x3d4: {  	[tilespmem:s30+$0x10030] =	vst v11;
	v33 =	vsel vm14, $0x3F800000, v32;
	vm15 =	vlt.f32 v10, v6  }
0x3d5: {  	v34 =	vld [tilespmem:s31+$0x0];
	[tilespmem:s0+$0x10030] =	vst v33;
	vm4 =	vgt.f32 v10, v5;
	v35 =	vsel vm15, $0xBF800000, v4;
	vm5 =	vlt.f32 v9, v6  }
0x3d6: {  	v11 =	vld [tilespmem:s1+$0x0];
	v10 =	vsel vm4, $0x3F800000, v35;
	vm6 =	vgt.f32 v9, v5;
	v36 =	vsel vm5, $0xBF800000, v4  }
0x3d7: {  	[tilespmem:s23+$0x10030] =	vst v10;
	v9 =	vsel vm6, $0x3F800000, v36  }
0x3d8: {  	v10 =	vld [tilespmem:s19+$0x0];
	[tilespmem:s20+$0x10030] =	vst v9  }
0x3d9: {  	v9 =	vld [tilespmem:s21+$0x0]  }
0x3da: {  	vm7 =	vlt.f32 v34, v6  }
0x3db: {  	vm8 =	vgt.f32 v34, v5;
	v37 =	vsel vm7, $0xBF800000, v4;
	vm9 =	vlt.f32 v11, v6  }
0x3dc: {  	v13 =	vld [tilespmem:s29+$0x10];
	v12 =	vsel vm8, $0x3F800000, v37;
	vm10 =	vgt.f32 v11, v5;
	v38 =	vsel vm9, $0xBF800000, v4  }
0x3dd: {  	[tilespmem:s30+$0x10040] =	vst v12;
	v11 =	vsel vm10, $0x3F800000, v38;
	vm11 =	vlt.f32 v10, v6  }
0x3de: {  	v12 =	vld [tilespmem:s31+$0x10];
	[tilespmem:s0+$0x10040] =	vst v11;
	vm12 =	vgt.f32 v10, v5;
	v39 =	vsel vm11, $0xBF800000, v4;
	vm13 =	vlt.f32 v9, v6  }
0x3df: {  	v11 =	vld [tilespmem:s1+$0x10];
	v10 =	vsel vm12, $0x3F800000, v39;
	vm14 =	vgt.f32 v9, v5;
	v40 =	vsel vm13, $0xBF800000, v4  }
0x3e0: {  	[tilespmem:s23+$0x10040] =	vst v10;
	v9 =	vsel vm14, $0x3F800000, v40  }
0x3e1: {  	vm15 =	vlt.f32 v13, v6;
	v10 =	vld [tilespmem:s19+$0x10];
	[tilespmem:s20+$0x10040] =	vst v9  }
0x3e2: {  	vm4 =	vgt.f32 v13, v5;
	v41 =	vsel vm15, $0xBF800000, v4;
	v42 =	vld [tilespmem:s21+$0x10]  }
0x3e3: {  	vm5 =	vlt.f32 v12, v6;
	v9 =	vsel vm4, $0x3F800000, v41  }
0x3e4: {  	vm6 =	vgt.f32 v12, v5;
	v43 =	vsel vm5, $0xBF800000, v4;
	vm7 =	vlt.f32 v11, v6;
	[tilespmem:s26+$0x10050] =	vst v9  }
0x3e5: {  	vm8 =	vgt.f32 v11, v5;
	v45 =	vsel vm7, $0xBF800000, v4;
	v9 =	vsel vm6, $0x3F800000, v43;
	v44 =	vld [tilespmem:s29+$0x20]  }
0x3e6: {  	v46 =	vsel vm8, $0x3F800000, v45;
	vm9 =	vlt.f32 v10, v6;
	[tilespmem:s30+$0x10050] =	vst v9  }
0x3e7: {  	[tilespmem:s0+$0x10050] =	vst v46;
	vm10 =	vgt.f32 v10, v5;
	v48 =	vsel vm9, $0xBF800000, v4;
	v47 =	vld [tilespmem:s31+$0x20];
	vm11 =	vlt.f32 v42, v6  }
0x3e8: {  	v49 =	vld [tilespmem:s1+$0x20];
	v9 =	vsel vm10, $0x3F800000, v48;
	vm12 =	vgt.f32 v42, v5;
	v50 =	vsel vm11, $0xBF800000, v4  }
0x3e9: {  	vm13 =	vlt.f32 v8, v6;
	[tilespmem:s23+$0x10050] =	vst v9;
	v51 =	vsel vm12, $0x3F800000, v50  }
0x3ea: {  	vm14 =	vgt.f32 v8, v5;
	v8 =	vsel vm13, $0xBF800000, v4;
	v52 =	vld [tilespmem:s19+$0x20];
	vm15 =	vlt.f32 v44, v6;
	[tilespmem:s20+$0x10050] =	vst v51  }
0x3eb: {  	v8 =	vsel vm14, $0x3F800000, v8;
	vm4 =	vgt.f32 v44, v5;
	v53 =	vsel vm15, $0xBF800000, v4;
	v54 =	vld [tilespmem:s21+$0x20]  }
0x3ec: {  	[tilespmem:s25+$0x10060] =	vst v8;
	vm5 =	vlt.f32 v47, v6;
	v8 =	vsel vm4, $0x3F800000, v53  }
0x3ed: {  	vm7 =	vlt.f32 v49, v6;
	v55 =	vld [tilespmem:s28+$0x30];
	vm6 =	vgt.f32 v47, v5;
	[tilespmem:s26+$0x10060] =	vst v8;
	v8 =	vsel vm5, $0xBF800000, v4  }
0x3ee: {  	vm8 =	vgt.f32 v49, v5;
	v57 =	vsel vm7, $0xBF800000, v4;
	v56 =	vld [tilespmem:s29+$0x30];
	v8 =	vsel vm6, $0x3F800000, v8  }
0x3ef: {  	vm9 =	vlt.f32 v7, v6;
	vm10 =	vlt.f32 v52, v6;
	[tilespmem:s30+$0x10060] =	vst v8;
	v8 =	vsel vm8, $0x3F800000, v57  }
0x3f0: {  	vm11 =	vgt.f32 v52, v5;
	v58 =	vld [tilespmem:s31+$0x30];
	[tilespmem:s0+$0x10060] =	vst v8;
	v8 =	vsel vm10, $0xBF800000, v4;
	vm12 =	vlt.f32 v54, v6  }
0x3f1: {  	v59 =	vld [tilespmem:s1+$0x30];
	v8 =	vsel vm11, $0x3F800000, v8;
	vm13 =	vgt.f32 v54, v5;
	v60 =	vsel vm12, $0xBF800000, v4  }
0x3f2: {  	vm14 =	vgt.f32 v7, v5;
	v7 =	vsel vm9, $0xBF800000, v4;
	[tilespmem:s23+$0x10060] =	vst v8;
	v8 =	vsel vm13, $0x3F800000, v60  }
0x3f3: {  	v7 =	vsel vm14, $0x3F800000, v7;
	vm15 =	vlt.f32 v55, v6;
	vm3 =	vlt.f32 v56, v6;
	v61 =	vld [tilespmem:s19+$0x30];
	[tilespmem:s20+$0x10060] =	vst v8  }
0x3f4: {  	vm6 =	vgt.f32 v55, v5;
	vm7 =	vgt.f32 v56, v5;
	v62 =	vsel vm3, $0xBF800000, v4;
	v63 =	vld [tilespmem:s21+$0x30]  }
0x3f5: {  	v8 =	vsel vm15, $0xBF800000, v4;
	v11 =	vsel vm7, $0x3F800000, v62;
	vm8 =	vlt.f32 v58, v6  }
0x3f6: {  	[tilespmem:s24+$0x10070] =	vst v7;
	vm9 =	vgt.f32 v58, v5;
	v8 =	vsel vm6, $0x3F800000, v8;
	vm10 =	vlt.f32 v59, v6  }
0x3f7: {  	v7 =	vsel vm8, $0xBF800000, v4;
	vm11 =	vgt.f32 v59, v5;
	[tilespmem:s25+$0x10070] =	vst v8;
	v8 =	vsel vm10, $0xBF800000, v4  }
0x3f8: {  	[tilespmem:s26+$0x10070] =	vst v11;
	v7 =	vsel vm9, $0x3F800000, v7;
	v8 =	vsel vm11, $0x3F800000, v8;
	vm12 =	vlt.f32 v61, v6  }
0x3f9: {  	[tilespmem:s30+$0x10070] =	vst v7;
	vm13 =	vgt.f32 v61, v5;
	v7 =	vsel vm12, $0xBF800000, v4;
	vm14 =	vlt.f32 v63, v6  }
0x3fa: {  	[tilespmem:s0+$0x10070] =	vst v8;
	v7 =	vsel vm13, $0x3F800000, v7;
	vm15 =	vgt.f32 v63, v5;
	v8 =	vsel vm14, $0xBF800000, v4  }
0x3fb: {  	[tilespmem:s23+$0x10070] =	vst v7;
	v7 =	vsel vm15, $0x3F800000, v8  }
0x3fc: {  	s7 =	simm.s32 $0x0;
	s1 =	simm.s32 $0x10000;
	s0 =	simm.s32 $0x0;
	[tilespmem:s20+$0x10070] =	vst v7  }
.LBB2_48:
0x3fd: {  	p0 =	sne.s32 s7, $0x3F80  }
.Ltmp23:
0x3fe: {  	_ = 	snop;
	(pc) =	sbr.rel @p0 .LBB2_48-.Ltmp23, $4  }
0x3ff: {  	_ = 	snop  }
0x400: {  	s11 =	sadd.s32 s7, s15  }
0x401: {  	[hbm4b:s11+s0] =	stream.linear.scatter [tilespmem:s1], [sflag:$0x2], $0x80, $0x38;
	[tilespmem:$0x18080] =	vst v63  }
0x402: {  	s7 =	sadd.s32 $0x80, s7;
	s1 =	sadd.s32 $0x100, s1  }
0x403: {  	s20 =	simm.s32 $0x0  }
0x404: {  	v7 =	vld [tilespmem:s20+$0x80];
	_ =	sdelay $0x4  }
0x405: {  	vm0 =	vlt.f32 v7, v6  }
0x406: {  	vm1 =	vgt.f32 v7, v5;
	v7 =	vsel vm0, $0xBF800000, v4  }
0x407: {  	s24 =	simm.s32 $0x100F0;
	v7 =	vsel vm1, $0x3F800000, v7  }
0x408: {  	[tilespmem:s24+$0xFFFFFF90] =	vst v7  }
0x409: {  	v7 =	vld [tilespmem:s20+$0x90]  }
0x40a: {  	s28 =	simm.s32 $0x200  }
0x40b: {  	v8 =	vld [tilespmem:s28+$0x80];
	_ =	sdelay $0x2  }
0x40c: {  	vm0 =	vlt.f32 v7, v6  }
0x40d: {  	vm1 =	vgt.f32 v7, v5;
	v7 =	vsel vm0, $0xBF800000, v4  }
0x40e: {  	vm0 =	vlt.f32 v8, v6;
	v7 =	vsel vm1, $0x3F800000, v7  }
0x40f: {  	vm1 =	vgt.f32 v8, v5;
	v8 =	vsel vm0, $0xBF800000, v4;
	[tilespmem:s24+$0xFFFFFFA0] =	vst v7  }
0x410: {  	s25 =	simm.s32 $0x101F0;
	v7 =	vsel vm1, $0x3F800000, v8;
	v8 =	vld [tilespmem:s20+$0xA0]  }
0x411: {  	[tilespmem:s25+$0xFFFFFF90] =	vst v7  }
0x412: {  	v7 =	vld [tilespmem:s28+$0x90]  }
0x413: {  	s29 =	simm.s32 $0x400  }
0x414: {  	v9 =	vld [tilespmem:s29+$0x80]  }
0x415: {  	vm0 =	vlt.f32 v8, v6  }
0x416: {  	vm1 =	vgt.f32 v8, v5;
	v8 =	vsel vm0, $0xBF800000, v4  }
0x417: {  	vm0 =	vlt.f32 v7, v6;
	v8 =	vsel vm1, $0x3F800000, v8  }
0x418: {  	vm1 =	vgt.f32 v7, v5;
	v7 =	vsel vm0, $0xBF800000, v4;
	[tilespmem:s24+$0xFFFFFFB0] =	vst v8  }
0x419: {  	vm0 =	vlt.f32 v9, v6;
	v7 =	vsel vm1, $0x3F800000, v7;
	v8 =	vld [tilespmem:s20+$0xB0]  }
0x41a: {  	vm1 =	vgt.f32 v9, v5;
	v9 =	vsel vm0, $0xBF800000, v4;
	[tilespmem:s25+$0xFFFFFFA0] =	vst v7  }
0x41b: {  	s26 =	simm.s32 $0x102F0;
	v7 =	vsel vm1, $0x3F800000, v9;
	v9 =	vld [tilespmem:s28+$0xA0]  }
0x41c: {  	[tilespmem:s26+$0xFFFFFF90] =	vst v7  }
0x41d: {  	v7 =	vld [tilespmem:s29+$0x90]  }
0x41e: {  	s31 =	simm.s32 $0x600;
	vm0 =	vlt.f32 v8, v6  }
0x41f: {  	v10 =	vld [tilespmem:s31+$0x80];
	vm1 =	vgt.f32 v8, v5;
	v8 =	vsel vm0, $0xBF800000, v4  }
0x420: {  	vm0 =	vlt.f32 v9, v6;
	v8 =	vsel vm1, $0x3F800000, v8  }
0x421: {  	vm1 =	vgt.f32 v9, v5;
	v9 =	vsel vm0, $0xBF800000, v4;
	[tilespmem:s24+$0xFFFFFFC0] =	vst v8  }
0x422: {  	vm0 =	vlt.f32 v7, v6;
	v8 =	vsel vm1, $0x3F800000, v9;
	v9 =	vld [tilespmem:s20+$0xC0]  }
0x423: {  	vm1 =	vgt.f32 v7, v5;
	v7 =	vsel vm0, $0xBF800000, v4;
	[tilespmem:s25+$0xFFFFFFB0] =	vst v8  }
0x424: {  	vm0 =	vlt.f32 v10, v6;
	v7 =	vsel vm1, $0x3F800000, v7;
	v8 =	vld [tilespmem:s28+$0xB0]  }
0x425: {  	vm1 =	vgt.f32 v10, v5;
	v10 =	vsel vm0, $0xBF800000, v4;
	[tilespmem:s26+$0xFFFFFFA0] =	vst v7  }
0x426: {  	s30 =	simm.s32 $0x103F0;
	v7 =	vsel vm1, $0x3F800000, v10;
	v10 =	vld [tilespmem:s29+$0xA0]  }
0x427: {  	[tilespmem:s30+$0xFFFFFF90] =	vst v7;
	vm0 =	vlt.f32 v9, v6  }
0x428: {  	v7 =	vld [tilespmem:s31+$0x90];
	vm1 =	vgt.f32 v9, v5;
	v9 =	vsel vm0, $0xBF800000, v4  }
0x429: {  	s1 =	simm.s32 $0x800;
	vm0 =	vlt.f32 v8, v6;
	v9 =	vsel vm1, $0x3F800000, v9  }
0x42a: {  	v11 =	vld [tilespmem:s1+$0x80];
	vm1 =	vgt.f32 v8, v5;
	v8 =	vsel vm0, $0xBF800000, v4;
	[tilespmem:s24+$0xFFFFFFD0] =	vst v9  }
0x42b: {  	vm0 =	vlt.f32 v10, v6;
	v8 =	vsel vm1, $0x3F800000, v8;
	v9 =	vld [tilespmem:s20+$0xD0]  }
0x42c: {  	vm1 =	vgt.f32 v10, v5;
	v10 =	vsel vm0, $0xBF800000, v4;
	[tilespmem:s25+$0xFFFFFFC0] =	vst v8  }
0x42d: {  	vm0 =	vlt.f32 v7, v6;
	v8 =	vsel vm1, $0x3F800000, v10;
	v10 =	vld [tilespmem:s28+$0xC0]  }
0x42e: {  	vm1 =	vgt.f32 v7, v5;
	v7 =	vsel vm0, $0xBF800000, v4;
	[tilespmem:s26+$0xFFFFFFB0] =	vst v8  }
0x42f: {  	s19 =	simm.s32 $0xA00;
	vm0 =	vlt.f32 v11, v6;
	v7 =	vsel vm1, $0x3F800000, v7;
	v8 =	vld [tilespmem:s29+$0xB0]  }
0x430: {  	v12 =	vld [tilespmem:s19+$0x80];
	vm1 =	vgt.f32 v11, v5;
	v11 =	vsel vm0, $0xBF800000, v4;
	[tilespmem:s30+$0xFFFFFFA0] =	vst v7;
	vm0 =	vlt.f32 v9, v6  }
0x431: {  	s0 =	simm.s32 $0x104F0;
	v7 =	vsel vm1, $0x3F800000, v11;
	v11 =	vld [tilespmem:s31+$0xA0];
	vm1 =	vgt.f32 v9, v5;
	v9 =	vsel vm0, $0xBF800000, v4  }
0x432: {  	[tilespmem:s0+$0xFFFFFF90] =	vst v7;
	vm0 =	vlt.f32 v10, v6;
	v7 =	vsel vm1, $0x3F800000, v9  }
0x433: {  	v9 =	vld [tilespmem:s1+$0x90];
	vm1 =	vgt.f32 v10, v5;
	v10 =	vsel vm0, $0xBF800000, v4;
	[tilespmem:s24+$0xFFFFFFE0] =	vst v7  }
0x434: {  	vm0 =	vlt.f32 v8, v6;
	v7 =	vsel vm1, $0x3F800000, v10;
	v10 =	vld [tilespmem:s20+$0xE0]  }
0x435: {  	vm2 =	vgt.f32 v8, v5;
	vm1 =	vgt.f32 v12, v5;
	v8 =	vsel vm0, $0xBF800000, v4;
	[tilespmem:s25+$0xFFFFFFD0] =	vst v7  }
0x436: {  	s23 =	simm.s32 $0xC00;
	vm0 =	vlt.f32 v12, v6;
	vm3 =	vlt.f32 v11, v6;
	v7 =	vsel vm2, $0x3F800000, v8;
	v8 =	vld [tilespmem:s28+$0xD0]  }
0x437: {  	v13 =	vld [tilespmem:s23+$0x80];
	v12 =	vsel vm0, $0xBF800000, v4;
	vm0 =	vgt.f32 v11, v5;
	v11 =	vsel vm3, $0xBF800000, v4;
	[tilespmem:s26+$0xFFFFFFC0] =	vst v7  }
0x438: {  	v7 =	vsel vm1, $0x3F800000, v12;
	v11 =	vsel vm0, $0x3F800000, v11;
	v12 =	vld [tilespmem:s29+$0xC0];
	vm1 =	vlt.f32 v9, v6  }
0x439: {  	s22 =	simm.s32 $0x105F0;
	[tilespmem:s30+$0xFFFFFFB0] =	vst v11;
	vm0 =	vgt.f32 v9, v5;
	v11 =	vsel vm1, $0xBF800000, v4;
	vm2 =	vlt.f32 v10, v6  }
0x43a: {  	[tilespmem:s22+$0xFFFFFF90] =	vst v7;
	v9 =	vld [tilespmem:s31+$0xB0];
	vm1 =	vgt.f32 v10, v5;
	v7 =	vsel vm0, $0x3F800000, v11;
	v10 =	vsel vm2, $0xBF800000, v4  }
0x43b: {  	v11 =	vld [tilespmem:s19+$0x90];
	vm0 =	vlt.f32 v8, v6;
	[tilespmem:s0+$0xFFFFFFA0] =	vst v7;
	v14 =	vsel vm1, $0x3F800000, v10  }
0x43c: {  	vm2 =	vgt.f32 v8, v5;
	vm1 =	vgt.f32 v13, v5;
	v7 =	vsel vm0, $0xBF800000, v4;
	v10 =	vld [tilespmem:s1+$0xA0];
	[tilespmem:s24+$0xFFFFFFF0] =	vst v14  }
0x43d: {  	vm0 =	vlt.f32 v13, v6;
	vm3 =	vlt.f32 v12, v6;
	v8 =	vsel vm2, $0x3F800000, v7;
	v7 =	vld [tilespmem:s20+$0xF0]  }
0x43e: {  	v13 =	vsel vm0, $0xBF800000, v4;
	vm2 =	vgt.f32 v12, v5;
	v12 =	vsel vm3, $0xBF800000, v4;
	[tilespmem:s25+$0xFFFFFFE0] =	vst v8  }
0x43f: {  	s7 =	simm.s32 $0x3800;
	s21 =	simm.s32 $0x105F0;
	vm0 =	vlt.f32 v9, v6;
	v13 =	vsel vm1, $0x3F800000, v13;
	v12 =	vsel vm2, $0x3F800000, v12;
	v8 =	vld [tilespmem:s28+$0xE0]  }
.LBB2_50:
0x440: {  	p0 =	sne.s32 s7, $0x3F800;
	vm1 =	vgt.f32 v11, v5;
	vm2 =	vgt.f32 v9, v5;
	v9 =	vsel vm0, $0xBF800000, v4;
	[tilespmem:s26+$0xFFFFFFD0] =	vst v12  }
0x441: {  	s11 =	sshra.s32 s7, $0x2;
	vm0 =	vlt.f32 v11, v6;
	vm3 =	vlt.f32 v10, v6;
	v9 =	vsel vm2, $0x3F800000, v9;
	v12 =	vld [tilespmem:s29+$0xD0]  }
0x442: {  	s22 =	sadd.s32 $0x100, s22;
	vm2 =	vgt.f32 v10, v5;
	v14 =	vld [tilespmem:s11+$0x80];
	v10 =	vsel vm3, $0xBF800000, v4;
	[tilespmem:s30+$0xFFFFFFC0] =	vst v9;
	vm3 =	vlt.f32 v7, v6  }
0x443: {  	[tilespmem:s22+$0xFFFFFF90] =	vst v13;
	v9 =	vsel vm2, $0x3F800000, v10;
	v13 =	vld [tilespmem:s31+$0xC0];
	vm2 =	vgt.f32 v7, v5;
	v7 =	vsel vm3, $0xBF800000, v4  }
0x444: {  	v10 =	vsel vm0, $0xBF800000, v4;
	[tilespmem:s0+$0xFFFFFFB0] =	vst v9;
	vm0 =	vlt.f32 v8, v6;
	v7 =	vsel vm2, $0x3F800000, v7  }
0x445: {  	v10 =	vsel vm1, $0x3F800000, v10;
	vm1 =	vgt.f32 v8, v5;
	v9 =	vld [tilespmem:s1+$0xB0];
	v8 =	vsel vm0, $0xBF800000, v4;
	[tilespmem:s24+$0x0] =	vst v7;
	s24 =	smov.u32 s25;
	s25 =	smov.u32 s26;
	s26 =	smov.u32 s30  }
.Ltmp24:
0x446: {  	s30 =	smov.u32 s0;
	s0 =	smov.u32 s21;
	v11 =	vld [tilespmem:s23+$0x90];
	[tilespmem:s21+$0xFFFFFFA0] =	vst v10;
	vm0 =	vlt.f32 v12, v6;
	v7 =	vsel vm1, $0x3F800000, v8;
	(pc) =	sbr.rel @p0 .LBB2_50-.Ltmp24, $4  }
0x447: {  	vm2 =	vgt.f32 v12, v5;
	s21 =	smov.u32 s22;
	vm1 =	vgt.f32 v14, v5;
	v10 =	vld [tilespmem:s19+$0xA0];
	v8 =	vsel vm0, $0xBF800000, v4;
	[tilespmem:s24+$0xFFFFFFF0] =	vst v7  }
0x448: {  	vm0 =	vlt.f32 v14, v6;
	vm3 =	vlt.f32 v13, v6;
	v8 =	vsel vm2, $0x3F800000, v8;
	v7 =	vld [tilespmem:s28+$0xF0];
	s28 =	smov.u32 s29;
	s29 =	smov.u32 s31;
	s31 =	smov.u32 s1  }
0x449: {  	v12 =	vsel vm0, $0xBF800000, v4;
	vm2 =	vgt.f32 v13, v5;
	s1 =	smov.u32 s19;
	s19 =	smov.u32 s23;
	s23 =	smov.u32 s11;
	v14 =	vsel vm3, $0xBF800000, v4;
	[tilespmem:s25+$0xFFFFFFE0] =	vst v8  }
0x44a: {  	s7 =	sadd.s32 $0x800, s7;
	v13 =	vsel vm1, $0x3F800000, v12;
	vm0 =	vlt.f32 v9, v6;
	v12 =	vsel vm2, $0x3F800000, v14;
	v8 =	vld [tilespmem:s28+$0xE0]  }
0x44b: {  	s20 =	sadd.s32 $0x100, s22  }
0x44c: {  	[tilespmem:s20+$0xFFFFFF90] =	vst v13  }
0x44d: {  	v13 =	vld [tilespmem:s23+$0x90];
	_ =	sdelay $0x3  }
0x44e: {  	vm1 =	vlt.f32 v11, v6  }
0x44f: {  	vm2 =	vgt.f32 v11, v5;
	v57 =	vsel vm1, $0xBF800000, v4;
	vm4 =	vlt.f32 v13, v6  }
0x450: {  	v11 =	vsel vm2, $0x3F800000, v57;
	vm5 =	vgt.f32 v13, v5;
	v58 =	vsel vm4, $0xBF800000, v4  }
0x451: {  	[tilespmem:s21+$0xFFFFFFA0] =	vst v11;
	v59 =	vsel vm5, $0x3F800000, v58  }
0x452: {  	vm6 =	vlt.f32 v10, v6;
	v60 =	vld [tilespmem:s19+$0xA0];
	[tilespmem:s20+$0xFFFFFFA0] =	vst v59  }
0x453: {  	vm7 =	vgt.f32 v10, v5;
	v61 =	vsel vm6, $0xBF800000, v4;
	v11 =	vld [tilespmem:s23+$0xA0]  }
0x454: {  	v10 =	vsel vm7, $0x3F800000, v61  }
0x455: {  	[tilespmem:s0+$0xFFFFFFB0] =	vst v10  }
0x456: {  	v63 =	vld [tilespmem:s1+$0xB0]  }
0x457: {  	vm8 =	vlt.f32 v60, v6  }
0x458: {  	vm9 =	vgt.f32 v60, v5;
	v62 =	vsel vm8, $0xBF800000, v4;
	vm10 =	vlt.f32 v11, v6  }
0x459: {  	v10 =	vsel vm9, $0x3F800000, v62;
	vm11 =	vgt.f32 v11, v5;
	v16 =	vsel vm10, $0xBF800000, v4  }
0x45a: {  	[tilespmem:s21+$0xFFFFFFB0] =	vst v10;
	v17 =	vsel vm11, $0x3F800000, v16  }
0x45b: {  	vm13 =	vlt.f32 v63, v6;
	v18 =	vld [tilespmem:s19+$0xB0];
	[tilespmem:s20+$0xFFFFFFB0] =	vst v17  }
0x45c: {  	vm14 =	vgt.f32 v63, v5;
	v20 =	vsel vm13, $0xBF800000, v4;
	v10 =	vld [tilespmem:s23+$0xB0]  }
0x45d: {  	v21 =	vsel vm14, $0x3F800000, v20  }
0x45e: {  	[tilespmem:s0+$0xFFFFFFC0] =	vst v21  }
0x45f: {  	vm12 =	vgt.f32 v9, v5;
	v19 =	vsel vm0, $0xBF800000, v4;
	v24 =	vld [tilespmem:s1+$0xC0]  }
0x460: {  	v9 =	vsel vm12, $0x3F800000, v19;
	vm15 =	vlt.f32 v18, v6  }
0x461: {  	[tilespmem:s30+$0xFFFFFFC0] =	vst v9;
	vm4 =	vgt.f32 v18, v5;
	v23 =	vsel vm15, $0xBF800000, v4;
	vm5 =	vlt.f32 v10, v6  }
0x462: {  	v22 =	vld [tilespmem:s31+$0xC0];
	v9 =	vsel vm4, $0x3F800000, v23;
	vm6 =	vgt.f32 v10, v5;
	v25 =	vsel vm5, $0xBF800000, v4  }
0x463: {  	[tilespmem:s21+$0xFFFFFFC0] =	vst v9;
	v26 =	vsel vm6, $0x3F800000, v25  }
0x464: {  	vm9 =	vlt.f32 v24, v6;
	v27 =	vld [tilespmem:s19+$0xC0];
	[tilespmem:s20+$0xFFFFFFC0] =	vst v26  }
0x465: {  	vm10 =	vgt.f32 v24, v5;
	v30 =	vsel vm9, $0xBF800000, v4;
	v9 =	vld [tilespmem:s23+$0xC0]  }
0x466: {  	v11 =	vsel vm10, $0x3F800000, v30  }
0x467: {  	vm7 =	vlt.f32 v22, v6;
	[tilespmem:s0+$0xFFFFFFD0] =	vst v11  }
0x468: {  	v28 =	vsel vm7, $0xBF800000, v4;
	vm8 =	vgt.f32 v22, v5;
	v11 =	vld [tilespmem:s1+$0xD0]  }
0x469: {  	[tilespmem:s26+$0xFFFFFFD0] =	vst v12;
	v12 =	vsel vm8, $0x3F800000, v28;
	vm11 =	vlt.f32 v27, v6  }
0x46a: {  	v29 =	vld [tilespmem:s29+$0xD0];
	[tilespmem:s30+$0xFFFFFFD0] =	vst v12;
	vm12 =	vgt.f32 v27, v5;
	v31 =	vsel vm11, $0xBF800000, v4;
	vm13 =	vlt.f32 v9, v6  }
0x46b: {  	v12 =	vld [tilespmem:s31+$0xD0];
	v10 =	vsel vm12, $0x3F800000, v31;
	vm14 =	vgt.f32 v9, v5;
	v32 =	vsel vm13, $0xBF800000, v4  }
0x46c: {  	[tilespmem:s21+$0xFFFFFFD0] =	vst v10;
	v9 =	vsel vm14, $0x3F800000, v32  }
0x46d: {  	vm7 =	vlt.f32 v11, v6;
	v10 =	vld [tilespmem:s19+$0xD0];
	[tilespmem:s20+$0xFFFFFFD0] =	vst v9  }
0x46e: {  	vm8 =	vgt.f32 v11, v5;
	v37 =	vsel vm7, $0xBF800000, v4;
	v34 =	vld [tilespmem:s23+$0xD0]  }
0x46f: {  	vm15 =	vlt.f32 v29, v6;
	v38 =	vsel vm8, $0x3F800000, v37  }
0x470: {  	vm4 =	vgt.f32 v29, v5;
	v33 =	vsel vm15, $0xBF800000, v4;
	vm5 =	vlt.f32 v12, v6;
	[tilespmem:s0+$0xFFFFFFE0] =	vst v38  }
0x471: {  	vm6 =	vgt.f32 v12, v5;
	v35 =	vsel vm5, $0xBF800000, v4;
	v41 =	vld [tilespmem:s1+$0xE0];
	v9 =	vsel vm4, $0x3F800000, v33  }
0x472: {  	vm9 =	vlt.f32 v10, v6;
	[tilespmem:s26+$0xFFFFFFE0] =	vst v9;
	v9 =	vsel vm6, $0x3F800000, v35  }
0x473: {  	vm10 =	vgt.f32 v10, v5;
	v40 =	vsel vm9, $0xBF800000, v4;
	v36 =	vld [tilespmem:s29+$0xE0];
	[tilespmem:s30+$0xFFFFFFE0] =	vst v9;
	vm11 =	vlt.f32 v34, v6  }
0x474: {  	v9 =	vsel vm10, $0x3F800000, v40;
	v39 =	vld [tilespmem:s31+$0xE0];
	vm12 =	vgt.f32 v34, v5;
	v42 =	vsel vm11, $0xBF800000, v4  }
0x475: {  	vm13 =	vlt.f32 v8, v6;
	[tilespmem:s21+$0xFFFFFFE0] =	vst v9;
	v43 =	vsel vm12, $0x3F800000, v42  }
0x476: {  	vm14 =	vgt.f32 v8, v5;
	v44 =	vsel vm13, $0xBF800000, v4;
	vm7 =	vlt.f32 v41, v6;
	v45 =	vld [tilespmem:s19+$0xE0];
	[tilespmem:s20+$0xFFFFFFE0] =	vst v43  }
0x477: {  	v8 =	vsel vm14, $0x3F800000, v44;
	vm8 =	vgt.f32 v41, v5;
	v52 =	vsel vm7, $0xBF800000, v4;
	v47 =	vld [tilespmem:s23+$0xE0]  }
0x478: {  	vm9 =	vlt.f32 v7, v6;
	[tilespmem:s25+$0xFFFFFFF0] =	vst v8;
	v53 =	vsel vm8, $0x3F800000, v52;
	vm15 =	vlt.f32 v36, v6  }
0x479: {  	v49 =	vld [tilespmem:s28+$0xF0];
	[tilespmem:s0+$0xFFFFFFF0] =	vst v53;
	vm4 =	vgt.f32 v36, v5;
	v46 =	vsel vm15, $0xBF800000, v4;
	vm5 =	vlt.f32 v39, v6  }
0x47a: {  	v56 =	vld [tilespmem:s1+$0xF0];
	vm6 =	vgt.f32 v39, v5;
	v48 =	vsel vm4, $0x3F800000, v46;
	v50 =	vsel vm5, $0xBF800000, v4  }
0x47b: {  	vm14 =	vgt.f32 v7, v5;
	vm10 =	vlt.f32 v45, v6;
	[tilespmem:s26+$0xFFFFFFF0] =	vst v48;
	v8 =	vsel vm6, $0x3F800000, v50  }
0x47c: {  	vm11 =	vgt.f32 v45, v5;
	v55 =	vsel vm10, $0xBF800000, v4;
	v51 =	vld [tilespmem:s29+$0xF0];
	[tilespmem:s30+$0xFFFFFFF0] =	vst v8;
	vm12 =	vlt.f32 v47, v6  }
0x47d: {  	v8 =	vsel vm11, $0x3F800000, v55;
	v54 =	vld [tilespmem:s31+$0xF0];
	vm13 =	vgt.f32 v47, v5;
	v57 =	vsel vm12, $0xBF800000, v4  }
0x47e: {  	v7 =	vsel vm9, $0xBF800000, v4;
	vm15 =	vlt.f32 v49, v6;
	[tilespmem:s21+$0xFFFFFFF0] =	vst v8;
	v58 =	vsel vm13, $0x3F800000, v57  }
0x47f: {  	v60 =	vsel vm15, $0xBF800000, v4;
	vm6 =	vgt.f32 v49, v5;
	vm10 =	vlt.f32 v56, v6;
	v59 =	vld [tilespmem:s19+$0xF0];
	[tilespmem:s20+$0xFFFFFFF0] =	vst v58  }
0x480: {  	vm11 =	vgt.f32 v56, v5;
	v63 =	vsel vm10, $0xBF800000, v4;
	v8 =	vsel vm6, $0x3F800000, v60;
	v62 =	vld [tilespmem:s23+$0xF0]  }
0x481: {  	v7 =	vsel vm14, $0x3F800000, v7;
	[tilespmem:s25+$0x0] =	vst v8;
	v8 =	vsel vm11, $0x3F800000, v63  }
0x482: {  	vm3 =	vlt.f32 v51, v6;
	vm7 =	vgt.f32 v51, v5;
	vm8 =	vlt.f32 v54, v6  }
0x483: {  	[tilespmem:s24+$0x0] =	vst v7;
	v61 =	vsel vm3, $0xBF800000, v4;
	vm9 =	vgt.f32 v54, v5;
	v7 =	vsel vm8, $0xBF800000, v4  }
0x484: {  	[tilespmem:s0+$0x0] =	vst v8;
	v11 =	vsel vm7, $0x3F800000, v61;
	vm12 =	vlt.f32 v59, v6;
	v7 =	vsel vm9, $0x3F800000, v7  }
0x485: {  	vm13 =	vgt.f32 v59, v5;
	[tilespmem:s30+$0x0] =	vst v7;
	v7 =	vsel vm12, $0xBF800000, v4;
	vm14 =	vlt.f32 v62, v6  }
0x486: {  	[tilespmem:s26+$0x0] =	vst v11;
	v6 =	vsel vm13, $0x3F800000, v7;
	vm15 =	vgt.f32 v62, v5;
	v5 =	vsel vm14, $0xBF800000, v4  }
0x487: {  	s7 =	simm.s32 $0x10180;
	[tilespmem:s21+$0x0] =	vst v6;
	v5 =	vsel vm15, $0x3F800000, v5  }
0x488: {  	s1 =	simm.s32 $0x80;
	s19 =	sadd.s32 $0x0, s16;
	s0 =	simm.s32 $0x10080;
	[tilespmem:s20+$0x0] =	vst v5  }
.LBB2_52:
0x489: {  	[hbm4b:s19+s2] =	stream.linear.scatter [tilespmem:s0], [sflag:$0x2], $0x80, $0x38;
	[tilespmem:$0x18080] =	vst v63  }
0x48a: {  	s11 =	smov.u32 s1;
	s0 =	smov.u32 s7;
	p0 =	sne.s32 s1, $0x3F80  }
.Ltmp25:
0x48b: {  	s1 =	sadd.s32 $0x80, s1;
	(pc) =	sbr.rel @p0 .LBB2_52-.Ltmp25, $2  }
0x48c: {  	_ =	sdelay $0x2  }
0x48d: {  	s7 =	sadd.s32 $0x100, s7;
	s19 =	sadd.s32 s11, s16  }
0x48e: {  	[hbm4b:s19+s2] =	stream.linear.scatter [tilespmem:s0], [sflag:$0x2], $0x80, $0x38;
	[tilespmem:$0x18080] =	vst v63  }
0x48f: {  	s31 =	simm.s32 $0x1  }
0x490: {  	_ =	swait.ge [sflag:s31], $0x4000  }
0x491: {  	[sflag:s31] =	ssyncset.done $0x0  }
0x492: {  	[sflag:s31] =	ssyncadd.s32 $0xFFFFC000  }
0x493: {  	_ =	swait.ge [sflag:s31], $0x4000  }
0x494: {  	[sflag:s31] =	ssyncset.done $0x0  }
0x495: {  	s0 =	simm.s32 $0x0;
	[sflag:s31] =	ssyncadd.s32 $0xFFFFC000  }
0x496: {  	v6 =	vld [tilespmem:s0+$0x170]  }
0x497: {  	v7 =	vld [tilespmem:s0+$0x100]  }
0x498: {  	v8 =	vld [tilespmem:s0+$0x110];
	_ =	sdelay $0x1  }
0x499: {  	v16 =	vld [tilespmem:s0+$0x120]  }
0x49a: {  	v5 =	vimm.f32 $0.0e+00;
	v12 =	vimm.f32 $0.0e+00;
	v13 =	vimm.f32 $0.0e+00;
	v14 =	vld [tilespmem:s0+$0x130]  }
0x49b: {  	v9 =	vimm.f32 $0.0e+00;
	v10 =	vimm.f32 $0.0e+00;
	v11 =	vimm.f32 $0.0e+00;
	v15 =	vld [tilespmem:s0+$0x140]  }
0x49c: {  	v17 =	vld [tilespmem:s0+$0x150];
	v6 =	vand.u32 $0x7FFFFFFF, v6;
	v7 =	vand.u32 $0x7FFFFFFF, v7;
	v19 =	vand.u32 $0x7FFFFFFF, v8  }
0x49d: {  	s1 =	simm.s32 $0x200;
	s7 =	simm.s32 $0x1000;
	v18 =	vld [tilespmem:s0+$0x160];
	v8 =	vimm.f32 $0.0e+00;
	v6 =	vmax.f32 v5, v6;
	v7 =	vmax.f32 v5, v7  }
.LBB2_54:
0x49e: {  	p0 =	sne.s32 s7, $0x3F800;
	v20 =	vld [tilespmem:s1+$0x170];
	v12 =	vmax.f32 v12, v19;
	v16 =	vand.u32 $0x7FFFFFFF, v16  }
0x49f: {  	v19 =	vld [tilespmem:s1+$0x100];
	v13 =	vmax.f32 v13, v16;
	v14 =	vand.u32 $0x7FFFFFFF, v14  }
0x4a0: {  	v21 =	vld [tilespmem:s1+$0x110];
	v9 =	vmax.f32 v9, v14;
	v14 =	vand.u32 $0x7FFFFFFF, v15  }
.Ltmp26:
0x4a1: {  	v16 =	vld [tilespmem:s1+$0x120];
	v10 =	vmax.f32 v10, v14;
	v15 =	vand.u32 $0x7FFFFFFF, v17;
	(pc) =	sbr.rel @p0 .LBB2_54-.Ltmp26, $4  }
0x4a2: {  	v14 =	vld [tilespmem:s1+$0x130];
	v11 =	vmax.f32 v11, v15;
	v17 =	vand.u32 $0x7FFFFFFF, v18  }
0x4a3: {  	v15 =	vld [tilespmem:s1+$0x140];
	v18 =	vand.u32 $0x7FFFFFFF, v20;
	v8 =	vmax.f32 v8, v17  }
0x4a4: {  	v19 =	vand.u32 $0x7FFFFFFF, v19;
	v17 =	vld [tilespmem:s1+$0x150];
	v6 =	vmax.f32 v6, v18  }
0x4a5: {  	v7 =	vmax.f32 v7, v19;
	v19 =	vand.u32 $0x7FFFFFFF, v21;
	v18 =	vld [tilespmem:s1+$0x160];
	s1 =	sshra.s32 s7, $0x2;
	s7 =	sadd.s32 $0x800, s7  }
0x4a6: {  	v20 =	vld [tilespmem:s1+$0x170]  }
0x4a7: {  	v21 =	vld [tilespmem:s1+$0x100]  }
0x4a8: {  	v22 =	vld [tilespmem:s1+$0x110]  }
0x4a9: {  	v23 =	vld [tilespmem:s1+$0x120]  }
0x4aa: {  	v24 =	vld [tilespmem:s1+$0x130];
	v16 =	vand.u32 $0x7FFFFFFF, v16  }
0x4ab: {  	v25 =	vld [tilespmem:s1+$0x140];
	v12 =	vmax.f32 v12, v19;
	v13 =	vmax.f32 v13, v16;
	v14 =	vand.u32 $0x7FFFFFFF, v14  }
0x4ac: {  	v16 =	vld [tilespmem:s1+$0x150];
	v9 =	vmax.f32 v9, v14;
	v14 =	vand.u32 $0x7FFFFFFF, v15;
	v15 =	vand.u32 $0x7FFFFFFF, v17  }
0x4ad: {  	v10 =	vmax.f32 v10, v14;
	v14 =	vmax.f32 v11, v15;
	v11 =	vand.u32 $0x7FFFFFFF, v18  }
0x4ae: {  	v17 =	vld [tilespmem:s1+$0x160];
	v18 =	vand.u32 $0x7FFFFFFF, v20;
	v19 =	vmax.f32 v8, v11;
	v8 =	vand.u32 $0x7FFFFFFF, v21  }
0x4af: {  	v15 =	vld [tilespmem:s0+$0x1F0];
	v21 =	vand.u32 $0x7FFFFFFF, v23;
	v6 =	vmax.f32 v6, v18;
	v18 =	vand.u32 $0x7FFFFFFF, v22  }
0x4b0: {  	v20 =	vld [tilespmem:s0+$0x180];
	v11 =	vmax.f32 v7, v8;
	v8 =	vmax.f32 v13, v21;
	v7 =	vand.u32 $0x7FFFFFFF, v24  }
0x4b1: {  	v21 =	vand.u32 $0x7FFFFFFF, v25;
	v16 =	vand.u32 $0x7FFFFFFF, v16;
	v12 =	vmax.f32 v12, v18;
	v18 =	vld [tilespmem:s0+$0x190]  }
0x4b2: {  	v13 =	vmax.f32 v9, v7;
	v9 =	vmax.f32 v10, v21;
	v7 =	vmax.f32 v14, v16;
	v21 =	vld [tilespmem:s0+$0x1A0]  }
0x4b3: {  	v22 =	vld [tilespmem:s0+$0x1B0];
	v16 =	vimm.f32 $0.0e+00;
	v10 =	vand.u32 $0x7FFFFFFF, v17;
	v17 =	vimm.f32 $0.0e+00  }
0x4b4: {  	v23 =	vld [tilespmem:s0+$0x1C0];
	v14 =	vand.u32 $0x7FFFFFFF, v15;
	v10 =	vmax.f32 v19, v10;
	v19 =	vimm.f32 $0.0e+00  }
0x4b5: {  	v24 =	vld [tilespmem:s0+$0x1D0];
	v15 =	vand.u32 $0x7FFFFFFF, v20;
	v14 =	vmax.f32 v5, v14;
	v20 =	vimm.f32 $0.0e+00  }
0x4b6: {  	s7 =	simm.s32 $0x1000;
	s1 =	simm.s32 $0x200;
	v25 =	vld [tilespmem:s0+$0x1E0];
	v15 =	vmax.f32 v5, v15;
	v26 =	vand.u32 $0x7FFFFFFF, v18;
	v18 =	vimm.f32 $0.0e+00  }
.LBB2_56:
0x4b7: {  	p0 =	sne.s32 s7, $0x3F800;
	v27 =	vld [tilespmem:s1+$0x1F0];
	v5 =	vmax.f32 v5, v26;
	v21 =	vand.u32 $0x7FFFFFFF, v21  }
0x4b8: {  	v26 =	vld [tilespmem:s1+$0x180];
	v18 =	vmax.f32 v18, v21;
	v21 =	vand.u32 $0x7FFFFFFF, v22  }
0x4b9: {  	v28 =	vld [tilespmem:s1+$0x190];
	v19 =	vmax.f32 v19, v21;
	v22 =	vand.u32 $0x7FFFFFFF, v23  }
.Ltmp27:
0x4ba: {  	v21 =	vld [tilespmem:s1+$0x1A0];
	v20 =	vmax.f32 v20, v22;
	v23 =	vand.u32 $0x7FFFFFFF, v24;
	(pc) =	sbr.rel @p0 .LBB2_56-.Ltmp27, $4  }
0x4bb: {  	v22 =	vld [tilespmem:s1+$0x1B0];
	v16 =	vmax.f32 v16, v23;
	v24 =	vand.u32 $0x7FFFFFFF, v25  }
0x4bc: {  	v23 =	vld [tilespmem:s1+$0x1C0];
	v25 =	vand.u32 $0x7FFFFFFF, v27;
	v17 =	vmax.f32 v17, v24  }
0x4bd: {  	v26 =	vand.u32 $0x7FFFFFFF, v26;
	v24 =	vld [tilespmem:s1+$0x1D0];
	v14 =	vmax.f32 v14, v25  }
0x4be: {  	v15 =	vmax.f32 v15, v26;
	v26 =	vand.u32 $0x7FFFFFFF, v28;
	v25 =	vld [tilespmem:s1+$0x1E0];
	s1 =	sshra.s32 s7, $0x2;
	s7 =	sadd.s32 $0x800, s7  }
0x4bf: {  	v28 =	vld [tilespmem:s1+$0x180]  }
0x4c0: {  	v29 =	vld [tilespmem:s1+$0x190];
	v5 =	vmax.f32 v5, v26;
	v21 =	vand.u32 $0x7FFFFFFF, v21;
	v11 =	vmax.f32 v11, v12  }
0x4c1: {  	v30 =	vld [tilespmem:s1+$0x1A0];
	v22 =	vand.u32 $0x7FFFFFFF, v22;
	v18 =	vmax.f32 v18, v21;
	v8 =	vmax.f32 v11, v8  }
0x4c2: {  	v52 =	vld [tilespmem:s1+$0x1B0];
	v19 =	vmax.f32 v19, v22;
	v53 =	vand.u32 $0x7FFFFFFF, v23;
	v8 =	vmax.f32 v8, v13  }
0x4c3: {  	v54 =	vld [tilespmem:s1+$0x1C0];
	v20 =	vmax.f32 v20, v53;
	v55 =	vand.u32 $0x7FFFFFFF, v24;
	v8 =	vmax.f32 v8, v9  }
0x4c4: {  	v58 =	vld [tilespmem:s1+$0x1D0];
	v56 =	vand.u32 $0x7FFFFFFF, v25;
	v16 =	vmax.f32 v16, v55;
	v7 =	vmax.f32 v8, v7  }
0x4c5: {  	v61 =	vld [tilespmem:s1+$0x1E0];
	v17 =	vmax.f32 v17, v56;
	v57 =	vand.u32 $0x7FFFFFFF, v28;
	v60 =	vand.u32 $0x7FFFFFFF, v29  }
0x4c6: {  	v27 =	vld [tilespmem:s1+$0x1F0];
	v62 =	vand.u32 $0x7FFFFFFF, v30;
	v15 =	vmax.f32 v15, v57;
	v5 =	vmax.f32 v5, v60  }
0x4c7: {  	v26 =	vand.u32 $0x7FFFFFFF, v52;
	v18 =	vmax.f32 v18, v62;
	v5 =	vmax.f32 v15, v5  }
0x4c8: {  	v63 =	vand.u32 $0x7FFFFFFF, v54;
	v19 =	vmax.f32 v19, v26;
	v5 =	vmax.f32 v5, v18  }
0x4c9: {  	v12 =	vand.u32 $0x7FFFFFFF, v58;
	v20 =	vmax.f32 v20, v63;
	v5 =	vmax.f32 v5, v19  }
0x4ca: {  	v11 =	vmax.f32 v16, v12;
	v12 =	vand.u32 $0x7FFFFFFF, v61;
	v5 =	vmax.f32 v5, v20  }
0x4cb: {  	v59 =	vand.u32 $0x7FFFFFFF, v27;
	v9 =	vmax.f32 v17, v12;
	v5 =	vmax.f32 v5, v11  }
0x4cc: {  	v7 =	vmax.f32 v7, v10;
	v8 =	vmax.f32 v14, v59;
	v5 =	vmax.f32 v5, v9  }
0x4cd: {  	v6 =	vmax.f32 v7, v6;
	v5 =	vmax.f32 v5, v8  }
0x4ce: {  	v5 =	vmax.f32 v6, v5  }
0x4cf: {  	s0 =	simm.s32 $0x18000;
	[tilespmem:$0x18000] =	vst v5  }
0x4d0: {  	v6 =	vld.idx.msk [tilespmem:v0+s0+$0x0], $0xffff;
	_ =	sdelay $0x4  }
0x4d1: {  	v5 =	vmax.f32 v5, v6  }
0x4d2: {  	[tilespmem:$0x18000] =	vst v5  }
0x4d3: {  	v6 =	vld.idx.msk [tilespmem:v1+s0+$0x0], $0xffff;
	_ =	sdelay $0x4  }
0x4d4: {  	v5 =	vmax.f32 v5, v6  }
0x4d5: {  	[tilespmem:$0x18000] =	vst v5  }
0x4d6: {  	v6 =	vld.idx.msk [tilespmem:v2+s0+$0x0], $0xffff;
	_ =	sdelay $0x4  }
0x4d7: {  	v5 =	vmax.f32 v5, v6  }
0x4d8: {  	[tilespmem:$0x18000] =	vst v5  }
0x4d9: {  	s26 =	simm.s32 $0x2;
	v6 =	vld.idx.msk [tilespmem:v3+s0+$0x0], $0xffff  }
0x4da: {  	_ =	swait.ge [sflag:s26], $0x4000  }
0x4db: {  	[sflag:s26] =	ssyncset.done $0x0  }
0x4dc: {  	[sflag:s26] =	ssyncadd.s32 $0xFFFFC000  }
0x4dd: {  	_ =	swait.ge [sflag:s26], $0x4000  }
0x4de: {  	[sflag:s26] =	ssyncset.done $0x0;
	v5 =	vmax.f32 v5, v6  }
0x4df: {  	s20 =	simm.s32 $0x170;
	[sflag:s26] =	ssyncadd.s32 $0xFFFFC000;
	v5 =	vadd.f32 $9.999999970e-07, v5  }
0x4e0: {  	v7 =	vld [tilespmem:s20+$0xFFFFFF90]  }
0x4e1: {  	v5 =	vmul.f32 $5.000000000e-01, v5;
	_ =	sdelay $0x1  }
0x4e2: {  	v6 =	vsub.f32 $0.0e+00, v5;
	_ =	sdelay $0x1  }
0x4e3: {  	vm0 =	vlt.f32 v7, v6  }
0x4e4: {  	vm1 =	vgt.f32 v7, v5;
	v7 =	vsel vm0, $0xBF800000, v4  }
0x4e5: {  	s24 =	simm.s32 $0x0;
	v7 =	vsel vm1, $0x3F800000, v7  }
0x4e6: {  	[tilespmem:s24+$0x10000] =	vst v7  }
0x4e7: {  	v7 =	vld [tilespmem:s20+$0xFFFFFFA0]  }
0x4e8: {  	s28 =	simm.s32 $0x370  }
0x4e9: {  	v8 =	vld [tilespmem:s28+$0xFFFFFF90];
	_ =	sdelay $0x2  }
0x4ea: {  	vm0 =	vlt.f32 v7, v6  }
0x4eb: {  	vm1 =	vgt.f32 v7, v5;
	v7 =	vsel vm0, $0xBF800000, v4  }
0x4ec: {  	vm0 =	vlt.f32 v8, v6;
	v7 =	vsel vm1, $0x3F800000, v7  }
0x4ed: {  	vm1 =	vgt.f32 v8, v5;
	v8 =	vsel vm0, $0xBF800000, v4;
	[tilespmem:s24+$0x10010] =	vst v7  }
0x4ee: {  	s25 =	simm.s32 $0x100;
	v7 =	vsel vm1, $0x3F800000, v8;
	v8 =	vld [tilespmem:s20+$0xFFFFFFB0]  }
0x4ef: {  	[tilespmem:s25+$0x10000] =	vst v7  }
0x4f0: {  	s29 =	simm.s32 $0x570;
	v7 =	vld [tilespmem:s28+$0xFFFFFFA0]  }
0x4f1: {  	v9 =	vld [tilespmem:s29+$0xFFFFFF90];
	_ =	sdelay $0x1  }
0x4f2: {  	vm0 =	vlt.f32 v8, v6  }
0x4f3: {  	vm1 =	vgt.f32 v8, v5;
	v8 =	vsel vm0, $0xBF800000, v4  }
0x4f4: {  	vm0 =	vlt.f32 v7, v6;
	v8 =	vsel vm1, $0x3F800000, v8  }
0x4f5: {  	vm1 =	vgt.f32 v7, v5;
	v7 =	vsel vm0, $0xBF800000, v4;
	vm0 =	vlt.f32 v9, v6;
	[tilespmem:s24+$0x10020] =	vst v8  }
0x4f6: {  	v7 =	vsel vm1, $0x3F800000, v7;
	vm1 =	vgt.f32 v9, v5;
	v9 =	vsel vm0, $0xBF800000, v4;
	v8 =	vld [tilespmem:s20+$0xFFFFFFC0]  }
0x4f7: {  	s26 =	simm.s32 $0x200;
	[tilespmem:s25+$0x10010] =	vst v7;
	v7 =	vsel vm1, $0x3F800000, v9  }
0x4f8: {  	v9 =	vld [tilespmem:s28+$0xFFFFFFB0];
	[tilespmem:s26+$0x10000] =	vst v7  }
0x4f9: {  	v7 =	vld [tilespmem:s29+$0xFFFFFFA0]  }
0x4fa: {  	s31 =	simm.s32 $0x770  }
0x4fb: {  	v10 =	vld [tilespmem:s31+$0xFFFFFF90];
	vm0 =	vlt.f32 v8, v6  }
0x4fc: {  	vm1 =	vgt.f32 v8, v5;
	v8 =	vsel vm0, $0xBF800000, v4  }
0x4fd: {  	vm0 =	vlt.f32 v9, v6;
	v8 =	vsel vm1, $0x3F800000, v8  }
0x4fe: {  	vm1 =	vgt.f32 v9, v5;
	v9 =	vsel vm0, $0xBF800000, v4;
	vm0 =	vlt.f32 v7, v6;
	[tilespmem:s24+$0x10030] =	vst v8  }
0x4ff: {  	v8 =	vsel vm1, $0x3F800000, v9;
	vm1 =	vgt.f32 v7, v5;
	v7 =	vsel vm0, $0xBF800000, v4;
	v9 =	vld [tilespmem:s20+$0xFFFFFFD0]  }
0x500: {  	vm0 =	vlt.f32 v10, v6;
	[tilespmem:s25+$0x10020] =	vst v8;
	v7 =	vsel vm1, $0x3F800000, v7  }
0x501: {  	vm1 =	vgt.f32 v10, v5;
	v10 =	vsel vm0, $0xBF800000, v4;
	v8 =	vld [tilespmem:s28+$0xFFFFFFC0];
	[tilespmem:s26+$0x10010] =	vst v7  }
0x502: {  	s30 =	simm.s32 $0x300;
	v7 =	vsel vm1, $0x3F800000, v10;
	v10 =	vld [tilespmem:s29+$0xFFFFFFB0]  }
0x503: {  	[tilespmem:s30+$0x10000] =	vst v7  }
0x504: {  	v7 =	vld [tilespmem:s31+$0xFFFFFFA0];
	vm0 =	vlt.f32 v9, v6  }
0x505: {  	s1 =	simm.s32 $0x970;
	vm1 =	vgt.f32 v9, v5;
	v9 =	vsel vm0, $0xBF800000, v4  }
0x506: {  	v11 =	vld [tilespmem:s1+$0xFFFFFF90];
	vm0 =	vlt.f32 v8, v6;
	v9 =	vsel vm1, $0x3F800000, v9  }
0x507: {  	vm1 =	vgt.f32 v8, v5;
	v8 =	vsel vm0, $0xBF800000, v4;
	vm0 =	vlt.f32 v10, v6;
	[tilespmem:s24+$0x10040] =	vst v9  }
0x508: {  	v8 =	vsel vm1, $0x3F800000, v8;
	vm1 =	vgt.f32 v10, v5;
	v10 =	vsel vm0, $0xBF800000, v4;
	v9 =	vld [tilespmem:s20+$0xFFFFFFE0]  }
0x509: {  	vm0 =	vlt.f32 v7, v6;
	[tilespmem:s25+$0x10030] =	vst v8;
	v8 =	vsel vm1, $0x3F800000, v10  }
0x50a: {  	vm1 =	vgt.f32 v7, v5;
	v7 =	vsel vm0, $0xBF800000, v4;
	v10 =	vld [tilespmem:s28+$0xFFFFFFD0];
	[tilespmem:s26+$0x10020] =	vst v8  }
0x50b: {  	s19 =	simm.s32 $0xB70;
	vm0 =	vlt.f32 v11, v6;
	v7 =	vsel vm1, $0x3F800000, v7;
	v8 =	vld [tilespmem:s29+$0xFFFFFFC0]  }
0x50c: {  	v12 =	vld [tilespmem:s19+$0xFFFFFF90];
	vm1 =	vgt.f32 v11, v5;
	v11 =	vsel vm0, $0xBF800000, v4;
	[tilespmem:s30+$0x10010] =	vst v7  }
0x50d: {  	v7 =	vsel vm1, $0x3F800000, v11;
	v11 =	vld [tilespmem:s31+$0xFFFFFFB0];
	vm0 =	vlt.f32 v9, v6  }
0x50e: {  	s0 =	simm.s32 $0x400;
	vm1 =	vgt.f32 v9, v5;
	v9 =	vsel vm0, $0xBF800000, v4  }
0x50f: {  	[tilespmem:s0+$0x10000] =	vst v7;
	vm0 =	vlt.f32 v10, v6;
	v7 =	vsel vm1, $0x3F800000, v9;
	vm1 =	vgt.f32 v10, v5  }
0x510: {  	v9 =	vld [tilespmem:s1+$0xFFFFFFA0];
	v10 =	vsel vm0, $0xBF800000, v4;
	vm0 =	vlt.f32 v8, v6;
	vm2 =	vgt.f32 v8, v5;
	[tilespmem:s24+$0x10050] =	vst v7  }
0x511: {  	v7 =	vsel vm1, $0x3F800000, v10;
	vm1 =	vgt.f32 v12, v5;
	v8 =	vsel vm0, $0xBF800000, v4;
	v10 =	vld [tilespmem:s20+$0xFFFFFFF0]  }
0x512: {  	vm0 =	vlt.f32 v12, v6;
	vm3 =	vlt.f32 v11, v6;
	[tilespmem:s25+$0x10040] =	vst v7;
	v7 =	vsel vm2, $0x3F800000, v8  }
0x513: {  	s22 =	simm.s32 $0xD70;
	v12 =	vsel vm0, $0xBF800000, v4;
	vm0 =	vgt.f32 v11, v5;
	v11 =	vsel vm3, $0xBF800000, v4;
	v8 =	vld [tilespmem:s28+$0xFFFFFFE0]  }
0x514: {  	v13 =	vld [tilespmem:s22+$0xFFFFFF90];
	[tilespmem:s26+$0x10030] =	vst v7;
	v11 =	vsel vm0, $0x3F800000, v11  }
0x515: {  	s23 =	simm.s32 $0x500;
	v7 =	vsel vm1, $0x3F800000, v12;
	v12 =	vld [tilespmem:s29+$0xFFFFFFD0];
	[tilespmem:s30+$0x10020] =	vst v11;
	vm1 =	vlt.f32 v9, v6  }
0x516: {  	[tilespmem:s23+$0x10000] =	vst v7;
	vm0 =	vgt.f32 v9, v5;
	v7 =	vsel vm1, $0xBF800000, v4;
	vm2 =	vlt.f32 v10, v6  }
0x517: {  	v11 =	vld [tilespmem:s31+$0xFFFFFFC0];
	vm1 =	vgt.f32 v10, v5;
	v7 =	vsel vm0, $0x3F800000, v7;
	v10 =	vsel vm2, $0xBF800000, v4  }
0x518: {  	v9 =	vld [tilespmem:s19+$0xFFFFFFA0];
	vm0 =	vlt.f32 v8, v6;
	[tilespmem:s0+$0x10010] =	vst v7;
	v14 =	vsel vm1, $0x3F800000, v10  }
0x519: {  	vm2 =	vgt.f32 v8, v5;
	vm1 =	vgt.f32 v13, v5;
	v8 =	vsel vm0, $0xBF800000, v4;
	v10 =	vld [tilespmem:s1+$0xFFFFFFB0];
	[tilespmem:s24+$0x10060] =	vst v14  }
0x51a: {  	vm0 =	vlt.f32 v13, v6;
	vm3 =	vlt.f32 v12, v6;
	v8 =	vsel vm2, $0x3F800000, v8;
	v7 =	vld [tilespmem:s20+$0x0]  }
0x51b: {  	v13 =	vsel vm0, $0xBF800000, v4;
	vm0 =	vgt.f32 v12, v5;
	v14 =	vsel vm3, $0xBF800000, v4;
	[tilespmem:s25+$0x10050] =	vst v8  }
0x51c: {  	vm2 =	vlt.f32 v11, v6;
	v12 =	vsel vm1, $0x3F800000, v13;
	v13 =	vsel vm0, $0x3F800000, v14;
	v8 =	vld [tilespmem:s28+$0xFFFFFFF0]  }
0x51d: {  	s7 =	simm.s32 $0x1800;
	s21 =	simm.s32 $0xD70;
	s20 =	simm.s32 $0x1C00;
	vm1 =	vgt.f32 v9, v5;
	vm0 =	vgt.f32 v11, v5;
	v11 =	vsel vm2, $0xBF800000, v4;
	[tilespmem:s26+$0x10040] =	vst v13  }
.LBB2_58:
0x51e: {  	p0 =	sne.s32 s20, $0x1FC00;
	s22 =	sadd.s32 $0x200, s22;
	vm2 =	vlt.f32 v9, v6;
	vm3 =	vlt.f32 v10, v6;
	v9 =	vsel vm0, $0x3F800000, v11;
	v11 =	vld [tilespmem:s29+$0xFFFFFFE0]  }
0x51f: {  	s11 =	sshra.s32 s7, $0x2;
	vm0 =	vgt.f32 v10, v5;
	s7 =	smov.u32 s20;
	v13 =	vld [tilespmem:s22+$0xFFFFFF90];
	v10 =	vsel vm3, $0xBF800000, v4;
	[tilespmem:s30+$0x10030] =	vst v9;
	vm3 =	vlt.f32 v7, v6  }
0x520: {  	[tilespmem:s11+$0x10000] =	vst v12;
	v9 =	vsel vm0, $0x3F800000, v10;
	v12 =	vld [tilespmem:s31+$0xFFFFFFD0];
	vm0 =	vgt.f32 v7, v5;
	v7 =	vsel vm3, $0xBF800000, v4  }
0x521: {  	v10 =	vsel vm2, $0xBF800000, v4;
	[tilespmem:s0+$0x10020] =	vst v9;
	vm2 =	vlt.f32 v8, v6;
	v7 =	vsel vm0, $0x3F800000, v7  }
0x522: {  	v10 =	vsel vm1, $0x3F800000, v10;
	vm0 =	vgt.f32 v8, v5;
	v14 =	vld [tilespmem:s1+$0xFFFFFFC0];
	v8 =	vsel vm2, $0xBF800000, v4;
	[tilespmem:s24+$0x10070] =	vst v7;
	s24 =	smov.u32 s25;
	s25 =	smov.u32 s26;
	s26 =	smov.u32 s30  }
0x523: {  	s30 =	smov.u32 s0;
	s0 =	smov.u32 s23;
	v9 =	vld [tilespmem:s21+$0xFFFFFFA0];
	[tilespmem:s23+$0x10010] =	vst v10;
	vm1 =	vlt.f32 v11, v6;
	v7 =	vsel vm0, $0x3F800000, v8;
	s23 =	smov.u32 s11  }
.Ltmp28:
0x524: {  	vm2 =	vgt.f32 v11, v5;
	vm0 =	vgt.f32 v13, v5;
	v10 =	vld [tilespmem:s19+$0xFFFFFFB0];
	v8 =	vsel vm1, $0xBF800000, v4;
	[tilespmem:s24+$0x10060] =	vst v7;
	(pc) =	sbr.rel @p0 .LBB2_58-.Ltmp28, $4  }
0x525: {  	vm1 =	vlt.f32 v13, v6;
	vm3 =	vlt.f32 v12, v6;
	v8 =	vsel vm2, $0x3F800000, v8;
	v7 =	vld [tilespmem:s28+$0x0];
	s28 =	smov.u32 s29;
	s29 =	smov.u32 s31;
	s31 =	smov.u32 s1  }
0x526: {  	v11 =	vsel vm1, $0xBF800000, v4;
	vm1 =	vgt.f32 v12, v5;
	s1 =	smov.u32 s19;
	s19 =	smov.u32 s21;
	s21 =	smov.u32 s22;
	v13 =	vsel vm3, $0xBF800000, v4;
	[tilespmem:s25+$0x10050] =	vst v8  }
0x527: {  	v12 =	vsel vm0, $0x3F800000, v11;
	vm2 =	vlt.f32 v14, v6;
	v13 =	vsel vm1, $0x3F800000, v13;
	v8 =	vld [tilespmem:s28+$0xFFFFFFF0]  }
0x528: {  	s20 =	sadd.s32 $0x400, s20;
	vm0 =	vgt.f32 v14, v5;
	vm1 =	vgt.f32 v9, v5;
	v11 =	vsel vm2, $0xBF800000, v4;
	[tilespmem:s26+$0x10040] =	vst v13  }
0x529: {  	s20 =	sshra.s32 s7, $0x2  }
0x52a: {  	[tilespmem:s20+$0x10000] =	vst v12  }
0x52b: {  	v12 =	vld [tilespmem:s21+$0xFFFFFFA0];
	_ =	sdelay $0x3  }
0x52c: {  	vm2 =	vlt.f32 v9, v6  }
0x52d: {  	v9 =	vsel vm2, $0xBF800000, v4;
	vm5 =	vlt.f32 v12, v6  }
0x52e: {  	v9 =	vsel vm1, $0x3F800000, v9;
	vm6 =	vgt.f32 v12, v5;
	v25 =	vsel vm5, $0xBF800000, v4  }
0x52f: {  	[tilespmem:s23+$0x10010] =	vst v9;
	v26 =	vsel vm6, $0x3F800000, v25  }
0x530: {  	v27 =	vld [tilespmem:s19+$0xFFFFFFB0];
	[tilespmem:s20+$0x10010] =	vst v26  }
0x531: {  	v9 =	vld [tilespmem:s21+$0xFFFFFFB0];
	_ =	sdelay $0x1  }
0x532: {  	vm7 =	vlt.f32 v10, v6  }
0x533: {  	vm8 =	vgt.f32 v10, v5;
	v28 =	vsel vm7, $0xBF800000, v4  }
0x534: {  	v10 =	vsel vm8, $0x3F800000, v28;
	vm9 =	vlt.f32 v27, v6  }
0x535: {  	[tilespmem:s0+$0x10020] =	vst v10;
	vm10 =	vgt.f32 v27, v5;
	v29 =	vsel vm9, $0xBF800000, v4;
	vm11 =	vlt.f32 v9, v6  }
0x536: {  	v30 =	vld [tilespmem:s1+$0xFFFFFFC0];
	v10 =	vsel vm10, $0x3F800000, v29;
	vm12 =	vgt.f32 v9, v5;
	v31 =	vsel vm11, $0xBF800000, v4  }
0x537: {  	[tilespmem:s23+$0x10020] =	vst v10;
	v9 =	vsel vm12, $0x3F800000, v31  }
0x538: {  	v10 =	vld [tilespmem:s19+$0xFFFFFFC0];
	[tilespmem:s20+$0x10020] =	vst v9  }
0x539: {  	v9 =	vld [tilespmem:s21+$0xFFFFFFC0];
	_ =	sdelay $0x1  }
0x53a: {  	vm13 =	vlt.f32 v30, v6  }
0x53b: {  	v11 =	vsel vm0, $0x3F800000, v11;
	vm14 =	vgt.f32 v30, v5;
	v32 =	vsel vm13, $0xBF800000, v4  }
0x53c: {  	[tilespmem:s30+$0x10030] =	vst v11;
	v33 =	vsel vm14, $0x3F800000, v32;
	vm15 =	vlt.f32 v10, v6  }
0x53d: {  	v34 =	vld [tilespmem:s31+$0xFFFFFFD0];
	[tilespmem:s0+$0x10030] =	vst v33;
	vm4 =	vgt.f32 v10, v5;
	v35 =	vsel vm15, $0xBF800000, v4;
	vm5 =	vlt.f32 v9, v6  }
0x53e: {  	v11 =	vld [tilespmem:s1+$0xFFFFFFD0];
	v10 =	vsel vm4, $0x3F800000, v35;
	vm6 =	vgt.f32 v9, v5;
	v36 =	vsel vm5, $0xBF800000, v4  }
0x53f: {  	[tilespmem:s23+$0x10030] =	vst v10;
	v9 =	vsel vm6, $0x3F800000, v36  }
0x540: {  	v10 =	vld [tilespmem:s19+$0xFFFFFFD0];
	[tilespmem:s20+$0x10030] =	vst v9  }
0x541: {  	v9 =	vld [tilespmem:s21+$0xFFFFFFD0]  }
0x542: {  	vm7 =	vlt.f32 v34, v6  }
0x543: {  	vm8 =	vgt.f32 v34, v5;
	v37 =	vsel vm7, $0xBF800000, v4;
	vm9 =	vlt.f32 v11, v6  }
0x544: {  	v13 =	vld [tilespmem:s29+$0xFFFFFFE0];
	v12 =	vsel vm8, $0x3F800000, v37;
	vm10 =	vgt.f32 v11, v5;
	v38 =	vsel vm9, $0xBF800000, v4  }
0x545: {  	[tilespmem:s30+$0x10040] =	vst v12;
	v11 =	vsel vm10, $0x3F800000, v38;
	vm11 =	vlt.f32 v10, v6  }
0x546: {  	v12 =	vld [tilespmem:s31+$0xFFFFFFE0];
	[tilespmem:s0+$0x10040] =	vst v11;
	vm12 =	vgt.f32 v10, v5;
	v39 =	vsel vm11, $0xBF800000, v4;
	vm13 =	vlt.f32 v9, v6  }
0x547: {  	v11 =	vld [tilespmem:s1+$0xFFFFFFE0];
	v10 =	vsel vm12, $0x3F800000, v39;
	vm14 =	vgt.f32 v9, v5;
	v40 =	vsel vm13, $0xBF800000, v4  }
0x548: {  	[tilespmem:s23+$0x10040] =	vst v10;
	v9 =	vsel vm14, $0x3F800000, v40  }
0x549: {  	vm15 =	vlt.f32 v13, v6;
	v10 =	vld [tilespmem:s19+$0xFFFFFFE0];
	[tilespmem:s20+$0x10040] =	vst v9  }
0x54a: {  	vm4 =	vgt.f32 v13, v5;
	v41 =	vsel vm15, $0xBF800000, v4;
	v42 =	vld [tilespmem:s21+$0xFFFFFFE0]  }
0x54b: {  	vm5 =	vlt.f32 v12, v6;
	v9 =	vsel vm4, $0x3F800000, v41  }
0x54c: {  	vm6 =	vgt.f32 v12, v5;
	v43 =	vsel vm5, $0xBF800000, v4;
	vm7 =	vlt.f32 v11, v6;
	[tilespmem:s26+$0x10050] =	vst v9  }
0x54d: {  	vm8 =	vgt.f32 v11, v5;
	v45 =	vsel vm7, $0xBF800000, v4;
	v9 =	vsel vm6, $0x3F800000, v43;
	v44 =	vld [tilespmem:s29+$0xFFFFFFF0]  }
0x54e: {  	v46 =	vsel vm8, $0x3F800000, v45;
	vm9 =	vlt.f32 v10, v6;
	[tilespmem:s30+$0x10050] =	vst v9  }
0x54f: {  	[tilespmem:s0+$0x10050] =	vst v46;
	vm10 =	vgt.f32 v10, v5;
	v48 =	vsel vm9, $0xBF800000, v4;
	v47 =	vld [tilespmem:s31+$0xFFFFFFF0];
	vm11 =	vlt.f32 v42, v6  }
0x550: {  	v49 =	vld [tilespmem:s1+$0xFFFFFFF0];
	v9 =	vsel vm10, $0x3F800000, v48;
	vm12 =	vgt.f32 v42, v5;
	v50 =	vsel vm11, $0xBF800000, v4  }
0x551: {  	vm13 =	vlt.f32 v8, v6;
	[tilespmem:s23+$0x10050] =	vst v9;
	v51 =	vsel vm12, $0x3F800000, v50  }
0x552: {  	vm14 =	vgt.f32 v8, v5;
	v8 =	vsel vm13, $0xBF800000, v4;
	v52 =	vld [tilespmem:s19+$0xFFFFFFF0];
	vm15 =	vlt.f32 v44, v6;
	[tilespmem:s20+$0x10050] =	vst v51  }
0x553: {  	v8 =	vsel vm14, $0x3F800000, v8;
	vm4 =	vgt.f32 v44, v5;
	v53 =	vsel vm15, $0xBF800000, v4;
	v54 =	vld [tilespmem:s21+$0xFFFFFFF0]  }
0x554: {  	[tilespmem:s25+$0x10060] =	vst v8;
	vm5 =	vlt.f32 v47, v6;
	v8 =	vsel vm4, $0x3F800000, v53  }
0x555: {  	vm7 =	vlt.f32 v49, v6;
	v55 =	vld [tilespmem:s28+$0x0];
	vm6 =	vgt.f32 v47, v5;
	[tilespmem:s26+$0x10060] =	vst v8;
	v8 =	vsel vm5, $0xBF800000, v4  }
0x556: {  	vm8 =	vgt.f32 v49, v5;
	v57 =	vsel vm7, $0xBF800000, v4;
	v56 =	vld [tilespmem:s29+$0x0];
	v8 =	vsel vm6, $0x3F800000, v8  }
0x557: {  	vm9 =	vlt.f32 v7, v6;
	vm10 =	vlt.f32 v52, v6;
	[tilespmem:s30+$0x10060] =	vst v8;
	v8 =	vsel vm8, $0x3F800000, v57  }
0x558: {  	vm11 =	vgt.f32 v52, v5;
	v58 =	vld [tilespmem:s31+$0x0];
	[tilespmem:s0+$0x10060] =	vst v8;
	v8 =	vsel vm10, $0xBF800000, v4;
	vm12 =	vlt.f32 v54, v6  }
0x559: {  	v59 =	vld [tilespmem:s1+$0x0];
	v8 =	vsel vm11, $0x3F800000, v8;
	vm13 =	vgt.f32 v54, v5;
	v60 =	vsel vm12, $0xBF800000, v4  }
0x55a: {  	vm14 =	vgt.f32 v7, v5;
	v7 =	vsel vm9, $0xBF800000, v4;
	[tilespmem:s23+$0x10060] =	vst v8;
	v8 =	vsel vm13, $0x3F800000, v60  }
0x55b: {  	v7 =	vsel vm14, $0x3F800000, v7;
	vm15 =	vlt.f32 v55, v6;
	vm3 =	vlt.f32 v56, v6;
	v61 =	vld [tilespmem:s19+$0x0];
	[tilespmem:s20+$0x10060] =	vst v8  }
0x55c: {  	vm6 =	vgt.f32 v55, v5;
	vm7 =	vgt.f32 v56, v5;
	v62 =	vsel vm3, $0xBF800000, v4;
	v63 =	vld [tilespmem:s21+$0x0]  }
0x55d: {  	v8 =	vsel vm15, $0xBF800000, v4;
	v11 =	vsel vm7, $0x3F800000, v62;
	vm8 =	vlt.f32 v58, v6  }
0x55e: {  	[tilespmem:s24+$0x10070] =	vst v7;
	vm9 =	vgt.f32 v58, v5;
	v8 =	vsel vm6, $0x3F800000, v8;
	vm10 =	vlt.f32 v59, v6  }
0x55f: {  	v7 =	vsel vm8, $0xBF800000, v4;
	vm11 =	vgt.f32 v59, v5;
	[tilespmem:s25+$0x10070] =	vst v8;
	v8 =	vsel vm10, $0xBF800000, v4  }
0x560: {  	[tilespmem:s26+$0x10070] =	vst v11;
	v7 =	vsel vm9, $0x3F800000, v7;
	v8 =	vsel vm11, $0x3F800000, v8;
	vm12 =	vlt.f32 v61, v6  }
0x561: {  	[tilespmem:s30+$0x10070] =	vst v7;
	vm13 =	vgt.f32 v61, v5;
	v7 =	vsel vm12, $0xBF800000, v4;
	vm14 =	vlt.f32 v63, v6  }
0x562: {  	[tilespmem:s0+$0x10070] =	vst v8;
	v7 =	vsel vm13, $0x3F800000, v7;
	vm15 =	vgt.f32 v63, v5;
	v8 =	vsel vm14, $0xBF800000, v4  }
0x563: {  	[tilespmem:s23+$0x10070] =	vst v7;
	v7 =	vsel vm15, $0x3F800000, v8  }
0x564: {  	s7 =	simm.s32 $0x0;
	s1 =	simm.s32 $0x10000;
	s0 =	simm.s32 $0x0;
	[tilespmem:s20+$0x10070] =	vst v7  }
.LBB2_60:
0x565: {  	p0 =	sne.s32 s7, $0x3F80  }
.Ltmp29:
0x566: {  	_ = 	snop;
	(pc) =	sbr.rel @p0 .LBB2_60-.Ltmp29, $4  }
0x567: {  	_ = 	snop  }
0x568: {  	s11 =	sadd.s32 s7, s17  }
0x569: {  	[hbm4b:s11+s0] =	stream.linear.scatter [tilespmem:s1], [sflag:$0x2], $0x80, $0x38;
	[tilespmem:$0x18080] =	vst v63  }
0x56a: {  	s7 =	sadd.s32 $0x80, s7;
	s1 =	sadd.s32 $0x100, s1  }
0x56b: {  	s20 =	simm.s32 $0x0  }
0x56c: {  	v7 =	vld [tilespmem:s20+$0x180];
	_ =	sdelay $0x4  }
0x56d: {  	vm0 =	vlt.f32 v7, v6  }
0x56e: {  	vm1 =	vgt.f32 v7, v5;
	v7 =	vsel vm0, $0xBF800000, v4  }
0x56f: {  	s24 =	simm.s32 $0x100F0;
	v7 =	vsel vm1, $0x3F800000, v7  }
0x570: {  	[tilespmem:s24+$0xFFFFFF90] =	vst v7  }
0x571: {  	v7 =	vld [tilespmem:s20+$0x190]  }
0x572: {  	s28 =	simm.s32 $0x200  }
0x573: {  	v8 =	vld [tilespmem:s28+$0x180];
	_ =	sdelay $0x2  }
0x574: {  	vm0 =	vlt.f32 v7, v6  }
0x575: {  	vm1 =	vgt.f32 v7, v5;
	v7 =	vsel vm0, $0xBF800000, v4  }
0x576: {  	vm0 =	vlt.f32 v8, v6;
	v7 =	vsel vm1, $0x3F800000, v7  }
0x577: {  	vm1 =	vgt.f32 v8, v5;
	v8 =	vsel vm0, $0xBF800000, v4;
	[tilespmem:s24+$0xFFFFFFA0] =	vst v7  }
0x578: {  	s25 =	simm.s32 $0x101F0;
	v7 =	vsel vm1, $0x3F800000, v8;
	v8 =	vld [tilespmem:s20+$0x1A0]  }
0x579: {  	[tilespmem:s25+$0xFFFFFF90] =	vst v7  }
0x57a: {  	v7 =	vld [tilespmem:s28+$0x190]  }
0x57b: {  	s29 =	simm.s32 $0x400  }
0x57c: {  	v9 =	vld [tilespmem:s29+$0x180]  }
0x57d: {  	vm0 =	vlt.f32 v8, v6  }
0x57e: {  	vm1 =	vgt.f32 v8, v5;
	v8 =	vsel vm0, $0xBF800000, v4  }
0x57f: {  	vm0 =	vlt.f32 v7, v6;
	v8 =	vsel vm1, $0x3F800000, v8  }
0x580: {  	vm1 =	vgt.f32 v7, v5;
	v7 =	vsel vm0, $0xBF800000, v4;
	[tilespmem:s24+$0xFFFFFFB0] =	vst v8  }
0x581: {  	vm0 =	vlt.f32 v9, v6;
	v7 =	vsel vm1, $0x3F800000, v7;
	v8 =	vld [tilespmem:s20+$0x1B0]  }
0x582: {  	vm1 =	vgt.f32 v9, v5;
	v9 =	vsel vm0, $0xBF800000, v4;
	[tilespmem:s25+$0xFFFFFFA0] =	vst v7  }
0x583: {  	s26 =	simm.s32 $0x102F0;
	v7 =	vsel vm1, $0x3F800000, v9;
	v9 =	vld [tilespmem:s28+$0x1A0]  }
0x584: {  	[tilespmem:s26+$0xFFFFFF90] =	vst v7  }
0x585: {  	v7 =	vld [tilespmem:s29+$0x190]  }
0x586: {  	s31 =	simm.s32 $0x600;
	vm0 =	vlt.f32 v8, v6  }
0x587: {  	v10 =	vld [tilespmem:s31+$0x180];
	vm1 =	vgt.f32 v8, v5;
	v8 =	vsel vm0, $0xBF800000, v4  }
0x588: {  	vm0 =	vlt.f32 v9, v6;
	v8 =	vsel vm1, $0x3F800000, v8  }
0x589: {  	vm1 =	vgt.f32 v9, v5;
	v9 =	vsel vm0, $0xBF800000, v4;
	[tilespmem:s24+$0xFFFFFFC0] =	vst v8  }
0x58a: {  	vm0 =	vlt.f32 v7, v6;
	v8 =	vsel vm1, $0x3F800000, v9;
	v9 =	vld [tilespmem:s20+$0x1C0]  }
0x58b: {  	vm1 =	vgt.f32 v7, v5;
	v7 =	vsel vm0, $0xBF800000, v4;
	[tilespmem:s25+$0xFFFFFFB0] =	vst v8  }
0x58c: {  	vm0 =	vlt.f32 v10, v6;
	v7 =	vsel vm1, $0x3F800000, v7;
	v8 =	vld [tilespmem:s28+$0x1B0]  }
0x58d: {  	vm1 =	vgt.f32 v10, v5;
	v10 =	vsel vm0, $0xBF800000, v4;
	[tilespmem:s26+$0xFFFFFFA0] =	vst v7  }
0x58e: {  	s30 =	simm.s32 $0x103F0;
	v7 =	vsel vm1, $0x3F800000, v10;
	v10 =	vld [tilespmem:s29+$0x1A0]  }
0x58f: {  	[tilespmem:s30+$0xFFFFFF90] =	vst v7;
	vm0 =	vlt.f32 v9, v6  }
0x590: {  	v7 =	vld [tilespmem:s31+$0x190];
	vm1 =	vgt.f32 v9, v5;
	v9 =	vsel vm0, $0xBF800000, v4  }
0x591: {  	s1 =	simm.s32 $0x800;
	vm0 =	vlt.f32 v8, v6;
	v9 =	vsel vm1, $0x3F800000, v9  }
0x592: {  	v11 =	vld [tilespmem:s1+$0x180];
	vm1 =	vgt.f32 v8, v5;
	v8 =	vsel vm0, $0xBF800000, v4;
	[tilespmem:s24+$0xFFFFFFD0] =	vst v9  }
0x593: {  	vm0 =	vlt.f32 v10, v6;
	v8 =	vsel vm1, $0x3F800000, v8;
	v9 =	vld [tilespmem:s20+$0x1D0]  }
0x594: {  	vm1 =	vgt.f32 v10, v5;
	v10 =	vsel vm0, $0xBF800000, v4;
	[tilespmem:s25+$0xFFFFFFC0] =	vst v8  }
0x595: {  	vm0 =	vlt.f32 v7, v6;
	v8 =	vsel vm1, $0x3F800000, v10;
	v10 =	vld [tilespmem:s28+$0x1C0]  }
0x596: {  	vm1 =	vgt.f32 v7, v5;
	v7 =	vsel vm0, $0xBF800000, v4;
	[tilespmem:s26+$0xFFFFFFB0] =	vst v8  }
0x597: {  	s19 =	simm.s32 $0xA00;
	vm0 =	vlt.f32 v11, v6;
	v7 =	vsel vm1, $0x3F800000, v7;
	v8 =	vld [tilespmem:s29+$0x1B0]  }
0x598: {  	v12 =	vld [tilespmem:s19+$0x180];
	vm1 =	vgt.f32 v11, v5;
	v11 =	vsel vm0, $0xBF800000, v4;
	[tilespmem:s30+$0xFFFFFFA0] =	vst v7;
	vm0 =	vlt.f32 v9, v6  }
0x599: {  	s0 =	simm.s32 $0x104F0;
	v7 =	vsel vm1, $0x3F800000, v11;
	v11 =	vld [tilespmem:s31+$0x1A0];
	vm1 =	vgt.f32 v9, v5;
	v9 =	vsel vm0, $0xBF800000, v4  }
0x59a: {  	[tilespmem:s0+$0xFFFFFF90] =	vst v7;
	vm0 =	vlt.f32 v10, v6;
	v7 =	vsel vm1, $0x3F800000, v9  }
0x59b: {  	v9 =	vld [tilespmem:s1+$0x190];
	vm1 =	vgt.f32 v10, v5;
	v10 =	vsel vm0, $0xBF800000, v4;
	[tilespmem:s24+$0xFFFFFFE0] =	vst v7  }
0x59c: {  	vm0 =	vlt.f32 v8, v6;
	v7 =	vsel vm1, $0x3F800000, v10;
	v10 =	vld [tilespmem:s20+$0x1E0]  }
0x59d: {  	vm2 =	vgt.f32 v8, v5;
	vm1 =	vgt.f32 v12, v5;
	v8 =	vsel vm0, $0xBF800000, v4;
	[tilespmem:s25+$0xFFFFFFD0] =	vst v7  }
0x59e: {  	s23 =	simm.s32 $0xC00;
	vm0 =	vlt.f32 v12, v6;
	vm3 =	vlt.f32 v11, v6;
	v7 =	vsel vm2, $0x3F800000, v8;
	v8 =	vld [tilespmem:s28+$0x1D0]  }
0x59f: {  	v13 =	vld [tilespmem:s23+$0x180];
	v12 =	vsel vm0, $0xBF800000, v4;
	vm0 =	vgt.f32 v11, v5;
	v11 =	vsel vm3, $0xBF800000, v4;
	[tilespmem:s26+$0xFFFFFFC0] =	vst v7  }
0x5a0: {  	v7 =	vsel vm1, $0x3F800000, v12;
	v11 =	vsel vm0, $0x3F800000, v11;
	v12 =	vld [tilespmem:s29+$0x1C0];
	vm1 =	vlt.f32 v9, v6  }
0x5a1: {  	s22 =	simm.s32 $0x105F0;
	[tilespmem:s30+$0xFFFFFFB0] =	vst v11;
	vm0 =	vgt.f32 v9, v5;
	v11 =	vsel vm1, $0xBF800000, v4;
	vm2 =	vlt.f32 v10, v6  }
0x5a2: {  	[tilespmem:s22+$0xFFFFFF90] =	vst v7;
	v9 =	vld [tilespmem:s31+$0x1B0];
	vm1 =	vgt.f32 v10, v5;
	v7 =	vsel vm0, $0x3F800000, v11;
	v10 =	vsel vm2, $0xBF800000, v4  }
0x5a3: {  	v11 =	vld [tilespmem:s19+$0x190];
	vm0 =	vlt.f32 v8, v6;
	[tilespmem:s0+$0xFFFFFFA0] =	vst v7;
	v14 =	vsel vm1, $0x3F800000, v10  }
0x5a4: {  	vm2 =	vgt.f32 v8, v5;
	vm1 =	vgt.f32 v13, v5;
	v7 =	vsel vm0, $0xBF800000, v4;
	v10 =	vld [tilespmem:s1+$0x1A0];
	[tilespmem:s24+$0xFFFFFFF0] =	vst v14  }
0x5a5: {  	vm0 =	vlt.f32 v13, v6;
	vm3 =	vlt.f32 v12, v6;
	v8 =	vsel vm2, $0x3F800000, v7;
	v7 =	vld [tilespmem:s20+$0x1F0]  }
0x5a6: {  	v13 =	vsel vm0, $0xBF800000, v4;
	vm2 =	vgt.f32 v12, v5;
	v12 =	vsel vm3, $0xBF800000, v4;
	[tilespmem:s25+$0xFFFFFFE0] =	vst v8  }
0x5a7: {  	s7 =	simm.s32 $0x3800;
	s21 =	simm.s32 $0x105F0;
	vm0 =	vlt.f32 v9, v6;
	v13 =	vsel vm1, $0x3F800000, v13;
	v12 =	vsel vm2, $0x3F800000, v12;
	v8 =	vld [tilespmem:s28+$0x1E0]  }
.LBB2_62:
0x5a8: {  	p0 =	sne.s32 s7, $0x3F800;
	vm1 =	vgt.f32 v11, v5;
	vm2 =	vgt.f32 v9, v5;
	v9 =	vsel vm0, $0xBF800000, v4;
	[tilespmem:s26+$0xFFFFFFD0] =	vst v12  }
0x5a9: {  	s11 =	sshra.s32 s7, $0x2;
	vm0 =	vlt.f32 v11, v6;
	vm3 =	vlt.f32 v10, v6;
	v9 =	vsel vm2, $0x3F800000, v9;
	v12 =	vld [tilespmem:s29+$0x1D0]  }
0x5aa: {  	s22 =	sadd.s32 $0x100, s22;
	vm2 =	vgt.f32 v10, v5;
	v14 =	vld [tilespmem:s11+$0x180];
	v10 =	vsel vm3, $0xBF800000, v4;
	[tilespmem:s30+$0xFFFFFFC0] =	vst v9;
	vm3 =	vlt.f32 v7, v6  }
0x5ab: {  	[tilespmem:s22+$0xFFFFFF90] =	vst v13;
	v9 =	vsel vm2, $0x3F800000, v10;
	v13 =	vld [tilespmem:s31+$0x1C0];
	vm2 =	vgt.f32 v7, v5;
	v7 =	vsel vm3, $0xBF800000, v4  }
0x5ac: {  	v10 =	vsel vm0, $0xBF800000, v4;
	[tilespmem:s0+$0xFFFFFFB0] =	vst v9;
	vm0 =	vlt.f32 v8, v6;
	v7 =	vsel vm2, $0x3F800000, v7  }
0x5ad: {  	v10 =	vsel vm1, $0x3F800000, v10;
	vm1 =	vgt.f32 v8, v5;
	v9 =	vld [tilespmem:s1+$0x1B0];
	v8 =	vsel vm0, $0xBF800000, v4;
	[tilespmem:s24+$0x0] =	vst v7;
	s24 =	smov.u32 s25;
	s25 =	smov.u32 s26;
	s26 =	smov.u32 s30  }
.Ltmp30:
0x5ae: {  	s30 =	smov.u32 s0;
	s0 =	smov.u32 s21;
	v11 =	vld [tilespmem:s23+$0x190];
	[tilespmem:s21+$0xFFFFFFA0] =	vst v10;
	vm0 =	vlt.f32 v12, v6;
	v7 =	vsel vm1, $0x3F800000, v8;
	(pc) =	sbr.rel @p0 .LBB2_62-.Ltmp30, $4  }
0x5af: {  	vm2 =	vgt.f32 v12, v5;
	s21 =	smov.u32 s22;
	vm1 =	vgt.f32 v14, v5;
	v10 =	vld [tilespmem:s19+$0x1A0];
	v8 =	vsel vm0, $0xBF800000, v4;
	[tilespmem:s24+$0xFFFFFFF0] =	vst v7  }
0x5b0: {  	vm0 =	vlt.f32 v14, v6;
	vm3 =	vlt.f32 v13, v6;
	v8 =	vsel vm2, $0x3F800000, v8;
	v7 =	vld [tilespmem:s28+$0x1F0];
	s28 =	smov.u32 s29;
	s29 =	smov.u32 s31;
	s31 =	smov.u32 s1  }
0x5b1: {  	v12 =	vsel vm0, $0xBF800000, v4;
	vm2 =	vgt.f32 v13, v5;
	s1 =	smov.u32 s19;
	s19 =	smov.u32 s23;
	s23 =	smov.u32 s11;
	v14 =	vsel vm3, $0xBF800000, v4;
	[tilespmem:s25+$0xFFFFFFE0] =	vst v8  }
0x5b2: {  	s7 =	sadd.s32 $0x800, s7;
	v13 =	vsel vm1, $0x3F800000, v12;
	vm0 =	vlt.f32 v9, v6;
	v12 =	vsel vm2, $0x3F800000, v14;
	v8 =	vld [tilespmem:s28+$0x1E0]  }
0x5b3: {  	s20 =	sadd.s32 $0x100, s22  }
0x5b4: {  	[tilespmem:s20+$0xFFFFFF90] =	vst v13  }
0x5b5: {  	v13 =	vld [tilespmem:s23+$0x190];
	_ =	sdelay $0x3  }
0x5b6: {  	vm1 =	vlt.f32 v11, v6  }
0x5b7: {  	vm2 =	vgt.f32 v11, v5;
	v57 =	vsel vm1, $0xBF800000, v4;
	vm4 =	vlt.f32 v13, v6  }
0x5b8: {  	v11 =	vsel vm2, $0x3F800000, v57;
	vm5 =	vgt.f32 v13, v5;
	v58 =	vsel vm4, $0xBF800000, v4  }
0x5b9: {  	[tilespmem:s21+$0xFFFFFFA0] =	vst v11;
	v59 =	vsel vm5, $0x3F800000, v58  }
0x5ba: {  	vm6 =	vlt.f32 v10, v6;
	v60 =	vld [tilespmem:s19+$0x1A0];
	[tilespmem:s20+$0xFFFFFFA0] =	vst v59  }
0x5bb: {  	vm7 =	vgt.f32 v10, v5;
	v61 =	vsel vm6, $0xBF800000, v4;
	v11 =	vld [tilespmem:s23+$0x1A0]  }
0x5bc: {  	v10 =	vsel vm7, $0x3F800000, v61  }
0x5bd: {  	[tilespmem:s0+$0xFFFFFFB0] =	vst v10  }
0x5be: {  	v63 =	vld [tilespmem:s1+$0x1B0]  }
0x5bf: {  	vm8 =	vlt.f32 v60, v6  }
0x5c0: {  	vm9 =	vgt.f32 v60, v5;
	v62 =	vsel vm8, $0xBF800000, v4;
	vm10 =	vlt.f32 v11, v6  }
0x5c1: {  	v10 =	vsel vm9, $0x3F800000, v62;
	vm11 =	vgt.f32 v11, v5;
	v16 =	vsel vm10, $0xBF800000, v4  }
0x5c2: {  	[tilespmem:s21+$0xFFFFFFB0] =	vst v10;
	v17 =	vsel vm11, $0x3F800000, v16  }
0x5c3: {  	vm13 =	vlt.f32 v63, v6;
	v18 =	vld [tilespmem:s19+$0x1B0];
	[tilespmem:s20+$0xFFFFFFB0] =	vst v17  }
0x5c4: {  	vm14 =	vgt.f32 v63, v5;
	v20 =	vsel vm13, $0xBF800000, v4;
	v10 =	vld [tilespmem:s23+$0x1B0]  }
0x5c5: {  	v21 =	vsel vm14, $0x3F800000, v20  }
0x5c6: {  	[tilespmem:s0+$0xFFFFFFC0] =	vst v21  }
0x5c7: {  	vm12 =	vgt.f32 v9, v5;
	v19 =	vsel vm0, $0xBF800000, v4;
	v24 =	vld [tilespmem:s1+$0x1C0]  }
0x5c8: {  	v9 =	vsel vm12, $0x3F800000, v19;
	vm15 =	vlt.f32 v18, v6  }
0x5c9: {  	[tilespmem:s30+$0xFFFFFFC0] =	vst v9;
	vm4 =	vgt.f32 v18, v5;
	v23 =	vsel vm15, $0xBF800000, v4;
	vm5 =	vlt.f32 v10, v6  }
0x5ca: {  	v22 =	vld [tilespmem:s31+$0x1C0];
	v9 =	vsel vm4, $0x3F800000, v23;
	vm6 =	vgt.f32 v10, v5;
	v25 =	vsel vm5, $0xBF800000, v4  }
0x5cb: {  	[tilespmem:s21+$0xFFFFFFC0] =	vst v9;
	v26 =	vsel vm6, $0x3F800000, v25  }
0x5cc: {  	vm9 =	vlt.f32 v24, v6;
	v27 =	vld [tilespmem:s19+$0x1C0];
	[tilespmem:s20+$0xFFFFFFC0] =	vst v26  }
0x5cd: {  	vm10 =	vgt.f32 v24, v5;
	v30 =	vsel vm9, $0xBF800000, v4;
	v9 =	vld [tilespmem:s23+$0x1C0]  }
0x5ce: {  	v11 =	vsel vm10, $0x3F800000, v30  }
0x5cf: {  	vm7 =	vlt.f32 v22, v6;
	[tilespmem:s0+$0xFFFFFFD0] =	vst v11  }
0x5d0: {  	v28 =	vsel vm7, $0xBF800000, v4;
	vm8 =	vgt.f32 v22, v5;
	v11 =	vld [tilespmem:s1+$0x1D0]  }
0x5d1: {  	[tilespmem:s26+$0xFFFFFFD0] =	vst v12;
	v12 =	vsel vm8, $0x3F800000, v28;
	vm11 =	vlt.f32 v27, v6  }
0x5d2: {  	v29 =	vld [tilespmem:s29+$0x1D0];
	[tilespmem:s30+$0xFFFFFFD0] =	vst v12;
	vm12 =	vgt.f32 v27, v5;
	v31 =	vsel vm11, $0xBF800000, v4;
	vm13 =	vlt.f32 v9, v6  }
0x5d3: {  	v12 =	vld [tilespmem:s31+$0x1D0];
	v10 =	vsel vm12, $0x3F800000, v31;
	vm14 =	vgt.f32 v9, v5;
	v32 =	vsel vm13, $0xBF800000, v4  }
0x5d4: {  	[tilespmem:s21+$0xFFFFFFD0] =	vst v10;
	v9 =	vsel vm14, $0x3F800000, v32  }
0x5d5: {  	vm7 =	vlt.f32 v11, v6;
	v10 =	vld [tilespmem:s19+$0x1D0];
	[tilespmem:s20+$0xFFFFFFD0] =	vst v9  }
0x5d6: {  	vm8 =	vgt.f32 v11, v5;
	v37 =	vsel vm7, $0xBF800000, v4;
	v34 =	vld [tilespmem:s23+$0x1D0]  }
0x5d7: {  	vm15 =	vlt.f32 v29, v6;
	v38 =	vsel vm8, $0x3F800000, v37  }
0x5d8: {  	vm4 =	vgt.f32 v29, v5;
	v33 =	vsel vm15, $0xBF800000, v4;
	vm5 =	vlt.f32 v12, v6;
	[tilespmem:s0+$0xFFFFFFE0] =	vst v38  }
0x5d9: {  	vm6 =	vgt.f32 v12, v5;
	v35 =	vsel vm5, $0xBF800000, v4;
	v41 =	vld [tilespmem:s1+$0x1E0];
	v9 =	vsel vm4, $0x3F800000, v33  }
0x5da: {  	vm9 =	vlt.f32 v10, v6;
	[tilespmem:s26+$0xFFFFFFE0] =	vst v9;
	v9 =	vsel vm6, $0x3F800000, v35  }
0x5db: {  	vm10 =	vgt.f32 v10, v5;
	v40 =	vsel vm9, $0xBF800000, v4;
	v36 =	vld [tilespmem:s29+$0x1E0];
	[tilespmem:s30+$0xFFFFFFE0] =	vst v9;
	vm11 =	vlt.f32 v34, v6  }
0x5dc: {  	v9 =	vsel vm10, $0x3F800000, v40;
	v39 =	vld [tilespmem:s31+$0x1E0];
	vm12 =	vgt.f32 v34, v5;
	v42 =	vsel vm11, $0xBF800000, v4  }
0x5dd: {  	vm13 =	vlt.f32 v8, v6;
	[tilespmem:s21+$0xFFFFFFE0] =	vst v9;
	v43 =	vsel vm12, $0x3F800000, v42  }
0x5de: {  	vm14 =	vgt.f32 v8, v5;
	v44 =	vsel vm13, $0xBF800000, v4;
	vm7 =	vlt.f32 v41, v6;
	v45 =	vld [tilespmem:s19+$0x1E0];
	[tilespmem:s20+$0xFFFFFFE0] =	vst v43  }
0x5df: {  	v8 =	vsel vm14, $0x3F800000, v44;
	vm8 =	vgt.f32 v41, v5;
	v52 =	vsel vm7, $0xBF800000, v4;
	v47 =	vld [tilespmem:s23+$0x1E0]  }
0x5e0: {  	vm9 =	vlt.f32 v7, v6;
	[tilespmem:s25+$0xFFFFFFF0] =	vst v8;
	v53 =	vsel vm8, $0x3F800000, v52;
	vm15 =	vlt.f32 v36, v6  }
0x5e1: {  	v49 =	vld [tilespmem:s28+$0x1F0];
	[tilespmem:s0+$0xFFFFFFF0] =	vst v53;
	vm4 =	vgt.f32 v36, v5;
	v46 =	vsel vm15, $0xBF800000, v4;
	vm5 =	vlt.f32 v39, v6  }
0x5e2: {  	v56 =	vld [tilespmem:s1+$0x1F0];
	vm6 =	vgt.f32 v39, v5;
	v48 =	vsel vm4, $0x3F800000, v46;
	v50 =	vsel vm5, $0xBF800000, v4  }
0x5e3: {  	vm14 =	vgt.f32 v7, v5;
	vm10 =	vlt.f32 v45, v6;
	[tilespmem:s26+$0xFFFFFFF0] =	vst v48;
	v8 =	vsel vm6, $0x3F800000, v50  }
0x5e4: {  	vm11 =	vgt.f32 v45, v5;
	v55 =	vsel vm10, $0xBF800000, v4;
	v51 =	vld [tilespmem:s29+$0x1F0];
	[tilespmem:s30+$0xFFFFFFF0] =	vst v8;
	vm12 =	vlt.f32 v47, v6  }
0x5e5: {  	v8 =	vsel vm11, $0x3F800000, v55;
	v54 =	vld [tilespmem:s31+$0x1F0];
	vm13 =	vgt.f32 v47, v5;
	v57 =	vsel vm12, $0xBF800000, v4  }
0x5e6: {  	v7 =	vsel vm9, $0xBF800000, v4;
	vm15 =	vlt.f32 v49, v6;
	[tilespmem:s21+$0xFFFFFFF0] =	vst v8;
	v58 =	vsel vm13, $0x3F800000, v57  }
0x5e7: {  	v60 =	vsel vm15, $0xBF800000, v4;
	vm6 =	vgt.f32 v49, v5;
	vm10 =	vlt.f32 v56, v6;
	v59 =	vld [tilespmem:s19+$0x1F0];
	[tilespmem:s20+$0xFFFFFFF0] =	vst v58  }
0x5e8: {  	vm11 =	vgt.f32 v56, v5;
	v63 =	vsel vm10, $0xBF800000, v4;
	v8 =	vsel vm6, $0x3F800000, v60;
	v62 =	vld [tilespmem:s23+$0x1F0]  }
0x5e9: {  	v7 =	vsel vm14, $0x3F800000, v7;
	[tilespmem:s25+$0x0] =	vst v8;
	v8 =	vsel vm11, $0x3F800000, v63  }
0x5ea: {  	vm3 =	vlt.f32 v51, v6;
	vm7 =	vgt.f32 v51, v5;
	vm8 =	vlt.f32 v54, v6  }
0x5eb: {  	[tilespmem:s24+$0x0] =	vst v7;
	v61 =	vsel vm3, $0xBF800000, v4;
	vm9 =	vgt.f32 v54, v5;
	v7 =	vsel vm8, $0xBF800000, v4  }
0x5ec: {  	[tilespmem:s0+$0x0] =	vst v8;
	v11 =	vsel vm7, $0x3F800000, v61;
	vm12 =	vlt.f32 v59, v6;
	v7 =	vsel vm9, $0x3F800000, v7  }
0x5ed: {  	vm13 =	vgt.f32 v59, v5;
	[tilespmem:s30+$0x0] =	vst v7;
	v7 =	vsel vm12, $0xBF800000, v4;
	vm14 =	vlt.f32 v62, v6  }
0x5ee: {  	[tilespmem:s26+$0x0] =	vst v11;
	v6 =	vsel vm13, $0x3F800000, v7;
	vm15 =	vgt.f32 v62, v5;
	v5 =	vsel vm14, $0xBF800000, v4  }
0x5ef: {  	s7 =	simm.s32 $0x10180;
	[tilespmem:s21+$0x0] =	vst v6;
	v5 =	vsel vm15, $0x3F800000, v5  }
0x5f0: {  	s1 =	simm.s32 $0x80;
	s19 =	sadd.s32 $0x0, s18;
	s0 =	simm.s32 $0x10080;
	[tilespmem:s20+$0x0] =	vst v5  }
.LBB2_64:
0x5f1: {  	[hbm4b:s19+s2] =	stream.linear.scatter [tilespmem:s0], [sflag:$0x2], $0x80, $0x38;
	[tilespmem:$0x18080] =	vst v63  }
0x5f2: {  	s11 =	smov.u32 s1;
	s0 =	smov.u32 s7;
	p0 =	sne.s32 s1, $0x3F80  }
.Ltmp31:
0x5f3: {  	s1 =	sadd.s32 $0x80, s1;
	(pc) =	sbr.rel @p0 .LBB2_64-.Ltmp31, $2  }
0x5f4: {  	_ =	sdelay $0x2  }
0x5f5: {  	s7 =	sadd.s32 $0x100, s7;
	s19 =	sadd.s32 s11, s18  }
0x5f6: {  	[hbm4b:s19+s2] =	stream.linear.scatter [tilespmem:s0], [sflag:$0x2], $0x80, $0x38;
	[tilespmem:$0x18080] =	vst v63  }
0x5f7: {  	s1 =	simm.s32 $0x2  }
0x5f8: {  	_ =	swait.ge [sflag:s1], $0x4000  }
0x5f9: {  	[sflag:s1] =	ssyncset.done $0x0  }
0x5fa: {  	[sflag:s1] =	ssyncadd.s32 $0xFFFFC000  }
0x5fb: {  	_ =	swait.ge [sflag:s1], $0x4000  }
0x5fc: {  	s7 =	rddreg [dreg:$0x6]  }
0x5fd: {  	s31 =	rddreg [dreg:$0x5];
	s7 =	sadd.s32 $0x1, s7  }
0x5fe: {  	p0 =	sne.s32 s7, s31  }
.Ltmp32:
0x5ff: {  	_ = 	snop;
	(pc) =	sbr.rel @p0 .LBB2_1-.Ltmp32, $3  }
0x600: {  	_ =	sdelay $0x1  }
0x601: {  	[sflag:s1] =	ssyncset.done $0x0  }
0x602: {  	[sflag:s1] =	ssyncadd.s32 $0xFFFFC000  }
0x603: {  	_ =	sfence.sel $0x180000  }
0x604: {  	[bflag:$0x0] =	sbarrier.arrive $0xFFFF  }
0x605: {  	_ =	strace $0x90000047  }
0x606: {  	s0 =	stileid.u32;
	[bflag:$0x2] =	sbarrier.arrive $0xFFFF  }
0x607: {  	p0 =	sne.s32 s0, $0x0;
	s0 =	rddreg [dreg:$0x2]  }
0x608: {  	s0 =	sadd.s32 @!p0 $0x100000, s0  }
0x609: {  	[sflag:s0] =	ssyncadd.tile.s32 @!p0 $0x1;
	_ =	shalt  }
.Lfunc_end2:
_tile_overlayer_lowered:
.L_overlay_start_2:
0x60a: {  	(tag) =	ssettag $0x2  }
0x60b: {  	s0 =	rddreg [dreg:$0x0];
	s2 =	stileid.u32  }
0x60c: {  	s1 =	rddreg [dreg:$0x1];
	p0 =	sne.s32 s2, $0x0  }
0x60d: {  	s3 =	rddreg [dreg:$0x2];
	[bflag:$0x3] =	sbarrier.arrive $0xFFFF;
	s2 =	simm.s32 @!p0 $0x1C03  }
0x60e: {  	[timem:s3], [sflag:s2] =	dma.local @!p0 [hbm:s0], s1  }
0x60f: {  	s0 =	simm.s32 @!p0 $0x3  }
0x610: {  	_ =	swait.ge @!p0 [sflag:s0], s1  }
0x611: {  	s1 =	ssub.s32 @!p0 $0x0, s1;
	[sflag:s0] =	ssyncset.done @!p0 $0x0  }
0x612: {  	[sflag:s0] =	ssyncadd.s32 @!p0 s1  }
0x613: {  	[bflag:$0x3] =	sbarrier.arrive $0xFFFF  }
0x614: {  	_ =	shalt  }

</sc_bundles>
